<compile_context>
chip_gen: v7x
topology: tpu7x:2x2x1
jax: 0.10.2.dev20260603
libtpu: 0.0.44.dev20260713+nightly
codegen_flags: <defaults>
</compile_context>

<pallas_src>
import jax
import jax.numpy as jnp
from jax import lax
from jax.experimental import pallas as pl
from jax.experimental.pallas import tpu as pltpu
from jax.experimental.pallas import tpu_sc as plsc

HEADS = 4
FD = 16
TOTAL = 32768
B = 2
V = 8
P = 16384

NC, NS = 2, 16
NW = NC * NS
PLANES = B * HEADS * FD
ELEMS = V * P
CHUNK = 4096
NCHUNK = ELEMS // CHUNK
GROUPS = CHUNK // 16


def _splat_body(coord_hbm, idx_hbm, feats_hbm, out_hbm,
                t0, t1, fr0, fr1, ib0, cb0, ib1, cb1,
                sem_i0, sem_c0, sem_i1, sem_c1, sem_f):
    wid = lax.axis_index("s") * NC + lax.axis_index("c")

    def resolve_dups(tbl, idxv, val):
        def body(i, c):
            plsc.store_scatter(tbl, [idxv], jnp.maximum(c, val),
                               mask=val > c)
            return plsc.load_gather(tbl, [idxv])

        lax.fori_loop(0, 16, body, plsc.load_gather(tbl, [idxv]))

    def fix_pair(iA, iB, a0, a1, b0, b1, viol):
        @pl.when(viol)
        def _():
            resolve_dups(t0, iA, a0)
            resolve_dups(t1, iA, a1)
            resolve_dups(t0, iB, b0)
            resolve_dups(t1, iB, b1)

    def process(ib, cb, p0):
        def gbody(g, carry):
            piA, piB, pa0, pa1, pb0, pb1, badp = carry
            violp = jnp.any(badp)
            s = g * 32
            iA = ib[pl.ds(s, 16)]
            iB = ib[pl.ds(s + 16, 16)]
            cA = cb[pl.ds(s, 16)]
            cB = cb[pl.ds(s + 16, 16)]
            a0 = fr0[pl.ds(p0 + s, 16)] * cA
            a1 = fr1[pl.ds(p0 + s, 16)] * cA
            b0 = fr0[pl.ds(p0 + s + 16, 16)] * cB
            b1 = fr1[pl.ds(p0 + s + 16, 16)] * cB
            curA0 = plsc.load_gather(t0, [iA])
            curB0 = plsc.load_gather(t0, [iB])
            curA1 = plsc.load_gather(t1, [iA])
            curB1 = plsc.load_gather(t1, [iB])
            nA0 = jnp.maximum(curA0, a0)
            nB0 = jnp.maximum(curB0, b0)
            nA1 = jnp.maximum(curA1, a1)
            nB1 = jnp.maximum(curB1, b1)
            plsc.store_scatter(t0, [iA], nA0, mask=a0 > curA0)
            plsc.store_scatter(t0, [iB], nB0, mask=b0 > curB0)
            plsc.store_scatter(t1, [iA], nA1, mask=a1 > curA1)
            plsc.store_scatter(t1, [iB], nB1, mask=b1 > curB1)
            fix_pair(piA, piB, pa0, pa1, pb0, pb1, violp)
            chkA0 = plsc.load_gather(t0, [iA])
            chkB0 = plsc.load_gather(t0, [iB])
            chkA1 = plsc.load_gather(t1, [iA])
            chkB1 = plsc.load_gather(t1, [iB])
            bad = ((nA0 > chkA0) | (nB0 > chkB0)
                   | (nA1 > chkA1) | (nB1 > chkB1))
            return iA, iB, a0, a1, b0, b1, bad

        def gbody2(g, carry):
            carry = gbody(g * 2, carry)
            return gbody(g * 2 + 1, carry)

        z_i = jnp.zeros((16,), jnp.int32)
        z_f = jnp.zeros((16,), jnp.float32)
        carry = (z_i, z_i, z_f, z_f, z_f, z_f,
                 jnp.zeros((16,), jnp.bool_))
        iA, iB, a0, a1, b0, b1, bad = lax.fori_loop(
            0, GROUPS // 4, gbody2, carry)
        fix_pair(iA, iB, a0, a1, b0, b1, jnp.any(bad))

    for pj in range(2):
        plane0 = wid * 4 + pj * 2
        plane1 = plane0 + 1
        grp = plane0 // 16
        ebase = grp * ELEMS

        f_cp0 = pltpu.async_copy(feats_hbm.at[pl.ds(plane0 * P, P)], fr0,
                                 sem_f)
        f_cp1 = pltpu.async_copy(feats_hbm.at[pl.ds(plane1 * P, P)], fr1,
                                 sem_f)
        pltpu.async_copy(idx_hbm.at[pl.ds(ebase, CHUNK)], ib0, sem_i0)
        pltpu.async_copy(coord_hbm.at[pl.ds(ebase, CHUNK)], cb0, sem_c0)

        zv = jnp.zeros((16,), jnp.float32)

        def zbody(i, _):
            s = i * 64
            for u in range(4):
                t0[pl.ds(s + u * 16, 16)] = zv
                t1[pl.ds(s + u * 16, 16)] = zv
            return 0

        lax.fori_loop(0, TOTAL // 64, zbody, 0)
        f_cp0.wait()
        f_cp1.wait()

        def chunk_pair(j, _):
            c0 = j * 2
            st1 = ebase + (c0 + 1) * CHUNK
            pltpu.async_copy(idx_hbm.at[pl.ds(st1, CHUNK)], ib1, sem_i1)
            pltpu.async_copy(coord_hbm.at[pl.ds(st1, CHUNK)], cb1, sem_c1)
            pltpu.make_async_copy(idx_hbm.at[pl.ds(st1, CHUNK)], ib0,
                                  sem_i0).wait()
            pltpu.make_async_copy(coord_hbm.at[pl.ds(st1, CHUNK)], cb0,
                                  sem_c0).wait()
            process(ib0, cb0, lax.rem(c0, P // CHUNK) * CHUNK)
            nxt = jnp.minimum(c0 + 2, NCHUNK - 1)
            st0 = ebase + nxt * CHUNK
            pltpu.async_copy(idx_hbm.at[pl.ds(st0, CHUNK)], ib0, sem_i0)
            pltpu.async_copy(coord_hbm.at[pl.ds(st0, CHUNK)], cb0, sem_c0)
            pltpu.make_async_copy(idx_hbm.at[pl.ds(st1, CHUNK)], ib1,
                                  sem_i1).wait()
            pltpu.make_async_copy(coord_hbm.at[pl.ds(st1, CHUNK)], cb1,
                                  sem_c1).wait()
            process(ib1, cb1, lax.rem(c0 + 1, P // CHUNK) * CHUNK)
            return 0

        lax.fori_loop(0, NCHUNK // 2, chunk_pair, 0)
        pltpu.make_async_copy(idx_hbm.at[pl.ds(ebase, CHUNK)], ib0,
                              sem_i0).wait()
        pltpu.make_async_copy(coord_hbm.at[pl.ds(ebase, CHUNK)], cb0,
                              sem_c0).wait()

        pltpu.sync_copy(t0, out_hbm.at[pl.ds(plane0 * TOTAL, TOTAL)])
        pltpu.sync_copy(t1, out_hbm.at[pl.ds(plane1 * TOTAL, TOTAL)])


def kernel(local_coordinate, flattened_index, features):
    coord_flat = local_coordinate.reshape(-1)
    idx_flat = flattened_index.reshape(-1)
    feats_flat = features.reshape(-1)

    mesh = plsc.VectorSubcoreMesh(
        core_axis_name="c", subcore_axis_name="s",
        num_cores=NC, num_subcores=NS,
    )
    out = pl.kernel(
        _splat_body,
        out_type=jax.ShapeDtypeStruct((PLANES * TOTAL,), jnp.float32),
        mesh=mesh,
        scratch_types=[
            pltpu.VMEM((TOTAL,), jnp.float32),
            pltpu.VMEM((TOTAL,), jnp.float32),
            pltpu.VMEM((P,), jnp.float32),
            pltpu.VMEM((P,), jnp.float32),
            pltpu.VMEM((CHUNK,), jnp.int32),
            pltpu.VMEM((CHUNK,), jnp.float32),
            pltpu.VMEM((CHUNK,), jnp.int32),
            pltpu.VMEM((CHUNK,), jnp.float32),
            pltpu.SemaphoreType.DMA,
            pltpu.SemaphoreType.DMA,
            pltpu.SemaphoreType.DMA,
            pltpu.SemaphoreType.DMA,
            pltpu.SemaphoreType.DMA,
        ],
        compiler_params=pltpu.CompilerParams(needs_layout_passes=False),
        name="splat_scatter_max",
    )(coord_flat, idx_flat, feats_flat)

    return out.reshape(B, HEADS * FD, 32, 32, 32)

# --- scband reference (transcript-rebuilt; emitter-appended) ---
"""Pipeline reference for scband-splat-60662118088796 (READ-ONLY COPY).

The authoritative reference and input builder live on the scoring server;
editing this copy changes nothing except your own understanding.
"""

import jax, jax.numpy as jnp
import numpy as np

TS = (32, 32, 32)
HEADS = 4
TOTAL = int(np.prod(TS))


def setup_inputs(seed: int = 0) -> dict:
    key = jax.random.key(seed)
    k1, k2, k3 = jax.random.split(key, 3)
    B, V, P = 2, 8, 16384
    local_coordinate = jax.random.uniform(k1, (B, HEADS, V, P), dtype=jnp.float32)
    flattened_index = jax.random.randint(k2, (B, HEADS, V, P), 0, TOTAL, dtype=jnp.int32)
    features = jax.random.normal(k3, (B, HEADS * 16, P), dtype=jnp.float32)
    return {
        "local_coordinate": local_coordinate,
        "flattened_index": flattened_index,
        "features": features,
    }


def reference(local_coordinate, flattened_index, features):
    B = features.shape[0]
    P = features.shape[-1]
    fd = features.shape[1] // HEADS
    feats = features.reshape(B, HEADS, fd, P)
    # pre_splat: [B, H, fd, V, P]
    pre = feats[:, :, :, None, :] * local_coordinate[:, :, None, :, :]
    # flatten vertex and point dims
    idx = flattened_index.reshape(B, HEADS, 1, -1)
    src = pre.reshape(B, HEADS, fd, -1)
    idxb = jnp.broadcast_to(idx, src.shape)
    b_i = jnp.broadcast_to(jnp.arange(B)[:, None, None, None], src.shape)
    h_i = jnp.broadcast_to(jnp.arange(HEADS)[None, :, None, None], src.shape)
    f_i = jnp.broadcast_to(jnp.arange(fd)[None, None, :, None], src.shape)
    # scatter_max with out initialized to zeros (matches torch_scatter.scatter_max with out=zeros)
    z = jnp.zeros((B, HEADS, fd, TOTAL), dtype=jnp.float32).at[b_i, h_i, f_i, idxb].max(src)
    z = z.reshape(B, HEADS * fd, *TS)
    return z

if __name__ == "__main__":
    import jax
    _d = setup_inputs()
    print(jax.jit(kernel)(*tuple(_d.values())))

</pallas_src>

<mosaic_0001>
#map = affine_map<(d0, d1) -> (0)>
module attributes {stable_mosaic.version = 14 : i64} {
  func.func @splat_scatter_max(%arg0: i32, %arg1: i32, %arg2: memref<1048576xf32, #tpu.memory_space<hbm>>, %arg3: memref<1048576xi32, #tpu.memory_space<hbm>>, %arg4: memref<2097152xf32, #tpu.memory_space<hbm>>, %arg5: memref<4194304xf32, #tpu.memory_space<hbm>>, %arg6: memref<32768xf32, #tpu.memory_space<vmem>>, %arg7: memref<32768xf32, #tpu.memory_space<vmem>>, %arg8: memref<16384xf32, #tpu.memory_space<vmem>>, %arg9: memref<16384xf32, #tpu.memory_space<vmem>>, %arg10: memref<4096xi32, #tpu.memory_space<vmem>>, %arg11: memref<4096xf32, #tpu.memory_space<vmem>>, %arg12: memref<4096xi32, #tpu.memory_space<vmem>>, %arg13: memref<4096xf32, #tpu.memory_space<vmem>>, %arg14: memref<!tpu.dma_semaphore, #tpu.memory_space<semaphore_mem>>, %arg15: memref<!tpu.dma_semaphore, #tpu.memory_space<semaphore_mem>>, %arg16: memref<!tpu.dma_semaphore, #tpu.memory_space<semaphore_mem>>, %arg17: memref<!tpu.dma_semaphore, #tpu.memory_space<semaphore_mem>>, %arg18: memref<!tpu.dma_semaphore, #tpu.memory_space<semaphore_mem>>) attributes {dimension_semantics = [#tpu.dimension_semantics<core_parallel>, #tpu.dimension_semantics<subcore_parallel>], iteration_bounds = array<i64: 2, 16>, scalar_prefetch = 0 : i64, scratch_operands = 13 : i64, tpu.core_type = #tpu.core_type<sc_vector_subcore>, window_params = [{transform_indices = #map}, {transform_indices = #map}, {transform_indices = #map}, {transform_indices = #map}]} {
    %mul3A = arith.constant 2 : i32
    %mul3A_0 = arith.muli %arg1, %mul3A : i32
    %add3A = arith.addi %mul3A_0, %arg0 : i32
    %mul3A_1 = arith.constant 4 : i32
    %mul3A_2 = arith.muli %add3A, %mul3A_1 : i32
    %add3A_3 = arith.constant 0 : i32
    %add3A_4 = arith.addi %mul3A_2, %add3A_3 : i32
    %add3A_5 = arith.constant 1 : i32
    %add3A_6 = arith.addi %add3A_4, %add3A_5 : i32
    %jit3A = arith.constant 16 : i32
    %div3A = arith.divsi %add3A_4, %jit3A : i32
    %sign3A = arith.constant 0 : i32
    %sign3A_7 = arith.cmpi sgt, %add3A_4, %sign3A : i32
    %sign3A_8 = arith.extui %sign3A_7 : i1 to i32
    %sign3A_9 = arith.constant 0 : i32
    %sign3A_10 = arith.cmpi slt, %add3A_4, %sign3A_9 : i32
    %sign3A_11 = arith.extui %sign3A_10 : i1 to i32
    %sign3A_12 = arith.subi %sign3A_8, %sign3A_11 : i32
    %sign3A_13 = arith.constant 0 : i32
    %sign3A_14 = arith.cmpi sgt, %jit3A, %sign3A_13 : i32
    %sign3A_15 = arith.extui %sign3A_14 : i1 to i32
    %sign3A_16 = arith.constant 0 : i32
    %sign3A_17 = arith.cmpi slt, %jit3A, %sign3A_16 : i32
    %sign3A_18 = arith.extui %sign3A_17 : i1 to i32
    %sign3A_19 = arith.subi %sign3A_15, %sign3A_18 : i32
    %ne3A = arith.cmpi ne, %sign3A_12, %sign3A_19 : i32
    %rem3A = arith.remsi %add3A_4, %jit3A : i32
    %ne3A_20 = arith.constant 0 : i32
    %ne3A_21 = arith.cmpi ne, %rem3A, %ne3A_20 : i32
    %and3A = arith.andi %ne3A, %ne3A_21 : i1
    %sub3A = arith.constant 1 : i32
    %sub3A_22 = arith.subi %div3A, %sub3A : i32
    %select_n3A = arith.select %and3A, %sub3A_22, %div3A : i32
    %mul3A_23 = arith.constant 131072 : i32
    %mul3A_24 = arith.muli %select_n3A, %mul3A_23 : i32
    %mul3A_25 = arith.constant 16384 : i32
    %mul3A_26 = arith.muli %add3A_4, %mul3A_25 : i32
    %dma_start3A = tpu.memref_slice %arg4[%mul3A_26] : memref<2097152xf32, #tpu.memory_space<hbm>> -> memref<16384xf32, #tpu.memory_space<hbm>>
    %dma_start3A_27 = tpu.memref_slice %arg4[%mul3A_26] : memref<2097152xf32, #tpu.memory_space<hbm>> -> memref<16384xf32, #tpu.memory_space<hbm>>
    tpu.enqueue_dma source(%dma_start3A_27 : memref<16384xf32, #tpu.memory_space<hbm>>) target(%arg8 : memref<16384xf32, #tpu.memory_space<vmem>>) target_semaphore(%arg18 : memref<!tpu.dma_semaphore, #tpu.memory_space<semaphore_mem>>)
    %mul3A_28 = arith.constant 16384 : i32
    %mul3A_29 = arith.muli %add3A_6, %mul3A_28 : i32
    %dma_start3A_30 = tpu.memref_slice %arg4[%mul3A_29] : memref<2097152xf32, #tpu.memory_space<hbm>> -> memref<16384xf32, #tpu.memory_space<hbm>>
    %dma_start3A_31 = tpu.memref_slice %arg4[%mul3A_29] : memref<2097152xf32, #tpu.memory_space<hbm>> -> memref<16384xf32, #tpu.memory_space<hbm>>
    tpu.enqueue_dma source(%dma_start3A_31 : memref<16384xf32, #tpu.memory_space<hbm>>) target(%arg9 : memref<16384xf32, #tpu.memory_space<vmem>>) target_semaphore(%arg18 : memref<!tpu.dma_semaphore, #tpu.memory_space<semaphore_mem>>)
    %dma_start3A_32 = tpu.memref_slice %arg3[%mul3A_24] : memref<1048576xi32, #tpu.memory_space<hbm>> -> memref<4096xi32, #tpu.memory_space<hbm>>
    %dma_start3A_33 = tpu.memref_slice %arg3[%mul3A_24] : memref<1048576xi32, #tpu.memory_space<hbm>> -> memref<4096xi32, #tpu.memory_space<hbm>>
    tpu.enqueue_dma source(%dma_start3A_33 : memref<4096xi32, #tpu.memory_space<hbm>>) target(%arg10 : memref<4096xi32, #tpu.memory_space<vmem>>) target_semaphore(%arg14 : memref<!tpu.dma_semaphore, #tpu.memory_space<semaphore_mem>>)
    %dma_start3A_34 = tpu.memref_slice %arg2[%mul3A_24] : memref<1048576xf32, #tpu.memory_space<hbm>> -> memref<4096xf32, #tpu.memory_space<hbm>>
    %dma_start3A_35 = tpu.memref_slice %arg2[%mul3A_24] : memref<1048576xf32, #tpu.memory_space<hbm>> -> memref<4096xf32, #tpu.memory_space<hbm>>
    tpu.enqueue_dma source(%dma_start3A_35 : memref<4096xf32, #tpu.memory_space<hbm>>) target(%arg11 : memref<4096xf32, #tpu.memory_space<vmem>>) target_semaphore(%arg15 : memref<!tpu.dma_semaphore, #tpu.memory_space<semaphore_mem>>)
    %broadcast_in_dim3A = arith.constant 0.000000e+00 : f32
    %broadcast_in_dim3A_36 = vector.broadcast %broadcast_in_dim3A : f32 to vector<16xf32>
    %scan3A = arith.constant 0 : i32
    %scan3A_37 = arith.constant 0 : i32
    %scan3A_38 = arith.constant 512 : i32
    %scan3A_39 = arith.addi %scan3A_37, %scan3A_38 : i32
    %scan3A_40 = arith.constant 1 : i32
    %scan3A_41 = scf.for %scan3A_133 = %scan3A_37 to %scan3A_39 step %scan3A_40 iter_args(%scan3A_134 = %scan3A) -> (i32)  : i32 {
      %mul3A_135 = arith.constant 64 : i32
      %mul3A_136 = arith.muli %scan3A_133, %mul3A_135 : i32
      %add3A_137 = arith.constant 0 : i32
      %add3A_138 = arith.addi %mul3A_136, %add3A_137 : i32
      %swap3A = arith.index_cast %add3A_138 : i32 to index
      %swap3A_139 = tpu.vector_load %arg6[%swap3A] {strides = array<i32>} : memref<32768xf32, #tpu.memory_space<vmem>>, vector<16xf32>,
      tpu.vector_store %arg6[%swap3A], %broadcast_in_dim3A_36 {strides = array<i32>} : memref<32768xf32, #tpu.memory_space<vmem>>, vector<16xf32>,
      %add3A_140 = arith.constant 0 : i32
      %add3A_141 = arith.addi %mul3A_136, %add3A_140 : i32
      %swap3A_142 = arith.index_cast %add3A_141 : i32 to index
      %swap3A_143 = tpu.vector_load %arg7[%swap3A_142] {strides = array<i32>} : memref<32768xf32, #tpu.memory_space<vmem>>, vector<16xf32>,
      tpu.vector_store %arg7[%swap3A_142], %broadcast_in_dim3A_36 {strides = array<i32>} : memref<32768xf32, #tpu.memory_space<vmem>>, vector<16xf32>,
      %add3A_144 = arith.constant 16 : i32
      %add3A_145 = arith.addi %mul3A_136, %add3A_144 : i32
      %swap3A_146 = arith.index_cast %add3A_145 : i32 to index
      %swap3A_147 = tpu.vector_load %arg6[%swap3A_146] {strides = array<i32>} : memref<32768xf32, #tpu.memory_space<vmem>>, vector<16xf32>,
      tpu.vector_store %arg6[%swap3A_146], %broadcast_in_dim3A_36 {strides = array<i32>} : memref<32768xf32, #tpu.memory_space<vmem>>, vector<16xf32>,
      %add3A_148 = arith.constant 16 : i32
      %add3A_149 = arith.addi %mul3A_136, %add3A_148 : i32
      %swap3A_150 = arith.index_cast %add3A_149 : i32 to index
      %swap3A_151 = tpu.vector_load %arg7[%swap3A_150] {strides = array<i32>} : memref<32768xf32, #tpu.memory_space<vmem>>, vector<16xf32>,
      tpu.vector_store %arg7[%swap3A_150], %broadcast_in_dim3A_36 {strides = array<i32>} : memref<32768xf32, #tpu.memory_space<vmem>>, vector<16xf32>,
      %add3A_152 = arith.constant 32 : i32
      %add3A_153 = arith.addi %mul3A_136, %add3A_152 : i32
      %swap3A_154 = arith.index_cast %add3A_153 : i32 to index
      %swap3A_155 = tpu.vector_load %arg6[%swap3A_154] {strides = array<i32>} : memref<32768xf32, #tpu.memory_space<vmem>>, vector<16xf32>,
      tpu.vector_store %arg6[%swap3A_154], %broadcast_in_dim3A_36 {strides = array<i32>} : memref<32768xf32, #tpu.memory_space<vmem>>, vector<16xf32>,
      %add3A_156 = arith.constant 32 : i32
      %add3A_157 = arith.addi %mul3A_136, %add3A_156 : i32
      %swap3A_158 = arith.index_cast %add3A_157 : i32 to index
      %swap3A_159 = tpu.vector_load %arg7[%swap3A_158] {strides = array<i32>} : memref<32768xf32, #tpu.memory_space<vmem>>, vector<16xf32>,
      tpu.vector_store %arg7[%swap3A_158], %broadcast_in_dim3A_36 {strides = array<i32>} : memref<32768xf32, #tpu.memory_space<vmem>>, vector<16xf32>,
      %add3A_160 = arith.constant 48 : i32
      %add3A_161 = arith.addi %mul3A_136, %add3A_160 : i32
      %swap3A_162 = arith.index_cast %add3A_161 : i32 to index
      %swap3A_163 = tpu.vector_load %arg6[%swap3A_162] {strides = array<i32>} : memref<32768xf32, #tpu.memory_space<vmem>>, vector<16xf32>,
      tpu.vector_store %arg6[%swap3A_162], %broadcast_in_dim3A_36 {strides = array<i32>} : memref<32768xf32, #tpu.memory_space<vmem>>, vector<16xf32>,
      %add3A_164 = arith.constant 48 : i32
      %add3A_165 = arith.addi %mul3A_136, %add3A_164 : i32
      %swap3A_166 = arith.index_cast %add3A_165 : i32 to index
      %swap3A_167 = tpu.vector_load %arg7[%swap3A_166] {strides = array<i32>} : memref<32768xf32, #tpu.memory_space<vmem>>, vector<16xf32>,
      tpu.vector_store %arg7[%swap3A_166], %broadcast_in_dim3A_36 {strides = array<i32>} : memref<32768xf32, #tpu.memory_space<vmem>>, vector<16xf32>,
      %scan3A_168 = arith.constant 0 : i32
      scf.yield %scan3A_168 : i32
    }
    %scan3A_42 = arith.constant 512 : i32
    %dma_wait3A = tpu.memref_slice %arg4[%mul3A_26] : memref<2097152xf32, #tpu.memory_space<hbm>> -> memref<16384xf32, #tpu.memory_space<hbm>>
    %dma_wait3A_43 = tpu.memref_slice %arg4[%mul3A_26] : memref<2097152xf32, #tpu.memory_space<hbm>> -> memref<16384xf32, #tpu.memory_space<hbm>>
    tpu.wait_dma2 semaphore(%arg18 : memref<!tpu.dma_semaphore, #tpu.memory_space<semaphore_mem>>) src(%dma_wait3A_43 : memref<16384xf32, #tpu.memory_space<hbm>>) dst(%arg8 : memref<16384xf32, #tpu.memory_space<vmem>>)
    %dma_wait3A_44 = tpu.memref_slice %arg4[%mul3A_29] : memref<2097152xf32, #tpu.memory_space<hbm>> -> memref<16384xf32, #tpu.memory_space<hbm>>
    %dma_wait3A_45 = tpu.memref_slice %arg4[%mul3A_29] : memref<2097152xf32, #tpu.memory_space<hbm>> -> memref<16384xf32, #tpu.memory_space<hbm>>
    tpu.wait_dma2 semaphore(%arg18 : memref<!tpu.dma_semaphore, #tpu.memory_space<semaphore_mem>>) src(%dma_wait3A_45 : memref<16384xf32, #tpu.memory_space<hbm>>) dst(%arg9 : memref<16384xf32, #tpu.memory_space<vmem>>)
    %scan3A_46 = arith.constant 0 : i32
    %scan3A_47 = arith.constant 0 : i32
    %scan3A_48 = arith.constant 16 : i32
    %scan3A_49 = arith.addi %scan3A_47, %scan3A_48 : i32
    %scan3A_50 = arith.constant 1 : i32
    %scan3A_51 = scf.for %scan3A_133 = %scan3A_47 to %scan3A_49 step %scan3A_50 iter_args(%scan3A_134 = %scan3A_46) -> (i32)  : i32 {
      %mul3A_135 = arith.constant 2 : i32
      %mul3A_136 = arith.muli %scan3A_133, %mul3A_135 : i32
      %add3A_137 = arith.constant 1 : i32
      %add3A_138 = arith.addi %mul3A_136, %add3A_137 : i32
      %mul3A_139 = arith.constant 4096 : i32
      %mul3A_140 = arith.muli %add3A_138, %mul3A_139 : i32
      %add3A_141 = arith.addi %mul3A_24, %mul3A_140 : i32
      %dma_start3A_142 = tpu.memref_slice %arg3[%add3A_141] : memref<1048576xi32, #tpu.memory_space<hbm>> -> memref<4096xi32, #tpu.memory_space<hbm>>
      %dma_start3A_143 = tpu.memref_slice %arg3[%add3A_141] : memref<1048576xi32, #tpu.memory_space<hbm>> -> memref<4096xi32, #tpu.memory_space<hbm>>
      tpu.enqueue_dma source(%dma_start3A_143 : memref<4096xi32, #tpu.memory_space<hbm>>) target(%arg12 : memref<4096xi32, #tpu.memory_space<vmem>>) target_semaphore(%arg16 : memref<!tpu.dma_semaphore, #tpu.memory_space<semaphore_mem>>)
      %dma_start3A_144 = tpu.memref_slice %arg2[%add3A_141] : memref<1048576xf32, #tpu.memory_space<hbm>> -> memref<4096xf32, #tpu.memory_space<hbm>>
      %dma_start3A_145 = tpu.memref_slice %arg2[%add3A_141] : memref<1048576xf32, #tpu.memory_space<hbm>> -> memref<4096xf32, #tpu.memory_space<hbm>>
      tpu.enqueue_dma source(%dma_start3A_145 : memref<4096xf32, #tpu.memory_space<hbm>>) target(%arg13 : memref<4096xf32, #tpu.memory_space<vmem>>) target_semaphore(%arg17 : memref<!tpu.dma_semaphore, #tpu.memory_space<semaphore_mem>>)
      %dma_wait3A_146 = tpu.memref_slice %arg3[%add3A_141] : memref<1048576xi32, #tpu.memory_space<hbm>> -> memref<4096xi32, #tpu.memory_space<hbm>>
      %dma_wait3A_147 = tpu.memref_slice %arg3[%add3A_141] : memref<1048576xi32, #tpu.memory_space<hbm>> -> memref<4096xi32, #tpu.memory_space<hbm>>
      tpu.wait_dma2 semaphore(%arg14 : memref<!tpu.dma_semaphore, #tpu.memory_space<semaphore_mem>>) src(%dma_wait3A_147 : memref<4096xi32, #tpu.memory_space<hbm>>) dst(%arg10 : memref<4096xi32, #tpu.memory_space<vmem>>)
      %dma_wait3A_148 = tpu.memref_slice %arg2[%add3A_141] : memref<1048576xf32, #tpu.memory_space<hbm>> -> memref<4096xf32, #tpu.memory_space<hbm>>
      %dma_wait3A_149 = tpu.memref_slice %arg2[%add3A_141] : memref<1048576xf32, #tpu.memory_space<hbm>> -> memref<4096xf32, #tpu.memory_space<hbm>>
      tpu.wait_dma2 semaphore(%arg15 : memref<!tpu.dma_semaphore, #tpu.memory_space<semaphore_mem>>) src(%dma_wait3A_149 : memref<4096xf32, #tpu.memory_space<hbm>>) dst(%arg11 : memref<4096xf32, #tpu.memory_space<vmem>>)
      %rem3A_150 = arith.constant 4 : i32
      %rem3A_151 = arith.remsi %mul3A_136, %rem3A_150 : i32
      %mul3A_152 = arith.constant 4096 : i32
      %mul3A_153 = arith.muli %rem3A_151, %mul3A_152 : i32
      %broadcast_in_dim3A_154 = arith.constant 0 : i32
      %broadcast_in_dim3A_155 = vector.broadcast %broadcast_in_dim3A_154 : i32 to vector<16xi32>
      %broadcast_in_dim3A_156 = arith.constant 0.000000e+00 : f32
      %broadcast_in_dim3A_157 = vector.broadcast %broadcast_in_dim3A_156 : f32 to vector<16xf32>
      %broadcast_in_dim3A_158 = arith.constant false
      %broadcast_in_dim3A_159 = vector.broadcast %broadcast_in_dim3A_158 : i1 to vector<16xi1>
      %scan3A_160 = arith.constant 0 : i32
      %scan3A_161 = arith.constant 64 : i32
      %scan3A_162 = arith.addi %scan3A_160, %scan3A_161 : i32
      %scan3A_163 = arith.constant 1 : i32
      %scan3A_164:7 = scf.for %scan3A_224 = %scan3A_160 to %scan3A_162 step %scan3A_163 iter_args(%scan3A_225 = %broadcast_in_dim3A_155, %scan3A_226 = %broadcast_in_dim3A_155, %scan3A_227 = %broadcast_in_dim3A_157, %scan3A_228 = %broadcast_in_dim3A_157, %scan3A_229 = %broadcast_in_dim3A_157, %scan3A_230 = %broadcast_in_dim3A_157, %scan3A_231 = %broadcast_in_dim3A_159) -> (vector<16xi32>, vector<16xi32>, vector<16xf32>, vector<16xf32>, vector<16xf32>, vector<16xf32>, vector<16xi1>)  : i32 {
        %mul3A_232 = arith.constant 2 : i32
        %mul3A_233 = arith.muli %scan3A_224, %mul3A_232 : i32
        %reduce_or3A_234 = arith.constant 1.000000e+00 : f32
        %reduce_or3A_235 = arith.constant 0.000000e+00 : f32
        %reduce_or3A_236 = vector.broadcast %reduce_or3A_234 : f32 to vector<16xf32>
        %reduce_or3A_237 = vector.broadcast %reduce_or3A_235 : f32 to vector<16xf32>
        %reduce_or3A_238 = arith.select %scan3A_231, %reduce_or3A_236, %reduce_or3A_237 : vector<16xi1>, vector<16xf32>
        %reduce_or3A_239 = arith.constant true
        %reduce_or3A_240 = vector.broadcast %reduce_or3A_239 : i1 to vector<16xi1>
        %reduce_or3A_241 = tpu.scan <max>, %reduce_or3A_238 masked %reduce_or3A_240 : vector<16xf32>, vector<16xi1> -> vector<16xf32>
        %reduce_or3A_242 = vector.extract %reduce_or3A_241[15] : f32 from vector<16xf32>
        %reduce_or3A_243 = arith.constant 0.000000e+00 : f32
        %reduce_or3A_244 = arith.cmpf ogt, %reduce_or3A_242, %reduce_or3A_243 : f32
        %mul3A_245 = arith.constant 32 : i32
        %mul3A_246 = arith.muli %mul3A_233, %mul3A_245 : i32
        %get3A = arith.index_cast %mul3A_246 : i32 to index
        %get3A_247 = tpu.vector_load %arg10[%get3A] {strides = array<i32>} : memref<4096xi32, #tpu.memory_space<vmem>>, vector<16xi32>,
        %add3A_248 = arith.constant 16 : i32
        %add3A_249 = arith.addi %mul3A_246, %add3A_248 : i32
        %get3A_250 = arith.index_cast %add3A_249 : i32 to index
        %get3A_251 = tpu.vector_load %arg10[%get3A_250] {strides = array<i32>} : memref<4096xi32, #tpu.memory_space<vmem>>, vector<16xi32>,
        %get3A_252 = arith.index_cast %mul3A_246 : i32 to index
        %get3A_253 = tpu.vector_load %arg11[%get3A_252] {strides = array<i32>} : memref<4096xf32, #tpu.memory_space<vmem>>, vector<16xf32>,
        %add3A_254 = arith.constant 16 : i32
        %add3A_255 = arith.addi %mul3A_246, %add3A_254 : i32
        %get3A_256 = arith.index_cast %add3A_255 : i32 to index
        %get3A_257 = tpu.vector_load %arg11[%get3A_256] {strides = array<i32>} : memref<4096xf32, #tpu.memory_space<vmem>>, vector<16xf32>,
        %add3A_258 = arith.addi %mul3A_153, %mul3A_246 : i32
        %get3A_259 = arith.index_cast %add3A_258 : i32 to index
        %get3A_260 = tpu.vector_load %arg8[%get3A_259] {strides = array<i32>} : memref<16384xf32, #tpu.memory_space<vmem>>, vector<16xf32>,
        %mul3A_261 = arith.mulf %get3A_260, %get3A_253 : vector<16xf32>
        %add3A_262 = arith.addi %mul3A_153, %mul3A_246 : i32
        %get3A_263 = arith.index_cast %add3A_262 : i32 to index
        %get3A_264 = tpu.vector_load %arg9[%get3A_263] {strides = array<i32>} : memref<16384xf32, #tpu.memory_space<vmem>>, vector<16xf32>,
        %mul3A_265 = arith.mulf %get3A_264, %get3A_253 : vector<16xf32>
        %add3A_266 = arith.addi %mul3A_153, %mul3A_246 : i32
        %add3A_267 = arith.constant 16 : i32
        %add3A_268 = arith.addi %add3A_266, %add3A_267 : i32
        %get3A_269 = arith.index_cast %add3A_268 : i32 to index
        %get3A_270 = tpu.vector_load %arg8[%get3A_269] {strides = array<i32>} : memref<16384xf32, #tpu.memory_space<vmem>>, vector<16xf32>,
        %mul3A_271 = arith.mulf %get3A_270, %get3A_257 : vector<16xf32>
        %add3A_272 = arith.addi %mul3A_153, %mul3A_246 : i32
        %add3A_273 = arith.constant 16 : i32
        %add3A_274 = arith.addi %add3A_272, %add3A_273 : i32
        %get3A_275 = arith.index_cast %add3A_274 : i32 to index
        %get3A_276 = tpu.vector_load %arg9[%get3A_275] {strides = array<i32>} : memref<16384xf32, #tpu.memory_space<vmem>>, vector<16xf32>,
        %mul3A_277 = arith.mulf %get3A_276, %get3A_257 : vector<16xf32>
        %gather3A = tpu.vector_load_idx %arg6[%get3A_247] : memref<32768xf32, #tpu.memory_space<vmem>>[vector<16xi32>], vector<16xf32>,
        %gather3A_278 = tpu.vector_load_idx %arg6[%get3A_251] : memref<32768xf32, #tpu.memory_space<vmem>>[vector<16xi32>], vector<16xf32>,
        %gather3A_279 = tpu.vector_load_idx %arg7[%get3A_247] : memref<32768xf32, #tpu.memory_space<vmem>>[vector<16xi32>], vector<16xf32>,
        %gather3A_280 = tpu.vector_load_idx %arg7[%get3A_251] : memref<32768xf32, #tpu.memory_space<vmem>>[vector<16xi32>], vector<16xf32>,
        %max3A = arith.maximumf %gather3A, %mul3A_261 : vector<16xf32>
        %max3A_281 = arith.maximumf %gather3A_278, %mul3A_271 : vector<16xf32>
        %max3A_282 = arith.maximumf %gather3A_279, %mul3A_265 : vector<16xf32>
        %max3A_283 = arith.maximumf %gather3A_280, %mul3A_277 : vector<16xf32>
        %gt3A = arith.cmpf ogt, %mul3A_261, %gather3A : vector<16xf32>
        tpu.vector_store_idx %arg6[%get3A_247], %max3A masked %gt3A : memref<32768xf32, #tpu.memory_space<vmem>>[vector<16xi32>], vector<16xf32>, vector<16xi1>
        %gt3A_284 = arith.cmpf ogt, %mul3A_271, %gather3A_278 : vector<16xf32>
        tpu.vector_store_idx %arg6[%get3A_251], %max3A_281 masked %gt3A_284 : memref<32768xf32, #tpu.memory_space<vmem>>[vector<16xi32>], vector<16xf32>, vector<16xi1>
        %gt3A_285 = arith.cmpf ogt, %mul3A_265, %gather3A_279 : vector<16xf32>
        tpu.vector_store_idx %arg7[%get3A_247], %max3A_282 masked %gt3A_285 : memref<32768xf32, #tpu.memory_space<vmem>>[vector<16xi32>], vector<16xf32>, vector<16xi1>
        %gt3A_286 = arith.cmpf ogt, %mul3A_277, %gather3A_280 : vector<16xf32>
        tpu.vector_store_idx %arg7[%get3A_251], %max3A_283 masked %gt3A_286 : memref<32768xf32, #tpu.memory_space<vmem>>[vector<16xi32>], vector<16xf32>, vector<16xi1>
        %convert_element_type3A_287 = arith.extui %reduce_or3A_244 : i1 to i32
        %cond3A_288 = arith.constant 0 : i32
        %cond3A_289 = arith.cmpi ne, %convert_element_type3A_287, %cond3A_288 : i32
        scf.if %cond3A_289 {
          %gather3A_375 = tpu.vector_load_idx %arg6[%scan3A_225] : memref<32768xf32, #tpu.memory_space<vmem>>[vector<16xi32>], vector<16xf32>,
          %scan3A_376 = arith.constant 0 : i32
          %scan3A_377 = arith.constant 16 : i32
          %scan3A_378 = arith.addi %scan3A_376, %scan3A_377 : i32
          %scan3A_379 = arith.constant 1 : i32
          %scan3A_380 = scf.for %scan3A_403 = %scan3A_376 to %scan3A_378 step %scan3A_379 iter_args(%scan3A_404 = %gather3A_375) -> (vector<16xf32>)  : i32 {
            %max3A_405 = arith.maximumf %scan3A_404, %scan3A_227 : vector<16xf32>
            %gt3A_406 = arith.cmpf ogt, %scan3A_227, %scan3A_404 : vector<16xf32>
            tpu.vector_store_idx %arg6[%scan3A_225], %max3A_405 masked %gt3A_406 : memref<32768xf32, #tpu.memory_space<vmem>>[vector<16xi32>], vector<16xf32>, vector<16xi1>
            %gather3A_407 = tpu.vector_load_idx %arg6[%scan3A_225] : memref<32768xf32, #tpu.memory_space<vmem>>[vector<16xi32>], vector<16xf32>,
            scf.yield %gather3A_407 : vector<16xf32>
          }
          %scan3A_381 = arith.constant 16 : i32
          %gather3A_382 = tpu.vector_load_idx %arg7[%scan3A_225] : memref<32768xf32, #tpu.memory_space<vmem>>[vector<16xi32>], vector<16xf32>,
          %scan3A_383 = arith.constant 0 : i32
          %scan3A_384 = arith.constant 16 : i32
          %scan3A_385 = arith.addi %scan3A_383, %scan3A_384 : i32
          %scan3A_386 = arith.constant 1 : i32
          %scan3A_387 = scf.for %scan3A_403 = %scan3A_383 to %scan3A_385 step %scan3A_386 iter_args(%scan3A_404 = %gather3A_382) -> (vector<16xf32>)  : i32 {
            %max3A_405 = arith.maximumf %scan3A_404, %scan3A_228 : vector<16xf32>
            %gt3A_406 = arith.cmpf ogt, %scan3A_228, %scan3A_404 : vector<16xf32>
            tpu.vector_store_idx %arg7[%scan3A_225], %max3A_405 masked %gt3A_406 : memref<32768xf32, #tpu.memory_space<vmem>>[vector<16xi32>], vector<16xf32>, vector<16xi1>
            %gather3A_407 = tpu.vector_load_idx %arg7[%scan3A_225] : memref<32768xf32, #tpu.memory_space<vmem>>[vector<16xi32>], vector<16xf32>,
            scf.yield %gather3A_407 : vector<16xf32>
          }
          %scan3A_388 = arith.constant 16 : i32
          %gather3A_389 = tpu.vector_load_idx %arg6[%scan3A_226] : memref<32768xf32, #tpu.memory_space<vmem>>[vector<16xi32>], vector<16xf32>,
          %scan3A_390 = arith.constant 0 : i32
          %scan3A_391 = arith.constant 16 : i32
          %scan3A_392 = arith.addi %scan3A_390, %scan3A_391 : i32
          %scan3A_393 = arith.constant 1 : i32
          %scan3A_394 = scf.for %scan3A_403 = %scan3A_390 to %scan3A_392 step %scan3A_393 iter_args(%scan3A_404 = %gather3A_389) -> (vector<16xf32>)  : i32 {
            %max3A_405 = arith.maximumf %scan3A_404, %scan3A_229 : vector<16xf32>
            %gt3A_406 = arith.cmpf ogt, %scan3A_229, %scan3A_404 : vector<16xf32>
            tpu.vector_store_idx %arg6[%scan3A_226], %max3A_405 masked %gt3A_406 : memref<32768xf32, #tpu.memory_space<vmem>>[vector<16xi32>], vector<16xf32>, vector<16xi1>
            %gather3A_407 = tpu.vector_load_idx %arg6[%scan3A_226] : memref<32768xf32, #tpu.memory_space<vmem>>[vector<16xi32>], vector<16xf32>,
            scf.yield %gather3A_407 : vector<16xf32>
          }
          %scan3A_395 = arith.constant 16 : i32
          %gather3A_396 = tpu.vector_load_idx %arg7[%scan3A_226] : memref<32768xf32, #tpu.memory_space<vmem>>[vector<16xi32>], vector<16xf32>,
          %scan3A_397 = arith.constant 0 : i32
          %scan3A_398 = arith.constant 16 : i32
          %scan3A_399 = arith.addi %scan3A_397, %scan3A_398 : i32
          %scan3A_400 = arith.constant 1 : i32
          %scan3A_401 = scf.for %scan3A_403 = %scan3A_397 to %scan3A_399 step %scan3A_400 iter_args(%scan3A_404 = %gather3A_396) -> (vector<16xf32>)  : i32 {
            %max3A_405 = arith.maximumf %scan3A_404, %scan3A_230 : vector<16xf32>
            %gt3A_406 = arith.cmpf ogt, %scan3A_230, %scan3A_404 : vector<16xf32>
            tpu.vector_store_idx %arg7[%scan3A_226], %max3A_405 masked %gt3A_406 : memref<32768xf32, #tpu.memory_space<vmem>>[vector<16xi32>], vector<16xf32>, vector<16xi1>
            %gather3A_407 = tpu.vector_load_idx %arg7[%scan3A_226] : memref<32768xf32, #tpu.memory_space<vmem>>[vector<16xi32>], vector<16xf32>,
            scf.yield %gather3A_407 : vector<16xf32>
          }
          %scan3A_402 = arith.constant 16 : i32
        } else {
        }
        %gather3A_290 = tpu.vector_load_idx %arg6[%get3A_247] : memref<32768xf32, #tpu.memory_space<vmem>>[vector<16xi32>], vector<16xf32>,
        %gather3A_291 = tpu.vector_load_idx %arg6[%get3A_251] : memref<32768xf32, #tpu.memory_space<vmem>>[vector<16xi32>], vector<16xf32>,
        %gather3A_292 = tpu.vector_load_idx %arg7[%get3A_247] : memref<32768xf32, #tpu.memory_space<vmem>>[vector<16xi32>], vector<16xf32>,
        %gather3A_293 = tpu.vector_load_idx %arg7[%get3A_251] : memref<32768xf32, #tpu.memory_space<vmem>>[vector<16xi32>], vector<16xf32>,
        %gt3A_294 = arith.cmpf ogt, %max3A, %gather3A_290 : vector<16xf32>
        %gt3A_295 = arith.cmpf ogt, %max3A_281, %gather3A_291 : vector<16xf32>
        %or3A = arith.ori %gt3A_294, %gt3A_295 : vector<16xi1>
        %gt3A_296 = arith.cmpf ogt, %max3A_282, %gather3A_292 : vector<16xf32>
        %or3A_297 = arith.ori %or3A, %gt3A_296 : vector<16xi1>
        %gt3A_298 = arith.cmpf ogt, %max3A_283, %gather3A_293 : vector<16xf32>
        %or3A_299 = arith.ori %or3A_297, %gt3A_298 : vector<16xi1>
        %mul3A_300 = arith.constant 2 : i32
        %mul3A_301 = arith.muli %scan3A_224, %mul3A_300 : i32
        %add3A_302 = arith.constant 1 : i32
        %add3A_303 = arith.addi %mul3A_301, %add3A_302 : i32
        %reduce_or3A_304 = arith.constant 1.000000e+00 : f32
        %reduce_or3A_305 = arith.constant 0.000000e+00 : f32
        %reduce_or3A_306 = vector.broadcast %reduce_or3A_304 : f32 to vector<16xf32>
        %reduce_or3A_307 = vector.broadcast %reduce_or3A_305 : f32 to vector<16xf32>
        %reduce_or3A_308 = arith.select %or3A_299, %reduce_or3A_306, %reduce_or3A_307 : vector<16xi1>, vector<16xf32>
        %reduce_or3A_309 = arith.constant true
        %reduce_or3A_310 = vector.broadcast %reduce_or3A_309 : i1 to vector<16xi1>
        %reduce_or3A_311 = tpu.scan <max>, %reduce_or3A_308 masked %reduce_or3A_310 : vector<16xf32>, vector<16xi1> -> vector<16xf32>
        %reduce_or3A_312 = vector.extract %reduce_or3A_311[15] : f32 from vector<16xf32>
        %reduce_or3A_313 = arith.constant 0.000000e+00 : f32
        %reduce_or3A_314 = arith.cmpf ogt, %reduce_or3A_312, %reduce_or3A_313 : f32
        %mul3A_315 = arith.constant 32 : i32
        %mul3A_316 = arith.muli %add3A_303, %mul3A_315 : i32
        %get3A_317 = arith.index_cast %mul3A_316 : i32 to index
        %get3A_318 = tpu.vector_load %arg10[%get3A_317] {strides = array<i32>} : memref<4096xi32, #tpu.memory_space<vmem>>, vector<16xi32>,
        %add3A_319 = arith.constant 16 : i32
        %add3A_320 = arith.addi %mul3A_316, %add3A_319 : i32
        %get3A_321 = arith.index_cast %add3A_320 : i32 to index
        %get3A_322 = tpu.vector_load %arg10[%get3A_321] {strides = array<i32>} : memref<4096xi32, #tpu.memory_space<vmem>>, vector<16xi32>,
        %get3A_323 = arith.index_cast %mul3A_316 : i32 to index
        %get3A_324 = tpu.vector_load %arg11[%get3A_323] {strides = array<i32>} : memref<4096xf32, #tpu.memory_space<vmem>>, vector<16xf32>,
        %add3A_325 = arith.constant 16 : i32
        %add3A_326 = arith.addi %mul3A_316, %add3A_325 : i32
        %get3A_327 = arith.index_cast %add3A_326 : i32 to index
        %get3A_328 = tpu.vector_load %arg11[%get3A_327] {strides = array<i32>} : memref<4096xf32, #tpu.memory_space<vmem>>, vector<16xf32>,
        %add3A_329 = arith.addi %mul3A_153, %mul3A_316 : i32
        %get3A_330 = arith.index_cast %add3A_329 : i32 to index
        %get3A_331 = tpu.vector_load %arg8[%get3A_330] {strides = array<i32>} : memref<16384xf32, #tpu.memory_space<vmem>>, vector<16xf32>,
        %mul3A_332 = arith.mulf %get3A_331, %get3A_324 : vector<16xf32>
        %add3A_333 = arith.addi %mul3A_153, %mul3A_316 : i32
        %get3A_334 = arith.index_cast %add3A_333 : i32 to index
        %get3A_335 = tpu.vector_load %arg9[%get3A_334] {strides = array<i32>} : memref<16384xf32, #tpu.memory_space<vmem>>, vector<16xf32>,
        %mul3A_336 = arith.mulf %get3A_335, %get3A_324 : vector<16xf32>
        %add3A_337 = arith.addi %mul3A_153, %mul3A_316 : i32
        %add3A_338 = arith.constant 16 : i32
        %add3A_339 = arith.addi %add3A_337, %add3A_338 : i32
        %get3A_340 = arith.index_cast %add3A_339 : i32 to index
        %get3A_341 = tpu.vector_load %arg8[%get3A_340] {strides = array<i32>} : memref<16384xf32, #tpu.memory_space<vmem>>, vector<16xf32>,
        %mul3A_342 = arith.mulf %get3A_341, %get3A_328 : vector<16xf32>
        %add3A_343 = arith.addi %mul3A_153, %mul3A_316 : i32
        %add3A_344 = arith.constant 16 : i32
        %add3A_345 = arith.addi %add3A_343, %add3A_344 : i32
        %get3A_346 = arith.index_cast %add3A_345 : i32 to index
        %get3A_347 = tpu.vector_load %arg9[%get3A_346] {strides = array<i32>} : memref<16384xf32, #tpu.memory_space<vmem>>, vector<16xf32>,
        %mul3A_348 = arith.mulf %get3A_347, %get3A_328 : vector<16xf32>
        %gather3A_349 = tpu.vector_load_idx %arg6[%get3A_318] : memref<32768xf32, #tpu.memory_space<vmem>>[vector<16xi32>], vector<16xf32>,
        %gather3A_350 = tpu.vector_load_idx %arg6[%get3A_322] : memref<32768xf32, #tpu.memory_space<vmem>>[vector<16xi32>], vector<16xf32>,
        %gather3A_351 = tpu.vector_load_idx %arg7[%get3A_318] : memref<32768xf32, #tpu.memory_space<vmem>>[vector<16xi32>], vector<16xf32>,
        %gather3A_352 = tpu.vector_load_idx %arg7[%get3A_322] : memref<32768xf32, #tpu.memory_space<vmem>>[vector<16xi32>], vector<16xf32>,
        %max3A_353 = arith.maximumf %gather3A_349, %mul3A_332 : vector<16xf32>
        %max3A_354 = arith.maximumf %gather3A_350, %mul3A_342 : vector<16xf32>
        %max3A_355 = arith.maximumf %gather3A_351, %mul3A_336 : vector<16xf32>
        %max3A_356 = arith.maximumf %gather3A_352, %mul3A_348 : vector<16xf32>
        %gt3A_357 = arith.cmpf ogt, %mul3A_332, %gather3A_349 : vector<16xf32>
        tpu.vector_store_idx %arg6[%get3A_318], %max3A_353 masked %gt3A_357 : memref<32768xf32, #tpu.memory_space<vmem>>[vector<16xi32>], vector<16xf32>, vector<16xi1>
        %gt3A_358 = arith.cmpf ogt, %mul3A_342, %gather3A_350 : vector<16xf32>
        tpu.vector_store_idx %arg6[%get3A_322], %max3A_354 masked %gt3A_358 : memref<32768xf32, #tpu.memory_space<vmem>>[vector<16xi32>], vector<16xf32>, vector<16xi1>
        %gt3A_359 = arith.cmpf ogt, %mul3A_336, %gather3A_351 : vector<16xf32>
        tpu.vector_store_idx %arg7[%get3A_318], %max3A_355 masked %gt3A_359 : memref<32768xf32, #tpu.memory_space<vmem>>[vector<16xi32>], vector<16xf32>, vector<16xi1>
        %gt3A_360 = arith.cmpf ogt, %mul3A_348, %gather3A_352 : vector<16xf32>
        tpu.vector_store_idx %arg7[%get3A_322], %max3A_356 masked %gt3A_360 : memref<32768xf32, #tpu.memory_space<vmem>>[vector<16xi32>], vector<16xf32>, vector<16xi1>
        %convert_element_type3A_361 = arith.extui %reduce_or3A_314 : i1 to i32
        %cond3A_362 = arith.constant 0 : i32
        %cond3A_363 = arith.cmpi ne, %convert_element_type3A_361, %cond3A_362 : i32
        scf.if %cond3A_363 {
          %gather3A_375 = tpu.vector_load_idx %arg6[%get3A_247] : memref<32768xf32, #tpu.memory_space<vmem>>[vector<16xi32>], vector<16xf32>,
          %scan3A_376 = arith.constant 0 : i32
          %scan3A_377 = arith.constant 16 : i32
          %scan3A_378 = arith.addi %scan3A_376, %scan3A_377 : i32
          %scan3A_379 = arith.constant 1 : i32
          %scan3A_380 = scf.for %scan3A_403 = %scan3A_376 to %scan3A_378 step %scan3A_379 iter_args(%scan3A_404 = %gather3A_375) -> (vector<16xf32>)  : i32 {
            %max3A_405 = arith.maximumf %scan3A_404, %mul3A_261 : vector<16xf32>
            %gt3A_406 = arith.cmpf ogt, %mul3A_261, %scan3A_404 : vector<16xf32>
            tpu.vector_store_idx %arg6[%get3A_247], %max3A_405 masked %gt3A_406 : memref<32768xf32, #tpu.memory_space<vmem>>[vector<16xi32>], vector<16xf32>, vector<16xi1>
            %gather3A_407 = tpu.vector_load_idx %arg6[%get3A_247] : memref<32768xf32, #tpu.memory_space<vmem>>[vector<16xi32>], vector<16xf32>,
            scf.yield %gather3A_407 : vector<16xf32>
          }
          %scan3A_381 = arith.constant 16 : i32
          %gather3A_382 = tpu.vector_load_idx %arg7[%get3A_247] : memref<32768xf32, #tpu.memory_space<vmem>>[vector<16xi32>], vector<16xf32>,
          %scan3A_383 = arith.constant 0 : i32
          %scan3A_384 = arith.constant 16 : i32
          %scan3A_385 = arith.addi %scan3A_383, %scan3A_384 : i32
          %scan3A_386 = arith.constant 1 : i32
          %scan3A_387 = scf.for %scan3A_403 = %scan3A_383 to %scan3A_385 step %scan3A_386 iter_args(%scan3A_404 = %gather3A_382) -> (vector<16xf32>)  : i32 {
            %max3A_405 = arith.maximumf %scan3A_404, %mul3A_265 : vector<16xf32>
            %gt3A_406 = arith.cmpf ogt, %mul3A_265, %scan3A_404 : vector<16xf32>
            tpu.vector_store_idx %arg7[%get3A_247], %max3A_405 masked %gt3A_406 : memref<32768xf32, #tpu.memory_space<vmem>>[vector<16xi32>], vector<16xf32>, vector<16xi1>
            %gather3A_407 = tpu.vector_load_idx %arg7[%get3A_247] : memref<32768xf32, #tpu.memory_space<vmem>>[vector<16xi32>], vector<16xf32>,
            scf.yield %gather3A_407 : vector<16xf32>
          }
          %scan3A_388 = arith.constant 16 : i32
          %gather3A_389 = tpu.vector_load_idx %arg6[%get3A_251] : memref<32768xf32, #tpu.memory_space<vmem>>[vector<16xi32>], vector<16xf32>,
          %scan3A_390 = arith.constant 0 : i32
          %scan3A_391 = arith.constant 16 : i32
          %scan3A_392 = arith.addi %scan3A_390, %scan3A_391 : i32
          %scan3A_393 = arith.constant 1 : i32
          %scan3A_394 = scf.for %scan3A_403 = %scan3A_390 to %scan3A_392 step %scan3A_393 iter_args(%scan3A_404 = %gather3A_389) -> (vector<16xf32>)  : i32 {
            %max3A_405 = arith.maximumf %scan3A_404, %mul3A_271 : vector<16xf32>
            %gt3A_406 = arith.cmpf ogt, %mul3A_271, %scan3A_404 : vector<16xf32>
            tpu.vector_store_idx %arg6[%get3A_251], %max3A_405 masked %gt3A_406 : memref<32768xf32, #tpu.memory_space<vmem>>[vector<16xi32>], vector<16xf32>, vector<16xi1>
            %gather3A_407 = tpu.vector_load_idx %arg6[%get3A_251] : memref<32768xf32, #tpu.memory_space<vmem>>[vector<16xi32>], vector<16xf32>,
            scf.yield %gather3A_407 : vector<16xf32>
          }
          %scan3A_395 = arith.constant 16 : i32
          %gather3A_396 = tpu.vector_load_idx %arg7[%get3A_251] : memref<32768xf32, #tpu.memory_space<vmem>>[vector<16xi32>], vector<16xf32>,
          %scan3A_397 = arith.constant 0 : i32
          %scan3A_398 = arith.constant 16 : i32
          %scan3A_399 = arith.addi %scan3A_397, %scan3A_398 : i32
          %scan3A_400 = arith.constant 1 : i32
          %scan3A_401 = scf.for %scan3A_403 = %scan3A_397 to %scan3A_399 step %scan3A_400 iter_args(%scan3A_404 = %gather3A_396) -> (vector<16xf32>)  : i32 {
            %max3A_405 = arith.maximumf %scan3A_404, %mul3A_277 : vector<16xf32>
            %gt3A_406 = arith.cmpf ogt, %mul3A_277, %scan3A_404 : vector<16xf32>
            tpu.vector_store_idx %arg7[%get3A_251], %max3A_405 masked %gt3A_406 : memref<32768xf32, #tpu.memory_space<vmem>>[vector<16xi32>], vector<16xf32>, vector<16xi1>
            %gather3A_407 = tpu.vector_load_idx %arg7[%get3A_251] : memref<32768xf32, #tpu.memory_space<vmem>>[vector<16xi32>], vector<16xf32>,
            scf.yield %gather3A_407 : vector<16xf32>
          }
          %scan3A_402 = arith.constant 16 : i32
        } else {
        }
        %gather3A_364 = tpu.vector_load_idx %arg6[%get3A_318] : memref<32768xf32, #tpu.memory_space<vmem>>[vector<16xi32>], vector<16xf32>,
        %gather3A_365 = tpu.vector_load_idx %arg6[%get3A_322] : memref<32768xf32, #tpu.memory_space<vmem>>[vector<16xi32>], vector<16xf32>,
        %gather3A_366 = tpu.vector_load_idx %arg7[%get3A_318] : memref<32768xf32, #tpu.memory_space<vmem>>[vector<16xi32>], vector<16xf32>,
        %gather3A_367 = tpu.vector_load_idx %arg7[%get3A_322] : memref<32768xf32, #tpu.memory_space<vmem>>[vector<16xi32>], vector<16xf32>,
        %gt3A_368 = arith.cmpf ogt, %max3A_353, %gather3A_364 : vector<16xf32>
        %gt3A_369 = arith.cmpf ogt, %max3A_354, %gather3A_365 : vector<16xf32>
        %or3A_370 = arith.ori %gt3A_368, %gt3A_369 : vector<16xi1>
        %gt3A_371 = arith.cmpf ogt, %max3A_355, %gather3A_366 : vector<16xf32>
        %or3A_372 = arith.ori %or3A_370, %gt3A_371 : vector<16xi1>
        %gt3A_373 = arith.cmpf ogt, %max3A_356, %gather3A_367 : vector<16xf32>
        %or3A_374 = arith.ori %or3A_372, %gt3A_373 : vector<16xi1>
        scf.yield %get3A_318, %get3A_322, %mul3A_332, %mul3A_336, %mul3A_342, %mul3A_348, %or3A_374 : vector<16xi32>, vector<16xi32>, vector<16xf32>, vector<16xf32>, vector<16xf32>, vector<16xf32>, vector<16xi1>
      }
      %scan3A_165 = arith.constant 64 : i32
      %reduce_or3A = arith.constant 1.000000e+00 : f32
      %reduce_or3A_166 = arith.constant 0.000000e+00 : f32
      %reduce_or3A_167 = vector.broadcast %reduce_or3A : f32 to vector<16xf32>
      %reduce_or3A_168 = vector.broadcast %reduce_or3A_166 : f32 to vector<16xf32>
      %reduce_or3A_169 = arith.select %scan3A_164#6, %reduce_or3A_167, %reduce_or3A_168 : vector<16xi1>, vector<16xf32>
      %reduce_or3A_170 = arith.constant true
      %reduce_or3A_171 = vector.broadcast %reduce_or3A_170 : i1 to vector<16xi1>
      %reduce_or3A_172 = tpu.scan <max>, %reduce_or3A_169 masked %reduce_or3A_171 : vector<16xf32>, vector<16xi1> -> vector<16xf32>
      %reduce_or3A_173 = vector.extract %reduce_or3A_172[15] : f32 from vector<16xf32>
      %reduce_or3A_174 = arith.constant 0.000000e+00 : f32
      %reduce_or3A_175 = arith.cmpf ogt, %reduce_or3A_173, %reduce_or3A_174 : f32
      %convert_element_type3A = arith.extui %reduce_or3A_175 : i1 to i32
      %cond3A = arith.constant 0 : i32
      %cond3A_176 = arith.cmpi ne, %convert_element_type3A, %cond3A : i32
      scf.if %cond3A_176 {
        %gather3A = tpu.vector_load_idx %arg6[%scan3A_164#0] : memref<32768xf32, #tpu.memory_space<vmem>>[vector<16xi32>], vector<16xf32>,
        %scan3A_224 = arith.constant 0 : i32
        %scan3A_225 = arith.constant 16 : i32
        %scan3A_226 = arith.addi %scan3A_224, %scan3A_225 : i32
        %scan3A_227 = arith.constant 1 : i32
        %scan3A_228 = scf.for %scan3A_251 = %scan3A_224 to %scan3A_226 step %scan3A_227 iter_args(%scan3A_252 = %gather3A) -> (vector<16xf32>)  : i32 {
          %max3A = arith.maximumf %scan3A_252, %scan3A_164#2 : vector<16xf32>
          %gt3A = arith.cmpf ogt, %scan3A_164#2, %scan3A_252 : vector<16xf32>
          tpu.vector_store_idx %arg6[%scan3A_164#0], %max3A masked %gt3A : memref<32768xf32, #tpu.memory_space<vmem>>[vector<16xi32>], vector<16xf32>, vector<16xi1>
          %gather3A_253 = tpu.vector_load_idx %arg6[%scan3A_164#0] : memref<32768xf32, #tpu.memory_space<vmem>>[vector<16xi32>], vector<16xf32>,
          scf.yield %gather3A_253 : vector<16xf32>
        }
        %scan3A_229 = arith.constant 16 : i32
        %gather3A_230 = tpu.vector_load_idx %arg7[%scan3A_164#0] : memref<32768xf32, #tpu.memory_space<vmem>>[vector<16xi32>], vector<16xf32>,
        %scan3A_231 = arith.constant 0 : i32
        %scan3A_232 = arith.constant 16 : i32
        %scan3A_233 = arith.addi %scan3A_231, %scan3A_232 : i32
        %scan3A_234 = arith.constant 1 : i32
        %scan3A_235 = scf.for %scan3A_251 = %scan3A_231 to %scan3A_233 step %scan3A_234 iter_args(%scan3A_252 = %gather3A_230) -> (vector<16xf32>)  : i32 {
          %max3A = arith.maximumf %scan3A_252, %scan3A_164#3 : vector<16xf32>
          %gt3A = arith.cmpf ogt, %scan3A_164#3, %scan3A_252 : vector<16xf32>
          tpu.vector_store_idx %arg7[%scan3A_164#0], %max3A masked %gt3A : memref<32768xf32, #tpu.memory_space<vmem>>[vector<16xi32>], vector<16xf32>, vector<16xi1>
          %gather3A_253 = tpu.vector_load_idx %arg7[%scan3A_164#0] : memref<32768xf32, #tpu.memory_space<vmem>>[vector<16xi32>], vector<16xf32>,
          scf.yield %gather3A_253 : vector<16xf32>
        }
        %scan3A_236 = arith.constant 16 : i32
        %gather3A_237 = tpu.vector_load_idx %arg6[%scan3A_164#1] : memref<32768xf32, #tpu.memory_space<vmem>>[vector<16xi32>], vector<16xf32>,
        %scan3A_238 = arith.constant 0 : i32
        %scan3A_239 = arith.constant 16 : i32
        %scan3A_240 = arith.addi %scan3A_238, %scan3A_239 : i32
        %scan3A_241 = arith.constant 1 : i32
        %scan3A_242 = scf.for %scan3A_251 = %scan3A_238 to %scan3A_240 step %scan3A_241 iter_args(%scan3A_252 = %gather3A_237) -> (vector<16xf32>)  : i32 {
          %max3A = arith.maximumf %scan3A_252, %scan3A_164#4 : vector<16xf32>
          %gt3A = arith.cmpf ogt, %scan3A_164#4, %scan3A_252 : vector<16xf32>
          tpu.vector_store_idx %arg6[%scan3A_164#1], %max3A masked %gt3A : memref<32768xf32, #tpu.memory_space<vmem>>[vector<16xi32>], vector<16xf32>, vector<16xi1>
          %gather3A_253 = tpu.vector_load_idx %arg6[%scan3A_164#1] : memref<32768xf32, #tpu.memory_space<vmem>>[vector<16xi32>], vector<16xf32>,
          scf.yield %gather3A_253 : vector<16xf32>
        }
        %scan3A_243 = arith.constant 16 : i32
        %gather3A_244 = tpu.vector_load_idx %arg7[%scan3A_164#1] : memref<32768xf32, #tpu.memory_space<vmem>>[vector<16xi32>], vector<16xf32>,
        %scan3A_245 = arith.constant 0 : i32
        %scan3A_246 = arith.constant 16 : i32
        %scan3A_247 = arith.addi %scan3A_245, %scan3A_246 : i32
        %scan3A_248 = arith.constant 1 : i32
        %scan3A_249 = scf.for %scan3A_251 = %scan3A_245 to %scan3A_247 step %scan3A_248 iter_args(%scan3A_252 = %gather3A_244) -> (vector<16xf32>)  : i32 {
          %max3A = arith.maximumf %scan3A_252, %scan3A_164#5 : vector<16xf32>
          %gt3A = arith.cmpf ogt, %scan3A_164#5, %scan3A_252 : vector<16xf32>
          tpu.vector_store_idx %arg7[%scan3A_164#1], %max3A masked %gt3A : memref<32768xf32, #tpu.memory_space<vmem>>[vector<16xi32>], vector<16xf32>, vector<16xi1>
          %gather3A_253 = tpu.vector_load_idx %arg7[%scan3A_164#1] : memref<32768xf32, #tpu.memory_space<vmem>>[vector<16xi32>], vector<16xf32>,
          scf.yield %gather3A_253 : vector<16xf32>
        }
        %scan3A_250 = arith.constant 16 : i32
      } else {
      }
      %add3A_177 = arith.constant 2 : i32
      %add3A_178 = arith.addi %mul3A_136, %add3A_177 : i32
      %min3A = arith.constant 31 : i32
      %min3A_179 = arith.minsi %add3A_178, %min3A : i32
      %mul3A_180 = arith.constant 4096 : i32
      %mul3A_181 = arith.muli %min3A_179, %mul3A_180 : i32
      %add3A_182 = arith.addi %mul3A_24, %mul3A_181 : i32
      %dma_start3A_183 = tpu.memref_slice %arg3[%add3A_182] : memref<1048576xi32, #tpu.memory_space<hbm>> -> memref<4096xi32, #tpu.memory_space<hbm>>
      %dma_start3A_184 = tpu.memref_slice %arg3[%add3A_182] : memref<1048576xi32, #tpu.memory_space<hbm>> -> memref<4096xi32, #tpu.memory_space<hbm>>
      tpu.enqueue_dma source(%dma_start3A_184 : memref<4096xi32, #tpu.memory_space<hbm>>) target(%arg10 : memref<4096xi32, #tpu.memory_space<vmem>>) target_semaphore(%arg14 : memref<!tpu.dma_semaphore, #tpu.memory_space<semaphore_mem>>)
      %dma_start3A_185 = tpu.memref_slice %arg2[%add3A_182] : memref<1048576xf32, #tpu.memory_space<hbm>> -> memref<4096xf32, #tpu.memory_space<hbm>>
      %dma_start3A_186 = tpu.memref_slice %arg2[%add3A_182] : memref<1048576xf32, #tpu.memory_space<hbm>> -> memref<4096xf32, #tpu.memory_space<hbm>>
      tpu.enqueue_dma source(%dma_start3A_186 : memref<4096xf32, #tpu.memory_space<hbm>>) target(%arg11 : memref<4096xf32, #tpu.memory_space<vmem>>) target_semaphore(%arg15 : memref<!tpu.dma_semaphore, #tpu.memory_space<semaphore_mem>>)
      %dma_wait3A_187 = tpu.memref_slice %arg3[%add3A_141] : memref<1048576xi32, #tpu.memory_space<hbm>> -> memref<4096xi32, #tpu.memory_space<hbm>>
      %dma_wait3A_188 = tpu.memref_slice %arg3[%add3A_141] : memref<1048576xi32, #tpu.memory_space<hbm>> -> memref<4096xi32, #tpu.memory_space<hbm>>
      tpu.wait_dma2 semaphore(%arg16 : memref<!tpu.dma_semaphore, #tpu.memory_space<semaphore_mem>>) src(%dma_wait3A_188 : memref<4096xi32, #tpu.memory_space<hbm>>) dst(%arg12 : memref<4096xi32, #tpu.memory_space<vmem>>)
      %dma_wait3A_189 = tpu.memref_slice %arg2[%add3A_141] : memref<1048576xf32, #tpu.memory_space<hbm>> -> memref<4096xf32, #tpu.memory_space<hbm>>
      %dma_wait3A_190 = tpu.memref_slice %arg2[%add3A_141] : memref<1048576xf32, #tpu.memory_space<hbm>> -> memref<4096xf32, #tpu.memory_space<hbm>>
      tpu.wait_dma2 semaphore(%arg17 : memref<!tpu.dma_semaphore, #tpu.memory_space<semaphore_mem>>) src(%dma_wait3A_190 : memref<4096xf32, #tpu.memory_space<hbm>>) dst(%arg13 : memref<4096xf32, #tpu.memory_space<vmem>>)
      %add3A_191 = arith.constant 1 : i32
      %add3A_192 = arith.addi %mul3A_136, %add3A_191 : i32
      %rem3A_193 = arith.constant 4 : i32
      %rem3A_194 = arith.remsi %add3A_192, %rem3A_193 : i32
      %mul3A_195 = arith.constant 4096 : i32
      %mul3A_196 = arith.muli %rem3A_194, %mul3A_195 : i32
      %broadcast_in_dim3A_197 = arith.constant 0 : i32
      %broadcast_in_dim3A_198 = vector.broadcast %broadcast_in_dim3A_197 : i32 to vector<16xi32>
      %broadcast_in_dim3A_199 = arith.constant 0.000000e+00 : f32
      %broadcast_in_dim3A_200 = vector.broadcast %broadcast_in_dim3A_199 : f32 to vector<16xf32>
      %broadcast_in_dim3A_201 = arith.constant false
      %broadcast_in_dim3A_202 = vector.broadcast %broadcast_in_dim3A_201 : i1 to vector<16xi1>
      %scan3A_203 = arith.constant 0 : i32
      %scan3A_204 = arith.constant 64 : i32
      %scan3A_205 = arith.addi %scan3A_203, %scan3A_204 : i32
      %scan3A_206 = arith.constant 1 : i32
      %scan3A_207:7 = scf.for %scan3A_224 = %scan3A_203 to %scan3A_205 step %scan3A_206 iter_args(%scan3A_225 = %broadcast_in_dim3A_198, %scan3A_226 = %broadcast_in_dim3A_198, %scan3A_227 = %broadcast_in_dim3A_200, %scan3A_228 = %broadcast_in_dim3A_200, %scan3A_229 = %broadcast_in_dim3A_200, %scan3A_230 = %broadcast_in_dim3A_200, %scan3A_231 = %broadcast_in_dim3A_202) -> (vector<16xi32>, vector<16xi32>, vector<16xf32>, vector<16xf32>, vector<16xf32>, vector<16xf32>, vector<16xi1>)  : i32 {
        %mul3A_232 = arith.constant 2 : i32
        %mul3A_233 = arith.muli %scan3A_224, %mul3A_232 : i32
        %reduce_or3A_234 = arith.constant 1.000000e+00 : f32
        %reduce_or3A_235 = arith.constant 0.000000e+00 : f32
        %reduce_or3A_236 = vector.broadcast %reduce_or3A_234 : f32 to vector<16xf32>
        %reduce_or3A_237 = vector.broadcast %reduce_or3A_235 : f32 to vector<16xf32>
        %reduce_or3A_238 = arith.select %scan3A_231, %reduce_or3A_236, %reduce_or3A_237 : vector<16xi1>, vector<16xf32>
        %reduce_or3A_239 = arith.constant true
        %reduce_or3A_240 = vector.broadcast %reduce_or3A_239 : i1 to vector<16xi1>
        %reduce_or3A_241 = tpu.scan <max>, %reduce_or3A_238 masked %reduce_or3A_240 : vector<16xf32>, vector<16xi1> -> vector<16xf32>
        %reduce_or3A_242 = vector.extract %reduce_or3A_241[15] : f32 from vector<16xf32>
        %reduce_or3A_243 = arith.constant 0.000000e+00 : f32
        %reduce_or3A_244 = arith.cmpf ogt, %reduce_or3A_242, %reduce_or3A_243 : f32
        %mul3A_245 = arith.constant 32 : i32
        %mul3A_246 = arith.muli %mul3A_233, %mul3A_245 : i32
        %get3A = arith.index_cast %mul3A_246 : i32 to index
        %get3A_247 = tpu.vector_load %arg12[%get3A] {strides = array<i32>} : memref<4096xi32, #tpu.memory_space<vmem>>, vector<16xi32>,
        %add3A_248 = arith.constant 16 : i32
        %add3A_249 = arith.addi %mul3A_246, %add3A_248 : i32
        %get3A_250 = arith.index_cast %add3A_249 : i32 to index
        %get3A_251 = tpu.vector_load %arg12[%get3A_250] {strides = array<i32>} : memref<4096xi32, #tpu.memory_space<vmem>>, vector<16xi32>,
        %get3A_252 = arith.index_cast %mul3A_246 : i32 to index
        %get3A_253 = tpu.vector_load %arg13[%get3A_252] {strides = array<i32>} : memref<4096xf32, #tpu.memory_space<vmem>>, vector<16xf32>,
        %add3A_254 = arith.constant 16 : i32
        %add3A_255 = arith.addi %mul3A_246, %add3A_254 : i32
        %get3A_256 = arith.index_cast %add3A_255 : i32 to index
        %get3A_257 = tpu.vector_load %arg13[%get3A_256] {strides = array<i32>} : memref<4096xf32, #tpu.memory_space<vmem>>, vector<16xf32>,
        %add3A_258 = arith.addi %mul3A_196, %mul3A_246 : i32
        %get3A_259 = arith.index_cast %add3A_258 : i32 to index
        %get3A_260 = tpu.vector_load %arg8[%get3A_259] {strides = array<i32>} : memref<16384xf32, #tpu.memory_space<vmem>>, vector<16xf32>,
        %mul3A_261 = arith.mulf %get3A_260, %get3A_253 : vector<16xf32>
        %add3A_262 = arith.addi %mul3A_196, %mul3A_246 : i32
        %get3A_263 = arith.index_cast %add3A_262 : i32 to index
        %get3A_264 = tpu.vector_load %arg9[%get3A_263] {strides = array<i32>} : memref<16384xf32, #tpu.memory_space<vmem>>, vector<16xf32>,
        %mul3A_265 = arith.mulf %get3A_264, %get3A_253 : vector<16xf32>
        %add3A_266 = arith.addi %mul3A_196, %mul3A_246 : i32
        %add3A_267 = arith.constant 16 : i32
        %add3A_268 = arith.addi %add3A_266, %add3A_267 : i32
        %get3A_269 = arith.index_cast %add3A_268 : i32 to index
        %get3A_270 = tpu.vector_load %arg8[%get3A_269] {strides = array<i32>} : memref<16384xf32, #tpu.memory_space<vmem>>, vector<16xf32>,
        %mul3A_271 = arith.mulf %get3A_270, %get3A_257 : vector<16xf32>
        %add3A_272 = arith.addi %mul3A_196, %mul3A_246 : i32
        %add3A_273 = arith.constant 16 : i32
        %add3A_274 = arith.addi %add3A_272, %add3A_273 : i32
        %get3A_275 = arith.index_cast %add3A_274 : i32 to index
        %get3A_276 = tpu.vector_load %arg9[%get3A_275] {strides = array<i32>} : memref<16384xf32, #tpu.memory_space<vmem>>, vector<16xf32>,
        %mul3A_277 = arith.mulf %get3A_276, %get3A_257 : vector<16xf32>
        %gather3A = tpu.vector_load_idx %arg6[%get3A_247] : memref<32768xf32, #tpu.memory_space<vmem>>[vector<16xi32>], vector<16xf32>,
        %gather3A_278 = tpu.vector_load_idx %arg6[%get3A_251] : memref<32768xf32, #tpu.memory_space<vmem>>[vector<16xi32>], vector<16xf32>,
        %gather3A_279 = tpu.vector_load_idx %arg7[%get3A_247] : memref<32768xf32, #tpu.memory_space<vmem>>[vector<16xi32>], vector<16xf32>,
        %gather3A_280 = tpu.vector_load_idx %arg7[%get3A_251] : memref<32768xf32, #tpu.memory_space<vmem>>[vector<16xi32>], vector<16xf32>,
        %max3A = arith.maximumf %gather3A, %mul3A_261 : vector<16xf32>
        %max3A_281 = arith.maximumf %gather3A_278, %mul3A_271 : vector<16xf32>
        %max3A_282 = arith.maximumf %gather3A_279, %mul3A_265 : vector<16xf32>
        %max3A_283 = arith.maximumf %gather3A_280, %mul3A_277 : vector<16xf32>
        %gt3A = arith.cmpf ogt, %mul3A_261, %gather3A : vector<16xf32>
        tpu.vector_store_idx %arg6[%get3A_247], %max3A masked %gt3A : memref<32768xf32, #tpu.memory_space<vmem>>[vector<16xi32>], vector<16xf32>, vector<16xi1>
        %gt3A_284 = arith.cmpf ogt, %mul3A_271, %gather3A_278 : vector<16xf32>
        tpu.vector_store_idx %arg6[%get3A_251], %max3A_281 masked %gt3A_284 : memref<32768xf32, #tpu.memory_space<vmem>>[vector<16xi32>], vector<16xf32>, vector<16xi1>
        %gt3A_285 = arith.cmpf ogt, %mul3A_265, %gather3A_279 : vector<16xf32>
        tpu.vector_store_idx %arg7[%get3A_247], %max3A_282 masked %gt3A_285 : memref<32768xf32, #tpu.memory_space<vmem>>[vector<16xi32>], vector<16xf32>, vector<16xi1>
        %gt3A_286 = arith.cmpf ogt, %mul3A_277, %gather3A_280 : vector<16xf32>
        tpu.vector_store_idx %arg7[%get3A_251], %max3A_283 masked %gt3A_286 : memref<32768xf32, #tpu.memory_space<vmem>>[vector<16xi32>], vector<16xf32>, vector<16xi1>
        %convert_element_type3A_287 = arith.extui %reduce_or3A_244 : i1 to i32
        %cond3A_288 = arith.constant 0 : i32
        %cond3A_289 = arith.cmpi ne, %convert_element_type3A_287, %cond3A_288 : i32
        scf.if %cond3A_289 {
          %gather3A_375 = tpu.vector_load_idx %arg6[%scan3A_225] : memref<32768xf32, #tpu.memory_space<vmem>>[vector<16xi32>], vector<16xf32>,
          %scan3A_376 = arith.constant 0 : i32
          %scan3A_377 = arith.constant 16 : i32
          %scan3A_378 = arith.addi %scan3A_376, %scan3A_377 : i32
          %scan3A_379 = arith.constant 1 : i32
          %scan3A_380 = scf.for %scan3A_403 = %scan3A_376 to %scan3A_378 step %scan3A_379 iter_args(%scan3A_404 = %gather3A_375) -> (vector<16xf32>)  : i32 {
            %max3A_405 = arith.maximumf %scan3A_404, %scan3A_227 : vector<16xf32>
            %gt3A_406 = arith.cmpf ogt, %scan3A_227, %scan3A_404 : vector<16xf32>
            tpu.vector_store_idx %arg6[%scan3A_225], %max3A_405 masked %gt3A_406 : memref<32768xf32, #tpu.memory_space<vmem>>[vector<16xi32>], vector<16xf32>, vector<16xi1>
            %gather3A_407 = tpu.vector_load_idx %arg6[%scan3A_225] : memref<32768xf32, #tpu.memory_space<vmem>>[vector<16xi32>], vector<16xf32>,
            scf.yield %gather3A_407 : vector<16xf32>
          }
          %scan3A_381 = arith.constant 16 : i32
          %gather3A_382 = tpu.vector_load_idx %arg7[%scan3A_225] : memref<32768xf32, #tpu.memory_space<vmem>>[vector<16xi32>], vector<16xf32>,
          %scan3A_383 = arith.constant 0 : i32
          %scan3A_384 = arith.constant 16 : i32
          %scan3A_385 = arith.addi %scan3A_383, %scan3A_384 : i32
          %scan3A_386 = arith.constant 1 : i32
          %scan3A_387 = scf.for %scan3A_403 = %scan3A_383 to %scan3A_385 step %scan3A_386 iter_args(%scan3A_404 = %gather3A_382) -> (vector<16xf32>)  : i32 {
            %max3A_405 = arith.maximumf %scan3A_404, %scan3A_228 : vector<16xf32>
            %gt3A_406 = arith.cmpf ogt, %scan3A_228, %scan3A_404 : vector<16xf32>
            tpu.vector_store_idx %arg7[%scan3A_225], %max3A_405 masked %gt3A_406 : memref<32768xf32, #tpu.memory_space<vmem>>[vector<16xi32>], vector<16xf32>, vector<16xi1>
            %gather3A_407 = tpu.vector_load_idx %arg7[%scan3A_225] : memref<32768xf32, #tpu.memory_space<vmem>>[vector<16xi32>], vector<16xf32>,
            scf.yield %gather3A_407 : vector<16xf32>
          }
          %scan3A_388 = arith.constant 16 : i32
          %gather3A_389 = tpu.vector_load_idx %arg6[%scan3A_226] : memref<32768xf32, #tpu.memory_space<vmem>>[vector<16xi32>], vector<16xf32>,
          %scan3A_390 = arith.constant 0 : i32
          %scan3A_391 = arith.constant 16 : i32
          %scan3A_392 = arith.addi %scan3A_390, %scan3A_391 : i32
          %scan3A_393 = arith.constant 1 : i32
          %scan3A_394 = scf.for %scan3A_403 = %scan3A_390 to %scan3A_392 step %scan3A_393 iter_args(%scan3A_404 = %gather3A_389) -> (vector<16xf32>)  : i32 {
            %max3A_405 = arith.maximumf %scan3A_404, %scan3A_229 : vector<16xf32>
            %gt3A_406 = arith.cmpf ogt, %scan3A_229, %scan3A_404 : vector<16xf32>
            tpu.vector_store_idx %arg6[%scan3A_226], %max3A_405 masked %gt3A_406 : memref<32768xf32, #tpu.memory_space<vmem>>[vector<16xi32>], vector<16xf32>, vector<16xi1>
            %gather3A_407 = tpu.vector_load_idx %arg6[%scan3A_226] : memref<32768xf32, #tpu.memory_space<vmem>>[vector<16xi32>], vector<16xf32>,
            scf.yield %gather3A_407 : vector<16xf32>
          }
          %scan3A_395 = arith.constant 16 : i32
          %gather3A_396 = tpu.vector_load_idx %arg7[%scan3A_226] : memref<32768xf32, #tpu.memory_space<vmem>>[vector<16xi32>], vector<16xf32>,
          %scan3A_397 = arith.constant 0 : i32
          %scan3A_398 = arith.constant 16 : i32
          %scan3A_399 = arith.addi %scan3A_397, %scan3A_398 : i32
          %scan3A_400 = arith.constant 1 : i32
          %scan3A_401 = scf.for %scan3A_403 = %scan3A_397 to %scan3A_399 step %scan3A_400 iter_args(%scan3A_404 = %gather3A_396) -> (vector<16xf32>)  : i32 {
            %max3A_405 = arith.maximumf %scan3A_404, %scan3A_230 : vector<16xf32>
            %gt3A_406 = arith.cmpf ogt, %scan3A_230, %scan3A_404 : vector<16xf32>
            tpu.vector_store_idx %arg7[%scan3A_226], %max3A_405 masked %gt3A_406 : memref<32768xf32, #tpu.memory_space<vmem>>[vector<16xi32>], vector<16xf32>, vector<16xi1>
            %gather3A_407 = tpu.vector_load_idx %arg7[%scan3A_226] : memref<32768xf32, #tpu.memory_space<vmem>>[vector<16xi32>], vector<16xf32>,
            scf.yield %gather3A_407 : vector<16xf32>
          }
          %scan3A_402 = arith.constant 16 : i32
        } else {
        }
        %gather3A_290 = tpu.vector_load_idx %arg6[%get3A_247] : memref<32768xf32, #tpu.memory_space<vmem>>[vector<16xi32>], vector<16xf32>,
        %gather3A_291 = tpu.vector_load_idx %arg6[%get3A_251] : memref<32768xf32, #tpu.memory_space<vmem>>[vector<16xi32>], vector<16xf32>,
        %gather3A_292 = tpu.vector_load_idx %arg7[%get3A_247] : memref<32768xf32, #tpu.memory_space<vmem>>[vector<16xi32>], vector<16xf32>,
        %gather3A_293 = tpu.vector_load_idx %arg7[%get3A_251] : memref<32768xf32, #tpu.memory_space<vmem>>[vector<16xi32>], vector<16xf32>,
        %gt3A_294 = arith.cmpf ogt, %max3A, %gather3A_290 : vector<16xf32>
        %gt3A_295 = arith.cmpf ogt, %max3A_281, %gather3A_291 : vector<16xf32>
        %or3A = arith.ori %gt3A_294, %gt3A_295 : vector<16xi1>
        %gt3A_296 = arith.cmpf ogt, %max3A_282, %gather3A_292 : vector<16xf32>
        %or3A_297 = arith.ori %or3A, %gt3A_296 : vector<16xi1>
        %gt3A_298 = arith.cmpf ogt, %max3A_283, %gather3A_293 : vector<16xf32>
        %or3A_299 = arith.ori %or3A_297, %gt3A_298 : vector<16xi1>
        %mul3A_300 = arith.constant 2 : i32
        %mul3A_301 = arith.muli %scan3A_224, %mul3A_300 : i32
        %add3A_302 = arith.constant 1 : i32
        %add3A_303 = arith.addi %mul3A_301, %add3A_302 : i32
        %reduce_or3A_304 = arith.constant 1.000000e+00 : f32
        %reduce_or3A_305 = arith.constant 0.000000e+00 : f32
        %reduce_or3A_306 = vector.broadcast %reduce_or3A_304 : f32 to vector<16xf32>
        %reduce_or3A_307 = vector.broadcast %reduce_or3A_305 : f32 to vector<16xf32>
        %reduce_or3A_308 = arith.select %or3A_299, %reduce_or3A_306, %reduce_or3A_307 : vector<16xi1>, vector<16xf32>
        %reduce_or3A_309 = arith.constant true
        %reduce_or3A_310 = vector.broadcast %reduce_or3A_309 : i1 to vector<16xi1>
        %reduce_or3A_311 = tpu.scan <max>, %reduce_or3A_308 masked %reduce_or3A_310 : vector<16xf32>, vector<16xi1> -> vector<16xf32>
        %reduce_or3A_312 = vector.extract %reduce_or3A_311[15] : f32 from vector<16xf32>
        %reduce_or3A_313 = arith.constant 0.000000e+00 : f32
        %reduce_or3A_314 = arith.cmpf ogt, %reduce_or3A_312, %reduce_or3A_313 : f32
        %mul3A_315 = arith.constant 32 : i32
        %mul3A_316 = arith.muli %add3A_303, %mul3A_315 : i32
        %get3A_317 = arith.index_cast %mul3A_316 : i32 to index
        %get3A_318 = tpu.vector_load %arg12[%get3A_317] {strides = array<i32>} : memref<4096xi32, #tpu.memory_space<vmem>>, vector<16xi32>,
        %add3A_319 = arith.constant 16 : i32
        %add3A_320 = arith.addi %mul3A_316, %add3A_319 : i32
        %get3A_321 = arith.index_cast %add3A_320 : i32 to index
        %get3A_322 = tpu.vector_load %arg12[%get3A_321] {strides = array<i32>} : memref<4096xi32, #tpu.memory_space<vmem>>, vector<16xi32>,
        %get3A_323 = arith.index_cast %mul3A_316 : i32 to index
        %get3A_324 = tpu.vector_load %arg13[%get3A_323] {strides = array<i32>} : memref<4096xf32, #tpu.memory_space<vmem>>, vector<16xf32>,
        %add3A_325 = arith.constant 16 : i32
        %add3A_326 = arith.addi %mul3A_316, %add3A_325 : i32
        %get3A_327 = arith.index_cast %add3A_326 : i32 to index
        %get3A_328 = tpu.vector_load %arg13[%get3A_327] {strides = array<i32>} : memref<4096xf32, #tpu.memory_space<vmem>>, vector<16xf32>,
        %add3A_329 = arith.addi %mul3A_196, %mul3A_316 : i32
        %get3A_330 = arith.index_cast %add3A_329 : i32 to index
        %get3A_331 = tpu.vector_load %arg8[%get3A_330] {strides = array<i32>} : memref<16384xf32, #tpu.memory_space<vmem>>, vector<16xf32>,
        %mul3A_332 = arith.mulf %get3A_331, %get3A_324 : vector<16xf32>
        %add3A_333 = arith.addi %mul3A_196, %mul3A_316 : i32
        %get3A_334 = arith.index_cast %add3A_333 : i32 to index
        %get3A_335 = tpu.vector_load %arg9[%get3A_334] {strides = array<i32>} : memref<16384xf32, #tpu.memory_space<vmem>>, vector<16xf32>,
        %mul3A_336 = arith.mulf %get3A_335, %get3A_324 : vector<16xf32>
        %add3A_337 = arith.addi %mul3A_196, %mul3A_316 : i32
        %add3A_338 = arith.constant 16 : i32
        %add3A_339 = arith.addi %add3A_337, %add3A_338 : i32
        %get3A_340 = arith.index_cast %add3A_339 : i32 to index
        %get3A_341 = tpu.vector_load %arg8[%get3A_340] {strides = array<i32>} : memref<16384xf32, #tpu.memory_space<vmem>>, vector<16xf32>,
        %mul3A_342 = arith.mulf %get3A_341, %get3A_328 : vector<16xf32>
        %add3A_343 = arith.addi %mul3A_196, %mul3A_316 : i32
        %add3A_344 = arith.constant 16 : i32
        %add3A_345 = arith.addi %add3A_343, %add3A_344 : i32
        %get3A_346 = arith.index_cast %add3A_345 : i32 to index
        %get3A_347 = tpu.vector_load %arg9[%get3A_346] {strides = array<i32>} : memref<16384xf32, #tpu.memory_space<vmem>>, vector<16xf32>,
        %mul3A_348 = arith.mulf %get3A_347, %get3A_328 : vector<16xf32>
        %gather3A_349 = tpu.vector_load_idx %arg6[%get3A_318] : memref<32768xf32, #tpu.memory_space<vmem>>[vector<16xi32>], vector<16xf32>,
        %gather3A_350 = tpu.vector_load_idx %arg6[%get3A_322] : memref<32768xf32, #tpu.memory_space<vmem>>[vector<16xi32>], vector<16xf32>,
        %gather3A_351 = tpu.vector_load_idx %arg7[%get3A_318] : memref<32768xf32, #tpu.memory_space<vmem>>[vector<16xi32>], vector<16xf32>,
        %gather3A_352 = tpu.vector_load_idx %arg7[%get3A_322] : memref<32768xf32, #tpu.memory_space<vmem>>[vector<16xi32>], vector<16xf32>,
        %max3A_353 = arith.maximumf %gather3A_349, %mul3A_332 : vector<16xf32>
        %max3A_354 = arith.maximumf %gather3A_350, %mul3A_342 : vector<16xf32>
        %max3A_355 = arith.maximumf %gather3A_351, %mul3A_336 : vector<16xf32>
        %max3A_356 = arith.maximumf %gather3A_352, %mul3A_348 : vector<16xf32>
        %gt3A_357 = arith.cmpf ogt, %mul3A_332, %gather3A_349 : vector<16xf32>
        tpu.vector_store_idx %arg6[%get3A_318], %max3A_353 masked %gt3A_357 : memref<32768xf32, #tpu.memory_space<vmem>>[vector<16xi32>], vector<16xf32>, vector<16xi1>
        %gt3A_358 = arith.cmpf ogt, %mul3A_342, %gather3A_350 : vector<16xf32>
        tpu.vector_store_idx %arg6[%get3A_322], %max3A_354 masked %gt3A_358 : memref<32768xf32, #tpu.memory_space<vmem>>[vector<16xi32>], vector<16xf32>, vector<16xi1>
        %gt3A_359 = arith.cmpf ogt, %mul3A_336, %gather3A_351 : vector<16xf32>
        tpu.vector_store_idx %arg7[%get3A_318], %max3A_355 masked %gt3A_359 : memref<32768xf32, #tpu.memory_space<vmem>>[vector<16xi32>], vector<16xf32>, vector<16xi1>
        %gt3A_360 = arith.cmpf ogt, %mul3A_348, %gather3A_352 : vector<16xf32>
        tpu.vector_store_idx %arg7[%get3A_322], %max3A_356 masked %gt3A_360 : memref<32768xf32, #tpu.memory_space<vmem>>[vector<16xi32>], vector<16xf32>, vector<16xi1>
        %convert_element_type3A_361 = arith.extui %reduce_or3A_314 : i1 to i32
        %cond3A_362 = arith.constant 0 : i32
        %cond3A_363 = arith.cmpi ne, %convert_element_type3A_361, %cond3A_362 : i32
        scf.if %cond3A_363 {
          %gather3A_375 = tpu.vector_load_idx %arg6[%get3A_247] : memref<32768xf32, #tpu.memory_space<vmem>>[vector<16xi32>], vector<16xf32>,
          %scan3A_376 = arith.constant 0 : i32
          %scan3A_377 = arith.constant 16 : i32
          %scan3A_378 = arith.addi %scan3A_376, %scan3A_377 : i32
          %scan3A_379 = arith.constant 1 : i32
          %scan3A_380 = scf.for %scan3A_403 = %scan3A_376 to %scan3A_378 step %scan3A_379 iter_args(%scan3A_404 = %gather3A_375) -> (vector<16xf32>)  : i32 {
            %max3A_405 = arith.maximumf %scan3A_404, %mul3A_261 : vector<16xf32>
            %gt3A_406 = arith.cmpf ogt, %mul3A_261, %scan3A_404 : vector<16xf32>
            tpu.vector_store_idx %arg6[%get3A_247], %max3A_405 masked %gt3A_406 : memref<32768xf32, #tpu.memory_space<vmem>>[vector<16xi32>], vector<16xf32>, vector<16xi1>
            %gather3A_407 = tpu.vector_load_idx %arg6[%get3A_247] : memref<32768xf32, #tpu.memory_space<vmem>>[vector<16xi32>], vector<16xf32>,
            scf.yield %gather3A_407 : vector<16xf32>
          }
          %scan3A_381 = arith.constant 16 : i32
          %gather3A_382 = tpu.vector_load_idx %arg7[%get3A_247] : memref<32768xf32, #tpu.memory_space<vmem>>[vector<16xi32>], vector<16xf32>,
          %scan3A_383 = arith.constant 0 : i32
          %scan3A_384 = arith.constant 16 : i32
          %scan3A_385 = arith.addi %scan3A_383, %scan3A_384 : i32
          %scan3A_386 = arith.constant 1 : i32
          %scan3A_387 = scf.for %scan3A_403 = %scan3A_383 to %scan3A_385 step %scan3A_386 iter_args(%scan3A_404 = %gather3A_382) -> (vector<16xf32>)  : i32 {
            %max3A_405 = arith.maximumf %scan3A_404, %mul3A_265 : vector<16xf32>
            %gt3A_406 = arith.cmpf ogt, %mul3A_265, %scan3A_404 : vector<16xf32>
            tpu.vector_store_idx %arg7[%get3A_247], %max3A_405 masked %gt3A_406 : memref<32768xf32, #tpu.memory_space<vmem>>[vector<16xi32>], vector<16xf32>, vector<16xi1>
            %gather3A_407 = tpu.vector_load_idx %arg7[%get3A_247] : memref<32768xf32, #tpu.memory_space<vmem>>[vector<16xi32>], vector<16xf32>,
            scf.yield %gather3A_407 : vector<16xf32>
          }
          %scan3A_388 = arith.constant 16 : i32
          %gather3A_389 = tpu.vector_load_idx %arg6[%get3A_251] : memref<32768xf32, #tpu.memory_space<vmem>>[vector<16xi32>], vector<16xf32>,
          %scan3A_390 = arith.constant 0 : i32
          %scan3A_391 = arith.constant 16 : i32
          %scan3A_392 = arith.addi %scan3A_390, %scan3A_391 : i32
          %scan3A_393 = arith.constant 1 : i32
          %scan3A_394 = scf.for %scan3A_403 = %scan3A_390 to %scan3A_392 step %scan3A_393 iter_args(%scan3A_404 = %gather3A_389) -> (vector<16xf32>)  : i32 {
            %max3A_405 = arith.maximumf %scan3A_404, %mul3A_271 : vector<16xf32>
            %gt3A_406 = arith.cmpf ogt, %mul3A_271, %scan3A_404 : vector<16xf32>
            tpu.vector_store_idx %arg6[%get3A_251], %max3A_405 masked %gt3A_406 : memref<32768xf32, #tpu.memory_space<vmem>>[vector<16xi32>], vector<16xf32>, vector<16xi1>
            %gather3A_407 = tpu.vector_load_idx %arg6[%get3A_251] : memref<32768xf32, #tpu.memory_space<vmem>>[vector<16xi32>], vector<16xf32>,
            scf.yield %gather3A_407 : vector<16xf32>
          }
          %scan3A_395 = arith.constant 16 : i32
          %gather3A_396 = tpu.vector_load_idx %arg7[%get3A_251] : memref<32768xf32, #tpu.memory_space<vmem>>[vector<16xi32>], vector<16xf32>,
          %scan3A_397 = arith.constant 0 : i32
          %scan3A_398 = arith.constant 16 : i32
          %scan3A_399 = arith.addi %scan3A_397, %scan3A_398 : i32
          %scan3A_400 = arith.constant 1 : i32
          %scan3A_401 = scf.for %scan3A_403 = %scan3A_397 to %scan3A_399 step %scan3A_400 iter_args(%scan3A_404 = %gather3A_396) -> (vector<16xf32>)  : i32 {
            %max3A_405 = arith.maximumf %scan3A_404, %mul3A_277 : vector<16xf32>
            %gt3A_406 = arith.cmpf ogt, %mul3A_277, %scan3A_404 : vector<16xf32>
            tpu.vector_store_idx %arg7[%get3A_251], %max3A_405 masked %gt3A_406 : memref<32768xf32, #tpu.memory_space<vmem>>[vector<16xi32>], vector<16xf32>, vector<16xi1>
            %gather3A_407 = tpu.vector_load_idx %arg7[%get3A_251] : memref<32768xf32, #tpu.memory_space<vmem>>[vector<16xi32>], vector<16xf32>,
            scf.yield %gather3A_407 : vector<16xf32>
          }
          %scan3A_402 = arith.constant 16 : i32
        } else {
        }
        %gather3A_364 = tpu.vector_load_idx %arg6[%get3A_318] : memref<32768xf32, #tpu.memory_space<vmem>>[vector<16xi32>], vector<16xf32>,
        %gather3A_365 = tpu.vector_load_idx %arg6[%get3A_322] : memref<32768xf32, #tpu.memory_space<vmem>>[vector<16xi32>], vector<16xf32>,
        %gather3A_366 = tpu.vector_load_idx %arg7[%get3A_318] : memref<32768xf32, #tpu.memory_space<vmem>>[vector<16xi32>], vector<16xf32>,
        %gather3A_367 = tpu.vector_load_idx %arg7[%get3A_322] : memref<32768xf32, #tpu.memory_space<vmem>>[vector<16xi32>], vector<16xf32>,
        %gt3A_368 = arith.cmpf ogt, %max3A_353, %gather3A_364 : vector<16xf32>
        %gt3A_369 = arith.cmpf ogt, %max3A_354, %gather3A_365 : vector<16xf32>
        %or3A_370 = arith.ori %gt3A_368, %gt3A_369 : vector<16xi1>
        %gt3A_371 = arith.cmpf ogt, %max3A_355, %gather3A_366 : vector<16xf32>
        %or3A_372 = arith.ori %or3A_370, %gt3A_371 : vector<16xi1>
        %gt3A_373 = arith.cmpf ogt, %max3A_356, %gather3A_367 : vector<16xf32>
        %or3A_374 = arith.ori %or3A_372, %gt3A_373 : vector<16xi1>
        scf.yield %get3A_318, %get3A_322, %mul3A_332, %mul3A_336, %mul3A_342, %mul3A_348, %or3A_374 : vector<16xi32>, vector<16xi32>, vector<16xf32>, vector<16xf32>, vector<16xf32>, vector<16xf32>, vector<16xi1>
      }
      %scan3A_208 = arith.constant 64 : i32
      %reduce_or3A_209 = arith.constant 1.000000e+00 : f32
      %reduce_or3A_210 = arith.constant 0.000000e+00 : f32
      %reduce_or3A_211 = vector.broadcast %reduce_or3A_209 : f32 to vector<16xf32>
      %reduce_or3A_212 = vector.broadcast %reduce_or3A_210 : f32 to vector<16xf32>
      %reduce_or3A_213 = arith.select %scan3A_207#6, %reduce_or3A_211, %reduce_or3A_212 : vector<16xi1>, vector<16xf32>
      %reduce_or3A_214 = arith.constant true
      %reduce_or3A_215 = vector.broadcast %reduce_or3A_214 : i1 to vector<16xi1>
      %reduce_or3A_216 = tpu.scan <max>, %reduce_or3A_213 masked %reduce_or3A_215 : vector<16xf32>, vector<16xi1> -> vector<16xf32>
      %reduce_or3A_217 = vector.extract %reduce_or3A_216[15] : f32 from vector<16xf32>
      %reduce_or3A_218 = arith.constant 0.000000e+00 : f32
      %reduce_or3A_219 = arith.cmpf ogt, %reduce_or3A_217, %reduce_or3A_218 : f32
      %convert_element_type3A_220 = arith.extui %reduce_or3A_219 : i1 to i32
      %cond3A_221 = arith.constant 0 : i32
      %cond3A_222 = arith.cmpi ne, %convert_element_type3A_220, %cond3A_221 : i32
      scf.if %cond3A_222 {
        %gather3A = tpu.vector_load_idx %arg6[%scan3A_207#0] : memref<32768xf32, #tpu.memory_space<vmem>>[vector<16xi32>], vector<16xf32>,
        %scan3A_224 = arith.constant 0 : i32
        %scan3A_225 = arith.constant 16 : i32
        %scan3A_226 = arith.addi %scan3A_224, %scan3A_225 : i32
        %scan3A_227 = arith.constant 1 : i32
        %scan3A_228 = scf.for %scan3A_251 = %scan3A_224 to %scan3A_226 step %scan3A_227 iter_args(%scan3A_252 = %gather3A) -> (vector<16xf32>)  : i32 {
          %max3A = arith.maximumf %scan3A_252, %scan3A_207#2 : vector<16xf32>
          %gt3A = arith.cmpf ogt, %scan3A_207#2, %scan3A_252 : vector<16xf32>
          tpu.vector_store_idx %arg6[%scan3A_207#0], %max3A masked %gt3A : memref<32768xf32, #tpu.memory_space<vmem>>[vector<16xi32>], vector<16xf32>, vector<16xi1>
          %gather3A_253 = tpu.vector_load_idx %arg6[%scan3A_207#0] : memref<32768xf32, #tpu.memory_space<vmem>>[vector<16xi32>], vector<16xf32>,
          scf.yield %gather3A_253 : vector<16xf32>
        }
        %scan3A_229 = arith.constant 16 : i32
        %gather3A_230 = tpu.vector_load_idx %arg7[%scan3A_207#0] : memref<32768xf32, #tpu.memory_space<vmem>>[vector<16xi32>], vector<16xf32>,
        %scan3A_231 = arith.constant 0 : i32
        %scan3A_232 = arith.constant 16 : i32
        %scan3A_233 = arith.addi %scan3A_231, %scan3A_232 : i32
        %scan3A_234 = arith.constant 1 : i32
        %scan3A_235 = scf.for %scan3A_251 = %scan3A_231 to %scan3A_233 step %scan3A_234 iter_args(%scan3A_252 = %gather3A_230) -> (vector<16xf32>)  : i32 {
          %max3A = arith.maximumf %scan3A_252, %scan3A_207#3 : vector<16xf32>
          %gt3A = arith.cmpf ogt, %scan3A_207#3, %scan3A_252 : vector<16xf32>
          tpu.vector_store_idx %arg7[%scan3A_207#0], %max3A masked %gt3A : memref<32768xf32, #tpu.memory_space<vmem>>[vector<16xi32>], vector<16xf32>, vector<16xi1>
          %gather3A_253 = tpu.vector_load_idx %arg7[%scan3A_207#0] : memref<32768xf32, #tpu.memory_space<vmem>>[vector<16xi32>], vector<16xf32>,
          scf.yield %gather3A_253 : vector<16xf32>
        }
        %scan3A_236 = arith.constant 16 : i32
        %gather3A_237 = tpu.vector_load_idx %arg6[%scan3A_207#1] : memref<32768xf32, #tpu.memory_space<vmem>>[vector<16xi32>], vector<16xf32>,
        %scan3A_238 = arith.constant 0 : i32
        %scan3A_239 = arith.constant 16 : i32
        %scan3A_240 = arith.addi %scan3A_238, %scan3A_239 : i32
        %scan3A_241 = arith.constant 1 : i32
        %scan3A_242 = scf.for %scan3A_251 = %scan3A_238 to %scan3A_240 step %scan3A_241 iter_args(%scan3A_252 = %gather3A_237) -> (vector<16xf32>)  : i32 {
          %max3A = arith.maximumf %scan3A_252, %scan3A_207#4 : vector<16xf32>
          %gt3A = arith.cmpf ogt, %scan3A_207#4, %scan3A_252 : vector<16xf32>
          tpu.vector_store_idx %arg6[%scan3A_207#1], %max3A masked %gt3A : memref<32768xf32, #tpu.memory_space<vmem>>[vector<16xi32>], vector<16xf32>, vector<16xi1>
          %gather3A_253 = tpu.vector_load_idx %arg6[%scan3A_207#1] : memref<32768xf32, #tpu.memory_space<vmem>>[vector<16xi32>], vector<16xf32>,
          scf.yield %gather3A_253 : vector<16xf32>
        }
        %scan3A_243 = arith.constant 16 : i32
        %gather3A_244 = tpu.vector_load_idx %arg7[%scan3A_207#1] : memref<32768xf32, #tpu.memory_space<vmem>>[vector<16xi32>], vector<16xf32>,
        %scan3A_245 = arith.constant 0 : i32
        %scan3A_246 = arith.constant 16 : i32
        %scan3A_247 = arith.addi %scan3A_245, %scan3A_246 : i32
        %scan3A_248 = arith.constant 1 : i32
        %scan3A_249 = scf.for %scan3A_251 = %scan3A_245 to %scan3A_247 step %scan3A_248 iter_args(%scan3A_252 = %gather3A_244) -> (vector<16xf32>)  : i32 {
          %max3A = arith.maximumf %scan3A_252, %scan3A_207#5 : vector<16xf32>
          %gt3A = arith.cmpf ogt, %scan3A_207#5, %scan3A_252 : vector<16xf32>
          tpu.vector_store_idx %arg7[%scan3A_207#1], %max3A masked %gt3A : memref<32768xf32, #tpu.memory_space<vmem>>[vector<16xi32>], vector<16xf32>, vector<16xi1>
          %gather3A_253 = tpu.vector_load_idx %arg7[%scan3A_207#1] : memref<32768xf32, #tpu.memory_space<vmem>>[vector<16xi32>], vector<16xf32>,
          scf.yield %gather3A_253 : vector<16xf32>
        }
        %scan3A_250 = arith.constant 16 : i32
      } else {
      }
      %scan3A_223 = arith.constant 0 : i32
      scf.yield %scan3A_223 : i32
    }
    %scan3A_52 = arith.constant 16 : i32
    %dma_wait3A_53 = tpu.memref_slice %arg3[%mul3A_24] : memref<1048576xi32, #tpu.memory_space<hbm>> -> memref<4096xi32, #tpu.memory_space<hbm>>
    %dma_wait3A_54 = tpu.memref_slice %arg3[%mul3A_24] : memref<1048576xi32, #tpu.memory_space<hbm>> -> memref<4096xi32, #tpu.memory_space<hbm>>
    tpu.wait_dma2 semaphore(%arg14 : memref<!tpu.dma_semaphore, #tpu.memory_space<semaphore_mem>>) src(%dma_wait3A_54 : memref<4096xi32, #tpu.memory_space<hbm>>) dst(%arg10 : memref<4096xi32, #tpu.memory_space<vmem>>)
    %dma_wait3A_55 = tpu.memref_slice %arg2[%mul3A_24] : memref<1048576xf32, #tpu.memory_space<hbm>> -> memref<4096xf32, #tpu.memory_space<hbm>>
    %dma_wait3A_56 = tpu.memref_slice %arg2[%mul3A_24] : memref<1048576xf32, #tpu.memory_space<hbm>> -> memref<4096xf32, #tpu.memory_space<hbm>>
    tpu.wait_dma2 semaphore(%arg15 : memref<!tpu.dma_semaphore, #tpu.memory_space<semaphore_mem>>) src(%dma_wait3A_56 : memref<4096xf32, #tpu.memory_space<hbm>>) dst(%arg11 : memref<4096xf32, #tpu.memory_space<vmem>>)
    %mul3A_57 = arith.constant 32768 : i32
    %mul3A_58 = arith.muli %add3A_4, %mul3A_57 : i32
    "tpu.region"() ({
      %run_scoped3A = tpu.sem_alloc : memref<!tpu.dma_semaphore, #tpu.memory_space<semaphore_mem>>
      %dma_start3A_133 = tpu.memref_slice %arg5[%mul3A_58] : memref<4194304xf32, #tpu.memory_space<hbm>> -> memref<32768xf32, #tpu.memory_space<hbm>>
      %dma_start3A_134 = tpu.memref_slice %arg5[%mul3A_58] : memref<4194304xf32, #tpu.memory_space<hbm>> -> memref<32768xf32, #tpu.memory_space<hbm>>
      tpu.enqueue_dma source(%arg6 : memref<32768xf32, #tpu.memory_space<vmem>>) target(%dma_start3A_134 : memref<32768xf32, #tpu.memory_space<hbm>>) target_semaphore(%run_scoped3A : memref<!tpu.dma_semaphore, #tpu.memory_space<semaphore_mem>>)
      %dma_wait3A_135 = tpu.memref_slice %arg5[%mul3A_58] : memref<4194304xf32, #tpu.memory_space<hbm>> -> memref<32768xf32, #tpu.memory_space<hbm>>
      %dma_wait3A_136 = tpu.memref_slice %arg5[%mul3A_58] : memref<4194304xf32, #tpu.memory_space<hbm>> -> memref<32768xf32, #tpu.memory_space<hbm>>
      tpu.wait_dma2 semaphore(%run_scoped3A : memref<!tpu.dma_semaphore, #tpu.memory_space<semaphore_mem>>) src(%arg6 : memref<32768xf32, #tpu.memory_space<vmem>>) dst(%dma_wait3A_136 : memref<32768xf32, #tpu.memory_space<hbm>>)
      tpu.yield
    }) : () -> ()
    %mul3A_59 = arith.constant 32768 : i32
    %mul3A_60 = arith.muli %add3A_6, %mul3A_59 : i32
    "tpu.region"() ({
      %run_scoped3A = tpu.sem_alloc : memref<!tpu.dma_semaphore, #tpu.memory_space<semaphore_mem>>
      %dma_start3A_133 = tpu.memref_slice %arg5[%mul3A_60] : memref<4194304xf32, #tpu.memory_space<hbm>> -> memref<32768xf32, #tpu.memory_space<hbm>>
      %dma_start3A_134 = tpu.memref_slice %arg5[%mul3A_60] : memref<4194304xf32, #tpu.memory_space<hbm>> -> memref<32768xf32, #tpu.memory_space<hbm>>
      tpu.enqueue_dma source(%arg7 : memref<32768xf32, #tpu.memory_space<vmem>>) target(%dma_start3A_134 : memref<32768xf32, #tpu.memory_space<hbm>>) target_semaphore(%run_scoped3A : memref<!tpu.dma_semaphore, #tpu.memory_space<semaphore_mem>>)
      %dma_wait3A_135 = tpu.memref_slice %arg5[%mul3A_60] : memref<4194304xf32, #tpu.memory_space<hbm>> -> memref<32768xf32, #tpu.memory_space<hbm>>
      %dma_wait3A_136 = tpu.memref_slice %arg5[%mul3A_60] : memref<4194304xf32, #tpu.memory_space<hbm>> -> memref<32768xf32, #tpu.memory_space<hbm>>
      tpu.wait_dma2 semaphore(%run_scoped3A : memref<!tpu.dma_semaphore, #tpu.memory_space<semaphore_mem>>) src(%arg7 : memref<32768xf32, #tpu.memory_space<vmem>>) dst(%dma_wait3A_136 : memref<32768xf32, #tpu.memory_space<hbm>>)
      tpu.yield
    }) : () -> ()
    %mul3A_61 = arith.constant 4 : i32
    %mul3A_62 = arith.muli %add3A, %mul3A_61 : i32
    %add3A_63 = arith.constant 2 : i32
    %add3A_64 = arith.addi %mul3A_62, %add3A_63 : i32
    %add3A_65 = arith.constant 1 : i32
    %add3A_66 = arith.addi %add3A_64, %add3A_65 : i32
    %jit3A_67 = arith.constant 16 : i32
    %div3A_68 = arith.divsi %add3A_64, %jit3A_67 : i32
    %sign3A_69 = arith.constant 0 : i32
    %sign3A_70 = arith.cmpi sgt, %add3A_64, %sign3A_69 : i32
    %sign3A_71 = arith.extui %sign3A_70 : i1 to i32
    %sign3A_72 = arith.constant 0 : i32
    %sign3A_73 = arith.cmpi slt, %add3A_64, %sign3A_72 : i32
    %sign3A_74 = arith.extui %sign3A_73 : i1 to i32
    %sign3A_75 = arith.subi %sign3A_71, %sign3A_74 : i32
    %sign3A_76 = arith.constant 0 : i32
    %sign3A_77 = arith.cmpi sgt, %jit3A_67, %sign3A_76 : i32
    %sign3A_78 = arith.extui %sign3A_77 : i1 to i32
    %sign3A_79 = arith.constant 0 : i32
    %sign3A_80 = arith.cmpi slt, %jit3A_67, %sign3A_79 : i32
    %sign3A_81 = arith.extui %sign3A_80 : i1 to i32
    %sign3A_82 = arith.subi %sign3A_78, %sign3A_81 : i32
    %ne3A_83 = arith.cmpi ne, %sign3A_75, %sign3A_82 : i32
    %rem3A_84 = arith.remsi %add3A_64, %jit3A_67 : i32
    %ne3A_85 = arith.constant 0 : i32
    %ne3A_86 = arith.cmpi ne, %rem3A_84, %ne3A_85 : i32
    %and3A_87 = arith.andi %ne3A_83, %ne3A_86 : i1
    %sub3A_88 = arith.constant 1 : i32
    %sub3A_89 = arith.subi %div3A_68, %sub3A_88 : i32
    %select_n3A_90 = arith.select %and3A_87, %sub3A_89, %div3A_68 : i32
    %mul3A_91 = arith.constant 131072 : i32
    %mul3A_92 = arith.muli %select_n3A_90, %mul3A_91 : i32
    %mul3A_93 = arith.constant 16384 : i32
    %mul3A_94 = arith.muli %add3A_64, %mul3A_93 : i32
    %dma_start3A_95 = tpu.memref_slice %arg4[%mul3A_94] : memref<2097152xf32, #tpu.memory_space<hbm>> -> memref<16384xf32, #tpu.memory_space<hbm>>
    %dma_start3A_96 = tpu.memref_slice %arg4[%mul3A_94] : memref<2097152xf32, #tpu.memory_space<hbm>> -> memref<16384xf32, #tpu.memory_space<hbm>>
    tpu.enqueue_dma source(%dma_start3A_96 : memref<16384xf32, #tpu.memory_space<hbm>>) target(%arg8 : memref<16384xf32, #tpu.memory_space<vmem>>) target_semaphore(%arg18 : memref<!tpu.dma_semaphore, #tpu.memory_space<semaphore_mem>>)
    %mul3A_97 = arith.constant 16384 : i32
    %mul3A_98 = arith.muli %add3A_66, %mul3A_97 : i32
    %dma_start3A_99 = tpu.memref_slice %arg4[%mul3A_98] : memref<2097152xf32, #tpu.memory_space<hbm>> -> memref<16384xf32, #tpu.memory_space<hbm>>
    %dma_start3A_100 = tpu.memref_slice %arg4[%mul3A_98] : memref<2097152xf32, #tpu.memory_space<hbm>> -> memref<16384xf32, #tpu.memory_space<hbm>>
    tpu.enqueue_dma source(%dma_start3A_100 : memref<16384xf32, #tpu.memory_space<hbm>>) target(%arg9 : memref<16384xf32, #tpu.memory_space<vmem>>) target_semaphore(%arg18 : memref<!tpu.dma_semaphore, #tpu.memory_space<semaphore_mem>>)
    %dma_start3A_101 = tpu.memref_slice %arg3[%mul3A_92] : memref<1048576xi32, #tpu.memory_space<hbm>> -> memref<4096xi32, #tpu.memory_space<hbm>>
    %dma_start3A_102 = tpu.memref_slice %arg3[%mul3A_92] : memref<1048576xi32, #tpu.memory_space<hbm>> -> memref<4096xi32, #tpu.memory_space<hbm>>
    tpu.enqueue_dma source(%dma_start3A_102 : memref<4096xi32, #tpu.memory_space<hbm>>) target(%arg10 : memref<4096xi32, #tpu.memory_space<vmem>>) target_semaphore(%arg14 : memref<!tpu.dma_semaphore, #tpu.memory_space<semaphore_mem>>)
    %dma_start3A_103 = tpu.memref_slice %arg2[%mul3A_92] : memref<1048576xf32, #tpu.memory_space<hbm>> -> memref<4096xf32, #tpu.memory_space<hbm>>
    %dma_start3A_104 = tpu.memref_slice %arg2[%mul3A_92] : memref<1048576xf32, #tpu.memory_space<hbm>> -> memref<4096xf32, #tpu.memory_space<hbm>>
    tpu.enqueue_dma source(%dma_start3A_104 : memref<4096xf32, #tpu.memory_space<hbm>>) target(%arg11 : memref<4096xf32, #tpu.memory_space<vmem>>) target_semaphore(%arg15 : memref<!tpu.dma_semaphore, #tpu.memory_space<semaphore_mem>>)
    %broadcast_in_dim3A_105 = arith.constant 0.000000e+00 : f32
    %broadcast_in_dim3A_106 = vector.broadcast %broadcast_in_dim3A_105 : f32 to vector<16xf32>
    %scan3A_107 = arith.constant 0 : i32
    %scan3A_108 = arith.constant 0 : i32
    %scan3A_109 = arith.constant 512 : i32
    %scan3A_110 = arith.addi %scan3A_108, %scan3A_109 : i32
    %scan3A_111 = arith.constant 1 : i32
    %scan3A_112 = scf.for %scan3A_133 = %scan3A_108 to %scan3A_110 step %scan3A_111 iter_args(%scan3A_134 = %scan3A_107) -> (i32)  : i32 {
      %mul3A_135 = arith.constant 64 : i32
      %mul3A_136 = arith.muli %scan3A_133, %mul3A_135 : i32
      %add3A_137 = arith.constant 0 : i32
      %add3A_138 = arith.addi %mul3A_136, %add3A_137 : i32
      %swap3A = arith.index_cast %add3A_138 : i32 to index
      %swap3A_139 = tpu.vector_load %arg6[%swap3A] {strides = array<i32>} : memref<32768xf32, #tpu.memory_space<vmem>>, vector<16xf32>,
      tpu.vector_store %arg6[%swap3A], %broadcast_in_dim3A_106 {strides = array<i32>} : memref<32768xf32, #tpu.memory_space<vmem>>, vector<16xf32>,
      %add3A_140 = arith.constant 0 : i32
      %add3A_141 = arith.addi %mul3A_136, %add3A_140 : i32
      %swap3A_142 = arith.index_cast %add3A_141 : i32 to index
      %swap3A_143 = tpu.vector_load %arg7[%swap3A_142] {strides = array<i32>} : memref<32768xf32, #tpu.memory_space<vmem>>, vector<16xf32>,
      tpu.vector_store %arg7[%swap3A_142], %broadcast_in_dim3A_106 {strides = array<i32>} : memref<32768xf32, #tpu.memory_space<vmem>>, vector<16xf32>,
      %add3A_144 = arith.constant 16 : i32
      %add3A_145 = arith.addi %mul3A_136, %add3A_144 : i32
      %swap3A_146 = arith.index_cast %add3A_145 : i32 to index
      %swap3A_147 = tpu.vector_load %arg6[%swap3A_146] {strides = array<i32>} : memref<32768xf32, #tpu.memory_space<vmem>>, vector<16xf32>,
      tpu.vector_store %arg6[%swap3A_146], %broadcast_in_dim3A_106 {strides = array<i32>} : memref<32768xf32, #tpu.memory_space<vmem>>, vector<16xf32>,
      %add3A_148 = arith.constant 16 : i32
      %add3A_149 = arith.addi %mul3A_136, %add3A_148 : i32
      %swap3A_150 = arith.index_cast %add3A_149 : i32 to index
      %swap3A_151 = tpu.vector_load %arg7[%swap3A_150] {strides = array<i32>} : memref<32768xf32, #tpu.memory_space<vmem>>, vector<16xf32>,
      tpu.vector_store %arg7[%swap3A_150], %broadcast_in_dim3A_106 {strides = array<i32>} : memref<32768xf32, #tpu.memory_space<vmem>>, vector<16xf32>,
      %add3A_152 = arith.constant 32 : i32
      %add3A_153 = arith.addi %mul3A_136, %add3A_152 : i32
      %swap3A_154 = arith.index_cast %add3A_153 : i32 to index
      %swap3A_155 = tpu.vector_load %arg6[%swap3A_154] {strides = array<i32>} : memref<32768xf32, #tpu.memory_space<vmem>>, vector<16xf32>,
      tpu.vector_store %arg6[%swap3A_154], %broadcast_in_dim3A_106 {strides = array<i32>} : memref<32768xf32, #tpu.memory_space<vmem>>, vector<16xf32>,
      %add3A_156 = arith.constant 32 : i32
      %add3A_157 = arith.addi %mul3A_136, %add3A_156 : i32
      %swap3A_158 = arith.index_cast %add3A_157 : i32 to index
      %swap3A_159 = tpu.vector_load %arg7[%swap3A_158] {strides = array<i32>} : memref<32768xf32, #tpu.memory_space<vmem>>, vector<16xf32>,
      tpu.vector_store %arg7[%swap3A_158], %broadcast_in_dim3A_106 {strides = array<i32>} : memref<32768xf32, #tpu.memory_space<vmem>>, vector<16xf32>,
      %add3A_160 = arith.constant 48 : i32
      %add3A_161 = arith.addi %mul3A_136, %add3A_160 : i32
      %swap3A_162 = arith.index_cast %add3A_161 : i32 to index
      %swap3A_163 = tpu.vector_load %arg6[%swap3A_162] {strides = array<i32>} : memref<32768xf32, #tpu.memory_space<vmem>>, vector<16xf32>,
      tpu.vector_store %arg6[%swap3A_162], %broadcast_in_dim3A_106 {strides = array<i32>} : memref<32768xf32, #tpu.memory_space<vmem>>, vector<16xf32>,
      %add3A_164 = arith.constant 48 : i32
      %add3A_165 = arith.addi %mul3A_136, %add3A_164 : i32
      %swap3A_166 = arith.index_cast %add3A_165 : i32 to index
      %swap3A_167 = tpu.vector_load %arg7[%swap3A_166] {strides = array<i32>} : memref<32768xf32, #tpu.memory_space<vmem>>, vector<16xf32>,
      tpu.vector_store %arg7[%swap3A_166], %broadcast_in_dim3A_106 {strides = array<i32>} : memref<32768xf32, #tpu.memory_space<vmem>>, vector<16xf32>,
      %scan3A_168 = arith.constant 0 : i32
      scf.yield %scan3A_168 : i32
    }
    %scan3A_113 = arith.constant 512 : i32
    %dma_wait3A_114 = tpu.memref_slice %arg4[%mul3A_94] : memref<2097152xf32, #tpu.memory_space<hbm>> -> memref<16384xf32, #tpu.memory_space<hbm>>
    %dma_wait3A_115 = tpu.memref_slice %arg4[%mul3A_94] : memref<2097152xf32, #tpu.memory_space<hbm>> -> memref<16384xf32, #tpu.memory_space<hbm>>
    tpu.wait_dma2 semaphore(%arg18 : memref<!tpu.dma_semaphore, #tpu.memory_space<semaphore_mem>>) src(%dma_wait3A_115 : memref<16384xf32, #tpu.memory_space<hbm>>) dst(%arg8 : memref<16384xf32, #tpu.memory_space<vmem>>)
    %dma_wait3A_116 = tpu.memref_slice %arg4[%mul3A_98] : memref<2097152xf32, #tpu.memory_space<hbm>> -> memref<16384xf32, #tpu.memory_space<hbm>>
    %dma_wait3A_117 = tpu.memref_slice %arg4[%mul3A_98] : memref<2097152xf32, #tpu.memory_space<hbm>> -> memref<16384xf32, #tpu.memory_space<hbm>>
    tpu.wait_dma2 semaphore(%arg18 : memref<!tpu.dma_semaphore, #tpu.memory_space<semaphore_mem>>) src(%dma_wait3A_117 : memref<16384xf32, #tpu.memory_space<hbm>>) dst(%arg9 : memref<16384xf32, #tpu.memory_space<vmem>>)
    %scan3A_118 = arith.constant 0 : i32
    %scan3A_119 = arith.constant 0 : i32
    %scan3A_120 = arith.constant 16 : i32
    %scan3A_121 = arith.addi %scan3A_119, %scan3A_120 : i32
    %scan3A_122 = arith.constant 1 : i32
    %scan3A_123 = scf.for %scan3A_133 = %scan3A_119 to %scan3A_121 step %scan3A_122 iter_args(%scan3A_134 = %scan3A_118) -> (i32)  : i32 {
      %mul3A_135 = arith.constant 2 : i32
      %mul3A_136 = arith.muli %scan3A_133, %mul3A_135 : i32
      %add3A_137 = arith.constant 1 : i32
      %add3A_138 = arith.addi %mul3A_136, %add3A_137 : i32
      %mul3A_139 = arith.constant 4096 : i32
      %mul3A_140 = arith.muli %add3A_138, %mul3A_139 : i32
      %add3A_141 = arith.addi %mul3A_92, %mul3A_140 : i32
      %dma_start3A_142 = tpu.memref_slice %arg3[%add3A_141] : memref<1048576xi32, #tpu.memory_space<hbm>> -> memref<4096xi32, #tpu.memory_space<hbm>>
      %dma_start3A_143 = tpu.memref_slice %arg3[%add3A_141] : memref<1048576xi32, #tpu.memory_space<hbm>> -> memref<4096xi32, #tpu.memory_space<hbm>>
      tpu.enqueue_dma source(%dma_start3A_143 : memref<4096xi32, #tpu.memory_space<hbm>>) target(%arg12 : memref<4096xi32, #tpu.memory_space<vmem>>) target_semaphore(%arg16 : memref<!tpu.dma_semaphore, #tpu.memory_space<semaphore_mem>>)
      %dma_start3A_144 = tpu.memref_slice %arg2[%add3A_141] : memref<1048576xf32, #tpu.memory_space<hbm>> -> memref<4096xf32, #tpu.memory_space<hbm>>
      %dma_start3A_145 = tpu.memref_slice %arg2[%add3A_141] : memref<1048576xf32, #tpu.memory_space<hbm>> -> memref<4096xf32, #tpu.memory_space<hbm>>
      tpu.enqueue_dma source(%dma_start3A_145 : memref<4096xf32, #tpu.memory_space<hbm>>) target(%arg13 : memref<4096xf32, #tpu.memory_space<vmem>>) target_semaphore(%arg17 : memref<!tpu.dma_semaphore, #tpu.memory_space<semaphore_mem>>)
      %dma_wait3A_146 = tpu.memref_slice %arg3[%add3A_141] : memref<1048576xi32, #tpu.memory_space<hbm>> -> memref<4096xi32, #tpu.memory_space<hbm>>
      %dma_wait3A_147 = tpu.memref_slice %arg3[%add3A_141] : memref<1048576xi32, #tpu.memory_space<hbm>> -> memref<4096xi32, #tpu.memory_space<hbm>>
      tpu.wait_dma2 semaphore(%arg14 : memref<!tpu.dma_semaphore, #tpu.memory_space<semaphore_mem>>) src(%dma_wait3A_147 : memref<4096xi32, #tpu.memory_space<hbm>>) dst(%arg10 : memref<4096xi32, #tpu.memory_space<vmem>>)
      %dma_wait3A_148 = tpu.memref_slice %arg2[%add3A_141] : memref<1048576xf32, #tpu.memory_space<hbm>> -> memref<4096xf32, #tpu.memory_space<hbm>>
      %dma_wait3A_149 = tpu.memref_slice %arg2[%add3A_141] : memref<1048576xf32, #tpu.memory_space<hbm>> -> memref<4096xf32, #tpu.memory_space<hbm>>
      tpu.wait_dma2 semaphore(%arg15 : memref<!tpu.dma_semaphore, #tpu.memory_space<semaphore_mem>>) src(%dma_wait3A_149 : memref<4096xf32, #tpu.memory_space<hbm>>) dst(%arg11 : memref<4096xf32, #tpu.memory_space<vmem>>)
      %rem3A_150 = arith.constant 4 : i32
      %rem3A_151 = arith.remsi %mul3A_136, %rem3A_150 : i32
      %mul3A_152 = arith.constant 4096 : i32
      %mul3A_153 = arith.muli %rem3A_151, %mul3A_152 : i32
      %broadcast_in_dim3A_154 = arith.constant 0 : i32
      %broadcast_in_dim3A_155 = vector.broadcast %broadcast_in_dim3A_154 : i32 to vector<16xi32>
      %broadcast_in_dim3A_156 = arith.constant 0.000000e+00 : f32
      %broadcast_in_dim3A_157 = vector.broadcast %broadcast_in_dim3A_156 : f32 to vector<16xf32>
      %broadcast_in_dim3A_158 = arith.constant false
      %broadcast_in_dim3A_159 = vector.broadcast %broadcast_in_dim3A_158 : i1 to vector<16xi1>
      %scan3A_160 = arith.constant 0 : i32
      %scan3A_161 = arith.constant 64 : i32
      %scan3A_162 = arith.addi %scan3A_160, %scan3A_161 : i32
      %scan3A_163 = arith.constant 1 : i32
      %scan3A_164:7 = scf.for %scan3A_224 = %scan3A_160 to %scan3A_162 step %scan3A_163 iter_args(%scan3A_225 = %broadcast_in_dim3A_155, %scan3A_226 = %broadcast_in_dim3A_155, %scan3A_227 = %broadcast_in_dim3A_157, %scan3A_228 = %broadcast_in_dim3A_157, %scan3A_229 = %broadcast_in_dim3A_157, %scan3A_230 = %broadcast_in_dim3A_157, %scan3A_231 = %broadcast_in_dim3A_159) -> (vector<16xi32>, vector<16xi32>, vector<16xf32>, vector<16xf32>, vector<16xf32>, vector<16xf32>, vector<16xi1>)  : i32 {
        %mul3A_232 = arith.constant 2 : i32
        %mul3A_233 = arith.muli %scan3A_224, %mul3A_232 : i32
        %reduce_or3A_234 = arith.constant 1.000000e+00 : f32
        %reduce_or3A_235 = arith.constant 0.000000e+00 : f32
        %reduce_or3A_236 = vector.broadcast %reduce_or3A_234 : f32 to vector<16xf32>
        %reduce_or3A_237 = vector.broadcast %reduce_or3A_235 : f32 to vector<16xf32>
        %reduce_or3A_238 = arith.select %scan3A_231, %reduce_or3A_236, %reduce_or3A_237 : vector<16xi1>, vector<16xf32>
        %reduce_or3A_239 = arith.constant true
        %reduce_or3A_240 = vector.broadcast %reduce_or3A_239 : i1 to vector<16xi1>
        %reduce_or3A_241 = tpu.scan <max>, %reduce_or3A_238 masked %reduce_or3A_240 : vector<16xf32>, vector<16xi1> -> vector<16xf32>
        %reduce_or3A_242 = vector.extract %reduce_or3A_241[15] : f32 from vector<16xf32>
        %reduce_or3A_243 = arith.constant 0.000000e+00 : f32
        %reduce_or3A_244 = arith.cmpf ogt, %reduce_or3A_242, %reduce_or3A_243 : f32
        %mul3A_245 = arith.constant 32 : i32
        %mul3A_246 = arith.muli %mul3A_233, %mul3A_245 : i32
        %get3A = arith.index_cast %mul3A_246 : i32 to index
        %get3A_247 = tpu.vector_load %arg10[%get3A] {strides = array<i32>} : memref<4096xi32, #tpu.memory_space<vmem>>, vector<16xi32>,
        %add3A_248 = arith.constant 16 : i32
        %add3A_249 = arith.addi %mul3A_246, %add3A_248 : i32
        %get3A_250 = arith.index_cast %add3A_249 : i32 to index
        %get3A_251 = tpu.vector_load %arg10[%get3A_250] {strides = array<i32>} : memref<4096xi32, #tpu.memory_space<vmem>>, vector<16xi32>,
        %get3A_252 = arith.index_cast %mul3A_246 : i32 to index
        %get3A_253 = tpu.vector_load %arg11[%get3A_252] {strides = array<i32>} : memref<4096xf32, #tpu.memory_space<vmem>>, vector<16xf32>,
        %add3A_254 = arith.constant 16 : i32
        %add3A_255 = arith.addi %mul3A_246, %add3A_254 : i32
        %get3A_256 = arith.index_cast %add3A_255 : i32 to index
        %get3A_257 = tpu.vector_load %arg11[%get3A_256] {strides = array<i32>} : memref<4096xf32, #tpu.memory_space<vmem>>, vector<16xf32>,
        %add3A_258 = arith.addi %mul3A_153, %mul3A_246 : i32
        %get3A_259 = arith.index_cast %add3A_258 : i32 to index
        %get3A_260 = tpu.vector_load %arg8[%get3A_259] {strides = array<i32>} : memref<16384xf32, #tpu.memory_space<vmem>>, vector<16xf32>,
        %mul3A_261 = arith.mulf %get3A_260, %get3A_253 : vector<16xf32>
        %add3A_262 = arith.addi %mul3A_153, %mul3A_246 : i32
        %get3A_263 = arith.index_cast %add3A_262 : i32 to index
        %get3A_264 = tpu.vector_load %arg9[%get3A_263] {strides = array<i32>} : memref<16384xf32, #tpu.memory_space<vmem>>, vector<16xf32>,
        %mul3A_265 = arith.mulf %get3A_264, %get3A_253 : vector<16xf32>
        %add3A_266 = arith.addi %mul3A_153, %mul3A_246 : i32
        %add3A_267 = arith.constant 16 : i32
        %add3A_268 = arith.addi %add3A_266, %add3A_267 : i32
        %get3A_269 = arith.index_cast %add3A_268 : i32 to index
        %get3A_270 = tpu.vector_load %arg8[%get3A_269] {strides = array<i32>} : memref<16384xf32, #tpu.memory_space<vmem>>, vector<16xf32>,
        %mul3A_271 = arith.mulf %get3A_270, %get3A_257 : vector<16xf32>
        %add3A_272 = arith.addi %mul3A_153, %mul3A_246 : i32
        %add3A_273 = arith.constant 16 : i32
        %add3A_274 = arith.addi %add3A_272, %add3A_273 : i32
        %get3A_275 = arith.index_cast %add3A_274 : i32 to index
        %get3A_276 = tpu.vector_load %arg9[%get3A_275] {strides = array<i32>} : memref<16384xf32, #tpu.memory_space<vmem>>, vector<16xf32>,
        %mul3A_277 = arith.mulf %get3A_276, %get3A_257 : vector<16xf32>
        %gather3A = tpu.vector_load_idx %arg6[%get3A_247] : memref<32768xf32, #tpu.memory_space<vmem>>[vector<16xi32>], vector<16xf32>,
        %gather3A_278 = tpu.vector_load_idx %arg6[%get3A_251] : memref<32768xf32, #tpu.memory_space<vmem>>[vector<16xi32>], vector<16xf32>,
        %gather3A_279 = tpu.vector_load_idx %arg7[%get3A_247] : memref<32768xf32, #tpu.memory_space<vmem>>[vector<16xi32>], vector<16xf32>,
        %gather3A_280 = tpu.vector_load_idx %arg7[%get3A_251] : memref<32768xf32, #tpu.memory_space<vmem>>[vector<16xi32>], vector<16xf32>,
        %max3A = arith.maximumf %gather3A, %mul3A_261 : vector<16xf32>
        %max3A_281 = arith.maximumf %gather3A_278, %mul3A_271 : vector<16xf32>
        %max3A_282 = arith.maximumf %gather3A_279, %mul3A_265 : vector<16xf32>
        %max3A_283 = arith.maximumf %gather3A_280, %mul3A_277 : vector<16xf32>
        %gt3A = arith.cmpf ogt, %mul3A_261, %gather3A : vector<16xf32>
        tpu.vector_store_idx %arg6[%get3A_247], %max3A masked %gt3A : memref<32768xf32, #tpu.memory_space<vmem>>[vector<16xi32>], vector<16xf32>, vector<16xi1>
        %gt3A_284 = arith.cmpf ogt, %mul3A_271, %gather3A_278 : vector<16xf32>
        tpu.vector_store_idx %arg6[%get3A_251], %max3A_281 masked %gt3A_284 : memref<32768xf32, #tpu.memory_space<vmem>>[vector<16xi32>], vector<16xf32>, vector<16xi1>
        %gt3A_285 = arith.cmpf ogt, %mul3A_265, %gather3A_279 : vector<16xf32>
        tpu.vector_store_idx %arg7[%get3A_247], %max3A_282 masked %gt3A_285 : memref<32768xf32, #tpu.memory_space<vmem>>[vector<16xi32>], vector<16xf32>, vector<16xi1>
        %gt3A_286 = arith.cmpf ogt, %mul3A_277, %gather3A_280 : vector<16xf32>
        tpu.vector_store_idx %arg7[%get3A_251], %max3A_283 masked %gt3A_286 : memref<32768xf32, #tpu.memory_space<vmem>>[vector<16xi32>], vector<16xf32>, vector<16xi1>
        %convert_element_type3A_287 = arith.extui %reduce_or3A_244 : i1 to i32
        %cond3A_288 = arith.constant 0 : i32
        %cond3A_289 = arith.cmpi ne, %convert_element_type3A_287, %cond3A_288 : i32
        scf.if %cond3A_289 {
          %gather3A_375 = tpu.vector_load_idx %arg6[%scan3A_225] : memref<32768xf32, #tpu.memory_space<vmem>>[vector<16xi32>], vector<16xf32>,
          %scan3A_376 = arith.constant 0 : i32
          %scan3A_377 = arith.constant 16 : i32
          %scan3A_378 = arith.addi %scan3A_376, %scan3A_377 : i32
          %scan3A_379 = arith.constant 1 : i32
          %scan3A_380 = scf.for %scan3A_403 = %scan3A_376 to %scan3A_378 step %scan3A_379 iter_args(%scan3A_404 = %gather3A_375) -> (vector<16xf32>)  : i32 {
            %max3A_405 = arith.maximumf %scan3A_404, %scan3A_227 : vector<16xf32>
            %gt3A_406 = arith.cmpf ogt, %scan3A_227, %scan3A_404 : vector<16xf32>
            tpu.vector_store_idx %arg6[%scan3A_225], %max3A_405 masked %gt3A_406 : memref<32768xf32, #tpu.memory_space<vmem>>[vector<16xi32>], vector<16xf32>, vector<16xi1>
            %gather3A_407 = tpu.vector_load_idx %arg6[%scan3A_225] : memref<32768xf32, #tpu.memory_space<vmem>>[vector<16xi32>], vector<16xf32>,
            scf.yield %gather3A_407 : vector<16xf32>
          }
          %scan3A_381 = arith.constant 16 : i32
          %gather3A_382 = tpu.vector_load_idx %arg7[%scan3A_225] : memref<32768xf32, #tpu.memory_space<vmem>>[vector<16xi32>], vector<16xf32>,
          %scan3A_383 = arith.constant 0 : i32
          %scan3A_384 = arith.constant 16 : i32
          %scan3A_385 = arith.addi %scan3A_383, %scan3A_384 : i32
          %scan3A_386 = arith.constant 1 : i32
          %scan3A_387 = scf.for %scan3A_403 = %scan3A_383 to %scan3A_385 step %scan3A_386 iter_args(%scan3A_404 = %gather3A_382) -> (vector<16xf32>)  : i32 {
            %max3A_405 = arith.maximumf %scan3A_404, %scan3A_228 : vector<16xf32>
            %gt3A_406 = arith.cmpf ogt, %scan3A_228, %scan3A_404 : vector<16xf32>
            tpu.vector_store_idx %arg7[%scan3A_225], %max3A_405 masked %gt3A_406 : memref<32768xf32, #tpu.memory_space<vmem>>[vector<16xi32>], vector<16xf32>, vector<16xi1>
            %gather3A_407 = tpu.vector_load_idx %arg7[%scan3A_225] : memref<32768xf32, #tpu.memory_space<vmem>>[vector<16xi32>], vector<16xf32>,
            scf.yield %gather3A_407 : vector<16xf32>
          }
          %scan3A_388 = arith.constant 16 : i32
          %gather3A_389 = tpu.vector_load_idx %arg6[%scan3A_226] : memref<32768xf32, #tpu.memory_space<vmem>>[vector<16xi32>], vector<16xf32>,
          %scan3A_390 = arith.constant 0 : i32
          %scan3A_391 = arith.constant 16 : i32
          %scan3A_392 = arith.addi %scan3A_390, %scan3A_391 : i32
          %scan3A_393 = arith.constant 1 : i32
          %scan3A_394 = scf.for %scan3A_403 = %scan3A_390 to %scan3A_392 step %scan3A_393 iter_args(%scan3A_404 = %gather3A_389) -> (vector<16xf32>)  : i32 {
            %max3A_405 = arith.maximumf %scan3A_404, %scan3A_229 : vector<16xf32>
            %gt3A_406 = arith.cmpf ogt, %scan3A_229, %scan3A_404 : vector<16xf32>
            tpu.vector_store_idx %arg6[%scan3A_226], %max3A_405 masked %gt3A_406 : memref<32768xf32, #tpu.memory_space<vmem>>[vector<16xi32>], vector<16xf32>, vector<16xi1>
            %gather3A_407 = tpu.vector_load_idx %arg6[%scan3A_226] : memref<32768xf32, #tpu.memory_space<vmem>>[vector<16xi32>], vector<16xf32>,
            scf.yield %gather3A_407 : vector<16xf32>
          }
          %scan3A_395 = arith.constant 16 : i32
          %gather3A_396 = tpu.vector_load_idx %arg7[%scan3A_226] : memref<32768xf32, #tpu.memory_space<vmem>>[vector<16xi32>], vector<16xf32>,
          %scan3A_397 = arith.constant 0 : i32
          %scan3A_398 = arith.constant 16 : i32
          %scan3A_399 = arith.addi %scan3A_397, %scan3A_398 : i32
          %scan3A_400 = arith.constant 1 : i32
          %scan3A_401 = scf.for %scan3A_403 = %scan3A_397 to %scan3A_399 step %scan3A_400 iter_args(%scan3A_404 = %gather3A_396) -> (vector<16xf32>)  : i32 {
            %max3A_405 = arith.maximumf %scan3A_404, %scan3A_230 : vector<16xf32>
            %gt3A_406 = arith.cmpf ogt, %scan3A_230, %scan3A_404 : vector<16xf32>
            tpu.vector_store_idx %arg7[%scan3A_226], %max3A_405 masked %gt3A_406 : memref<32768xf32, #tpu.memory_space<vmem>>[vector<16xi32>], vector<16xf32>, vector<16xi1>
            %gather3A_407 = tpu.vector_load_idx %arg7[%scan3A_226] : memref<32768xf32, #tpu.memory_space<vmem>>[vector<16xi32>], vector<16xf32>,
            scf.yield %gather3A_407 : vector<16xf32>
          }
          %scan3A_402 = arith.constant 16 : i32
        } else {
        }
        %gather3A_290 = tpu.vector_load_idx %arg6[%get3A_247] : memref<32768xf32, #tpu.memory_space<vmem>>[vector<16xi32>], vector<16xf32>,
        %gather3A_291 = tpu.vector_load_idx %arg6[%get3A_251] : memref<32768xf32, #tpu.memory_space<vmem>>[vector<16xi32>], vector<16xf32>,
        %gather3A_292 = tpu.vector_load_idx %arg7[%get3A_247] : memref<32768xf32, #tpu.memory_space<vmem>>[vector<16xi32>], vector<16xf32>,
        %gather3A_293 = tpu.vector_load_idx %arg7[%get3A_251] : memref<32768xf32, #tpu.memory_space<vmem>>[vector<16xi32>], vector<16xf32>,
        %gt3A_294 = arith.cmpf ogt, %max3A, %gather3A_290 : vector<16xf32>
        %gt3A_295 = arith.cmpf ogt, %max3A_281, %gather3A_291 : vector<16xf32>
        %or3A = arith.ori %gt3A_294, %gt3A_295 : vector<16xi1>
        %gt3A_296 = arith.cmpf ogt, %max3A_282, %gather3A_292 : vector<16xf32>
        %or3A_297 = arith.ori %or3A, %gt3A_296 : vector<16xi1>
        %gt3A_298 = arith.cmpf ogt, %max3A_283, %gather3A_293 : vector<16xf32>
        %or3A_299 = arith.ori %or3A_297, %gt3A_298 : vector<16xi1>
        %mul3A_300 = arith.constant 2 : i32
        %mul3A_301 = arith.muli %scan3A_224, %mul3A_300 : i32
        %add3A_302 = arith.constant 1 : i32
        %add3A_303 = arith.addi %mul3A_301, %add3A_302 : i32
        %reduce_or3A_304 = arith.constant 1.000000e+00 : f32
        %reduce_or3A_305 = arith.constant 0.000000e+00 : f32
        %reduce_or3A_306 = vector.broadcast %reduce_or3A_304 : f32 to vector<16xf32>
        %reduce_or3A_307 = vector.broadcast %reduce_or3A_305 : f32 to vector<16xf32>
        %reduce_or3A_308 = arith.select %or3A_299, %reduce_or3A_306, %reduce_or3A_307 : vector<16xi1>, vector<16xf32>
        %reduce_or3A_309 = arith.constant true
        %reduce_or3A_310 = vector.broadcast %reduce_or3A_309 : i1 to vector<16xi1>
        %reduce_or3A_311 = tpu.scan <max>, %reduce_or3A_308 masked %reduce_or3A_310 : vector<16xf32>, vector<16xi1> -> vector<16xf32>
        %reduce_or3A_312 = vector.extract %reduce_or3A_311[15] : f32 from vector<16xf32>
        %reduce_or3A_313 = arith.constant 0.000000e+00 : f32
        %reduce_or3A_314 = arith.cmpf ogt, %reduce_or3A_312, %reduce_or3A_313 : f32
        %mul3A_315 = arith.constant 32 : i32
        %mul3A_316 = arith.muli %add3A_303, %mul3A_315 : i32
        %get3A_317 = arith.index_cast %mul3A_316 : i32 to index
        %get3A_318 = tpu.vector_load %arg10[%get3A_317] {strides = array<i32>} : memref<4096xi32, #tpu.memory_space<vmem>>, vector<16xi32>,
        %add3A_319 = arith.constant 16 : i32
        %add3A_320 = arith.addi %mul3A_316, %add3A_319 : i32
        %get3A_321 = arith.index_cast %add3A_320 : i32 to index
        %get3A_322 = tpu.vector_load %arg10[%get3A_321] {strides = array<i32>} : memref<4096xi32, #tpu.memory_space<vmem>>, vector<16xi32>,
        %get3A_323 = arith.index_cast %mul3A_316 : i32 to index
        %get3A_324 = tpu.vector_load %arg11[%get3A_323] {strides = array<i32>} : memref<4096xf32, #tpu.memory_space<vmem>>, vector<16xf32>,
        %add3A_325 = arith.constant 16 : i32
        %add3A_326 = arith.addi %mul3A_316, %add3A_325 : i32
        %get3A_327 = arith.index_cast %add3A_326 : i32 to index
        %get3A_328 = tpu.vector_load %arg11[%get3A_327] {strides = array<i32>} : memref<4096xf32, #tpu.memory_space<vmem>>, vector<16xf32>,
        %add3A_329 = arith.addi %mul3A_153, %mul3A_316 : i32
        %get3A_330 = arith.index_cast %add3A_329 : i32 to index
        %get3A_331 = tpu.vector_load %arg8[%get3A_330] {strides = array<i32>} : memref<16384xf32, #tpu.memory_space<vmem>>, vector<16xf32>,
        %mul3A_332 = arith.mulf %get3A_331, %get3A_324 : vector<16xf32>
        %add3A_333 = arith.addi %mul3A_153, %mul3A_316 : i32
        %get3A_334 = arith.index_cast %add3A_333 : i32 to index
        %get3A_335 = tpu.vector_load %arg9[%get3A_334] {strides = array<i32>} : memref<16384xf32, #tpu.memory_space<vmem>>, vector<16xf32>,
        %mul3A_336 = arith.mulf %get3A_335, %get3A_324 : vector<16xf32>
        %add3A_337 = arith.addi %mul3A_153, %mul3A_316 : i32
        %add3A_338 = arith.constant 16 : i32
        %add3A_339 = arith.addi %add3A_337, %add3A_338 : i32
        %get3A_340 = arith.index_cast %add3A_339 : i32 to index
        %get3A_341 = tpu.vector_load %arg8[%get3A_340] {strides = array<i32>} : memref<16384xf32, #tpu.memory_space<vmem>>, vector<16xf32>,
        %mul3A_342 = arith.mulf %get3A_341, %get3A_328 : vector<16xf32>
        %add3A_343 = arith.addi %mul3A_153, %mul3A_316 : i32
        %add3A_344 = arith.constant 16 : i32
        %add3A_345 = arith.addi %add3A_343, %add3A_344 : i32
        %get3A_346 = arith.index_cast %add3A_345 : i32 to index
        %get3A_347 = tpu.vector_load %arg9[%get3A_346] {strides = array<i32>} : memref<16384xf32, #tpu.memory_space<vmem>>, vector<16xf32>,
        %mul3A_348 = arith.mulf %get3A_347, %get3A_328 : vector<16xf32>
        %gather3A_349 = tpu.vector_load_idx %arg6[%get3A_318] : memref<32768xf32, #tpu.memory_space<vmem>>[vector<16xi32>], vector<16xf32>,
        %gather3A_350 = tpu.vector_load_idx %arg6[%get3A_322] : memref<32768xf32, #tpu.memory_space<vmem>>[vector<16xi32>], vector<16xf32>,
        %gather3A_351 = tpu.vector_load_idx %arg7[%get3A_318] : memref<32768xf32, #tpu.memory_space<vmem>>[vector<16xi32>], vector<16xf32>,
        %gather3A_352 = tpu.vector_load_idx %arg7[%get3A_322] : memref<32768xf32, #tpu.memory_space<vmem>>[vector<16xi32>], vector<16xf32>,
        %max3A_353 = arith.maximumf %gather3A_349, %mul3A_332 : vector<16xf32>
        %max3A_354 = arith.maximumf %gather3A_350, %mul3A_342 : vector<16xf32>
        %max3A_355 = arith.maximumf %gather3A_351, %mul3A_336 : vector<16xf32>
        %max3A_356 = arith.maximumf %gather3A_352, %mul3A_348 : vector<16xf32>
        %gt3A_357 = arith.cmpf ogt, %mul3A_332, %gather3A_349 : vector<16xf32>
        tpu.vector_store_idx %arg6[%get3A_318], %max3A_353 masked %gt3A_357 : memref<32768xf32, #tpu.memory_space<vmem>>[vector<16xi32>], vector<16xf32>, vector<16xi1>
        %gt3A_358 = arith.cmpf ogt, %mul3A_342, %gather3A_350 : vector<16xf32>
        tpu.vector_store_idx %arg6[%get3A_322], %max3A_354 masked %gt3A_358 : memref<32768xf32, #tpu.memory_space<vmem>>[vector<16xi32>], vector<16xf32>, vector<16xi1>
        %gt3A_359 = arith.cmpf ogt, %mul3A_336, %gather3A_351 : vector<16xf32>
        tpu.vector_store_idx %arg7[%get3A_318], %max3A_355 masked %gt3A_359 : memref<32768xf32, #tpu.memory_space<vmem>>[vector<16xi32>], vector<16xf32>, vector<16xi1>
        %gt3A_360 = arith.cmpf ogt, %mul3A_348, %gather3A_352 : vector<16xf32>
        tpu.vector_store_idx %arg7[%get3A_322], %max3A_356 masked %gt3A_360 : memref<32768xf32, #tpu.memory_space<vmem>>[vector<16xi32>], vector<16xf32>, vector<16xi1>
        %convert_element_type3A_361 = arith.extui %reduce_or3A_314 : i1 to i32
        %cond3A_362 = arith.constant 0 : i32
        %cond3A_363 = arith.cmpi ne, %convert_element_type3A_361, %cond3A_362 : i32
        scf.if %cond3A_363 {
          %gather3A_375 = tpu.vector_load_idx %arg6[%get3A_247] : memref<32768xf32, #tpu.memory_space<vmem>>[vector<16xi32>], vector<16xf32>,
          %scan3A_376 = arith.constant 0 : i32
          %scan3A_377 = arith.constant 16 : i32
          %scan3A_378 = arith.addi %scan3A_376, %scan3A_377 : i32
          %scan3A_379 = arith.constant 1 : i32
          %scan3A_380 = scf.for %scan3A_403 = %scan3A_376 to %scan3A_378 step %scan3A_379 iter_args(%scan3A_404 = %gather3A_375) -> (vector<16xf32>)  : i32 {
            %max3A_405 = arith.maximumf %scan3A_404, %mul3A_261 : vector<16xf32>
            %gt3A_406 = arith.cmpf ogt, %mul3A_261, %scan3A_404 : vector<16xf32>
            tpu.vector_store_idx %arg6[%get3A_247], %max3A_405 masked %gt3A_406 : memref<32768xf32, #tpu.memory_space<vmem>>[vector<16xi32>], vector<16xf32>, vector<16xi1>
            %gather3A_407 = tpu.vector_load_idx %arg6[%get3A_247] : memref<32768xf32, #tpu.memory_space<vmem>>[vector<16xi32>], vector<16xf32>,
            scf.yield %gather3A_407 : vector<16xf32>
          }
          %scan3A_381 = arith.constant 16 : i32
          %gather3A_382 = tpu.vector_load_idx %arg7[%get3A_247] : memref<32768xf32, #tpu.memory_space<vmem>>[vector<16xi32>], vector<16xf32>,
          %scan3A_383 = arith.constant 0 : i32
          %scan3A_384 = arith.constant 16 : i32
          %scan3A_385 = arith.addi %scan3A_383, %scan3A_384 : i32
          %scan3A_386 = arith.constant 1 : i32
          %scan3A_387 = scf.for %scan3A_403 = %scan3A_383 to %scan3A_385 step %scan3A_386 iter_args(%scan3A_404 = %gather3A_382) -> (vector<16xf32>)  : i32 {
            %max3A_405 = arith.maximumf %scan3A_404, %mul3A_265 : vector<16xf32>
            %gt3A_406 = arith.cmpf ogt, %mul3A_265, %scan3A_404 : vector<16xf32>
            tpu.vector_store_idx %arg7[%get3A_247], %max3A_405 masked %gt3A_406 : memref<32768xf32, #tpu.memory_space<vmem>>[vector<16xi32>], vector<16xf32>, vector<16xi1>
            %gather3A_407 = tpu.vector_load_idx %arg7[%get3A_247] : memref<32768xf32, #tpu.memory_space<vmem>>[vector<16xi32>], vector<16xf32>,
            scf.yield %gather3A_407 : vector<16xf32>
          }
          %scan3A_388 = arith.constant 16 : i32
          %gather3A_389 = tpu.vector_load_idx %arg6[%get3A_251] : memref<32768xf32, #tpu.memory_space<vmem>>[vector<16xi32>], vector<16xf32>,
          %scan3A_390 = arith.constant 0 : i32
          %scan3A_391 = arith.constant 16 : i32
          %scan3A_392 = arith.addi %scan3A_390, %scan3A_391 : i32
          %scan3A_393 = arith.constant 1 : i32
          %scan3A_394 = scf.for %scan3A_403 = %scan3A_390 to %scan3A_392 step %scan3A_393 iter_args(%scan3A_404 = %gather3A_389) -> (vector<16xf32>)  : i32 {
            %max3A_405 = arith.maximumf %scan3A_404, %mul3A_271 : vector<16xf32>
            %gt3A_406 = arith.cmpf ogt, %mul3A_271, %scan3A_404 : vector<16xf32>
            tpu.vector_store_idx %arg6[%get3A_251], %max3A_405 masked %gt3A_406 : memref<32768xf32, #tpu.memory_space<vmem>>[vector<16xi32>], vector<16xf32>, vector<16xi1>
            %gather3A_407 = tpu.vector_load_idx %arg6[%get3A_251] : memref<32768xf32, #tpu.memory_space<vmem>>[vector<16xi32>], vector<16xf32>,
            scf.yield %gather3A_407 : vector<16xf32>
          }
          %scan3A_395 = arith.constant 16 : i32
          %gather3A_396 = tpu.vector_load_idx %arg7[%get3A_251] : memref<32768xf32, #tpu.memory_space<vmem>>[vector<16xi32>], vector<16xf32>,
          %scan3A_397 = arith.constant 0 : i32
          %scan3A_398 = arith.constant 16 : i32
          %scan3A_399 = arith.addi %scan3A_397, %scan3A_398 : i32
          %scan3A_400 = arith.constant 1 : i32
          %scan3A_401 = scf.for %scan3A_403 = %scan3A_397 to %scan3A_399 step %scan3A_400 iter_args(%scan3A_404 = %gather3A_396) -> (vector<16xf32>)  : i32 {
            %max3A_405 = arith.maximumf %scan3A_404, %mul3A_277 : vector<16xf32>
            %gt3A_406 = arith.cmpf ogt, %mul3A_277, %scan3A_404 : vector<16xf32>
            tpu.vector_store_idx %arg7[%get3A_251], %max3A_405 masked %gt3A_406 : memref<32768xf32, #tpu.memory_space<vmem>>[vector<16xi32>], vector<16xf32>, vector<16xi1>
            %gather3A_407 = tpu.vector_load_idx %arg7[%get3A_251] : memref<32768xf32, #tpu.memory_space<vmem>>[vector<16xi32>], vector<16xf32>,
            scf.yield %gather3A_407 : vector<16xf32>
          }
          %scan3A_402 = arith.constant 16 : i32
        } else {
        }
        %gather3A_364 = tpu.vector_load_idx %arg6[%get3A_318] : memref<32768xf32, #tpu.memory_space<vmem>>[vector<16xi32>], vector<16xf32>,
        %gather3A_365 = tpu.vector_load_idx %arg6[%get3A_322] : memref<32768xf32, #tpu.memory_space<vmem>>[vector<16xi32>], vector<16xf32>,
        %gather3A_366 = tpu.vector_load_idx %arg7[%get3A_318] : memref<32768xf32, #tpu.memory_space<vmem>>[vector<16xi32>], vector<16xf32>,
        %gather3A_367 = tpu.vector_load_idx %arg7[%get3A_322] : memref<32768xf32, #tpu.memory_space<vmem>>[vector<16xi32>], vector<16xf32>,
        %gt3A_368 = arith.cmpf ogt, %max3A_353, %gather3A_364 : vector<16xf32>
        %gt3A_369 = arith.cmpf ogt, %max3A_354, %gather3A_365 : vector<16xf32>
        %or3A_370 = arith.ori %gt3A_368, %gt3A_369 : vector<16xi1>
        %gt3A_371 = arith.cmpf ogt, %max3A_355, %gather3A_366 : vector<16xf32>
        %or3A_372 = arith.ori %or3A_370, %gt3A_371 : vector<16xi1>
        %gt3A_373 = arith.cmpf ogt, %max3A_356, %gather3A_367 : vector<16xf32>
        %or3A_374 = arith.ori %or3A_372, %gt3A_373 : vector<16xi1>
        scf.yield %get3A_318, %get3A_322, %mul3A_332, %mul3A_336, %mul3A_342, %mul3A_348, %or3A_374 : vector<16xi32>, vector<16xi32>, vector<16xf32>, vector<16xf32>, vector<16xf32>, vector<16xf32>, vector<16xi1>
      }
      %scan3A_165 = arith.constant 64 : i32
      %reduce_or3A = arith.constant 1.000000e+00 : f32
      %reduce_or3A_166 = arith.constant 0.000000e+00 : f32
      %reduce_or3A_167 = vector.broadcast %reduce_or3A : f32 to vector<16xf32>
      %reduce_or3A_168 = vector.broadcast %reduce_or3A_166 : f32 to vector<16xf32>
      %reduce_or3A_169 = arith.select %scan3A_164#6, %reduce_or3A_167, %reduce_or3A_168 : vector<16xi1>, vector<16xf32>
      %reduce_or3A_170 = arith.constant true
      %reduce_or3A_171 = vector.broadcast %reduce_or3A_170 : i1 to vector<16xi1>
      %reduce_or3A_172 = tpu.scan <max>, %reduce_or3A_169 masked %reduce_or3A_171 : vector<16xf32>, vector<16xi1> -> vector<16xf32>
      %reduce_or3A_173 = vector.extract %reduce_or3A_172[15] : f32 from vector<16xf32>
      %reduce_or3A_174 = arith.constant 0.000000e+00 : f32
      %reduce_or3A_175 = arith.cmpf ogt, %reduce_or3A_173, %reduce_or3A_174 : f32
      %convert_element_type3A = arith.extui %reduce_or3A_175 : i1 to i32
      %cond3A = arith.constant 0 : i32
      %cond3A_176 = arith.cmpi ne, %convert_element_type3A, %cond3A : i32
      scf.if %cond3A_176 {
        %gather3A = tpu.vector_load_idx %arg6[%scan3A_164#0] : memref<32768xf32, #tpu.memory_space<vmem>>[vector<16xi32>], vector<16xf32>,
        %scan3A_224 = arith.constant 0 : i32
        %scan3A_225 = arith.constant 16 : i32
        %scan3A_226 = arith.addi %scan3A_224, %scan3A_225 : i32
        %scan3A_227 = arith.constant 1 : i32
        %scan3A_228 = scf.for %scan3A_251 = %scan3A_224 to %scan3A_226 step %scan3A_227 iter_args(%scan3A_252 = %gather3A) -> (vector<16xf32>)  : i32 {
          %max3A = arith.maximumf %scan3A_252, %scan3A_164#2 : vector<16xf32>
          %gt3A = arith.cmpf ogt, %scan3A_164#2, %scan3A_252 : vector<16xf32>
          tpu.vector_store_idx %arg6[%scan3A_164#0], %max3A masked %gt3A : memref<32768xf32, #tpu.memory_space<vmem>>[vector<16xi32>], vector<16xf32>, vector<16xi1>
          %gather3A_253 = tpu.vector_load_idx %arg6[%scan3A_164#0] : memref<32768xf32, #tpu.memory_space<vmem>>[vector<16xi32>], vector<16xf32>,
          scf.yield %gather3A_253 : vector<16xf32>
        }
        %scan3A_229 = arith.constant 16 : i32
        %gather3A_230 = tpu.vector_load_idx %arg7[%scan3A_164#0] : memref<32768xf32, #tpu.memory_space<vmem>>[vector<16xi32>], vector<16xf32>,
        %scan3A_231 = arith.constant 0 : i32
        %scan3A_232 = arith.constant 16 : i32
        %scan3A_233 = arith.addi %scan3A_231, %scan3A_232 : i32
        %scan3A_234 = arith.constant 1 : i32
        %scan3A_235 = scf.for %scan3A_251 = %scan3A_231 to %scan3A_233 step %scan3A_234 iter_args(%scan3A_252 = %gather3A_230) -> (vector<16xf32>)  : i32 {
          %max3A = arith.maximumf %scan3A_252, %scan3A_164#3 : vector<16xf32>
          %gt3A = arith.cmpf ogt, %scan3A_164#3, %scan3A_252 : vector<16xf32>
          tpu.vector_store_idx %arg7[%scan3A_164#0], %max3A masked %gt3A : memref<32768xf32, #tpu.memory_space<vmem>>[vector<16xi32>], vector<16xf32>, vector<16xi1>
          %gather3A_253 = tpu.vector_load_idx %arg7[%scan3A_164#0] : memref<32768xf32, #tpu.memory_space<vmem>>[vector<16xi32>], vector<16xf32>,
          scf.yield %gather3A_253 : vector<16xf32>
        }
        %scan3A_236 = arith.constant 16 : i32
        %gather3A_237 = tpu.vector_load_idx %arg6[%scan3A_164#1] : memref<32768xf32, #tpu.memory_space<vmem>>[vector<16xi32>], vector<16xf32>,
        %scan3A_238 = arith.constant 0 : i32
        %scan3A_239 = arith.constant 16 : i32
        %scan3A_240 = arith.addi %scan3A_238, %scan3A_239 : i32
        %scan3A_241 = arith.constant 1 : i32
        %scan3A_242 = scf.for %scan3A_251 = %scan3A_238 to %scan3A_240 step %scan3A_241 iter_args(%scan3A_252 = %gather3A_237) -> (vector<16xf32>)  : i32 {
          %max3A = arith.maximumf %scan3A_252, %scan3A_164#4 : vector<16xf32>
          %gt3A = arith.cmpf ogt, %scan3A_164#4, %scan3A_252 : vector<16xf32>
          tpu.vector_store_idx %arg6[%scan3A_164#1], %max3A masked %gt3A : memref<32768xf32, #tpu.memory_space<vmem>>[vector<16xi32>], vector<16xf32>, vector<16xi1>
          %gather3A_253 = tpu.vector_load_idx %arg6[%scan3A_164#1] : memref<32768xf32, #tpu.memory_space<vmem>>[vector<16xi32>], vector<16xf32>,
          scf.yield %gather3A_253 : vector<16xf32>
        }
        %scan3A_243 = arith.constant 16 : i32
        %gather3A_244 = tpu.vector_load_idx %arg7[%scan3A_164#1] : memref<32768xf32, #tpu.memory_space<vmem>>[vector<16xi32>], vector<16xf32>,
        %scan3A_245 = arith.constant 0 : i32
        %scan3A_246 = arith.constant 16 : i32
        %scan3A_247 = arith.addi %scan3A_245, %scan3A_246 : i32
        %scan3A_248 = arith.constant 1 : i32
        %scan3A_249 = scf.for %scan3A_251 = %scan3A_245 to %scan3A_247 step %scan3A_248 iter_args(%scan3A_252 = %gather3A_244) -> (vector<16xf32>)  : i32 {
          %max3A = arith.maximumf %scan3A_252, %scan3A_164#5 : vector<16xf32>
          %gt3A = arith.cmpf ogt, %scan3A_164#5, %scan3A_252 : vector<16xf32>
          tpu.vector_store_idx %arg7[%scan3A_164#1], %max3A masked %gt3A : memref<32768xf32, #tpu.memory_space<vmem>>[vector<16xi32>], vector<16xf32>, vector<16xi1>
          %gather3A_253 = tpu.vector_load_idx %arg7[%scan3A_164#1] : memref<32768xf32, #tpu.memory_space<vmem>>[vector<16xi32>], vector<16xf32>,
          scf.yield %gather3A_253 : vector<16xf32>
        }
        %scan3A_250 = arith.constant 16 : i32
      } else {
      }
      %add3A_177 = arith.constant 2 : i32
      %add3A_178 = arith.addi %mul3A_136, %add3A_177 : i32
      %min3A = arith.constant 31 : i32
      %min3A_179 = arith.minsi %add3A_178, %min3A : i32
      %mul3A_180 = arith.constant 4096 : i32
      %mul3A_181 = arith.muli %min3A_179, %mul3A_180 : i32
      %add3A_182 = arith.addi %mul3A_92, %mul3A_181 : i32
      %dma_start3A_183 = tpu.memref_slice %arg3[%add3A_182] : memref<1048576xi32, #tpu.memory_space<hbm>> -> memref<4096xi32, #tpu.memory_space<hbm>>
      %dma_start3A_184 = tpu.memref_slice %arg3[%add3A_182] : memref<1048576xi32, #tpu.memory_space<hbm>> -> memref<4096xi32, #tpu.memory_space<hbm>>
      tpu.enqueue_dma source(%dma_start3A_184 : memref<4096xi32, #tpu.memory_space<hbm>>) target(%arg10 : memref<4096xi32, #tpu.memory_space<vmem>>) target_semaphore(%arg14 : memref<!tpu.dma_semaphore, #tpu.memory_space<semaphore_mem>>)
      %dma_start3A_185 = tpu.memref_slice %arg2[%add3A_182] : memref<1048576xf32, #tpu.memory_space<hbm>> -> memref<4096xf32, #tpu.memory_space<hbm>>
      %dma_start3A_186 = tpu.memref_slice %arg2[%add3A_182] : memref<1048576xf32, #tpu.memory_space<hbm>> -> memref<4096xf32, #tpu.memory_space<hbm>>
      tpu.enqueue_dma source(%dma_start3A_186 : memref<4096xf32, #tpu.memory_space<hbm>>) target(%arg11 : memref<4096xf32, #tpu.memory_space<vmem>>) target_semaphore(%arg15 : memref<!tpu.dma_semaphore, #tpu.memory_space<semaphore_mem>>)
      %dma_wait3A_187 = tpu.memref_slice %arg3[%add3A_141] : memref<1048576xi32, #tpu.memory_space<hbm>> -> memref<4096xi32, #tpu.memory_space<hbm>>
      %dma_wait3A_188 = tpu.memref_slice %arg3[%add3A_141] : memref<1048576xi32, #tpu.memory_space<hbm>> -> memref<4096xi32, #tpu.memory_space<hbm>>
      tpu.wait_dma2 semaphore(%arg16 : memref<!tpu.dma_semaphore, #tpu.memory_space<semaphore_mem>>) src(%dma_wait3A_188 : memref<4096xi32, #tpu.memory_space<hbm>>) dst(%arg12 : memref<4096xi32, #tpu.memory_space<vmem>>)
      %dma_wait3A_189 = tpu.memref_slice %arg2[%add3A_141] : memref<1048576xf32, #tpu.memory_space<hbm>> -> memref<4096xf32, #tpu.memory_space<hbm>>
      %dma_wait3A_190 = tpu.memref_slice %arg2[%add3A_141] : memref<1048576xf32, #tpu.memory_space<hbm>> -> memref<4096xf32, #tpu.memory_space<hbm>>
      tpu.wait_dma2 semaphore(%arg17 : memref<!tpu.dma_semaphore, #tpu.memory_space<semaphore_mem>>) src(%dma_wait3A_190 : memref<4096xf32, #tpu.memory_space<hbm>>) dst(%arg13 : memref<4096xf32, #tpu.memory_space<vmem>>)
      %add3A_191 = arith.constant 1 : i32
      %add3A_192 = arith.addi %mul3A_136, %add3A_191 : i32
      %rem3A_193 = arith.constant 4 : i32
      %rem3A_194 = arith.remsi %add3A_192, %rem3A_193 : i32
      %mul3A_195 = arith.constant 4096 : i32
      %mul3A_196 = arith.muli %rem3A_194, %mul3A_195 : i32
      %broadcast_in_dim3A_197 = arith.constant 0 : i32
      %broadcast_in_dim3A_198 = vector.broadcast %broadcast_in_dim3A_197 : i32 to vector<16xi32>
      %broadcast_in_dim3A_199 = arith.constant 0.000000e+00 : f32
      %broadcast_in_dim3A_200 = vector.broadcast %broadcast_in_dim3A_199 : f32 to vector<16xf32>
      %broadcast_in_dim3A_201 = arith.constant false
      %broadcast_in_dim3A_202 = vector.broadcast %broadcast_in_dim3A_201 : i1 to vector<16xi1>
      %scan3A_203 = arith.constant 0 : i32
      %scan3A_204 = arith.constant 64 : i32
      %scan3A_205 = arith.addi %scan3A_203, %scan3A_204 : i32
      %scan3A_206 = arith.constant 1 : i32
      %scan3A_207:7 = scf.for %scan3A_224 = %scan3A_203 to %scan3A_205 step %scan3A_206 iter_args(%scan3A_225 = %broadcast_in_dim3A_198, %scan3A_226 = %broadcast_in_dim3A_198, %scan3A_227 = %broadcast_in_dim3A_200, %scan3A_228 = %broadcast_in_dim3A_200, %scan3A_229 = %broadcast_in_dim3A_200, %scan3A_230 = %broadcast_in_dim3A_200, %scan3A_231 = %broadcast_in_dim3A_202) -> (vector<16xi32>, vector<16xi32>, vector<16xf32>, vector<16xf32>, vector<16xf32>, vector<16xf32>, vector<16xi1>)  : i32 {
        %mul3A_232 = arith.constant 2 : i32
        %mul3A_233 = arith.muli %scan3A_224, %mul3A_232 : i32
        %reduce_or3A_234 = arith.constant 1.000000e+00 : f32
        %reduce_or3A_235 = arith.constant 0.000000e+00 : f32
        %reduce_or3A_236 = vector.broadcast %reduce_or3A_234 : f32 to vector<16xf32>
        %reduce_or3A_237 = vector.broadcast %reduce_or3A_235 : f32 to vector<16xf32>
        %reduce_or3A_238 = arith.select %scan3A_231, %reduce_or3A_236, %reduce_or3A_237 : vector<16xi1>, vector<16xf32>
        %reduce_or3A_239 = arith.constant true
        %reduce_or3A_240 = vector.broadcast %reduce_or3A_239 : i1 to vector<16xi1>
        %reduce_or3A_241 = tpu.scan <max>, %reduce_or3A_238 masked %reduce_or3A_240 : vector<16xf32>, vector<16xi1> -> vector<16xf32>
        %reduce_or3A_242 = vector.extract %reduce_or3A_241[15] : f32 from vector<16xf32>
        %reduce_or3A_243 = arith.constant 0.000000e+00 : f32
        %reduce_or3A_244 = arith.cmpf ogt, %reduce_or3A_242, %reduce_or3A_243 : f32
        %mul3A_245 = arith.constant 32 : i32
        %mul3A_246 = arith.muli %mul3A_233, %mul3A_245 : i32
        %get3A = arith.index_cast %mul3A_246 : i32 to index
        %get3A_247 = tpu.vector_load %arg12[%get3A] {strides = array<i32>} : memref<4096xi32, #tpu.memory_space<vmem>>, vector<16xi32>,
        %add3A_248 = arith.constant 16 : i32
        %add3A_249 = arith.addi %mul3A_246, %add3A_248 : i32
        %get3A_250 = arith.index_cast %add3A_249 : i32 to index
        %get3A_251 = tpu.vector_load %arg12[%get3A_250] {strides = array<i32>} : memref<4096xi32, #tpu.memory_space<vmem>>, vector<16xi32>,
        %get3A_252 = arith.index_cast %mul3A_246 : i32 to index
        %get3A_253 = tpu.vector_load %arg13[%get3A_252] {strides = array<i32>} : memref<4096xf32, #tpu.memory_space<vmem>>, vector<16xf32>,
        %add3A_254 = arith.constant 16 : i32
        %add3A_255 = arith.addi %mul3A_246, %add3A_254 : i32
        %get3A_256 = arith.index_cast %add3A_255 : i32 to index
        %get3A_257 = tpu.vector_load %arg13[%get3A_256] {strides = array<i32>} : memref<4096xf32, #tpu.memory_space<vmem>>, vector<16xf32>,
        %add3A_258 = arith.addi %mul3A_196, %mul3A_246 : i32
        %get3A_259 = arith.index_cast %add3A_258 : i32 to index
        %get3A_260 = tpu.vector_load %arg8[%get3A_259] {strides = array<i32>} : memref<16384xf32, #tpu.memory_space<vmem>>, vector<16xf32>,
        %mul3A_261 = arith.mulf %get3A_260, %get3A_253 : vector<16xf32>
        %add3A_262 = arith.addi %mul3A_196, %mul3A_246 : i32
        %get3A_263 = arith.index_cast %add3A_262 : i32 to index
        %get3A_264 = tpu.vector_load %arg9[%get3A_263] {strides = array<i32>} : memref<16384xf32, #tpu.memory_space<vmem>>, vector<16xf32>,
        %mul3A_265 = arith.mulf %get3A_264, %get3A_253 : vector<16xf32>
        %add3A_266 = arith.addi %mul3A_196, %mul3A_246 : i32
        %add3A_267 = arith.constant 16 : i32
        %add3A_268 = arith.addi %add3A_266, %add3A_267 : i32
        %get3A_269 = arith.index_cast %add3A_268 : i32 to index
        %get3A_270 = tpu.vector_load %arg8[%get3A_269] {strides = array<i32>} : memref<16384xf32, #tpu.memory_space<vmem>>, vector<16xf32>,
        %mul3A_271 = arith.mulf %get3A_270, %get3A_257 : vector<16xf32>
        %add3A_272 = arith.addi %mul3A_196, %mul3A_246 : i32
        %add3A_273 = arith.constant 16 : i32
        %add3A_274 = arith.addi %add3A_272, %add3A_273 : i32
        %get3A_275 = arith.index_cast %add3A_274 : i32 to index
        %get3A_276 = tpu.vector_load %arg9[%get3A_275] {strides = array<i32>} : memref<16384xf32, #tpu.memory_space<vmem>>, vector<16xf32>,
        %mul3A_277 = arith.mulf %get3A_276, %get3A_257 : vector<16xf32>
        %gather3A = tpu.vector_load_idx %arg6[%get3A_247] : memref<32768xf32, #tpu.memory_space<vmem>>[vector<16xi32>], vector<16xf32>,
        %gather3A_278 = tpu.vector_load_idx %arg6[%get3A_251] : memref<32768xf32, #tpu.memory_space<vmem>>[vector<16xi32>], vector<16xf32>,
        %gather3A_279 = tpu.vector_load_idx %arg7[%get3A_247] : memref<32768xf32, #tpu.memory_space<vmem>>[vector<16xi32>], vector<16xf32>,
        %gather3A_280 = tpu.vector_load_idx %arg7[%get3A_251] : memref<32768xf32, #tpu.memory_space<vmem>>[vector<16xi32>], vector<16xf32>,
        %max3A = arith.maximumf %gather3A, %mul3A_261 : vector<16xf32>
        %max3A_281 = arith.maximumf %gather3A_278, %mul3A_271 : vector<16xf32>
        %max3A_282 = arith.maximumf %gather3A_279, %mul3A_265 : vector<16xf32>
        %max3A_283 = arith.maximumf %gather3A_280, %mul3A_277 : vector<16xf32>
        %gt3A = arith.cmpf ogt, %mul3A_261, %gather3A : vector<16xf32>
        tpu.vector_store_idx %arg6[%get3A_247], %max3A masked %gt3A : memref<32768xf32, #tpu.memory_space<vmem>>[vector<16xi32>], vector<16xf32>, vector<16xi1>
        %gt3A_284 = arith.cmpf ogt, %mul3A_271, %gather3A_278 : vector<16xf32>
        tpu.vector_store_idx %arg6[%get3A_251], %max3A_281 masked %gt3A_284 : memref<32768xf32, #tpu.memory_space<vmem>>[vector<16xi32>], vector<16xf32>, vector<16xi1>
        %gt3A_285 = arith.cmpf ogt, %mul3A_265, %gather3A_279 : vector<16xf32>
        tpu.vector_store_idx %arg7[%get3A_247], %max3A_282 masked %gt3A_285 : memref<32768xf32, #tpu.memory_space<vmem>>[vector<16xi32>], vector<16xf32>, vector<16xi1>
        %gt3A_286 = arith.cmpf ogt, %mul3A_277, %gather3A_280 : vector<16xf32>
        tpu.vector_store_idx %arg7[%get3A_251], %max3A_283 masked %gt3A_286 : memref<32768xf32, #tpu.memory_space<vmem>>[vector<16xi32>], vector<16xf32>, vector<16xi1>
        %convert_element_type3A_287 = arith.extui %reduce_or3A_244 : i1 to i32
        %cond3A_288 = arith.constant 0 : i32
        %cond3A_289 = arith.cmpi ne, %convert_element_type3A_287, %cond3A_288 : i32
        scf.if %cond3A_289 {
          %gather3A_375 = tpu.vector_load_idx %arg6[%scan3A_225] : memref<32768xf32, #tpu.memory_space<vmem>>[vector<16xi32>], vector<16xf32>,
          %scan3A_376 = arith.constant 0 : i32
          %scan3A_377 = arith.constant 16 : i32
          %scan3A_378 = arith.addi %scan3A_376, %scan3A_377 : i32
          %scan3A_379 = arith.constant 1 : i32
          %scan3A_380 = scf.for %scan3A_403 = %scan3A_376 to %scan3A_378 step %scan3A_379 iter_args(%scan3A_404 = %gather3A_375) -> (vector<16xf32>)  : i32 {
            %max3A_405 = arith.maximumf %scan3A_404, %scan3A_227 : vector<16xf32>
            %gt3A_406 = arith.cmpf ogt, %scan3A_227, %scan3A_404 : vector<16xf32>
            tpu.vector_store_idx %arg6[%scan3A_225], %max3A_405 masked %gt3A_406 : memref<32768xf32, #tpu.memory_space<vmem>>[vector<16xi32>], vector<16xf32>, vector<16xi1>
            %gather3A_407 = tpu.vector_load_idx %arg6[%scan3A_225] : memref<32768xf32, #tpu.memory_space<vmem>>[vector<16xi32>], vector<16xf32>,
            scf.yield %gather3A_407 : vector<16xf32>
          }
          %scan3A_381 = arith.constant 16 : i32
          %gather3A_382 = tpu.vector_load_idx %arg7[%scan3A_225] : memref<32768xf32, #tpu.memory_space<vmem>>[vector<16xi32>], vector<16xf32>,
          %scan3A_383 = arith.constant 0 : i32
          %scan3A_384 = arith.constant 16 : i32
          %scan3A_385 = arith.addi %scan3A_383, %scan3A_384 : i32
          %scan3A_386 = arith.constant 1 : i32
          %scan3A_387 = scf.for %scan3A_403 = %scan3A_383 to %scan3A_385 step %scan3A_386 iter_args(%scan3A_404 = %gather3A_382) -> (vector<16xf32>)  : i32 {
            %max3A_405 = arith.maximumf %scan3A_404, %scan3A_228 : vector<16xf32>
            %gt3A_406 = arith.cmpf ogt, %scan3A_228, %scan3A_404 : vector<16xf32>
            tpu.vector_store_idx %arg7[%scan3A_225], %max3A_405 masked %gt3A_406 : memref<32768xf32, #tpu.memory_space<vmem>>[vector<16xi32>], vector<16xf32>, vector<16xi1>
            %gather3A_407 = tpu.vector_load_idx %arg7[%scan3A_225] : memref<32768xf32, #tpu.memory_space<vmem>>[vector<16xi32>], vector<16xf32>,
            scf.yield %gather3A_407 : vector<16xf32>
          }
          %scan3A_388 = arith.constant 16 : i32
          %gather3A_389 = tpu.vector_load_idx %arg6[%scan3A_226] : memref<32768xf32, #tpu.memory_space<vmem>>[vector<16xi32>], vector<16xf32>,
          %scan3A_390 = arith.constant 0 : i32
          %scan3A_391 = arith.constant 16 : i32
          %scan3A_392 = arith.addi %scan3A_390, %scan3A_391 : i32
          %scan3A_393 = arith.constant 1 : i32
          %scan3A_394 = scf.for %scan3A_403 = %scan3A_390 to %scan3A_392 step %scan3A_393 iter_args(%scan3A_404 = %gather3A_389) -> (vector<16xf32>)  : i32 {
            %max3A_405 = arith.maximumf %scan3A_404, %scan3A_229 : vector<16xf32>
            %gt3A_406 = arith.cmpf ogt, %scan3A_229, %scan3A_404 : vector<16xf32>
            tpu.vector_store_idx %arg6[%scan3A_226], %max3A_405 masked %gt3A_406 : memref<32768xf32, #tpu.memory_space<vmem>>[vector<16xi32>], vector<16xf32>, vector<16xi1>
            %gather3A_407 = tpu.vector_load_idx %arg6[%scan3A_226] : memref<32768xf32, #tpu.memory_space<vmem>>[vector<16xi32>], vector<16xf32>,
            scf.yield %gather3A_407 : vector<16xf32>
          }
          %scan3A_395 = arith.constant 16 : i32
          %gather3A_396 = tpu.vector_load_idx %arg7[%scan3A_226] : memref<32768xf32, #tpu.memory_space<vmem>>[vector<16xi32>], vector<16xf32>,
          %scan3A_397 = arith.constant 0 : i32
          %scan3A_398 = arith.constant 16 : i32
          %scan3A_399 = arith.addi %scan3A_397, %scan3A_398 : i32
          %scan3A_400 = arith.constant 1 : i32
          %scan3A_401 = scf.for %scan3A_403 = %scan3A_397 to %scan3A_399 step %scan3A_400 iter_args(%scan3A_404 = %gather3A_396) -> (vector<16xf32>)  : i32 {
            %max3A_405 = arith.maximumf %scan3A_404, %scan3A_230 : vector<16xf32>
            %gt3A_406 = arith.cmpf ogt, %scan3A_230, %scan3A_404 : vector<16xf32>
            tpu.vector_store_idx %arg7[%scan3A_226], %max3A_405 masked %gt3A_406 : memref<32768xf32, #tpu.memory_space<vmem>>[vector<16xi32>], vector<16xf32>, vector<16xi1>
            %gather3A_407 = tpu.vector_load_idx %arg7[%scan3A_226] : memref<32768xf32, #tpu.memory_space<vmem>>[vector<16xi32>], vector<16xf32>,
            scf.yield %gather3A_407 : vector<16xf32>
          }
          %scan3A_402 = arith.constant 16 : i32
        } else {
        }
        %gather3A_290 = tpu.vector_load_idx %arg6[%get3A_247] : memref<32768xf32, #tpu.memory_space<vmem>>[vector<16xi32>], vector<16xf32>,
        %gather3A_291 = tpu.vector_load_idx %arg6[%get3A_251] : memref<32768xf32, #tpu.memory_space<vmem>>[vector<16xi32>], vector<16xf32>,
        %gather3A_292 = tpu.vector_load_idx %arg7[%get3A_247] : memref<32768xf32, #tpu.memory_space<vmem>>[vector<16xi32>], vector<16xf32>,
        %gather3A_293 = tpu.vector_load_idx %arg7[%get3A_251] : memref<32768xf32, #tpu.memory_space<vmem>>[vector<16xi32>], vector<16xf32>,
        %gt3A_294 = arith.cmpf ogt, %max3A, %gather3A_290 : vector<16xf32>
        %gt3A_295 = arith.cmpf ogt, %max3A_281, %gather3A_291 : vector<16xf32>
        %or3A = arith.ori %gt3A_294, %gt3A_295 : vector<16xi1>
        %gt3A_296 = arith.cmpf ogt, %max3A_282, %gather3A_292 : vector<16xf32>
        %or3A_297 = arith.ori %or3A, %gt3A_296 : vector<16xi1>
        %gt3A_298 = arith.cmpf ogt, %max3A_283, %gather3A_293 : vector<16xf32>
        %or3A_299 = arith.ori %or3A_297, %gt3A_298 : vector<16xi1>
        %mul3A_300 = arith.constant 2 : i32
        %mul3A_301 = arith.muli %scan3A_224, %mul3A_300 : i32
        %add3A_302 = arith.constant 1 : i32
        %add3A_303 = arith.addi %mul3A_301, %add3A_302 : i32
        %reduce_or3A_304 = arith.constant 1.000000e+00 : f32
        %reduce_or3A_305 = arith.constant 0.000000e+00 : f32
        %reduce_or3A_306 = vector.broadcast %reduce_or3A_304 : f32 to vector<16xf32>
        %reduce_or3A_307 = vector.broadcast %reduce_or3A_305 : f32 to vector<16xf32>
        %reduce_or3A_308 = arith.select %or3A_299, %reduce_or3A_306, %reduce_or3A_307 : vector<16xi1>, vector<16xf32>
        %reduce_or3A_309 = arith.constant true
        %reduce_or3A_310 = vector.broadcast %reduce_or3A_309 : i1 to vector<16xi1>
        %reduce_or3A_311 = tpu.scan <max>, %reduce_or3A_308 masked %reduce_or3A_310 : vector<16xf32>, vector<16xi1> -> vector<16xf32>
        %reduce_or3A_312 = vector.extract %reduce_or3A_311[15] : f32 from vector<16xf32>
        %reduce_or3A_313 = arith.constant 0.000000e+00 : f32
        %reduce_or3A_314 = arith.cmpf ogt, %reduce_or3A_312, %reduce_or3A_313 : f32
        %mul3A_315 = arith.constant 32 : i32
        %mul3A_316 = arith.muli %add3A_303, %mul3A_315 : i32
        %get3A_317 = arith.index_cast %mul3A_316 : i32 to index
        %get3A_318 = tpu.vector_load %arg12[%get3A_317] {strides = array<i32>} : memref<4096xi32, #tpu.memory_space<vmem>>, vector<16xi32>,
        %add3A_319 = arith.constant 16 : i32
        %add3A_320 = arith.addi %mul3A_316, %add3A_319 : i32
        %get3A_321 = arith.index_cast %add3A_320 : i32 to index
        %get3A_322 = tpu.vector_load %arg12[%get3A_321] {strides = array<i32>} : memref<4096xi32, #tpu.memory_space<vmem>>, vector<16xi32>,
        %get3A_323 = arith.index_cast %mul3A_316 : i32 to index
        %get3A_324 = tpu.vector_load %arg13[%get3A_323] {strides = array<i32>} : memref<4096xf32, #tpu.memory_space<vmem>>, vector<16xf32>,
        %add3A_325 = arith.constant 16 : i32
        %add3A_326 = arith.addi %mul3A_316, %add3A_325 : i32
        %get3A_327 = arith.index_cast %add3A_326 : i32 to index
        %get3A_328 = tpu.vector_load %arg13[%get3A_327] {strides = array<i32>} : memref<4096xf32, #tpu.memory_space<vmem>>, vector<16xf32>,
        %add3A_329 = arith.addi %mul3A_196, %mul3A_316 : i32
        %get3A_330 = arith.index_cast %add3A_329 : i32 to index
        %get3A_331 = tpu.vector_load %arg8[%get3A_330] {strides = array<i32>} : memref<16384xf32, #tpu.memory_space<vmem>>, vector<16xf32>,
        %mul3A_332 = arith.mulf %get3A_331, %get3A_324 : vector<16xf32>
        %add3A_333 = arith.addi %mul3A_196, %mul3A_316 : i32
        %get3A_334 = arith.index_cast %add3A_333 : i32 to index
        %get3A_335 = tpu.vector_load %arg9[%get3A_334] {strides = array<i32>} : memref<16384xf32, #tpu.memory_space<vmem>>, vector<16xf32>,
        %mul3A_336 = arith.mulf %get3A_335, %get3A_324 : vector<16xf32>
        %add3A_337 = arith.addi %mul3A_196, %mul3A_316 : i32
        %add3A_338 = arith.constant 16 : i32
        %add3A_339 = arith.addi %add3A_337, %add3A_338 : i32
        %get3A_340 = arith.index_cast %add3A_339 : i32 to index
        %get3A_341 = tpu.vector_load %arg8[%get3A_340] {strides = array<i32>} : memref<16384xf32, #tpu.memory_space<vmem>>, vector<16xf32>,
        %mul3A_342 = arith.mulf %get3A_341, %get3A_328 : vector<16xf32>
        %add3A_343 = arith.addi %mul3A_196, %mul3A_316 : i32
        %add3A_344 = arith.constant 16 : i32
        %add3A_345 = arith.addi %add3A_343, %add3A_344 : i32
        %get3A_346 = arith.index_cast %add3A_345 : i32 to index
        %get3A_347 = tpu.vector_load %arg9[%get3A_346] {strides = array<i32>} : memref<16384xf32, #tpu.memory_space<vmem>>, vector<16xf32>,
        %mul3A_348 = arith.mulf %get3A_347, %get3A_328 : vector<16xf32>
        %gather3A_349 = tpu.vector_load_idx %arg6[%get3A_318] : memref<32768xf32, #tpu.memory_space<vmem>>[vector<16xi32>], vector<16xf32>,
        %gather3A_350 = tpu.vector_load_idx %arg6[%get3A_322] : memref<32768xf32, #tpu.memory_space<vmem>>[vector<16xi32>], vector<16xf32>,
        %gather3A_351 = tpu.vector_load_idx %arg7[%get3A_318] : memref<32768xf32, #tpu.memory_space<vmem>>[vector<16xi32>], vector<16xf32>,
        %gather3A_352 = tpu.vector_load_idx %arg7[%get3A_322] : memref<32768xf32, #tpu.memory_space<vmem>>[vector<16xi32>], vector<16xf32>,
        %max3A_353 = arith.maximumf %gather3A_349, %mul3A_332 : vector<16xf32>
        %max3A_354 = arith.maximumf %gather3A_350, %mul3A_342 : vector<16xf32>
        %max3A_355 = arith.maximumf %gather3A_351, %mul3A_336 : vector<16xf32>
        %max3A_356 = arith.maximumf %gather3A_352, %mul3A_348 : vector<16xf32>
        %gt3A_357 = arith.cmpf ogt, %mul3A_332, %gather3A_349 : vector<16xf32>
        tpu.vector_store_idx %arg6[%get3A_318], %max3A_353 masked %gt3A_357 : memref<32768xf32, #tpu.memory_space<vmem>>[vector<16xi32>], vector<16xf32>, vector<16xi1>
        %gt3A_358 = arith.cmpf ogt, %mul3A_342, %gather3A_350 : vector<16xf32>
        tpu.vector_store_idx %arg6[%get3A_322], %max3A_354 masked %gt3A_358 : memref<32768xf32, #tpu.memory_space<vmem>>[vector<16xi32>], vector<16xf32>, vector<16xi1>
        %gt3A_359 = arith.cmpf ogt, %mul3A_336, %gather3A_351 : vector<16xf32>
        tpu.vector_store_idx %arg7[%get3A_318], %max3A_355 masked %gt3A_359 : memref<32768xf32, #tpu.memory_space<vmem>>[vector<16xi32>], vector<16xf32>, vector<16xi1>
        %gt3A_360 = arith.cmpf ogt, %mul3A_348, %gather3A_352 : vector<16xf32>
        tpu.vector_store_idx %arg7[%get3A_322], %max3A_356 masked %gt3A_360 : memref<32768xf32, #tpu.memory_space<vmem>>[vector<16xi32>], vector<16xf32>, vector<16xi1>
        %convert_element_type3A_361 = arith.extui %reduce_or3A_314 : i1 to i32
        %cond3A_362 = arith.constant 0 : i32
        %cond3A_363 = arith.cmpi ne, %convert_element_type3A_361, %cond3A_362 : i32
        scf.if %cond3A_363 {
          %gather3A_375 = tpu.vector_load_idx %arg6[%get3A_247] : memref<32768xf32, #tpu.memory_space<vmem>>[vector<16xi32>], vector<16xf32>,
          %scan3A_376 = arith.constant 0 : i32
          %scan3A_377 = arith.constant 16 : i32
          %scan3A_378 = arith.addi %scan3A_376, %scan3A_377 : i32
          %scan3A_379 = arith.constant 1 : i32
          %scan3A_380 = scf.for %scan3A_403 = %scan3A_376 to %scan3A_378 step %scan3A_379 iter_args(%scan3A_404 = %gather3A_375) -> (vector<16xf32>)  : i32 {
            %max3A_405 = arith.maximumf %scan3A_404, %mul3A_261 : vector<16xf32>
            %gt3A_406 = arith.cmpf ogt, %mul3A_261, %scan3A_404 : vector<16xf32>
            tpu.vector_store_idx %arg6[%get3A_247], %max3A_405 masked %gt3A_406 : memref<32768xf32, #tpu.memory_space<vmem>>[vector<16xi32>], vector<16xf32>, vector<16xi1>
            %gather3A_407 = tpu.vector_load_idx %arg6[%get3A_247] : memref<32768xf32, #tpu.memory_space<vmem>>[vector<16xi32>], vector<16xf32>,
            scf.yield %gather3A_407 : vector<16xf32>
          }
          %scan3A_381 = arith.constant 16 : i32
          %gather3A_382 = tpu.vector_load_idx %arg7[%get3A_247] : memref<32768xf32, #tpu.memory_space<vmem>>[vector<16xi32>], vector<16xf32>,
          %scan3A_383 = arith.constant 0 : i32
          %scan3A_384 = arith.constant 16 : i32
          %scan3A_385 = arith.addi %scan3A_383, %scan3A_384 : i32
          %scan3A_386 = arith.constant 1 : i32
          %scan3A_387 = scf.for %scan3A_403 = %scan3A_383 to %scan3A_385 step %scan3A_386 iter_args(%scan3A_404 = %gather3A_382) -> (vector<16xf32>)  : i32 {
            %max3A_405 = arith.maximumf %scan3A_404, %mul3A_265 : vector<16xf32>
            %gt3A_406 = arith.cmpf ogt, %mul3A_265, %scan3A_404 : vector<16xf32>
            tpu.vector_store_idx %arg7[%get3A_247], %max3A_405 masked %gt3A_406 : memref<32768xf32, #tpu.memory_space<vmem>>[vector<16xi32>], vector<16xf32>, vector<16xi1>
            %gather3A_407 = tpu.vector_load_idx %arg7[%get3A_247] : memref<32768xf32, #tpu.memory_space<vmem>>[vector<16xi32>], vector<16xf32>,
            scf.yield %gather3A_407 : vector<16xf32>
          }
          %scan3A_388 = arith.constant 16 : i32
          %gather3A_389 = tpu.vector_load_idx %arg6[%get3A_251] : memref<32768xf32, #tpu.memory_space<vmem>>[vector<16xi32>], vector<16xf32>,
          %scan3A_390 = arith.constant 0 : i32
          %scan3A_391 = arith.constant 16 : i32
          %scan3A_392 = arith.addi %scan3A_390, %scan3A_391 : i32
          %scan3A_393 = arith.constant 1 : i32
          %scan3A_394 = scf.for %scan3A_403 = %scan3A_390 to %scan3A_392 step %scan3A_393 iter_args(%scan3A_404 = %gather3A_389) -> (vector<16xf32>)  : i32 {
            %max3A_405 = arith.maximumf %scan3A_404, %mul3A_271 : vector<16xf32>
            %gt3A_406 = arith.cmpf ogt, %mul3A_271, %scan3A_404 : vector<16xf32>
            tpu.vector_store_idx %arg6[%get3A_251], %max3A_405 masked %gt3A_406 : memref<32768xf32, #tpu.memory_space<vmem>>[vector<16xi32>], vector<16xf32>, vector<16xi1>
            %gather3A_407 = tpu.vector_load_idx %arg6[%get3A_251] : memref<32768xf32, #tpu.memory_space<vmem>>[vector<16xi32>], vector<16xf32>,
            scf.yield %gather3A_407 : vector<16xf32>
          }
          %scan3A_395 = arith.constant 16 : i32
          %gather3A_396 = tpu.vector_load_idx %arg7[%get3A_251] : memref<32768xf32, #tpu.memory_space<vmem>>[vector<16xi32>], vector<16xf32>,
          %scan3A_397 = arith.constant 0 : i32
          %scan3A_398 = arith.constant 16 : i32
          %scan3A_399 = arith.addi %scan3A_397, %scan3A_398 : i32
          %scan3A_400 = arith.constant 1 : i32
          %scan3A_401 = scf.for %scan3A_403 = %scan3A_397 to %scan3A_399 step %scan3A_400 iter_args(%scan3A_404 = %gather3A_396) -> (vector<16xf32>)  : i32 {
            %max3A_405 = arith.maximumf %scan3A_404, %mul3A_277 : vector<16xf32>
            %gt3A_406 = arith.cmpf ogt, %mul3A_277, %scan3A_404 : vector<16xf32>
            tpu.vector_store_idx %arg7[%get3A_251], %max3A_405 masked %gt3A_406 : memref<32768xf32, #tpu.memory_space<vmem>>[vector<16xi32>], vector<16xf32>, vector<16xi1>
            %gather3A_407 = tpu.vector_load_idx %arg7[%get3A_251] : memref<32768xf32, #tpu.memory_space<vmem>>[vector<16xi32>], vector<16xf32>,
            scf.yield %gather3A_407 : vector<16xf32>
          }
          %scan3A_402 = arith.constant 16 : i32
        } else {
        }
        %gather3A_364 = tpu.vector_load_idx %arg6[%get3A_318] : memref<32768xf32, #tpu.memory_space<vmem>>[vector<16xi32>], vector<16xf32>,
        %gather3A_365 = tpu.vector_load_idx %arg6[%get3A_322] : memref<32768xf32, #tpu.memory_space<vmem>>[vector<16xi32>], vector<16xf32>,
        %gather3A_366 = tpu.vector_load_idx %arg7[%get3A_318] : memref<32768xf32, #tpu.memory_space<vmem>>[vector<16xi32>], vector<16xf32>,
        %gather3A_367 = tpu.vector_load_idx %arg7[%get3A_322] : memref<32768xf32, #tpu.memory_space<vmem>>[vector<16xi32>], vector<16xf32>,
        %gt3A_368 = arith.cmpf ogt, %max3A_353, %gather3A_364 : vector<16xf32>
        %gt3A_369 = arith.cmpf ogt, %max3A_354, %gather3A_365 : vector<16xf32>
        %or3A_370 = arith.ori %gt3A_368, %gt3A_369 : vector<16xi1>
        %gt3A_371 = arith.cmpf ogt, %max3A_355, %gather3A_366 : vector<16xf32>
        %or3A_372 = arith.ori %or3A_370, %gt3A_371 : vector<16xi1>
        %gt3A_373 = arith.cmpf ogt, %max3A_356, %gather3A_367 : vector<16xf32>
        %or3A_374 = arith.ori %or3A_372, %gt3A_373 : vector<16xi1>
        scf.yield %get3A_318, %get3A_322, %mul3A_332, %mul3A_336, %mul3A_342, %mul3A_348, %or3A_374 : vector<16xi32>, vector<16xi32>, vector<16xf32>, vector<16xf32>, vector<16xf32>, vector<16xf32>, vector<16xi1>
      }
      %scan3A_208 = arith.constant 64 : i32
      %reduce_or3A_209 = arith.constant 1.000000e+00 : f32
      %reduce_or3A_210 = arith.constant 0.000000e+00 : f32
      %reduce_or3A_211 = vector.broadcast %reduce_or3A_209 : f32 to vector<16xf32>
      %reduce_or3A_212 = vector.broadcast %reduce_or3A_210 : f32 to vector<16xf32>
      %reduce_or3A_213 = arith.select %scan3A_207#6, %reduce_or3A_211, %reduce_or3A_212 : vector<16xi1>, vector<16xf32>
      %reduce_or3A_214 = arith.constant true
      %reduce_or3A_215 = vector.broadcast %reduce_or3A_214 : i1 to vector<16xi1>
      %reduce_or3A_216 = tpu.scan <max>, %reduce_or3A_213 masked %reduce_or3A_215 : vector<16xf32>, vector<16xi1> -> vector<16xf32>
      %reduce_or3A_217 = vector.extract %reduce_or3A_216[15] : f32 from vector<16xf32>
      %reduce_or3A_218 = arith.constant 0.000000e+00 : f32
      %reduce_or3A_219 = arith.cmpf ogt, %reduce_or3A_217, %reduce_or3A_218 : f32
      %convert_element_type3A_220 = arith.extui %reduce_or3A_219 : i1 to i32
      %cond3A_221 = arith.constant 0 : i32
      %cond3A_222 = arith.cmpi ne, %convert_element_type3A_220, %cond3A_221 : i32
      scf.if %cond3A_222 {
        %gather3A = tpu.vector_load_idx %arg6[%scan3A_207#0] : memref<32768xf32, #tpu.memory_space<vmem>>[vector<16xi32>], vector<16xf32>,
        %scan3A_224 = arith.constant 0 : i32
        %scan3A_225 = arith.constant 16 : i32
        %scan3A_226 = arith.addi %scan3A_224, %scan3A_225 : i32
        %scan3A_227 = arith.constant 1 : i32
        %scan3A_228 = scf.for %scan3A_251 = %scan3A_224 to %scan3A_226 step %scan3A_227 iter_args(%scan3A_252 = %gather3A) -> (vector<16xf32>)  : i32 {
          %max3A = arith.maximumf %scan3A_252, %scan3A_207#2 : vector<16xf32>
          %gt3A = arith.cmpf ogt, %scan3A_207#2, %scan3A_252 : vector<16xf32>
          tpu.vector_store_idx %arg6[%scan3A_207#0], %max3A masked %gt3A : memref<32768xf32, #tpu.memory_space<vmem>>[vector<16xi32>], vector<16xf32>, vector<16xi1>
          %gather3A_253 = tpu.vector_load_idx %arg6[%scan3A_207#0] : memref<32768xf32, #tpu.memory_space<vmem>>[vector<16xi32>], vector<16xf32>,
          scf.yield %gather3A_253 : vector<16xf32>
        }
        %scan3A_229 = arith.constant 16 : i32
        %gather3A_230 = tpu.vector_load_idx %arg7[%scan3A_207#0] : memref<32768xf32, #tpu.memory_space<vmem>>[vector<16xi32>], vector<16xf32>,
        %scan3A_231 = arith.constant 0 : i32
        %scan3A_232 = arith.constant 16 : i32
        %scan3A_233 = arith.addi %scan3A_231, %scan3A_232 : i32
        %scan3A_234 = arith.constant 1 : i32
        %scan3A_235 = scf.for %scan3A_251 = %scan3A_231 to %scan3A_233 step %scan3A_234 iter_args(%scan3A_252 = %gather3A_230) -> (vector<16xf32>)  : i32 {
          %max3A = arith.maximumf %scan3A_252, %scan3A_207#3 : vector<16xf32>
          %gt3A = arith.cmpf ogt, %scan3A_207#3, %scan3A_252 : vector<16xf32>
          tpu.vector_store_idx %arg7[%scan3A_207#0], %max3A masked %gt3A : memref<32768xf32, #tpu.memory_space<vmem>>[vector<16xi32>], vector<16xf32>, vector<16xi1>
          %gather3A_253 = tpu.vector_load_idx %arg7[%scan3A_207#0] : memref<32768xf32, #tpu.memory_space<vmem>>[vector<16xi32>], vector<16xf32>,
          scf.yield %gather3A_253 : vector<16xf32>
        }
        %scan3A_236 = arith.constant 16 : i32
        %gather3A_237 = tpu.vector_load_idx %arg6[%scan3A_207#1] : memref<32768xf32, #tpu.memory_space<vmem>>[vector<16xi32>], vector<16xf32>,
        %scan3A_238 = arith.constant 0 : i32
        %scan3A_239 = arith.constant 16 : i32
        %scan3A_240 = arith.addi %scan3A_238, %scan3A_239 : i32
        %scan3A_241 = arith.constant 1 : i32
        %scan3A_242 = scf.for %scan3A_251 = %scan3A_238 to %scan3A_240 step %scan3A_241 iter_args(%scan3A_252 = %gather3A_237) -> (vector<16xf32>)  : i32 {
          %max3A = arith.maximumf %scan3A_252, %scan3A_207#4 : vector<16xf32>
          %gt3A = arith.cmpf ogt, %scan3A_207#4, %scan3A_252 : vector<16xf32>
          tpu.vector_store_idx %arg6[%scan3A_207#1], %max3A masked %gt3A : memref<32768xf32, #tpu.memory_space<vmem>>[vector<16xi32>], vector<16xf32>, vector<16xi1>
          %gather3A_253 = tpu.vector_load_idx %arg6[%scan3A_207#1] : memref<32768xf32, #tpu.memory_space<vmem>>[vector<16xi32>], vector<16xf32>,
          scf.yield %gather3A_253 : vector<16xf32>
        }
        %scan3A_243 = arith.constant 16 : i32
        %gather3A_244 = tpu.vector_load_idx %arg7[%scan3A_207#1] : memref<32768xf32, #tpu.memory_space<vmem>>[vector<16xi32>], vector<16xf32>,
        %scan3A_245 = arith.constant 0 : i32
        %scan3A_246 = arith.constant 16 : i32
        %scan3A_247 = arith.addi %scan3A_245, %scan3A_246 : i32
        %scan3A_248 = arith.constant 1 : i32
        %scan3A_249 = scf.for %scan3A_251 = %scan3A_245 to %scan3A_247 step %scan3A_248 iter_args(%scan3A_252 = %gather3A_244) -> (vector<16xf32>)  : i32 {
          %max3A = arith.maximumf %scan3A_252, %scan3A_207#5 : vector<16xf32>
          %gt3A = arith.cmpf ogt, %scan3A_207#5, %scan3A_252 : vector<16xf32>
          tpu.vector_store_idx %arg7[%scan3A_207#1], %max3A masked %gt3A : memref<32768xf32, #tpu.memory_space<vmem>>[vector<16xi32>], vector<16xf32>, vector<16xi1>
          %gather3A_253 = tpu.vector_load_idx %arg7[%scan3A_207#1] : memref<32768xf32, #tpu.memory_space<vmem>>[vector<16xi32>], vector<16xf32>,
          scf.yield %gather3A_253 : vector<16xf32>
        }
        %scan3A_250 = arith.constant 16 : i32
      } else {
      }
      %scan3A_223 = arith.constant 0 : i32
      scf.yield %scan3A_223 : i32
    }
    %scan3A_124 = arith.constant 16 : i32
    %dma_wait3A_125 = tpu.memref_slice %arg3[%mul3A_92] : memref<1048576xi32, #tpu.memory_space<hbm>> -> memref<4096xi32, #tpu.memory_space<hbm>>
    %dma_wait3A_126 = tpu.memref_slice %arg3[%mul3A_92] : memref<1048576xi32, #tpu.memory_space<hbm>> -> memref<4096xi32, #tpu.memory_space<hbm>>
    tpu.wait_dma2 semaphore(%arg14 : memref<!tpu.dma_semaphore, #tpu.memory_space<semaphore_mem>>) src(%dma_wait3A_126 : memref<4096xi32, #tpu.memory_space<hbm>>) dst(%arg10 : memref<4096xi32, #tpu.memory_space<vmem>>)
    %dma_wait3A_127 = tpu.memref_slice %arg2[%mul3A_92] : memref<1048576xf32, #tpu.memory_space<hbm>> -> memref<4096xf32, #tpu.memory_space<hbm>>
    %dma_wait3A_128 = tpu.memref_slice %arg2[%mul3A_92] : memref<1048576xf32, #tpu.memory_space<hbm>> -> memref<4096xf32, #tpu.memory_space<hbm>>
    tpu.wait_dma2 semaphore(%arg15 : memref<!tpu.dma_semaphore, #tpu.memory_space<semaphore_mem>>) src(%dma_wait3A_128 : memref<4096xf32, #tpu.memory_space<hbm>>) dst(%arg11 : memref<4096xf32, #tpu.memory_space<vmem>>)
    %mul3A_129 = arith.constant 32768 : i32
    %mul3A_130 = arith.muli %add3A_64, %mul3A_129 : i32
    "tpu.region"() ({
      %run_scoped3A = tpu.sem_alloc : memref<!tpu.dma_semaphore, #tpu.memory_space<semaphore_mem>>
      %dma_start3A_133 = tpu.memref_slice %arg5[%mul3A_130] : memref<4194304xf32, #tpu.memory_space<hbm>> -> memref<32768xf32, #tpu.memory_space<hbm>>
      %dma_start3A_134 = tpu.memref_slice %arg5[%mul3A_130] : memref<4194304xf32, #tpu.memory_space<hbm>> -> memref<32768xf32, #tpu.memory_space<hbm>>
      tpu.enqueue_dma source(%arg6 : memref<32768xf32, #tpu.memory_space<vmem>>) target(%dma_start3A_134 : memref<32768xf32, #tpu.memory_space<hbm>>) target_semaphore(%run_scoped3A : memref<!tpu.dma_semaphore, #tpu.memory_space<semaphore_mem>>)
      %dma_wait3A_135 = tpu.memref_slice %arg5[%mul3A_130] : memref<4194304xf32, #tpu.memory_space<hbm>> -> memref<32768xf32, #tpu.memory_space<hbm>>
      %dma_wait3A_136 = tpu.memref_slice %arg5[%mul3A_130] : memref<4194304xf32, #tpu.memory_space<hbm>> -> memref<32768xf32, #tpu.memory_space<hbm>>
      tpu.wait_dma2 semaphore(%run_scoped3A : memref<!tpu.dma_semaphore, #tpu.memory_space<semaphore_mem>>) src(%arg6 : memref<32768xf32, #tpu.memory_space<vmem>>) dst(%dma_wait3A_136 : memref<32768xf32, #tpu.memory_space<hbm>>)
      tpu.yield
    }) : () -> ()
    %mul3A_131 = arith.constant 32768 : i32
    %mul3A_132 = arith.muli %add3A_66, %mul3A_131 : i32
    "tpu.region"() ({
      %run_scoped3A = tpu.sem_alloc : memref<!tpu.dma_semaphore, #tpu.memory_space<semaphore_mem>>
      %dma_start3A_133 = tpu.memref_slice %arg5[%mul3A_132] : memref<4194304xf32, #tpu.memory_space<hbm>> -> memref<32768xf32, #tpu.memory_space<hbm>>
      %dma_start3A_134 = tpu.memref_slice %arg5[%mul3A_132] : memref<4194304xf32, #tpu.memory_space<hbm>> -> memref<32768xf32, #tpu.memory_space<hbm>>
      tpu.enqueue_dma source(%arg7 : memref<32768xf32, #tpu.memory_space<vmem>>) target(%dma_start3A_134 : memref<32768xf32, #tpu.memory_space<hbm>>) target_semaphore(%run_scoped3A : memref<!tpu.dma_semaphore, #tpu.memory_space<semaphore_mem>>)
      %dma_wait3A_135 = tpu.memref_slice %arg5[%mul3A_132] : memref<4194304xf32, #tpu.memory_space<hbm>> -> memref<32768xf32, #tpu.memory_space<hbm>>
      %dma_wait3A_136 = tpu.memref_slice %arg5[%mul3A_132] : memref<4194304xf32, #tpu.memory_space<hbm>> -> memref<32768xf32, #tpu.memory_space<hbm>>
      tpu.wait_dma2 semaphore(%run_scoped3A : memref<!tpu.dma_semaphore, #tpu.memory_space<semaphore_mem>>) src(%arg7 : memref<32768xf32, #tpu.memory_space<vmem>>) dst(%dma_wait3A_136 : memref<32768xf32, #tpu.memory_space<hbm>>)
      tpu.yield
    }) : () -> ()
    return
  }
}

</mosaic_0001>

<sc_bundles>
// kernel: splat_scatter_max.3.cloned.1.call-start
scs
__scs_entry_jumppad:
0x0: {  	(pc) =	sbr.rel $0x88, $3  }
0x1: {  	(tag) =	ssettag $0x0;
	lr =	simm.s32 $0x1  }
0x2: {  	[smem:$0x3F9E] =	sst lr;
	_ =	strace $0xD0000000  }
0x3: {  	_ = 	snop  }
0x4: {  	_ = 	snop  }
0x5: {  	_ = 	snop  }
0x6: {  	_ = 	snop  }
0x7: {  	_ = 	snop  }
__scs_overlays_trampoline_lowered:
0x8: {  	[smem:$0x3FAD] =	sst s0  }
0x9: {  	[smem:$0x3FAE] =	sst s1  }
0xa: {  	[smem:$0x3FAF] =	sst s2  }
0xb: {  	[smem:$0x3FB0] =	sst s3  }
0xc: {  	[smem:$0x3FB1] =	sst s4  }
0xd: {  	[smem:$0x3FB2] =	sst s5  }
0xe: {  	[smem:$0x3FB3] =	sst s6  }
0xf: {  	[smem:$0x3FB4] =	sst s7  }
0x10: {  	[smem:$0x3FB5] =	sst s8  }
0x11: {  	[smem:$0x3FB6] =	sst s9;
	s0 =	simm.s32 @!p0 $0x0  }
0x12: {  	s1 =	sld [smem:$0x3F9C];
	s0 =	simm.s32 @p0 $0x1  }
0x13: {  	[smem:$0x3FB7] =	sst s0;
	s0 =	simm.s32 @!p1 $0x0  }
0x14: {  	s2 =	sld [smem:$0x3F9B];
	s0 =	simm.s32 @p1 $0x1  }
0x15: {  	[smem:$0x3FB8] =	sst s0;
	s0 =	simm.s32 @!p2 $0x0  }
0x16: {  	s3 =	sld [smem:$0x3FDB];
	s0 =	simm.s32 @p2 $0x1  }
0x17: {  	s4 =	simm.s32 $0x1BF5;
	[smem:$0x3FBA] =	sst s0  }
0x18: {  	s0 =	sld [smem:$0x3F9D];
	_ =	swait.ge [sflag:s4], $0x0  }
0x19: {  	s7 =	sld [smem:$0x3F9E]  }
0x1a: {  	s8 =	sadd.s32 $0xFFFFE003, lr  }
0x1b: {  	s9 =	sadd.s32 $0xFFFFFEF7, lr;
	s5 =	simm.s32 $0xFFFFFFFF;
	p2 =	slt.u32 s8, $0xFFFFF086  }
0x1c: {  	p1 =	slt.u32 s9, $0xF7A;
	s5 =	simm.s32 @!p2 $0x0  }
0x1d: {  	s5 =	simm.s32 @p1 $0x1;
	p0 =	seq.s32 s7, s2  }
0x1e: {  	s7 =	smul.u32 @!p0 $0xF7A, s2;
	p2 =	seq.s32 @!p0 s5, $0x0  }
0x1f: {  	s9 =	smul.u32 $0xF7A, s1;
	s8 =	simm.s32 @!p0 $0x1BF5;
	p2 =	por !p2, p0  }
0x20: {  	[sflag:s8] =	ssyncset.s32 @!p0 $0xFFFFF086;
	s6 =	sadd.s32 @!p0 s3, s7;
	s7 =	simm.s32 @!p0 $0x108  }
0x21: {  	s3 =	sadd.s32 s3, s9;
	s6 =	sadd.s32 @!p0 $0x88, s6;
	s7 =	simm.s32 @p2 $0x1082  }
0x22: {  	[simem:s7], [sflag:s8] =	dma.local @!p0 [hbm:s6], $0xF7A  }
0x23: {  	s9 =	sor.u32 $0xD0000000, s2;
	s6 =	simm.s32 $0x108;
	_ =	swait.ge @!p0 [sflag:s8], $0x0  }
0x24: {  	s3 =	sadd.s32 $0x88, s3;
	s6 =	simm.s32 @!p1 $0x1082;
	[sflag:s4] =	ssyncset.s32 $0xFFFFF086  }
0x25: {  	[simem:s6], [sflag:s4] =	dma.local [hbm:s3], $0xF7A  }
0x26: {  	[smem:$0x3F9E] =	sst s1;
	(tag) =	ssettag s2;
	_ =	strace s9  }
0x27: {  	s1 =	sld [smem:$0x3FAE]  }
0x28: {  	s2 =	sld [smem:$0x3FAF]  }
0x29: {  	s4 =	sld [smem:$0x3FB1]  }
0x2a: {  	p0 =	seq.s32 s5, $0x0;
	s5 =	sld [smem:$0x3FB2]  }
0x2b: {  	s6 =	sld [smem:$0x3FB3]  }
0x2c: {  	s7 =	sld [smem:$0x3FB4]  }
0x2d: {  	s3 =	simm.s32 $0x108;
	s8 =	sld [smem:$0x3FB5]  }
0x2e: {  	s3 =	simm.s32 @!p0 $0x1082;
	s9 =	sld [smem:$0x3FB6]  }
0x2f: {  	lr =	sadd.s32 s0, s3;
	s0 =	sld [smem:$0x3FAD]  }
0x30: {  	s3 =	sld [smem:$0x3FB0]  }
0x31: {  	[smem:$0x3FB9] =	sst s10  }
0x32: {  	s10 =	sld [smem:$0x3FB7];
	_ =	sdelay $0x3  }
0x33: {  	p0 =	seq.s32 s10, $0x1;
	s10 =	sld [smem:$0x3FB9];
	_ =	sdelay $0x3  }
0x34: {  	[smem:$0x3FB9] =	sst s10  }
0x35: {  	s10 =	sld [smem:$0x3FB8];
	_ =	sdelay $0x3  }
0x36: {  	p1 =	seq.s32 s10, $0x1;
	s10 =	sld [smem:$0x3FB9];
	_ =	sdelay $0x3  }
0x37: {  	[smem:$0x3FB9] =	sst s10  }
0x38: {  	s10 =	sld [smem:$0x3FBA]  }
0x39: {  	_ = 	snop;
	(pc) =	sbr.ind lr, $3  }
0x3a: {  	_ = 	snop  }
0x3b: {  	_ = 	snop  }
0x3c: {  	p2 =	seq.s32 s10, $0x1;
	s10 =	sld [smem:$0x3FB9]  }
0x3d: {  	_ =	shalt  }
0x3e: {  	_ =	shalt  }
0x3f: {  	_ =	shalt  }
0x40: {  	_ =	shalt  }
0x41: {  	_ =	shalt  }
0x42: {  	_ =	shalt  }
0x43: {  	_ =	shalt  }
0x44: {  	_ =	shalt  }
0x45: {  	_ =	shalt  }
0x46: {  	_ =	shalt  }
0x47: {  	_ =	shalt  }
0x48: {  	_ =	shalt  }
0x49: {  	_ =	shalt  }
0x4a: {  	_ =	shalt  }
0x4b: {  	_ =	shalt  }
0x4c: {  	_ =	shalt  }
0x4d: {  	_ =	shalt  }
0x4e: {  	_ =	shalt  }
0x4f: {  	_ =	shalt  }
0x50: {  	_ =	shalt  }
0x51: {  	_ =	shalt  }
0x52: {  	_ =	shalt  }
0x53: {  	_ =	shalt  }
0x54: {  	_ =	shalt  }
0x55: {  	_ =	shalt  }
0x56: {  	_ =	shalt  }
0x57: {  	_ =	shalt  }
0x58: {  	_ =	shalt  }
0x59: {  	_ =	shalt  }
0x5a: {  	_ =	shalt  }
0x5b: {  	_ =	shalt  }
0x5c: {  	_ =	shalt  }
0x5d: {  	_ =	shalt  }
0x5e: {  	_ =	shalt  }
0x5f: {  	_ =	shalt  }
0x60: {  	_ =	shalt  }
0x61: {  	_ =	shalt  }
0x62: {  	_ =	shalt  }
0x63: {  	_ =	shalt  }
0x64: {  	_ =	shalt  }
0x65: {  	_ =	shalt  }
0x66: {  	_ =	shalt  }
0x67: {  	_ =	shalt  }
0x68: {  	_ =	shalt  }
0x69: {  	_ =	shalt  }
0x6a: {  	_ =	shalt  }
0x6b: {  	_ =	shalt  }
0x6c: {  	_ =	shalt  }
0x6d: {  	_ =	shalt  }
0x6e: {  	_ =	shalt  }
0x6f: {  	_ =	shalt  }
0x70: {  	_ =	shalt  }
0x71: {  	_ =	shalt  }
0x72: {  	_ =	shalt  }
0x73: {  	_ =	shalt  }
0x74: {  	_ =	shalt  }
0x75: {  	_ =	shalt  }
0x76: {  	_ =	shalt  }
0x77: {  	_ =	shalt  }
0x78: {  	_ =	shalt  }
0x79: {  	_ =	shalt  }
0x7a: {  	_ =	shalt  }
0x7b: {  	_ =	shalt  }
0x7c: {  	_ =	shalt  }
0x7d: {  	_ =	shalt  }
0x7e: {  	_ =	shalt  }
0x7f: {  	_ =	shalt  }
0x80: {  	_ =	shalt  }
0x81: {  	_ =	shalt  }
0x82: {  	_ =	shalt  }
0x83: {  	_ =	shalt  }
0x84: {  	_ =	shalt  }
0x85: {  	_ =	shalt  }
0x86: {  	_ =	shalt  }
0x87: {  	_ =	shalt  }
.Lfunc_end0:
.L_simem_size_0:
called_computation_lowered:
.L_overlay_start_0:
0x88: {  	s2 =	sld [smem:$0x3FD9]  }
0x89: {  	s3 =	sld [smem:$0x3FFE];
	_ =	sdelay $0x1  }
0x8a: {  	s1 =	srdreg.scid  }
0x8b: {  	s0 =	sand.u32 $0x1, s1  }
0x8c: {  	s17 =	sshll.u32 s0, $0xA;
	s2 =	sadd.s32 s3, s2  }
0x8d: {  	s2 =	sadd.s32 s2, s17  }
0x8e: {  	[smem:$0x3FC5] =	sst s2  }
0x8f: {  	_ = 	snop  }
0x90: {  	s2 =	sld [smem:$0x3FD0];
	(tm) =	ssettm $0x1  }
0x91: {  	s18 =	sld [smem:$0x3FFB];
	_ =	sdelay $0x3  }
0x92: {  	_ =	strace s18  }
0x93: {  	s3 =	sld [smem:$0x3FFC];
	_ =	sdelay $0x3  }
0x94: {  	_ =	strace s3  }
0x95: {  	s3 =	sld [smem:$0x3FFD];
	_ =	sdelay $0x3  }
0x96: {  	_ =	strace s3  }
0x97: {  	_ =	strace $0x8FFFFFFF  }
0x98: {  	s19 =	sld [smem:$0x3FDB];
	_ =	sdelay $0x1  }
0x99: {  	s4 =	simm.s32 $_scs_section_size  }
0x9a: {  	s5 =	simm.s32 $_size__tile_overlayer_lowered;
	s6 =	simm.s32 $_tile_overlayer_lowered  }
0x9b: {  	s22 =	simm.s32 $0x1BFF;
	s21 =	sshll.u32 s6, $0x1;
	s3 =	sadd.s32 s4, s19  }
0x9c: {  	s7 =	simm.s32 $0x0;
	s20 =	sshll.u32 s5, $0x1;
	s5 =	sadd.s32 s21, s3  }
0x9d: {  	[timem:s7], [sflag:s22] =	dma.local [hbm:s5], s20  }
0x9e: {  	_ =	swait.ge [sflag:s22], s20  }
0x9f: {  	s4 =	ssub.s32 $0x0, s20;
	[sflag:s22] =	ssyncset.done $0x0  }
0xa0: {  	[sflag:s22] =	ssyncadd.s32 s4;
	_ =	sdelay $0x1  }
0xa1: {  	s23 =	simm.s32 $0x1B8B  }
0xa2: {  	_ =	swait.ge [sflag:s23], $0x1  }
0xa3: {  	[sflag:s23] =	ssyncset.done $0x0  }
0xa4: {  	s25 =	simm.s32 $0x1B8E;
	s24 =	sld [smem:$0x3FFE];
	[sflag:s23] =	ssyncadd.s32 $0xFFFFFFFF  }
0xa5: {  	s26 =	simm.s32 $execute0_lowered;
	[smem:$0x3FD2] =	sst s25  }
0xa6: {  	s5 =	sshll.u32 s26, $0x1;
	_ =	strace $0x80000046;
	[dreg:$0x1] =	wrdreg $0xFFFFFFFF  }
0xa7: {  	s28 =	simm.s32 $_size_execute0_lowered;
	s3 =	sadd.s32 s3, s5;
	[dreg:$0x0] =	wrdreg $0x0  }
0xa8: {  	s5 =	sshll.u32 s28, $0x1;
	[dreg:$0x2] =	wrdreg s3  }
0xa9: {  	[dreg:$0x3] =	wrdreg s5  }
0xaa: {  	[dreg:$0x4] =	wrdreg $0xC0  }
0xab: {  	_ =	task [dreg:s7], $0x5FFFF  }
0xac: {  	[dreg:$0x1] =	wrdreg $0xFFFFFFFF  }
0xad: {  	[dreg:$0x0] =	wrdreg $0x60  }
0xae: {  	[dreg:$0x2] =	wrdreg s24  }
0xaf: {  	[dreg:$0x3] =	wrdreg s2  }
0xb0: {  	[dreg:$0x4] =	wrdreg $0x9  }
0xb1: {  	_ =	task.clear_ibuf [dreg:s7], $0x5FFFF;
	_ =	strace $0x90000046  }
0xb2: {  	s29 =	simm.s32 $0x9;
	_ =	strace $0x80000048  }
0xb3: {  	_ =	swait.ge [sflag:s29], $0x1  }
0xb4: {  	[sflag:s29] =	ssyncadd.s32 $0xFFFFFFFF  }
0xb5: {  	_ =	strace $0x90000048  }
0xb6: {  	_ =	sfence  }
0xb7: {  	s30 =	sld [smem:$0x0];
	_ =	sdelay $0x2  }
0xb8: {  	s31 =	sshll.u32 s1, $0xD;
	s1 =	sshrl.u32 s1, $0x2  }
0xb9: {  	s3 =	sand.u32 $0x4000, s31;
	s1 =	sadd.s32 s1, s30  }
0xba: {  	s0 =	sor.u32 s3, s0;
	s1 =	sshll.u32 s1, $0x11  }
0xbb: {  	s0 =	sor.u32 s1, s0  }
0xbc: {  	s0 =	sadd.s32 $0x8F2B, s0  }
0xbd: {  	[sflag:s0] =	ssyncadd.remote.s32 $0x1  }
0xbe: {  	_ =	sfence.sel $0xFFFF  }
0xbf: {  	[dreg:$0x0] =	wrdreg $0xFFFFFFFF;
	(pc) =	sbr.abs _section_cstart, $3  }
0xc0: {  	[dreg:$0x1] =	wrdreg $0xFFFFFFFF  }
0xc1: {  	_ =	task.clear_ibuf [dreg:s7], $0x2FFFF;
	_ =	strace $0x9FFFFFFF  }
0xc2: {  	(tm) =	ssettm $0x7FFFFFFF  }
0xc3: {  	_ =	shalt  }
tec
execute0_lowered:
.L_overlay_start_1:
0x0: {  	(tag) =	ssettag $0x1  }
0x1: {  	s0 =	rddreg [dreg:$0x0]  }
0x2: {  	s2 =	rddreg [dreg:$0x1]  }
0x3: {  	s1 =	simm.s32 $0x0;
	s4 =	srdreg.scid;
	s9 =	stileid.u32  }
0x4: {  	s28 =	simm.s32 $0x8000;
	s29 =	simm.s32 $0x3;
	s30 =	simm.s32 $0x4  }
0x5: {  	[smem:$0x7FF] =	sst s1;
	s3 =	sadd.s32 $0xE00, s0;
	s5 =	sand.u32 $0x1, s4  }
0x6: {  	s4 =	sadd.s32 $0x20E00, s0;
	s7 =	sshll.u32 s9, $0x1;
	s0 =	sadd.s32 $0x40E00, s0  }
0x7: {  	s16 =	sshll.u32 s9, $0x10;
	_ =	strace $0x80000047;
	s6 =	ssub.s32 $0x2, s5  }
0x8: {  	s7 =	sor.u32 s5, s7;
	s5 =	sand.u32 $0xE0000, s16;
	s8 =	sshrl.u32 s6, $0x1  }
0x9: {  	s15 =	sshll.u32 s7, $0x2;
	s10 =	sshll.u32 s7, $0xD;
	s11 =	sshrl.u32 s5, $0x3  }
0xa: {  	s21 =	sshll.u32 s7, $0xE;
	s7 =	sshllo.u32 s7, $0x2;
	s6 =	ssub.s32 s6, s8  }
0xb: {  	s17 =	sor.u32 $0x1, s15;
	s10 =	sadd.s32 s0, s10;
	s19 =	sadd.s32 s4, s11  }
0xc: {  	s20 =	sadd.s32 s3, s11;
	s8 =	sor.u32 $0x2, s15;
	[dreg:$0x3] =	wrdreg s10  }
0xd: {  	s11 =	sadd.s32 s2, s21;
	s24 =	sshll.u32 s7, $0xB;
	[dreg:$0x5] =	wrdreg s19  }
0xe: {  	s7 =	sshll.u32 s7, $0xC;
	s21 =	simm.s32 $0x19000;
	[dreg:$0x6] =	wrdreg s20  }
0xf: {  	s18 =	sshll.u32 s17, $0xB;
	[dreg:$0x7] =	wrdreg s11;
	s26 =	sadd.s32 s2, s7  }
0x10: {  	s9 =	sshll.u32 s17, $0xC;
	s31 =	smax.u32 s6, $0x1;
	[dreg:$0xc] =	wrdreg s26  }
0x11: {  	s22 =	sshll.u32 s8, $0xB;
	s10 =	sadd.s32 s0, s18;
	[dreg:$0xd] =	wrdreg s31  }
0x12: {  	s8 =	sshll.u32 s8, $0xC;
	s9 =	sadd.s32 s2, s9;
	[dreg:$0x4] =	wrdreg s10  }
.Ltmp0:
0x13: {  	s23 =	sadd.s32 s0, s22;
	[dreg:$0x8] =	wrdreg s9;
	(pc) =	sbr.rel .LBB2_1-.Ltmp0, $4  }
0x14: {  	s20 =	simm.s32 $0x18000;
	s0 =	sadd.s32 s0, s24;
	[dreg:$0x9] =	wrdreg s23  }
0x15: {  	s25 =	sadd.s32 s2, s8;
	s24 =	simm.s32 $0x1A000;
	[dreg:$0xa] =	wrdreg s0  }
0x16: {  	s26 =	simm.s32 $0x2;
	s10 =	sor.u32 $0x2000, s5;
	[dreg:$0xb] =	wrdreg s25  }
0x17: {  	v0 =	vimm.f32 $0.0e+00;
	vm0 =	vmxor vm0, vm0;
	s23 =	simm.s32 $0x1;
	s25 =	simm.s32 $0x1B000;
	s0 =	simm.s32 $0x0  }
.LBB2_41:
0x18: {  	_ =	swait.ge [sflag:s23], $0x1000  }
0x19: {  	[sflag:s23] =	ssyncset.done $0x0  }
0x1a: {  	[sflag:s23] =	ssyncadd.s32 $0xFFFFF000  }
0x1b: {  	_ =	swait.ge [sflag:s26], $0x1000  }
0x1c: {  	[sflag:s26] =	ssyncset.done $0x0  }
0x1d: {  	s6 =	simm.s32 $0x6;
	s2 =	rddreg [dreg:$0xb];
	[sflag:s26] =	ssyncadd.s32 $0xFFFFF000  }
0x1e: {  	[hbm4b:s2+s1] =	stream.linear.scatter [tilespmem:s1], [sflag:$0x6], $0x8000, $0x38;
	[tilespmem:$0x1C000] =	vst v63  }
0x1f: {  	_ =	swait.ge [sflag:s6], $0x8000  }
0x20: {  	[sflag:s6] =	ssyncset.done $0x0  }
0x21: {  	s22 =	rddreg [dreg:$0xc];
	[sflag:s6] =	ssyncadd.s32 $0xFFFF8000  }
0x22: {  	[hbm4b:s22+s1] =	stream.linear.scatter [tilespmem:s28], [sflag:$0x6], $0x8000, $0x38;
	[tilespmem:$0x1C000] =	vst v63  }
0x23: {  	_ =	swait.ge [sflag:s6], $0x8000  }
0x24: {  	s0 =	sadd.s32 $0x1, s0;
	s31 =	rddreg [dreg:$0xd]  }
0x25: {  	p0 =	sne.s32 s0, s31  }
.Ltmp1:
0x26: {  	_ = 	snop;
	(pc) =	sbr.rel @!p0 .LBB2_42-.Ltmp1, $3  }
0x27: {  	_ =	sdelay $0x1  }
0x28: {  	[sflag:s6] =	ssyncset.done $0x0  }
0x29: {  	[sflag:s6] =	ssyncadd.s32 $0xFFFF8000  }
.LBB2_1:
0x2a: {  	s2 =	rddreg [dreg:$0x3];
	s6 =	simm.s32 $0x10000  }
0x2b: {  	[tilespmem:s6], [sflag:$0x5] =	stream.linear.gather [hbm4b:s2+s1], $0x4000, $0x38;
	[tilespmem:$0x1C000] =	vst v63  }
0x2c: {  	s18 =	rddreg [dreg:$0x4];
	s19 =	simm.s32 $0x14000  }
0x2d: {  	[tilespmem:s19], [sflag:$0x5] =	stream.linear.gather [hbm4b:s18+s1], $0x4000, $0x38;
	[tilespmem:$0x1C000] =	vst v63  }
0x2e: {  	s22 =	rddreg [dreg:$0x5]  }
0x2f: {  	[tilespmem:s20], [sflag:$0x1] =	stream.linear.gather [hbm4b:s22+s1], $0x1000, $0x38;
	[tilespmem:$0x1C000] =	vst v63  }
0x30: {  	s31 =	rddreg [dreg:$0x6];
	s2 =	simm.s32 $0x0;
	s6 =	simm.s32 $0x100  }
0x31: {  	[tilespmem:s21], [sflag:$0x2] =	stream.linear.gather [hbm4b:s31+s1], $0x1000, $0x38;
	[tilespmem:$0x1C000] =	vst v63  }
.LBB2_2:
0x32: {  	p0 =	sne.s32 s6, $0x1FF00;
	[tilespmem:s2+$0x8030] =	vst v0  }
0x33: {  	[tilespmem:s2+$0x0] =	vst v0  }
0x34: {  	[tilespmem:s2+$0x8000] =	vst v0  }
.Ltmp2:
0x35: {  	[tilespmem:s2+$0x10] =	vst v0;
	(pc) =	sbr.rel @p0 .LBB2_2-.Ltmp2, $4  }
0x36: {  	[tilespmem:s2+$0x8010] =	vst v0  }
0x37: {  	[tilespmem:s2+$0x20] =	vst v0  }
0x38: {  	[tilespmem:s2+$0x8020] =	vst v0  }
0x39: {  	[tilespmem:s2+$0x30] =	vst v0;
	s2 =	sshra.s32 s6, $0x2;
	s6 =	sadd.s32 $0x100, s6  }
0x3a: {  	[tilespmem:s2+$0x8030] =	vst v0  }
0x3b: {  	[tilespmem:s2+$0x0] =	vst v0  }
0x3c: {  	[tilespmem:s2+$0x8000] =	vst v0  }
0x3d: {  	[tilespmem:s2+$0x10] =	vst v0  }
0x3e: {  	[tilespmem:s2+$0x8010] =	vst v0  }
0x3f: {  	[tilespmem:s2+$0x20] =	vst v0  }
0x40: {  	[tilespmem:s2+$0x8020] =	vst v0  }
0x41: {  	[tilespmem:s2+$0x30] =	vst v0;
	s31 =	simm.s32 $0x5  }
0x42: {  	_ =	swait.ge [sflag:s31], $0x4000  }
.Ltmp3:
0x43: {  	[sflag:s31] =	ssyncset.done $0x0;
	(pc) =	sbr.rel .LBB2_4-.Ltmp3, $4  }
0x44: {  	[sflag:s31] =	ssyncadd.s32 $0xFFFFC000  }
0x45: {  	_ =	swait.ge [sflag:s31], $0x4000  }
0x46: {  	s2 =	simm.s32 $0x0;
	p0 =	por $0x0, $0x0;
	[sflag:s31] =	ssyncset.done $0x0  }
0x47: {  	s18 =	simm.s32 $0x0;
	s19 =	simm.s32 $0x0;
	[sflag:s31] =	ssyncadd.s32 $0xFFFFC000  }
.LBB2_20:
0x48: {  	s19 =	sadd.s32 $0x1, s19  }
0x49: {  	p1 =	sne.s32 s19, $0x10  }
.Ltmp4:
0x4a: {  	_ = 	snop;
	(pc) =	sbr.rel @!p1 .LBB2_21-.Ltmp4, $2  }
0x4b: {  	_ =	sdelay $0x2  }
0x4c: {  	p0 =	por !p0, !p0;
	s18 =	sadd.s32 $0x2, s18  }
.LBB2_4:
0x4d: {  	s6 =	sshll.u32 s19, $0xD  }
0x4e: {  	s6 =	sor.u32 s5, s6  }
0x4f: {  	s6 =	sor.u32 $0x1000, s6  }
0x50: {  	s6 =	sshrl.u32 s6, $0x3  }
0x51: {  	s7 =	sadd.s32 s4, s6  }
0x52: {  	[tilespmem:s24], [sflag:$0x3] =	stream.linear.gather [hbm4b:s7+s2], $0x1000, $0x38;
	[tilespmem:$0x1C000] =	vst v63  }
0x53: {  	s31 =	sshll.u32 s18, $0xC;
	s6 =	sadd.s32 s3, s6  }
0x54: {  	[tilespmem:s25], [sflag:$0x4] =	stream.linear.gather [hbm4b:s6+s2], $0x1000, $0x38;
	[tilespmem:$0x1C000] =	vst v63  }
0x55: {  	s15 =	simm.s32 $0x0;
	s16 =	simm.s32 $0x0;
	_ =	swait.ge [sflag:s23], $0x1000  }
.Ltmp5:
0x56: {  	s7 =	simm.s32 $0x1;
	[sflag:s23] =	ssyncset.done $0x0;
	(pc) =	sbr.rel .LBB2_5-.Ltmp5, $4  }
0x57: {  	s8 =	sand.u32 $0x3000, s31;
	s7 =	simm.s32 @!p0 $0x0;
	[sflag:s23] =	ssyncadd.s32 $0xFFFFF000  }
0x58: {  	v1 =	vimm.s32 $0x0;
	v2 =	vimm.f32 $0.0e+00;
	v3 =	vimm.f32 $0.0e+00;
	s11 =	sadd.s32 $0x11000, s8;
	s12 =	sshll.u32 s7, $0xD;
	_ =	swait.ge [sflag:s26], $0x1000  }
0x59: {  	vm1 =	vmmov vm0;
	v8 =	vimm.f32 $0.0e+00;
	v12 =	vimm.f32 $0.0e+00;
	s13 =	sor.u32 $0x14000, s12;
	s14 =	sor.u32 $0x10000, s12;
	[sflag:s26] =	ssyncset.done $0x0  }
0x5a: {  	v6 =	vimm.s32 $0x0;
	s6 =	sadd.s32 $0x15000, s8;
	s7 =	sadd.s32 $0x1020, s8;
	v4 =	vmov s14;
	v5 =	vmov s13;
	[sflag:s26] =	ssyncadd.s32 $0xFFFFF000  }
.LBB2_9:
0x5b: {  	_ =	sdelay $0x3  }
0x5c: {  	v7 =	vld.idx.msk [tilespmem:v6+s1+$0x0], $0xffff  }
0x5d: {  	v9 =	vld.idx.msk [tilespmem:v1+s1+$0x0], $0xffff  }
0x5e: {  	v10 =	vld.idx.msk [tilespmem:v6+s28+$0x0], $0xffff  }
0x5f: {  	v11 =	vld.idx.msk [tilespmem:v1+s28+$0x0], $0xffff;
	s16 =	sadd.s32 $0x100, s16  }
0x60: {  	p1 =	sne.s32 s16, $0x4000  }
.Ltmp6:
0x61: {  	_ = 	snop;
	(pc) =	sbr.rel @!p1 .LBB2_10-.Ltmp6, $4  }
0x62: {  	vm1 =	vgt.f32 v15, v7;
	vm2 =	vgt.f32 v17, v9  }
0x63: {  	vm1 =	vmor vm1, vm2;
	vm2 =	vgt.f32 v18, v10  }
0x64: {  	vm1 =	vmor vm1, vm2;
	vm2 =	vgt.f32 v16, v11  }
0x65: {  	s15 =	sadd.s32 $0x40, s15;
	vm1 =	vmor vm1, vm2  }
.LBB2_5:
0x66: {  	v7 =	vsel vm1, $0x3F800000, v0  }
0x67: {  	(xrf0) =	vmax.scan.msk.f32 $0xffff, v7;
	_ =	sdelay $0x4  }
0x68: {  	s17 =	sshra.s32 s16, $0x2  }
0x69: {  	v11 =	vld [tilespmem:s17+$0x18000];
	v10, _, _ =	vpop (xrf0)  }
0x6a: {  	v7 =	vld [tilespmem:s17+$0x18010];
	(v2sf) =	vpush v10, $0xF  }
0x6b: {  	v9 =	vld [tilespmem:s17+$0x19000]  }
0x6c: {  	s8 =	sadd.s32 s15, s12;
	v15 =	vld [tilespmem:s17+$0x19010]  }
0x6d: {  	v13 =	vld.idx.msk [tilespmem:v5+s17+$0x0 ss:$0x1], $0xffff;
	s9 =	sand.u32 $0x2FC0, s8  }
0x6e: {  	v16 =	vld [tilespmem:s9+$0x10010]  }
0x6f: {  	v10 =	vld.idx.msk [tilespmem:v4+s17+$0x0 ss:$0x1], $0xffff  }
0x70: {  	v17 =	vld [tilespmem:s9+$0x14010]  }
0x71: {  	v18 =	vld.idx.msk [tilespmem:v11+s1+$0x0], $0xffff  }
0x72: {  	v19 =	vld.idx.msk [tilespmem:v7+s1+$0x0], $0xffff  }
0x73: {  	v20 =	vld.idx.msk [tilespmem:v11+s28+$0x0], $0xffff  }
0x74: {  	v21 =	vld.idx.msk [tilespmem:v7+s28+$0x0], $0xffff;
	v14 =	vmul.f32 v10, v9  }
0x75: {  	v10 =	vmul.f32 v16, v15  }
0x76: {  	v13 =	vmul.f32 v13, v9;
	vm1 =	vgt.f32 v14, v18  }
0x77: {  	v9 =	vmul.f32 v17, v15;
	vm2 =	vgt.f32 v10, v19  }
0x78: {  	vm3 =	vgt.f32 v13, v20  }
0x79: {  	vm4 =	vgt.f32 v9, v21;
	s31 =	spop (v2sf)  }
0x7a: {  	p1 =	sgt.f32 s31, $0.0e+00  }
.Ltmp7:
0x7b: {  	v15 =	vmax.f32 v18, v14;
	(pc) =	sbr.rel @!p1 .LBB2_7-.Ltmp7, $4  }
0x7c: {  	v16 =	vmax.f32 v19, v10;
	[tilespmem:v11+s1+$0x0] =	vst.idx.msk vm1, v15  }
0x7d: {  	v17 =	vmax.f32 v20, v13;
	[tilespmem:v7+s1+$0x0] =	vst.idx.msk vm2, v16  }
0x7e: {  	v18 =	vmax.f32 v21, v9;
	[tilespmem:v11+s28+$0x0] =	vst.idx.msk vm3, v17  }
0x7f: {  	s22 =	sadd.s32 s17, s14;
	s9 =	sadd.s32 s17, s13;
	[tilespmem:v7+s28+$0x0] =	vst.idx.msk vm4, v18  }
0x80: {  	_ =	sdelay $0x3  }
0x81: {  	v19 =	vld.idx.msk [tilespmem:v6+s1+$0x0], $0xffff;
	_ =	sdelay $0x4  }
0x82: {  	vm1 =	vgt.f32 v12, v19;
	_ =	sdelay $0x4  }
0x83: {  	v19 =	vmax.f32 v19, v12  }
0x84: {  	[tilespmem:v6+s1+$0x0] =	vst.idx.msk vm1, v19  }
0x85: {  	v19 =	vld.idx.msk [tilespmem:v6+s1+$0x0], $0xffff;
	_ =	sdelay $0x4  }
0x86: {  	vm1 =	vgt.f32 v12, v19;
	_ =	sdelay $0x4  }
0x87: {  	v19 =	vmax.f32 v19, v12  }
0x88: {  	[tilespmem:v6+s1+$0x0] =	vst.idx.msk vm1, v19  }
0x89: {  	v19 =	vld.idx.msk [tilespmem:v6+s1+$0x0], $0xffff;
	_ =	sdelay $0x4  }
0x8a: {  	vm1 =	vgt.f32 v12, v19;
	_ =	sdelay $0x4  }
0x8b: {  	v19 =	vmax.f32 v19, v12  }
0x8c: {  	[tilespmem:v6+s1+$0x0] =	vst.idx.msk vm1, v19  }
0x8d: {  	v19 =	vld.idx.msk [tilespmem:v6+s1+$0x0], $0xffff;
	_ =	sdelay $0x4  }
0x8e: {  	vm1 =	vgt.f32 v12, v19;
	_ =	sdelay $0x4  }
0x8f: {  	v19 =	vmax.f32 v19, v12  }
0x90: {  	[tilespmem:v6+s1+$0x0] =	vst.idx.msk vm1, v19  }
0x91: {  	v19 =	vld.idx.msk [tilespmem:v6+s1+$0x0], $0xffff;
	_ =	sdelay $0x4  }
0x92: {  	vm1 =	vgt.f32 v12, v19;
	_ =	sdelay $0x4  }
0x93: {  	v19 =	vmax.f32 v19, v12  }
0x94: {  	[tilespmem:v6+s1+$0x0] =	vst.idx.msk vm1, v19  }
0x95: {  	v19 =	vld.idx.msk [tilespmem:v6+s1+$0x0], $0xffff;
	_ =	sdelay $0x4  }
0x96: {  	vm1 =	vgt.f32 v12, v19;
	_ =	sdelay $0x4  }
0x97: {  	v19 =	vmax.f32 v19, v12  }
0x98: {  	[tilespmem:v6+s1+$0x0] =	vst.idx.msk vm1, v19  }
0x99: {  	v19 =	vld.idx.msk [tilespmem:v6+s1+$0x0], $0xffff;
	_ =	sdelay $0x4  }
0x9a: {  	vm1 =	vgt.f32 v12, v19;
	_ =	sdelay $0x4  }
0x9b: {  	v19 =	vmax.f32 v19, v12  }
0x9c: {  	[tilespmem:v6+s1+$0x0] =	vst.idx.msk vm1, v19  }
0x9d: {  	v19 =	vld.idx.msk [tilespmem:v6+s1+$0x0], $0xffff;
	_ =	sdelay $0x4  }
0x9e: {  	vm1 =	vgt.f32 v12, v19;
	_ =	sdelay $0x4  }
0x9f: {  	v19 =	vmax.f32 v19, v12  }
0xa0: {  	[tilespmem:v6+s1+$0x0] =	vst.idx.msk vm1, v19  }
0xa1: {  	v19 =	vld.idx.msk [tilespmem:v6+s1+$0x0], $0xffff;
	_ =	sdelay $0x4  }
0xa2: {  	vm1 =	vgt.f32 v12, v19;
	_ =	sdelay $0x4  }
0xa3: {  	v19 =	vmax.f32 v19, v12  }
0xa4: {  	[tilespmem:v6+s1+$0x0] =	vst.idx.msk vm1, v19  }
0xa5: {  	v19 =	vld.idx.msk [tilespmem:v6+s1+$0x0], $0xffff;
	_ =	sdelay $0x4  }
0xa6: {  	vm1 =	vgt.f32 v12, v19;
	_ =	sdelay $0x4  }
0xa7: {  	v19 =	vmax.f32 v19, v12  }
0xa8: {  	[tilespmem:v6+s1+$0x0] =	vst.idx.msk vm1, v19  }
0xa9: {  	v19 =	vld.idx.msk [tilespmem:v6+s1+$0x0], $0xffff;
	_ =	sdelay $0x4  }
0xaa: {  	vm1 =	vgt.f32 v12, v19;
	_ =	sdelay $0x4  }
0xab: {  	v19 =	vmax.f32 v19, v12  }
0xac: {  	[tilespmem:v6+s1+$0x0] =	vst.idx.msk vm1, v19  }
0xad: {  	v19 =	vld.idx.msk [tilespmem:v6+s1+$0x0], $0xffff;
	_ =	sdelay $0x4  }
0xae: {  	vm1 =	vgt.f32 v12, v19;
	_ =	sdelay $0x4  }
0xaf: {  	v19 =	vmax.f32 v19, v12  }
0xb0: {  	[tilespmem:v6+s1+$0x0] =	vst.idx.msk vm1, v19  }
0xb1: {  	v19 =	vld.idx.msk [tilespmem:v6+s1+$0x0], $0xffff;
	_ =	sdelay $0x4  }
0xb2: {  	vm1 =	vgt.f32 v12, v19;
	_ =	sdelay $0x4  }
0xb3: {  	v19 =	vmax.f32 v19, v12  }
0xb4: {  	[tilespmem:v6+s1+$0x0] =	vst.idx.msk vm1, v19  }
0xb5: {  	v19 =	vld.idx.msk [tilespmem:v6+s1+$0x0], $0xffff;
	_ =	sdelay $0x4  }
0xb6: {  	vm1 =	vgt.f32 v12, v19;
	_ =	sdelay $0x4  }
0xb7: {  	v19 =	vmax.f32 v19, v12  }
0xb8: {  	[tilespmem:v6+s1+$0x0] =	vst.idx.msk vm1, v19  }
0xb9: {  	v19 =	vld.idx.msk [tilespmem:v6+s1+$0x0], $0xffff;
	_ =	sdelay $0x4  }
0xba: {  	vm1 =	vgt.f32 v12, v19;
	_ =	sdelay $0x4  }
0xbb: {  	v19 =	vmax.f32 v19, v12  }
0xbc: {  	[tilespmem:v6+s1+$0x0] =	vst.idx.msk vm1, v19  }
0xbd: {  	v19 =	vld.idx.msk [tilespmem:v6+s1+$0x0], $0xffff;
	_ =	sdelay $0x4  }
0xbe: {  	vm1 =	vgt.f32 v12, v19;
	_ =	sdelay $0x4  }
0xbf: {  	v12 =	vmax.f32 v19, v12  }
0xc0: {  	[tilespmem:v6+s1+$0x0] =	vst.idx.msk vm1, v12  }
0xc1: {  	v12 =	vld.idx.msk [tilespmem:v6+s28+$0x0], $0xffff;
	_ =	sdelay $0x4  }
0xc2: {  	vm1 =	vgt.f32 v8, v12;
	_ =	sdelay $0x4  }
0xc3: {  	v12 =	vmax.f32 v12, v8  }
0xc4: {  	[tilespmem:v6+s28+$0x0] =	vst.idx.msk vm1, v12  }
0xc5: {  	v12 =	vld.idx.msk [tilespmem:v6+s28+$0x0], $0xffff;
	_ =	sdelay $0x4  }
0xc6: {  	vm1 =	vgt.f32 v8, v12;
	_ =	sdelay $0x4  }
0xc7: {  	v12 =	vmax.f32 v12, v8  }
0xc8: {  	[tilespmem:v6+s28+$0x0] =	vst.idx.msk vm1, v12  }
0xc9: {  	v12 =	vld.idx.msk [tilespmem:v6+s28+$0x0], $0xffff;
	_ =	sdelay $0x4  }
0xca: {  	vm1 =	vgt.f32 v8, v12;
	_ =	sdelay $0x4  }
0xcb: {  	v12 =	vmax.f32 v12, v8  }
0xcc: {  	[tilespmem:v6+s28+$0x0] =	vst.idx.msk vm1, v12  }
0xcd: {  	v12 =	vld.idx.msk [tilespmem:v6+s28+$0x0], $0xffff;
	_ =	sdelay $0x4  }
0xce: {  	vm1 =	vgt.f32 v8, v12;
	_ =	sdelay $0x4  }
0xcf: {  	v12 =	vmax.f32 v12, v8  }
0xd0: {  	[tilespmem:v6+s28+$0x0] =	vst.idx.msk vm1, v12  }
0xd1: {  	v12 =	vld.idx.msk [tilespmem:v6+s28+$0x0], $0xffff;
	_ =	sdelay $0x4  }
0xd2: {  	vm1 =	vgt.f32 v8, v12;
	_ =	sdelay $0x4  }
0xd3: {  	v12 =	vmax.f32 v12, v8  }
0xd4: {  	[tilespmem:v6+s28+$0x0] =	vst.idx.msk vm1, v12  }
0xd5: {  	v12 =	vld.idx.msk [tilespmem:v6+s28+$0x0], $0xffff;
	_ =	sdelay $0x4  }
0xd6: {  	vm1 =	vgt.f32 v8, v12;
	_ =	sdelay $0x4  }
0xd7: {  	v12 =	vmax.f32 v12, v8  }
0xd8: {  	[tilespmem:v6+s28+$0x0] =	vst.idx.msk vm1, v12  }
0xd9: {  	v12 =	vld.idx.msk [tilespmem:v6+s28+$0x0], $0xffff;
	_ =	sdelay $0x4  }
0xda: {  	vm1 =	vgt.f32 v8, v12;
	_ =	sdelay $0x4  }
0xdb: {  	v12 =	vmax.f32 v12, v8  }
0xdc: {  	[tilespmem:v6+s28+$0x0] =	vst.idx.msk vm1, v12  }
0xdd: {  	v12 =	vld.idx.msk [tilespmem:v6+s28+$0x0], $0xffff;
	_ =	sdelay $0x4  }
0xde: {  	vm1 =	vgt.f32 v8, v12;
	_ =	sdelay $0x4  }
0xdf: {  	v12 =	vmax.f32 v12, v8  }
0xe0: {  	[tilespmem:v6+s28+$0x0] =	vst.idx.msk vm1, v12  }
0xe1: {  	v12 =	vld.idx.msk [tilespmem:v6+s28+$0x0], $0xffff;
	_ =	sdelay $0x4  }
0xe2: {  	vm1 =	vgt.f32 v8, v12;
	_ =	sdelay $0x4  }
0xe3: {  	v12 =	vmax.f32 v12, v8  }
0xe4: {  	[tilespmem:v6+s28+$0x0] =	vst.idx.msk vm1, v12  }
0xe5: {  	v12 =	vld.idx.msk [tilespmem:v6+s28+$0x0], $0xffff;
	_ =	sdelay $0x4  }
0xe6: {  	vm1 =	vgt.f32 v8, v12;
	_ =	sdelay $0x4  }
0xe7: {  	v12 =	vmax.f32 v12, v8  }
0xe8: {  	[tilespmem:v6+s28+$0x0] =	vst.idx.msk vm1, v12  }
0xe9: {  	v12 =	vld.idx.msk [tilespmem:v6+s28+$0x0], $0xffff;
	_ =	sdelay $0x4  }
0xea: {  	vm1 =	vgt.f32 v8, v12;
	_ =	sdelay $0x4  }
0xeb: {  	v12 =	vmax.f32 v12, v8  }
0xec: {  	[tilespmem:v6+s28+$0x0] =	vst.idx.msk vm1, v12  }
0xed: {  	v12 =	vld.idx.msk [tilespmem:v6+s28+$0x0], $0xffff;
	_ =	sdelay $0x4  }
0xee: {  	vm1 =	vgt.f32 v8, v12;
	_ =	sdelay $0x4  }
0xef: {  	v12 =	vmax.f32 v12, v8  }
0xf0: {  	[tilespmem:v6+s28+$0x0] =	vst.idx.msk vm1, v12  }
0xf1: {  	v12 =	vld.idx.msk [tilespmem:v6+s28+$0x0], $0xffff;
	_ =	sdelay $0x4  }
0xf2: {  	vm1 =	vgt.f32 v8, v12;
	_ =	sdelay $0x4  }
0xf3: {  	v12 =	vmax.f32 v12, v8  }
0xf4: {  	[tilespmem:v6+s28+$0x0] =	vst.idx.msk vm1, v12  }
0xf5: {  	v12 =	vld.idx.msk [tilespmem:v6+s28+$0x0], $0xffff;
	_ =	sdelay $0x4  }
0xf6: {  	vm1 =	vgt.f32 v8, v12;
	_ =	sdelay $0x4  }
0xf7: {  	v12 =	vmax.f32 v12, v8  }
0xf8: {  	[tilespmem:v6+s28+$0x0] =	vst.idx.msk vm1, v12  }
0xf9: {  	v12 =	vld.idx.msk [tilespmem:v6+s28+$0x0], $0xffff;
	_ =	sdelay $0x4  }
0xfa: {  	vm1 =	vgt.f32 v8, v12;
	_ =	sdelay $0x4  }
0xfb: {  	v12 =	vmax.f32 v12, v8  }
0xfc: {  	[tilespmem:v6+s28+$0x0] =	vst.idx.msk vm1, v12  }
0xfd: {  	v12 =	vld.idx.msk [tilespmem:v6+s28+$0x0], $0xffff;
	_ =	sdelay $0x4  }
0xfe: {  	vm1 =	vgt.f32 v8, v12;
	_ =	sdelay $0x4  }
0xff: {  	v8 =	vmax.f32 v12, v8  }
0x100: {  	[tilespmem:v6+s28+$0x0] =	vst.idx.msk vm1, v8  }
0x101: {  	v6 =	vld.idx.msk [tilespmem:v1+s1+$0x0], $0xffff;
	_ =	sdelay $0x4  }
0x102: {  	vm1 =	vgt.f32 v3, v6;
	_ =	sdelay $0x4  }
0x103: {  	v6 =	vmax.f32 v6, v3  }
0x104: {  	[tilespmem:v1+s1+$0x0] =	vst.idx.msk vm1, v6  }
0x105: {  	v6 =	vld.idx.msk [tilespmem:v1+s1+$0x0], $0xffff;
	_ =	sdelay $0x4  }
0x106: {  	vm1 =	vgt.f32 v3, v6;
	_ =	sdelay $0x4  }
0x107: {  	v6 =	vmax.f32 v6, v3  }
0x108: {  	[tilespmem:v1+s1+$0x0] =	vst.idx.msk vm1, v6  }
0x109: {  	v6 =	vld.idx.msk [tilespmem:v1+s1+$0x0], $0xffff;
	_ =	sdelay $0x4  }
0x10a: {  	vm1 =	vgt.f32 v3, v6;
	_ =	sdelay $0x4  }
0x10b: {  	v6 =	vmax.f32 v6, v3  }
0x10c: {  	[tilespmem:v1+s1+$0x0] =	vst.idx.msk vm1, v6  }
0x10d: {  	v6 =	vld.idx.msk [tilespmem:v1+s1+$0x0], $0xffff;
	_ =	sdelay $0x4  }
0x10e: {  	vm1 =	vgt.f32 v3, v6;
	_ =	sdelay $0x4  }
0x10f: {  	v6 =	vmax.f32 v6, v3  }
0x110: {  	[tilespmem:v1+s1+$0x0] =	vst.idx.msk vm1, v6  }
0x111: {  	v6 =	vld.idx.msk [tilespmem:v1+s1+$0x0], $0xffff;
	_ =	sdelay $0x4  }
0x112: {  	vm1 =	vgt.f32 v3, v6;
	_ =	sdelay $0x4  }
0x113: {  	v6 =	vmax.f32 v6, v3  }
0x114: {  	[tilespmem:v1+s1+$0x0] =	vst.idx.msk vm1, v6  }
0x115: {  	v6 =	vld.idx.msk [tilespmem:v1+s1+$0x0], $0xffff;
	_ =	sdelay $0x4  }
0x116: {  	vm1 =	vgt.f32 v3, v6;
	_ =	sdelay $0x4  }
0x117: {  	v6 =	vmax.f32 v6, v3  }
0x118: {  	[tilespmem:v1+s1+$0x0] =	vst.idx.msk vm1, v6  }
0x119: {  	v6 =	vld.idx.msk [tilespmem:v1+s1+$0x0], $0xffff;
	_ =	sdelay $0x4  }
0x11a: {  	vm1 =	vgt.f32 v3, v6;
	_ =	sdelay $0x4  }
0x11b: {  	v6 =	vmax.f32 v6, v3  }
0x11c: {  	[tilespmem:v1+s1+$0x0] =	vst.idx.msk vm1, v6  }
0x11d: {  	v6 =	vld.idx.msk [tilespmem:v1+s1+$0x0], $0xffff;
	_ =	sdelay $0x4  }
0x11e: {  	vm1 =	vgt.f32 v3, v6;
	_ =	sdelay $0x4  }
0x11f: {  	v6 =	vmax.f32 v6, v3  }
0x120: {  	[tilespmem:v1+s1+$0x0] =	vst.idx.msk vm1, v6  }
0x121: {  	v6 =	vld.idx.msk [tilespmem:v1+s1+$0x0], $0xffff;
	_ =	sdelay $0x4  }
0x122: {  	vm1 =	vgt.f32 v3, v6;
	_ =	sdelay $0x4  }
0x123: {  	v6 =	vmax.f32 v6, v3  }
0x124: {  	[tilespmem:v1+s1+$0x0] =	vst.idx.msk vm1, v6  }
0x125: {  	v6 =	vld.idx.msk [tilespmem:v1+s1+$0x0], $0xffff;
	_ =	sdelay $0x4  }
0x126: {  	vm1 =	vgt.f32 v3, v6;
	_ =	sdelay $0x4  }
0x127: {  	v6 =	vmax.f32 v6, v3  }
0x128: {  	[tilespmem:v1+s1+$0x0] =	vst.idx.msk vm1, v6  }
0x129: {  	v6 =	vld.idx.msk [tilespmem:v1+s1+$0x0], $0xffff;
	_ =	sdelay $0x4  }
0x12a: {  	vm1 =	vgt.f32 v3, v6;
	_ =	sdelay $0x4  }
0x12b: {  	v6 =	vmax.f32 v6, v3  }
0x12c: {  	[tilespmem:v1+s1+$0x0] =	vst.idx.msk vm1, v6  }
0x12d: {  	v6 =	vld.idx.msk [tilespmem:v1+s1+$0x0], $0xffff;
	_ =	sdelay $0x4  }
0x12e: {  	vm1 =	vgt.f32 v3, v6;
	_ =	sdelay $0x4  }
0x12f: {  	v6 =	vmax.f32 v6, v3  }
0x130: {  	[tilespmem:v1+s1+$0x0] =	vst.idx.msk vm1, v6  }
0x131: {  	v6 =	vld.idx.msk [tilespmem:v1+s1+$0x0], $0xffff;
	_ =	sdelay $0x4  }
0x132: {  	vm1 =	vgt.f32 v3, v6;
	_ =	sdelay $0x4  }
0x133: {  	v6 =	vmax.f32 v6, v3  }
0x134: {  	[tilespmem:v1+s1+$0x0] =	vst.idx.msk vm1, v6  }
0x135: {  	v6 =	vld.idx.msk [tilespmem:v1+s1+$0x0], $0xffff;
	_ =	sdelay $0x4  }
0x136: {  	vm1 =	vgt.f32 v3, v6;
	_ =	sdelay $0x4  }
0x137: {  	v6 =	vmax.f32 v6, v3  }
0x138: {  	[tilespmem:v1+s1+$0x0] =	vst.idx.msk vm1, v6  }
0x139: {  	v6 =	vld.idx.msk [tilespmem:v1+s1+$0x0], $0xffff;
	_ =	sdelay $0x4  }
0x13a: {  	vm1 =	vgt.f32 v3, v6;
	_ =	sdelay $0x4  }
0x13b: {  	v6 =	vmax.f32 v6, v3  }
0x13c: {  	[tilespmem:v1+s1+$0x0] =	vst.idx.msk vm1, v6  }
0x13d: {  	v6 =	vld.idx.msk [tilespmem:v1+s1+$0x0], $0xffff;
	_ =	sdelay $0x4  }
0x13e: {  	vm1 =	vgt.f32 v3, v6;
	_ =	sdelay $0x4  }
0x13f: {  	v3 =	vmax.f32 v6, v3  }
0x140: {  	[tilespmem:v1+s1+$0x0] =	vst.idx.msk vm1, v3  }
0x141: {  	v3 =	vld.idx.msk [tilespmem:v1+s28+$0x0], $0xffff;
	_ =	sdelay $0x4  }
0x142: {  	vm1 =	vgt.f32 v2, v3;
	_ =	sdelay $0x4  }
0x143: {  	v3 =	vmax.f32 v3, v2  }
0x144: {  	[tilespmem:v1+s28+$0x0] =	vst.idx.msk vm1, v3  }
0x145: {  	v3 =	vld.idx.msk [tilespmem:v1+s28+$0x0], $0xffff;
	_ =	sdelay $0x4  }
0x146: {  	vm1 =	vgt.f32 v2, v3;
	_ =	sdelay $0x4  }
0x147: {  	v3 =	vmax.f32 v3, v2  }
0x148: {  	[tilespmem:v1+s28+$0x0] =	vst.idx.msk vm1, v3  }
0x149: {  	v3 =	vld.idx.msk [tilespmem:v1+s28+$0x0], $0xffff;
	_ =	sdelay $0x4  }
0x14a: {  	vm1 =	vgt.f32 v2, v3;
	_ =	sdelay $0x4  }
0x14b: {  	v3 =	vmax.f32 v3, v2  }
0x14c: {  	[tilespmem:v1+s28+$0x0] =	vst.idx.msk vm1, v3  }
0x14d: {  	v3 =	vld.idx.msk [tilespmem:v1+s28+$0x0], $0xffff;
	_ =	sdelay $0x4  }
0x14e: {  	vm1 =	vgt.f32 v2, v3;
	_ =	sdelay $0x4  }
0x14f: {  	v3 =	vmax.f32 v3, v2  }
0x150: {  	[tilespmem:v1+s28+$0x0] =	vst.idx.msk vm1, v3  }
0x151: {  	v3 =	vld.idx.msk [tilespmem:v1+s28+$0x0], $0xffff;
	_ =	sdelay $0x4  }
0x152: {  	vm1 =	vgt.f32 v2, v3;
	_ =	sdelay $0x4  }
0x153: {  	v3 =	vmax.f32 v3, v2  }
0x154: {  	[tilespmem:v1+s28+$0x0] =	vst.idx.msk vm1, v3  }
0x155: {  	v3 =	vld.idx.msk [tilespmem:v1+s28+$0x0], $0xffff;
	_ =	sdelay $0x4  }
0x156: {  	vm1 =	vgt.f32 v2, v3;
	_ =	sdelay $0x4  }
0x157: {  	v3 =	vmax.f32 v3, v2  }
0x158: {  	[tilespmem:v1+s28+$0x0] =	vst.idx.msk vm1, v3  }
0x159: {  	v3 =	vld.idx.msk [tilespmem:v1+s28+$0x0], $0xffff;
	_ =	sdelay $0x4  }
0x15a: {  	vm1 =	vgt.f32 v2, v3;
	_ =	sdelay $0x4  }
0x15b: {  	v3 =	vmax.f32 v3, v2  }
0x15c: {  	[tilespmem:v1+s28+$0x0] =	vst.idx.msk vm1, v3  }
0x15d: {  	v3 =	vld.idx.msk [tilespmem:v1+s28+$0x0], $0xffff;
	_ =	sdelay $0x4  }
0x15e: {  	vm1 =	vgt.f32 v2, v3;
	_ =	sdelay $0x4  }
0x15f: {  	v3 =	vmax.f32 v3, v2  }
0x160: {  	[tilespmem:v1+s28+$0x0] =	vst.idx.msk vm1, v3  }
0x161: {  	v3 =	vld.idx.msk [tilespmem:v1+s28+$0x0], $0xffff;
	_ =	sdelay $0x4  }
0x162: {  	vm1 =	vgt.f32 v2, v3;
	_ =	sdelay $0x4  }
0x163: {  	v3 =	vmax.f32 v3, v2  }
0x164: {  	[tilespmem:v1+s28+$0x0] =	vst.idx.msk vm1, v3  }
0x165: {  	v3 =	vld.idx.msk [tilespmem:v1+s28+$0x0], $0xffff;
	_ =	sdelay $0x4  }
0x166: {  	vm1 =	vgt.f32 v2, v3;
	_ =	sdelay $0x4  }
0x167: {  	v3 =	vmax.f32 v3, v2  }
0x168: {  	[tilespmem:v1+s28+$0x0] =	vst.idx.msk vm1, v3  }
0x169: {  	v3 =	vld.idx.msk [tilespmem:v1+s28+$0x0], $0xffff;
	_ =	sdelay $0x4  }
0x16a: {  	vm1 =	vgt.f32 v2, v3;
	_ =	sdelay $0x4  }
0x16b: {  	v3 =	vmax.f32 v3, v2  }
0x16c: {  	[tilespmem:v1+s28+$0x0] =	vst.idx.msk vm1, v3  }
0x16d: {  	v3 =	vld.idx.msk [tilespmem:v1+s28+$0x0], $0xffff;
	_ =	sdelay $0x4  }
0x16e: {  	vm1 =	vgt.f32 v2, v3;
	_ =	sdelay $0x4  }
0x16f: {  	v3 =	vmax.f32 v3, v2  }
0x170: {  	[tilespmem:v1+s28+$0x0] =	vst.idx.msk vm1, v3  }
0x171: {  	v3 =	vld.idx.msk [tilespmem:v1+s28+$0x0], $0xffff;
	_ =	sdelay $0x4  }
0x172: {  	vm1 =	vgt.f32 v2, v3;
	_ =	sdelay $0x4  }
0x173: {  	v3 =	vmax.f32 v3, v2  }
0x174: {  	[tilespmem:v1+s28+$0x0] =	vst.idx.msk vm1, v3  }
0x175: {  	v3 =	vld.idx.msk [tilespmem:v1+s28+$0x0], $0xffff;
	_ =	sdelay $0x4  }
0x176: {  	vm1 =	vgt.f32 v2, v3;
	_ =	sdelay $0x4  }
0x177: {  	v3 =	vmax.f32 v3, v2  }
0x178: {  	[tilespmem:v1+s28+$0x0] =	vst.idx.msk vm1, v3  }
0x179: {  	v3 =	vld.idx.msk [tilespmem:v1+s28+$0x0], $0xffff;
	_ =	sdelay $0x4  }
0x17a: {  	vm1 =	vgt.f32 v2, v3;
	_ =	sdelay $0x4  }
0x17b: {  	v3 =	vmax.f32 v3, v2  }
0x17c: {  	[tilespmem:v1+s28+$0x0] =	vst.idx.msk vm1, v3  }
0x17d: {  	v3 =	vld.idx.msk [tilespmem:v1+s28+$0x0], $0xffff;
	_ =	sdelay $0x4  }
0x17e: {  	vm1 =	vgt.f32 v2, v3;
	_ =	sdelay $0x4  }
0x17f: {  	v2 =	vmax.f32 v3, v2  }
0x180: {  	[tilespmem:v1+s28+$0x0] =	vst.idx.msk vm1, v2  }
.LBB2_7:
0x181: {  	_ =	sdelay $0x3  }
0x182: {  	v1 =	vld.idx.msk [tilespmem:v11+s1+$0x0], $0xffff  }
0x183: {  	v2 =	vld.idx.msk [tilespmem:v7+s1+$0x0], $0xffff  }
0x184: {  	v3 =	vld.idx.msk [tilespmem:v11+s28+$0x0], $0xffff  }
0x185: {  	v6 =	vld.idx.msk [tilespmem:v7+s28+$0x0], $0xffff;
	_ =	sdelay $0x2  }
0x186: {  	vm1 =	vgt.f32 v15, v1;
	vm2 =	vgt.f32 v16, v2  }
0x187: {  	vm1 =	vmor vm1, vm2;
	vm2 =	vgt.f32 v17, v3  }
0x188: {  	vm1 =	vmor vm1, vm2;
	vm2 =	vgt.f32 v18, v6  }
0x189: {  	vm1 =	vmor vm1, vm2  }
0x18a: {  	v1 =	vsel vm1, $0x3F800000, v0  }
0x18b: {  	(xrf0) =	vmax.scan.msk.f32 $0xffff, v1;
	_ =	sdelay $0x2  }
0x18c: {  	v6 =	vld [tilespmem:s17+$0x18020];
	_ =	sdelay $0x2  }
0x18d: {  	v3, _, _ =	vpop (xrf0)  }
0x18e: {  	v1 =	vld [tilespmem:s17+$0x18030];
	(v2sf) =	vpush v3, $0xF  }
0x18f: {  	v8 =	vld [tilespmem:s9+$0x20]  }
0x190: {  	s8 =	sadd.s32 $0x20, s8;
	v2 =	vld [tilespmem:s17+$0x19020]  }
0x191: {  	s31 =	sand.u32 $0x40, s15;
	s8 =	sand.u32 $0x2F80, s8;
	v15 =	vld [tilespmem:s17+$0x19030]  }
0x192: {  	s8 =	sor.u32 s8, s31;
	v18 =	vld.idx.msk [tilespmem:v6+s1+$0x0], $0xffff  }
0x193: {  	v3 =	vld [tilespmem:s22+$0x20];
	s22 =	sor.u32 $0x10030, s8  }
0x194: {  	s8 =	sor.u32 $0x14030, s8;
	v16 =	vld [tilespmem:s22+$0x0]  }
0x195: {  	v17 =	vld [tilespmem:s8+$0x0]  }
0x196: {  	v19 =	vld.idx.msk [tilespmem:v1+s1+$0x0], $0xffff  }
0x197: {  	v20 =	vld.idx.msk [tilespmem:v6+s28+$0x0], $0xffff  }
0x198: {  	v21 =	vld.idx.msk [tilespmem:v1+s28+$0x0], $0xffff;
	v12 =	vmul.f32 v3, v2  }
0x199: {  	v3 =	vmul.f32 v16, v15  }
0x19a: {  	v8 =	vmul.f32 v8, v2;
	vm1 =	vgt.f32 v12, v18  }
0x19b: {  	v2 =	vmul.f32 v17, v15;
	vm2 =	vgt.f32 v3, v19  }
0x19c: {  	vm3 =	vgt.f32 v8, v20  }
0x19d: {  	vm4 =	vgt.f32 v2, v21;
	s31 =	spop (v2sf)  }
0x19e: {  	p1 =	sgt.f32 s31, $0.0e+00  }
.Ltmp8:
0x19f: {  	v15 =	vmax.f32 v18, v12;
	(pc) =	sbr.rel @!p1 .LBB2_9-.Ltmp8, $4  }
0x1a0: {  	v17 =	vmax.f32 v19, v3;
	[tilespmem:v6+s1+$0x0] =	vst.idx.msk vm1, v15  }
0x1a1: {  	v18 =	vmax.f32 v20, v8;
	[tilespmem:v1+s1+$0x0] =	vst.idx.msk vm2, v17  }
0x1a2: {  	v16 =	vmax.f32 v21, v2;
	[tilespmem:v6+s28+$0x0] =	vst.idx.msk vm3, v18  }
0x1a3: {  	[tilespmem:v1+s28+$0x0] =	vst.idx.msk vm4, v16  }
0x1a4: {  	_ =	sdelay $0x3  }
0x1a5: {  	v19 =	vld.idx.msk [tilespmem:v11+s1+$0x0], $0xffff;
	_ =	sdelay $0x4  }
0x1a6: {  	vm1 =	vgt.f32 v14, v19;
	_ =	sdelay $0x4  }
0x1a7: {  	v19 =	vmax.f32 v19, v14  }
0x1a8: {  	[tilespmem:v11+s1+$0x0] =	vst.idx.msk vm1, v19  }
0x1a9: {  	v19 =	vld.idx.msk [tilespmem:v11+s1+$0x0], $0xffff;
	_ =	sdelay $0x4  }
0x1aa: {  	vm1 =	vgt.f32 v14, v19;
	_ =	sdelay $0x4  }
0x1ab: {  	v19 =	vmax.f32 v19, v14  }
0x1ac: {  	[tilespmem:v11+s1+$0x0] =	vst.idx.msk vm1, v19  }
0x1ad: {  	v19 =	vld.idx.msk [tilespmem:v11+s1+$0x0], $0xffff;
	_ =	sdelay $0x4  }
0x1ae: {  	vm1 =	vgt.f32 v14, v19;
	_ =	sdelay $0x4  }
0x1af: {  	v19 =	vmax.f32 v19, v14  }
0x1b0: {  	[tilespmem:v11+s1+$0x0] =	vst.idx.msk vm1, v19  }
0x1b1: {  	v19 =	vld.idx.msk [tilespmem:v11+s1+$0x0], $0xffff;
	_ =	sdelay $0x4  }
0x1b2: {  	vm1 =	vgt.f32 v14, v19;
	_ =	sdelay $0x4  }
0x1b3: {  	v19 =	vmax.f32 v19, v14  }
0x1b4: {  	[tilespmem:v11+s1+$0x0] =	vst.idx.msk vm1, v19  }
0x1b5: {  	v19 =	vld.idx.msk [tilespmem:v11+s1+$0x0], $0xffff;
	_ =	sdelay $0x4  }
0x1b6: {  	vm1 =	vgt.f32 v14, v19;
	_ =	sdelay $0x4  }
0x1b7: {  	v19 =	vmax.f32 v19, v14  }
0x1b8: {  	[tilespmem:v11+s1+$0x0] =	vst.idx.msk vm1, v19  }
0x1b9: {  	v19 =	vld.idx.msk [tilespmem:v11+s1+$0x0], $0xffff;
	_ =	sdelay $0x4  }
0x1ba: {  	vm1 =	vgt.f32 v14, v19;
	_ =	sdelay $0x4  }
0x1bb: {  	v19 =	vmax.f32 v19, v14  }
0x1bc: {  	[tilespmem:v11+s1+$0x0] =	vst.idx.msk vm1, v19  }
0x1bd: {  	v19 =	vld.idx.msk [tilespmem:v11+s1+$0x0], $0xffff;
	_ =	sdelay $0x4  }
0x1be: {  	vm1 =	vgt.f32 v14, v19;
	_ =	sdelay $0x4  }
0x1bf: {  	v19 =	vmax.f32 v19, v14  }
0x1c0: {  	[tilespmem:v11+s1+$0x0] =	vst.idx.msk vm1, v19  }
0x1c1: {  	v19 =	vld.idx.msk [tilespmem:v11+s1+$0x0], $0xffff;
	_ =	sdelay $0x4  }
0x1c2: {  	vm1 =	vgt.f32 v14, v19;
	_ =	sdelay $0x4  }
0x1c3: {  	v19 =	vmax.f32 v19, v14  }
0x1c4: {  	[tilespmem:v11+s1+$0x0] =	vst.idx.msk vm1, v19  }
0x1c5: {  	v19 =	vld.idx.msk [tilespmem:v11+s1+$0x0], $0xffff;
	_ =	sdelay $0x4  }
0x1c6: {  	vm1 =	vgt.f32 v14, v19;
	_ =	sdelay $0x4  }
0x1c7: {  	v19 =	vmax.f32 v19, v14  }
0x1c8: {  	[tilespmem:v11+s1+$0x0] =	vst.idx.msk vm1, v19  }
0x1c9: {  	v19 =	vld.idx.msk [tilespmem:v11+s1+$0x0], $0xffff;
	_ =	sdelay $0x4  }
0x1ca: {  	vm1 =	vgt.f32 v14, v19;
	_ =	sdelay $0x4  }
0x1cb: {  	v19 =	vmax.f32 v19, v14  }
0x1cc: {  	[tilespmem:v11+s1+$0x0] =	vst.idx.msk vm1, v19  }
0x1cd: {  	v19 =	vld.idx.msk [tilespmem:v11+s1+$0x0], $0xffff;
	_ =	sdelay $0x4  }
0x1ce: {  	vm1 =	vgt.f32 v14, v19;
	_ =	sdelay $0x4  }
0x1cf: {  	v19 =	vmax.f32 v19, v14  }
0x1d0: {  	[tilespmem:v11+s1+$0x0] =	vst.idx.msk vm1, v19  }
0x1d1: {  	v19 =	vld.idx.msk [tilespmem:v11+s1+$0x0], $0xffff;
	_ =	sdelay $0x4  }
0x1d2: {  	vm1 =	vgt.f32 v14, v19;
	_ =	sdelay $0x4  }
0x1d3: {  	v19 =	vmax.f32 v19, v14  }
0x1d4: {  	[tilespmem:v11+s1+$0x0] =	vst.idx.msk vm1, v19  }
0x1d5: {  	v19 =	vld.idx.msk [tilespmem:v11+s1+$0x0], $0xffff;
	_ =	sdelay $0x4  }
0x1d6: {  	vm1 =	vgt.f32 v14, v19;
	_ =	sdelay $0x4  }
0x1d7: {  	v19 =	vmax.f32 v19, v14  }
0x1d8: {  	[tilespmem:v11+s1+$0x0] =	vst.idx.msk vm1, v19  }
0x1d9: {  	v19 =	vld.idx.msk [tilespmem:v11+s1+$0x0], $0xffff;
	_ =	sdelay $0x4  }
0x1da: {  	vm1 =	vgt.f32 v14, v19;
	_ =	sdelay $0x4  }
0x1db: {  	v19 =	vmax.f32 v19, v14  }
0x1dc: {  	[tilespmem:v11+s1+$0x0] =	vst.idx.msk vm1, v19  }
0x1dd: {  	v19 =	vld.idx.msk [tilespmem:v11+s1+$0x0], $0xffff;
	_ =	sdelay $0x4  }
0x1de: {  	vm1 =	vgt.f32 v14, v19;
	_ =	sdelay $0x4  }
0x1df: {  	v19 =	vmax.f32 v19, v14  }
0x1e0: {  	[tilespmem:v11+s1+$0x0] =	vst.idx.msk vm1, v19  }
0x1e1: {  	v19 =	vld.idx.msk [tilespmem:v11+s1+$0x0], $0xffff;
	_ =	sdelay $0x4  }
0x1e2: {  	vm1 =	vgt.f32 v14, v19;
	_ =	sdelay $0x4  }
0x1e3: {  	v14 =	vmax.f32 v19, v14  }
0x1e4: {  	[tilespmem:v11+s1+$0x0] =	vst.idx.msk vm1, v14  }
0x1e5: {  	v14 =	vld.idx.msk [tilespmem:v11+s28+$0x0], $0xffff;
	_ =	sdelay $0x4  }
0x1e6: {  	vm1 =	vgt.f32 v13, v14;
	_ =	sdelay $0x4  }
0x1e7: {  	v14 =	vmax.f32 v14, v13  }
0x1e8: {  	[tilespmem:v11+s28+$0x0] =	vst.idx.msk vm1, v14  }
0x1e9: {  	v14 =	vld.idx.msk [tilespmem:v11+s28+$0x0], $0xffff;
	_ =	sdelay $0x4  }
0x1ea: {  	vm1 =	vgt.f32 v13, v14;
	_ =	sdelay $0x4  }
0x1eb: {  	v14 =	vmax.f32 v14, v13  }
0x1ec: {  	[tilespmem:v11+s28+$0x0] =	vst.idx.msk vm1, v14  }
0x1ed: {  	v14 =	vld.idx.msk [tilespmem:v11+s28+$0x0], $0xffff;
	_ =	sdelay $0x4  }
0x1ee: {  	vm1 =	vgt.f32 v13, v14;
	_ =	sdelay $0x4  }
0x1ef: {  	v14 =	vmax.f32 v14, v13  }
0x1f0: {  	[tilespmem:v11+s28+$0x0] =	vst.idx.msk vm1, v14  }
0x1f1: {  	v14 =	vld.idx.msk [tilespmem:v11+s28+$0x0], $0xffff;
	_ =	sdelay $0x4  }
0x1f2: {  	vm1 =	vgt.f32 v13, v14;
	_ =	sdelay $0x4  }
0x1f3: {  	v14 =	vmax.f32 v14, v13  }
0x1f4: {  	[tilespmem:v11+s28+$0x0] =	vst.idx.msk vm1, v14  }
0x1f5: {  	v14 =	vld.idx.msk [tilespmem:v11+s28+$0x0], $0xffff;
	_ =	sdelay $0x4  }
0x1f6: {  	vm1 =	vgt.f32 v13, v14;
	_ =	sdelay $0x4  }
0x1f7: {  	v14 =	vmax.f32 v14, v13  }
0x1f8: {  	[tilespmem:v11+s28+$0x0] =	vst.idx.msk vm1, v14  }
0x1f9: {  	v14 =	vld.idx.msk [tilespmem:v11+s28+$0x0], $0xffff;
	_ =	sdelay $0x4  }
0x1fa: {  	vm1 =	vgt.f32 v13, v14;
	_ =	sdelay $0x4  }
0x1fb: {  	v14 =	vmax.f32 v14, v13  }
0x1fc: {  	[tilespmem:v11+s28+$0x0] =	vst.idx.msk vm1, v14  }
0x1fd: {  	v14 =	vld.idx.msk [tilespmem:v11+s28+$0x0], $0xffff;
	_ =	sdelay $0x4  }
0x1fe: {  	vm1 =	vgt.f32 v13, v14;
	_ =	sdelay $0x4  }
0x1ff: {  	v14 =	vmax.f32 v14, v13  }
0x200: {  	[tilespmem:v11+s28+$0x0] =	vst.idx.msk vm1, v14  }
0x201: {  	v14 =	vld.idx.msk [tilespmem:v11+s28+$0x0], $0xffff;
	_ =	sdelay $0x4  }
0x202: {  	vm1 =	vgt.f32 v13, v14;
	_ =	sdelay $0x4  }
0x203: {  	v14 =	vmax.f32 v14, v13  }
0x204: {  	[tilespmem:v11+s28+$0x0] =	vst.idx.msk vm1, v14  }
0x205: {  	v14 =	vld.idx.msk [tilespmem:v11+s28+$0x0], $0xffff;
	_ =	sdelay $0x4  }
0x206: {  	vm1 =	vgt.f32 v13, v14;
	_ =	sdelay $0x4  }
0x207: {  	v14 =	vmax.f32 v14, v13  }
0x208: {  	[tilespmem:v11+s28+$0x0] =	vst.idx.msk vm1, v14  }
0x209: {  	v14 =	vld.idx.msk [tilespmem:v11+s28+$0x0], $0xffff;
	_ =	sdelay $0x4  }
0x20a: {  	vm1 =	vgt.f32 v13, v14;
	_ =	sdelay $0x4  }
0x20b: {  	v14 =	vmax.f32 v14, v13  }
0x20c: {  	[tilespmem:v11+s28+$0x0] =	vst.idx.msk vm1, v14  }
0x20d: {  	v14 =	vld.idx.msk [tilespmem:v11+s28+$0x0], $0xffff;
	_ =	sdelay $0x4  }
0x20e: {  	vm1 =	vgt.f32 v13, v14;
	_ =	sdelay $0x4  }
0x20f: {  	v14 =	vmax.f32 v14, v13  }
0x210: {  	[tilespmem:v11+s28+$0x0] =	vst.idx.msk vm1, v14  }
0x211: {  	v14 =	vld.idx.msk [tilespmem:v11+s28+$0x0], $0xffff;
	_ =	sdelay $0x4  }
0x212: {  	vm1 =	vgt.f32 v13, v14;
	_ =	sdelay $0x4  }
0x213: {  	v14 =	vmax.f32 v14, v13  }
0x214: {  	[tilespmem:v11+s28+$0x0] =	vst.idx.msk vm1, v14  }
0x215: {  	v14 =	vld.idx.msk [tilespmem:v11+s28+$0x0], $0xffff;
	_ =	sdelay $0x4  }
0x216: {  	vm1 =	vgt.f32 v13, v14;
	_ =	sdelay $0x4  }
0x217: {  	v14 =	vmax.f32 v14, v13  }
0x218: {  	[tilespmem:v11+s28+$0x0] =	vst.idx.msk vm1, v14  }
0x219: {  	v14 =	vld.idx.msk [tilespmem:v11+s28+$0x0], $0xffff;
	_ =	sdelay $0x4  }
0x21a: {  	vm1 =	vgt.f32 v13, v14;
	_ =	sdelay $0x4  }
0x21b: {  	v14 =	vmax.f32 v14, v13  }
0x21c: {  	[tilespmem:v11+s28+$0x0] =	vst.idx.msk vm1, v14  }
0x21d: {  	v14 =	vld.idx.msk [tilespmem:v11+s28+$0x0], $0xffff;
	_ =	sdelay $0x4  }
0x21e: {  	vm1 =	vgt.f32 v13, v14;
	_ =	sdelay $0x4  }
0x21f: {  	v14 =	vmax.f32 v14, v13  }
0x220: {  	[tilespmem:v11+s28+$0x0] =	vst.idx.msk vm1, v14  }
0x221: {  	v14 =	vld.idx.msk [tilespmem:v11+s28+$0x0], $0xffff;
	_ =	sdelay $0x4  }
0x222: {  	vm1 =	vgt.f32 v13, v14;
	_ =	sdelay $0x4  }
0x223: {  	v13 =	vmax.f32 v14, v13  }
0x224: {  	[tilespmem:v11+s28+$0x0] =	vst.idx.msk vm1, v13  }
0x225: {  	v11 =	vld.idx.msk [tilespmem:v7+s1+$0x0], $0xffff;
	_ =	sdelay $0x4  }
0x226: {  	vm1 =	vgt.f32 v10, v11;
	_ =	sdelay $0x4  }
0x227: {  	v11 =	vmax.f32 v11, v10  }
0x228: {  	[tilespmem:v7+s1+$0x0] =	vst.idx.msk vm1, v11  }
0x229: {  	v11 =	vld.idx.msk [tilespmem:v7+s1+$0x0], $0xffff;
	_ =	sdelay $0x4  }
0x22a: {  	vm1 =	vgt.f32 v10, v11;
	_ =	sdelay $0x4  }
0x22b: {  	v11 =	vmax.f32 v11, v10  }
0x22c: {  	[tilespmem:v7+s1+$0x0] =	vst.idx.msk vm1, v11  }
0x22d: {  	v11 =	vld.idx.msk [tilespmem:v7+s1+$0x0], $0xffff;
	_ =	sdelay $0x4  }
0x22e: {  	vm1 =	vgt.f32 v10, v11;
	_ =	sdelay $0x4  }
0x22f: {  	v11 =	vmax.f32 v11, v10  }
0x230: {  	[tilespmem:v7+s1+$0x0] =	vst.idx.msk vm1, v11  }
0x231: {  	v11 =	vld.idx.msk [tilespmem:v7+s1+$0x0], $0xffff;
	_ =	sdelay $0x4  }
0x232: {  	vm1 =	vgt.f32 v10, v11;
	_ =	sdelay $0x4  }
0x233: {  	v11 =	vmax.f32 v11, v10  }
0x234: {  	[tilespmem:v7+s1+$0x0] =	vst.idx.msk vm1, v11  }
0x235: {  	v11 =	vld.idx.msk [tilespmem:v7+s1+$0x0], $0xffff;
	_ =	sdelay $0x4  }
0x236: {  	vm1 =	vgt.f32 v10, v11;
	_ =	sdelay $0x4  }
0x237: {  	v11 =	vmax.f32 v11, v10  }
0x238: {  	[tilespmem:v7+s1+$0x0] =	vst.idx.msk vm1, v11  }
0x239: {  	v11 =	vld.idx.msk [tilespmem:v7+s1+$0x0], $0xffff;
	_ =	sdelay $0x4  }
0x23a: {  	vm1 =	vgt.f32 v10, v11;
	_ =	sdelay $0x4  }
0x23b: {  	v11 =	vmax.f32 v11, v10  }
0x23c: {  	[tilespmem:v7+s1+$0x0] =	vst.idx.msk vm1, v11  }
0x23d: {  	v11 =	vld.idx.msk [tilespmem:v7+s1+$0x0], $0xffff;
	_ =	sdelay $0x4  }
0x23e: {  	vm1 =	vgt.f32 v10, v11;
	_ =	sdelay $0x4  }
0x23f: {  	v11 =	vmax.f32 v11, v10  }
0x240: {  	[tilespmem:v7+s1+$0x0] =	vst.idx.msk vm1, v11  }
0x241: {  	v11 =	vld.idx.msk [tilespmem:v7+s1+$0x0], $0xffff;
	_ =	sdelay $0x4  }
0x242: {  	vm1 =	vgt.f32 v10, v11;
	_ =	sdelay $0x4  }
0x243: {  	v11 =	vmax.f32 v11, v10  }
0x244: {  	[tilespmem:v7+s1+$0x0] =	vst.idx.msk vm1, v11  }
0x245: {  	v11 =	vld.idx.msk [tilespmem:v7+s1+$0x0], $0xffff;
	_ =	sdelay $0x4  }
0x246: {  	vm1 =	vgt.f32 v10, v11;
	_ =	sdelay $0x4  }
0x247: {  	v11 =	vmax.f32 v11, v10  }
0x248: {  	[tilespmem:v7+s1+$0x0] =	vst.idx.msk vm1, v11  }
0x249: {  	v11 =	vld.idx.msk [tilespmem:v7+s1+$0x0], $0xffff;
	_ =	sdelay $0x4  }
0x24a: {  	vm1 =	vgt.f32 v10, v11;
	_ =	sdelay $0x4  }
0x24b: {  	v11 =	vmax.f32 v11, v10  }
0x24c: {  	[tilespmem:v7+s1+$0x0] =	vst.idx.msk vm1, v11  }
0x24d: {  	v11 =	vld.idx.msk [tilespmem:v7+s1+$0x0], $0xffff;
	_ =	sdelay $0x4  }
0x24e: {  	vm1 =	vgt.f32 v10, v11;
	_ =	sdelay $0x4  }
0x24f: {  	v11 =	vmax.f32 v11, v10  }
0x250: {  	[tilespmem:v7+s1+$0x0] =	vst.idx.msk vm1, v11  }
0x251: {  	v11 =	vld.idx.msk [tilespmem:v7+s1+$0x0], $0xffff;
	_ =	sdelay $0x4  }
0x252: {  	vm1 =	vgt.f32 v10, v11;
	_ =	sdelay $0x4  }
0x253: {  	v11 =	vmax.f32 v11, v10  }
0x254: {  	[tilespmem:v7+s1+$0x0] =	vst.idx.msk vm1, v11  }
0x255: {  	v11 =	vld.idx.msk [tilespmem:v7+s1+$0x0], $0xffff;
	_ =	sdelay $0x4  }
0x256: {  	vm1 =	vgt.f32 v10, v11;
	_ =	sdelay $0x4  }
0x257: {  	v11 =	vmax.f32 v11, v10  }
0x258: {  	[tilespmem:v7+s1+$0x0] =	vst.idx.msk vm1, v11  }
0x259: {  	v11 =	vld.idx.msk [tilespmem:v7+s1+$0x0], $0xffff;
	_ =	sdelay $0x4  }
0x25a: {  	vm1 =	vgt.f32 v10, v11;
	_ =	sdelay $0x4  }
0x25b: {  	v11 =	vmax.f32 v11, v10  }
0x25c: {  	[tilespmem:v7+s1+$0x0] =	vst.idx.msk vm1, v11  }
0x25d: {  	v11 =	vld.idx.msk [tilespmem:v7+s1+$0x0], $0xffff;
	_ =	sdelay $0x4  }
0x25e: {  	vm1 =	vgt.f32 v10, v11;
	_ =	sdelay $0x4  }
0x25f: {  	v11 =	vmax.f32 v11, v10  }
0x260: {  	[tilespmem:v7+s1+$0x0] =	vst.idx.msk vm1, v11  }
0x261: {  	v11 =	vld.idx.msk [tilespmem:v7+s1+$0x0], $0xffff;
	_ =	sdelay $0x4  }
0x262: {  	vm1 =	vgt.f32 v10, v11;
	_ =	sdelay $0x4  }
0x263: {  	v10 =	vmax.f32 v11, v10  }
0x264: {  	[tilespmem:v7+s1+$0x0] =	vst.idx.msk vm1, v10  }
0x265: {  	v10 =	vld.idx.msk [tilespmem:v7+s28+$0x0], $0xffff;
	_ =	sdelay $0x4  }
0x266: {  	vm1 =	vgt.f32 v9, v10;
	_ =	sdelay $0x4  }
0x267: {  	v10 =	vmax.f32 v10, v9  }
0x268: {  	[tilespmem:v7+s28+$0x0] =	vst.idx.msk vm1, v10  }
0x269: {  	v10 =	vld.idx.msk [tilespmem:v7+s28+$0x0], $0xffff;
	_ =	sdelay $0x4  }
0x26a: {  	vm1 =	vgt.f32 v9, v10;
	_ =	sdelay $0x4  }
0x26b: {  	v10 =	vmax.f32 v10, v9  }
0x26c: {  	[tilespmem:v7+s28+$0x0] =	vst.idx.msk vm1, v10  }
0x26d: {  	v10 =	vld.idx.msk [tilespmem:v7+s28+$0x0], $0xffff;
	_ =	sdelay $0x4  }
0x26e: {  	vm1 =	vgt.f32 v9, v10;
	_ =	sdelay $0x4  }
0x26f: {  	v10 =	vmax.f32 v10, v9  }
0x270: {  	[tilespmem:v7+s28+$0x0] =	vst.idx.msk vm1, v10  }
0x271: {  	v10 =	vld.idx.msk [tilespmem:v7+s28+$0x0], $0xffff;
	_ =	sdelay $0x4  }
0x272: {  	vm1 =	vgt.f32 v9, v10;
	_ =	sdelay $0x4  }
0x273: {  	v10 =	vmax.f32 v10, v9  }
0x274: {  	[tilespmem:v7+s28+$0x0] =	vst.idx.msk vm1, v10  }
0x275: {  	v10 =	vld.idx.msk [tilespmem:v7+s28+$0x0], $0xffff;
	_ =	sdelay $0x4  }
0x276: {  	vm1 =	vgt.f32 v9, v10;
	_ =	sdelay $0x4  }
0x277: {  	v10 =	vmax.f32 v10, v9  }
0x278: {  	[tilespmem:v7+s28+$0x0] =	vst.idx.msk vm1, v10  }
0x279: {  	v10 =	vld.idx.msk [tilespmem:v7+s28+$0x0], $0xffff;
	_ =	sdelay $0x4  }
0x27a: {  	vm1 =	vgt.f32 v9, v10;
	_ =	sdelay $0x4  }
0x27b: {  	v10 =	vmax.f32 v10, v9  }
0x27c: {  	[tilespmem:v7+s28+$0x0] =	vst.idx.msk vm1, v10  }
0x27d: {  	v10 =	vld.idx.msk [tilespmem:v7+s28+$0x0], $0xffff;
	_ =	sdelay $0x4  }
0x27e: {  	vm1 =	vgt.f32 v9, v10;
	_ =	sdelay $0x4  }
0x27f: {  	v10 =	vmax.f32 v10, v9  }
0x280: {  	[tilespmem:v7+s28+$0x0] =	vst.idx.msk vm1, v10  }
0x281: {  	v10 =	vld.idx.msk [tilespmem:v7+s28+$0x0], $0xffff;
	_ =	sdelay $0x4  }
0x282: {  	vm1 =	vgt.f32 v9, v10;
	_ =	sdelay $0x4  }
0x283: {  	v10 =	vmax.f32 v10, v9  }
0x284: {  	[tilespmem:v7+s28+$0x0] =	vst.idx.msk vm1, v10  }
0x285: {  	v10 =	vld.idx.msk [tilespmem:v7+s28+$0x0], $0xffff;
	_ =	sdelay $0x4  }
0x286: {  	vm1 =	vgt.f32 v9, v10;
	_ =	sdelay $0x4  }
0x287: {  	v10 =	vmax.f32 v10, v9  }
0x288: {  	[tilespmem:v7+s28+$0x0] =	vst.idx.msk vm1, v10  }
0x289: {  	v10 =	vld.idx.msk [tilespmem:v7+s28+$0x0], $0xffff;
	_ =	sdelay $0x4  }
0x28a: {  	vm1 =	vgt.f32 v9, v10;
	_ =	sdelay $0x4  }
0x28b: {  	v10 =	vmax.f32 v10, v9  }
0x28c: {  	[tilespmem:v7+s28+$0x0] =	vst.idx.msk vm1, v10  }
0x28d: {  	v10 =	vld.idx.msk [tilespmem:v7+s28+$0x0], $0xffff;
	_ =	sdelay $0x4  }
0x28e: {  	vm1 =	vgt.f32 v9, v10;
	_ =	sdelay $0x4  }
0x28f: {  	v10 =	vmax.f32 v10, v9  }
0x290: {  	[tilespmem:v7+s28+$0x0] =	vst.idx.msk vm1, v10  }
0x291: {  	v10 =	vld.idx.msk [tilespmem:v7+s28+$0x0], $0xffff;
	_ =	sdelay $0x4  }
0x292: {  	vm1 =	vgt.f32 v9, v10;
	_ =	sdelay $0x4  }
0x293: {  	v10 =	vmax.f32 v10, v9  }
0x294: {  	[tilespmem:v7+s28+$0x0] =	vst.idx.msk vm1, v10  }
0x295: {  	v10 =	vld.idx.msk [tilespmem:v7+s28+$0x0], $0xffff;
	_ =	sdelay $0x4  }
0x296: {  	vm1 =	vgt.f32 v9, v10;
	_ =	sdelay $0x4  }
0x297: {  	v10 =	vmax.f32 v10, v9  }
0x298: {  	[tilespmem:v7+s28+$0x0] =	vst.idx.msk vm1, v10  }
0x299: {  	v10 =	vld.idx.msk [tilespmem:v7+s28+$0x0], $0xffff;
	_ =	sdelay $0x4  }
0x29a: {  	vm1 =	vgt.f32 v9, v10;
	_ =	sdelay $0x4  }
0x29b: {  	v10 =	vmax.f32 v10, v9  }
0x29c: {  	[tilespmem:v7+s28+$0x0] =	vst.idx.msk vm1, v10  }
0x29d: {  	v10 =	vld.idx.msk [tilespmem:v7+s28+$0x0], $0xffff;
	_ =	sdelay $0x4  }
0x29e: {  	vm1 =	vgt.f32 v9, v10;
	_ =	sdelay $0x4  }
0x29f: {  	v10 =	vmax.f32 v10, v9  }
0x2a0: {  	[tilespmem:v7+s28+$0x0] =	vst.idx.msk vm1, v10  }
0x2a1: {  	v10 =	vld.idx.msk [tilespmem:v7+s28+$0x0], $0xffff;
	_ =	sdelay $0x4  }
0x2a2: {  	vm1 =	vgt.f32 v9, v10;
	_ =	sdelay $0x1  }
.Ltmp9:
0x2a3: {  	_ = 	snop;
	(pc) =	sbr.rel .LBB2_9-.Ltmp9, $3  }
0x2a4: {  	_ =	sdelay $0x1  }
0x2a5: {  	v9 =	vmax.f32 v10, v9  }
0x2a6: {  	[tilespmem:v7+s28+$0x0] =	vst.idx.msk vm1, v9  }
.LBB2_10:
0x2a7: {  	v4 =	vsel vm1, $0x3F800000, v0  }
0x2a8: {  	(xrf0) =	vmax.scan.msk.f32 $0xffff, v4;
	_ =	sdelay $0x5  }
0x2a9: {  	v4, _, _ =	vpop (xrf0)  }
0x2aa: {  	(v2sf) =	vpush v4, $0xF;
	_ =	sdelay $0xe  }
0x2ab: {  	s8 =	spop (v2sf)  }
0x2ac: {  	p1 =	sgt.f32 s8, $0.0e+00  }
.Ltmp10:
0x2ad: {  	_ = 	snop;
	(pc) =	sbr.rel @!p1 .LBB2_12-.Ltmp10, $1  }
0x2ae: {  	_ =	sdelay $0x3  }
0x2af: {  	vm1 =	vgt.f32 v12, v7;
	_ =	sdelay $0x4  }
0x2b0: {  	v4 =	vmax.f32 v7, v12  }
0x2b1: {  	[tilespmem:v6+s1+$0x0] =	vst.idx.msk vm1, v4  }
0x2b2: {  	v4 =	vld.idx.msk [tilespmem:v6+s1+$0x0], $0xffff;
	_ =	sdelay $0x4  }
0x2b3: {  	vm1 =	vgt.f32 v12, v4;
	_ =	sdelay $0x4  }
0x2b4: {  	v4 =	vmax.f32 v4, v12  }
0x2b5: {  	[tilespmem:v6+s1+$0x0] =	vst.idx.msk vm1, v4  }
0x2b6: {  	v4 =	vld.idx.msk [tilespmem:v6+s1+$0x0], $0xffff;
	_ =	sdelay $0x4  }
0x2b7: {  	vm1 =	vgt.f32 v12, v4;
	_ =	sdelay $0x4  }
0x2b8: {  	v4 =	vmax.f32 v4, v12  }
0x2b9: {  	[tilespmem:v6+s1+$0x0] =	vst.idx.msk vm1, v4  }
0x2ba: {  	v4 =	vld.idx.msk [tilespmem:v6+s1+$0x0], $0xffff;
	_ =	sdelay $0x4  }
0x2bb: {  	vm1 =	vgt.f32 v12, v4;
	_ =	sdelay $0x4  }
0x2bc: {  	v4 =	vmax.f32 v4, v12  }
0x2bd: {  	[tilespmem:v6+s1+$0x0] =	vst.idx.msk vm1, v4  }
0x2be: {  	v4 =	vld.idx.msk [tilespmem:v6+s1+$0x0], $0xffff;
	_ =	sdelay $0x4  }
0x2bf: {  	vm1 =	vgt.f32 v12, v4;
	_ =	sdelay $0x4  }
0x2c0: {  	v4 =	vmax.f32 v4, v12  }
0x2c1: {  	[tilespmem:v6+s1+$0x0] =	vst.idx.msk vm1, v4  }
0x2c2: {  	v4 =	vld.idx.msk [tilespmem:v6+s1+$0x0], $0xffff;
	_ =	sdelay $0x4  }
0x2c3: {  	vm1 =	vgt.f32 v12, v4;
	_ =	sdelay $0x4  }
0x2c4: {  	v4 =	vmax.f32 v4, v12  }
0x2c5: {  	[tilespmem:v6+s1+$0x0] =	vst.idx.msk vm1, v4  }
0x2c6: {  	v4 =	vld.idx.msk [tilespmem:v6+s1+$0x0], $0xffff;
	_ =	sdelay $0x4  }
0x2c7: {  	vm1 =	vgt.f32 v12, v4;
	_ =	sdelay $0x4  }
0x2c8: {  	v4 =	vmax.f32 v4, v12  }
0x2c9: {  	[tilespmem:v6+s1+$0x0] =	vst.idx.msk vm1, v4  }
0x2ca: {  	v4 =	vld.idx.msk [tilespmem:v6+s1+$0x0], $0xffff;
	_ =	sdelay $0x4  }
0x2cb: {  	vm1 =	vgt.f32 v12, v4;
	_ =	sdelay $0x4  }
0x2cc: {  	v4 =	vmax.f32 v4, v12  }
0x2cd: {  	[tilespmem:v6+s1+$0x0] =	vst.idx.msk vm1, v4  }
0x2ce: {  	v4 =	vld.idx.msk [tilespmem:v6+s1+$0x0], $0xffff;
	_ =	sdelay $0x4  }
0x2cf: {  	vm1 =	vgt.f32 v12, v4;
	_ =	sdelay $0x4  }
0x2d0: {  	v4 =	vmax.f32 v4, v12  }
0x2d1: {  	[tilespmem:v6+s1+$0x0] =	vst.idx.msk vm1, v4  }
0x2d2: {  	v4 =	vld.idx.msk [tilespmem:v6+s1+$0x0], $0xffff;
	_ =	sdelay $0x4  }
0x2d3: {  	vm1 =	vgt.f32 v12, v4;
	_ =	sdelay $0x4  }
0x2d4: {  	v4 =	vmax.f32 v4, v12  }
0x2d5: {  	[tilespmem:v6+s1+$0x0] =	vst.idx.msk vm1, v4  }
0x2d6: {  	v4 =	vld.idx.msk [tilespmem:v6+s1+$0x0], $0xffff;
	_ =	sdelay $0x4  }
0x2d7: {  	vm1 =	vgt.f32 v12, v4;
	_ =	sdelay $0x4  }
0x2d8: {  	v4 =	vmax.f32 v4, v12  }
0x2d9: {  	[tilespmem:v6+s1+$0x0] =	vst.idx.msk vm1, v4  }
0x2da: {  	v4 =	vld.idx.msk [tilespmem:v6+s1+$0x0], $0xffff;
	_ =	sdelay $0x4  }
0x2db: {  	vm1 =	vgt.f32 v12, v4;
	_ =	sdelay $0x4  }
0x2dc: {  	v4 =	vmax.f32 v4, v12  }
0x2dd: {  	[tilespmem:v6+s1+$0x0] =	vst.idx.msk vm1, v4  }
0x2de: {  	v4 =	vld.idx.msk [tilespmem:v6+s1+$0x0], $0xffff;
	_ =	sdelay $0x4  }
0x2df: {  	vm1 =	vgt.f32 v12, v4;
	_ =	sdelay $0x4  }
0x2e0: {  	v4 =	vmax.f32 v4, v12  }
0x2e1: {  	[tilespmem:v6+s1+$0x0] =	vst.idx.msk vm1, v4  }
0x2e2: {  	v4 =	vld.idx.msk [tilespmem:v6+s1+$0x0], $0xffff;
	_ =	sdelay $0x4  }
0x2e3: {  	vm1 =	vgt.f32 v12, v4;
	_ =	sdelay $0x4  }
0x2e4: {  	v4 =	vmax.f32 v4, v12  }
0x2e5: {  	[tilespmem:v6+s1+$0x0] =	vst.idx.msk vm1, v4  }
0x2e6: {  	v4 =	vld.idx.msk [tilespmem:v6+s1+$0x0], $0xffff;
	_ =	sdelay $0x4  }
0x2e7: {  	vm1 =	vgt.f32 v12, v4;
	_ =	sdelay $0x4  }
0x2e8: {  	v4 =	vmax.f32 v4, v12  }
0x2e9: {  	[tilespmem:v6+s1+$0x0] =	vst.idx.msk vm1, v4  }
0x2ea: {  	v4 =	vld.idx.msk [tilespmem:v6+s1+$0x0], $0xffff;
	_ =	sdelay $0x4  }
0x2eb: {  	vm1 =	vgt.f32 v12, v4;
	_ =	sdelay $0x4  }
0x2ec: {  	v4 =	vmax.f32 v4, v12  }
0x2ed: {  	[tilespmem:v6+s1+$0x0] =	vst.idx.msk vm1, v4  }
0x2ee: {  	v4 =	vld.idx.msk [tilespmem:v6+s28+$0x0], $0xffff;
	_ =	sdelay $0x4  }
0x2ef: {  	vm1 =	vgt.f32 v8, v4;
	_ =	sdelay $0x4  }
0x2f0: {  	v4 =	vmax.f32 v4, v8  }
0x2f1: {  	[tilespmem:v6+s28+$0x0] =	vst.idx.msk vm1, v4  }
0x2f2: {  	v4 =	vld.idx.msk [tilespmem:v6+s28+$0x0], $0xffff;
	_ =	sdelay $0x4  }
0x2f3: {  	vm1 =	vgt.f32 v8, v4;
	_ =	sdelay $0x4  }
0x2f4: {  	v4 =	vmax.f32 v4, v8  }
0x2f5: {  	[tilespmem:v6+s28+$0x0] =	vst.idx.msk vm1, v4  }
0x2f6: {  	v4 =	vld.idx.msk [tilespmem:v6+s28+$0x0], $0xffff;
	_ =	sdelay $0x4  }
0x2f7: {  	vm1 =	vgt.f32 v8, v4;
	_ =	sdelay $0x4  }
0x2f8: {  	v4 =	vmax.f32 v4, v8  }
0x2f9: {  	[tilespmem:v6+s28+$0x0] =	vst.idx.msk vm1, v4  }
0x2fa: {  	v4 =	vld.idx.msk [tilespmem:v6+s28+$0x0], $0xffff;
	_ =	sdelay $0x4  }
0x2fb: {  	vm1 =	vgt.f32 v8, v4;
	_ =	sdelay $0x4  }
0x2fc: {  	v4 =	vmax.f32 v4, v8  }
0x2fd: {  	[tilespmem:v6+s28+$0x0] =	vst.idx.msk vm1, v4  }
0x2fe: {  	v4 =	vld.idx.msk [tilespmem:v6+s28+$0x0], $0xffff;
	_ =	sdelay $0x4  }
0x2ff: {  	vm1 =	vgt.f32 v8, v4;
	_ =	sdelay $0x4  }
0x300: {  	v4 =	vmax.f32 v4, v8  }
0x301: {  	[tilespmem:v6+s28+$0x0] =	vst.idx.msk vm1, v4  }
0x302: {  	v4 =	vld.idx.msk [tilespmem:v6+s28+$0x0], $0xffff;
	_ =	sdelay $0x4  }
0x303: {  	vm1 =	vgt.f32 v8, v4;
	_ =	sdelay $0x4  }
0x304: {  	v4 =	vmax.f32 v4, v8  }
0x305: {  	[tilespmem:v6+s28+$0x0] =	vst.idx.msk vm1, v4  }
0x306: {  	v4 =	vld.idx.msk [tilespmem:v6+s28+$0x0], $0xffff;
	_ =	sdelay $0x4  }
0x307: {  	vm1 =	vgt.f32 v8, v4;
	_ =	sdelay $0x4  }
0x308: {  	v4 =	vmax.f32 v4, v8  }
0x309: {  	[tilespmem:v6+s28+$0x0] =	vst.idx.msk vm1, v4  }
0x30a: {  	v4 =	vld.idx.msk [tilespmem:v6+s28+$0x0], $0xffff;
	_ =	sdelay $0x4  }
0x30b: {  	vm1 =	vgt.f32 v8, v4;
	_ =	sdelay $0x4  }
0x30c: {  	v4 =	vmax.f32 v4, v8  }
0x30d: {  	[tilespmem:v6+s28+$0x0] =	vst.idx.msk vm1, v4  }
0x30e: {  	v4 =	vld.idx.msk [tilespmem:v6+s28+$0x0], $0xffff;
	_ =	sdelay $0x4  }
0x30f: {  	vm1 =	vgt.f32 v8, v4;
	_ =	sdelay $0x4  }
0x310: {  	v4 =	vmax.f32 v4, v8  }
0x311: {  	[tilespmem:v6+s28+$0x0] =	vst.idx.msk vm1, v4  }
0x312: {  	v4 =	vld.idx.msk [tilespmem:v6+s28+$0x0], $0xffff;
	_ =	sdelay $0x4  }
0x313: {  	vm1 =	vgt.f32 v8, v4;
	_ =	sdelay $0x4  }
0x314: {  	v4 =	vmax.f32 v4, v8  }
0x315: {  	[tilespmem:v6+s28+$0x0] =	vst.idx.msk vm1, v4  }
0x316: {  	v4 =	vld.idx.msk [tilespmem:v6+s28+$0x0], $0xffff;
	_ =	sdelay $0x4  }
0x317: {  	vm1 =	vgt.f32 v8, v4;
	_ =	sdelay $0x4  }
0x318: {  	v4 =	vmax.f32 v4, v8  }
0x319: {  	[tilespmem:v6+s28+$0x0] =	vst.idx.msk vm1, v4  }
0x31a: {  	v4 =	vld.idx.msk [tilespmem:v6+s28+$0x0], $0xffff;
	_ =	sdelay $0x4  }
0x31b: {  	vm1 =	vgt.f32 v8, v4;
	_ =	sdelay $0x4  }
0x31c: {  	v4 =	vmax.f32 v4, v8  }
0x31d: {  	[tilespmem:v6+s28+$0x0] =	vst.idx.msk vm1, v4  }
0x31e: {  	v4 =	vld.idx.msk [tilespmem:v6+s28+$0x0], $0xffff;
	_ =	sdelay $0x4  }
0x31f: {  	vm1 =	vgt.f32 v8, v4;
	_ =	sdelay $0x4  }
0x320: {  	v4 =	vmax.f32 v4, v8  }
0x321: {  	[tilespmem:v6+s28+$0x0] =	vst.idx.msk vm1, v4  }
0x322: {  	v4 =	vld.idx.msk [tilespmem:v6+s28+$0x0], $0xffff;
	_ =	sdelay $0x4  }
0x323: {  	vm1 =	vgt.f32 v8, v4;
	_ =	sdelay $0x4  }
0x324: {  	v4 =	vmax.f32 v4, v8  }
0x325: {  	[tilespmem:v6+s28+$0x0] =	vst.idx.msk vm1, v4  }
0x326: {  	v4 =	vld.idx.msk [tilespmem:v6+s28+$0x0], $0xffff;
	_ =	sdelay $0x4  }
0x327: {  	vm1 =	vgt.f32 v8, v4;
	_ =	sdelay $0x4  }
0x328: {  	v4 =	vmax.f32 v4, v8  }
0x329: {  	[tilespmem:v6+s28+$0x0] =	vst.idx.msk vm1, v4  }
0x32a: {  	v4 =	vld.idx.msk [tilespmem:v6+s28+$0x0], $0xffff;
	_ =	sdelay $0x4  }
0x32b: {  	vm1 =	vgt.f32 v8, v4;
	_ =	sdelay $0x4  }
0x32c: {  	v4 =	vmax.f32 v4, v8  }
0x32d: {  	[tilespmem:v6+s28+$0x0] =	vst.idx.msk vm1, v4  }
0x32e: {  	v4 =	vld.idx.msk [tilespmem:v1+s1+$0x0], $0xffff;
	_ =	sdelay $0x4  }
0x32f: {  	vm1 =	vgt.f32 v3, v4;
	_ =	sdelay $0x4  }
0x330: {  	v4 =	vmax.f32 v4, v3  }
0x331: {  	[tilespmem:v1+s1+$0x0] =	vst.idx.msk vm1, v4  }
0x332: {  	v4 =	vld.idx.msk [tilespmem:v1+s1+$0x0], $0xffff;
	_ =	sdelay $0x4  }
0x333: {  	vm1 =	vgt.f32 v3, v4;
	_ =	sdelay $0x4  }
0x334: {  	v4 =	vmax.f32 v4, v3  }
0x335: {  	[tilespmem:v1+s1+$0x0] =	vst.idx.msk vm1, v4  }
0x336: {  	v4 =	vld.idx.msk [tilespmem:v1+s1+$0x0], $0xffff;
	_ =	sdelay $0x4  }
0x337: {  	vm1 =	vgt.f32 v3, v4;
	_ =	sdelay $0x4  }
0x338: {  	v4 =	vmax.f32 v4, v3  }
0x339: {  	[tilespmem:v1+s1+$0x0] =	vst.idx.msk vm1, v4  }
0x33a: {  	v4 =	vld.idx.msk [tilespmem:v1+s1+$0x0], $0xffff;
	_ =	sdelay $0x4  }
0x33b: {  	vm1 =	vgt.f32 v3, v4;
	_ =	sdelay $0x4  }
0x33c: {  	v4 =	vmax.f32 v4, v3  }
0x33d: {  	[tilespmem:v1+s1+$0x0] =	vst.idx.msk vm1, v4  }
0x33e: {  	v4 =	vld.idx.msk [tilespmem:v1+s1+$0x0], $0xffff;
	_ =	sdelay $0x4  }
0x33f: {  	vm1 =	vgt.f32 v3, v4;
	_ =	sdelay $0x4  }
0x340: {  	v4 =	vmax.f32 v4, v3  }
0x341: {  	[tilespmem:v1+s1+$0x0] =	vst.idx.msk vm1, v4  }
0x342: {  	v4 =	vld.idx.msk [tilespmem:v1+s1+$0x0], $0xffff;
	_ =	sdelay $0x4  }
0x343: {  	vm1 =	vgt.f32 v3, v4;
	_ =	sdelay $0x4  }
0x344: {  	v4 =	vmax.f32 v4, v3  }
0x345: {  	[tilespmem:v1+s1+$0x0] =	vst.idx.msk vm1, v4  }
0x346: {  	v4 =	vld.idx.msk [tilespmem:v1+s1+$0x0], $0xffff;
	_ =	sdelay $0x4  }
0x347: {  	vm1 =	vgt.f32 v3, v4;
	_ =	sdelay $0x4  }
0x348: {  	v4 =	vmax.f32 v4, v3  }
0x349: {  	[tilespmem:v1+s1+$0x0] =	vst.idx.msk vm1, v4  }
0x34a: {  	v4 =	vld.idx.msk [tilespmem:v1+s1+$0x0], $0xffff;
	_ =	sdelay $0x4  }
0x34b: {  	vm1 =	vgt.f32 v3, v4;
	_ =	sdelay $0x4  }
0x34c: {  	v4 =	vmax.f32 v4, v3  }
0x34d: {  	[tilespmem:v1+s1+$0x0] =	vst.idx.msk vm1, v4  }
0x34e: {  	v4 =	vld.idx.msk [tilespmem:v1+s1+$0x0], $0xffff;
	_ =	sdelay $0x4  }
0x34f: {  	vm1 =	vgt.f32 v3, v4;
	_ =	sdelay $0x4  }
0x350: {  	v4 =	vmax.f32 v4, v3  }
0x351: {  	[tilespmem:v1+s1+$0x0] =	vst.idx.msk vm1, v4  }
0x352: {  	v4 =	vld.idx.msk [tilespmem:v1+s1+$0x0], $0xffff;
	_ =	sdelay $0x4  }
0x353: {  	vm1 =	vgt.f32 v3, v4;
	_ =	sdelay $0x4  }
0x354: {  	v4 =	vmax.f32 v4, v3  }
0x355: {  	[tilespmem:v1+s1+$0x0] =	vst.idx.msk vm1, v4  }
0x356: {  	v4 =	vld.idx.msk [tilespmem:v1+s1+$0x0], $0xffff;
	_ =	sdelay $0x4  }
0x357: {  	vm1 =	vgt.f32 v3, v4;
	_ =	sdelay $0x4  }
0x358: {  	v4 =	vmax.f32 v4, v3  }
0x359: {  	[tilespmem:v1+s1+$0x0] =	vst.idx.msk vm1, v4  }
0x35a: {  	v4 =	vld.idx.msk [tilespmem:v1+s1+$0x0], $0xffff;
	_ =	sdelay $0x4  }
0x35b: {  	vm1 =	vgt.f32 v3, v4;
	_ =	sdelay $0x4  }
0x35c: {  	v4 =	vmax.f32 v4, v3  }
0x35d: {  	[tilespmem:v1+s1+$0x0] =	vst.idx.msk vm1, v4  }
0x35e: {  	v4 =	vld.idx.msk [tilespmem:v1+s1+$0x0], $0xffff;
	_ =	sdelay $0x4  }
0x35f: {  	vm1 =	vgt.f32 v3, v4;
	_ =	sdelay $0x4  }
0x360: {  	v4 =	vmax.f32 v4, v3  }
0x361: {  	[tilespmem:v1+s1+$0x0] =	vst.idx.msk vm1, v4  }
0x362: {  	v4 =	vld.idx.msk [tilespmem:v1+s1+$0x0], $0xffff;
	_ =	sdelay $0x4  }
0x363: {  	vm1 =	vgt.f32 v3, v4;
	_ =	sdelay $0x4  }
0x364: {  	v4 =	vmax.f32 v4, v3  }
0x365: {  	[tilespmem:v1+s1+$0x0] =	vst.idx.msk vm1, v4  }
0x366: {  	v4 =	vld.idx.msk [tilespmem:v1+s1+$0x0], $0xffff;
	_ =	sdelay $0x4  }
0x367: {  	vm1 =	vgt.f32 v3, v4;
	_ =	sdelay $0x4  }
0x368: {  	v4 =	vmax.f32 v4, v3  }
0x369: {  	[tilespmem:v1+s1+$0x0] =	vst.idx.msk vm1, v4  }
0x36a: {  	v4 =	vld.idx.msk [tilespmem:v1+s1+$0x0], $0xffff;
	_ =	sdelay $0x4  }
0x36b: {  	vm1 =	vgt.f32 v3, v4;
	_ =	sdelay $0x4  }
0x36c: {  	v3 =	vmax.f32 v4, v3  }
0x36d: {  	[tilespmem:v1+s1+$0x0] =	vst.idx.msk vm1, v3  }
0x36e: {  	v3 =	vld.idx.msk [tilespmem:v1+s28+$0x0], $0xffff;
	_ =	sdelay $0x4  }
0x36f: {  	vm1 =	vgt.f32 v2, v3;
	_ =	sdelay $0x4  }
0x370: {  	v3 =	vmax.f32 v3, v2  }
0x371: {  	[tilespmem:v1+s28+$0x0] =	vst.idx.msk vm1, v3  }
0x372: {  	v3 =	vld.idx.msk [tilespmem:v1+s28+$0x0], $0xffff;
	_ =	sdelay $0x4  }
0x373: {  	vm1 =	vgt.f32 v2, v3;
	_ =	sdelay $0x4  }
0x374: {  	v3 =	vmax.f32 v3, v2  }
0x375: {  	[tilespmem:v1+s28+$0x0] =	vst.idx.msk vm1, v3  }
0x376: {  	v3 =	vld.idx.msk [tilespmem:v1+s28+$0x0], $0xffff;
	_ =	sdelay $0x4  }
0x377: {  	vm1 =	vgt.f32 v2, v3;
	_ =	sdelay $0x4  }
0x378: {  	v3 =	vmax.f32 v3, v2  }
0x379: {  	[tilespmem:v1+s28+$0x0] =	vst.idx.msk vm1, v3  }
0x37a: {  	v3 =	vld.idx.msk [tilespmem:v1+s28+$0x0], $0xffff;
	_ =	sdelay $0x4  }
0x37b: {  	vm1 =	vgt.f32 v2, v3;
	_ =	sdelay $0x4  }
0x37c: {  	v3 =	vmax.f32 v3, v2  }
0x37d: {  	[tilespmem:v1+s28+$0x0] =	vst.idx.msk vm1, v3  }
0x37e: {  	v3 =	vld.idx.msk [tilespmem:v1+s28+$0x0], $0xffff;
	_ =	sdelay $0x4  }
0x37f: {  	vm1 =	vgt.f32 v2, v3;
	_ =	sdelay $0x4  }
0x380: {  	v3 =	vmax.f32 v3, v2  }
0x381: {  	[tilespmem:v1+s28+$0x0] =	vst.idx.msk vm1, v3  }
0x382: {  	v3 =	vld.idx.msk [tilespmem:v1+s28+$0x0], $0xffff;
	_ =	sdelay $0x4  }
0x383: {  	vm1 =	vgt.f32 v2, v3;
	_ =	sdelay $0x4  }
0x384: {  	v3 =	vmax.f32 v3, v2  }
0x385: {  	[tilespmem:v1+s28+$0x0] =	vst.idx.msk vm1, v3  }
0x386: {  	v3 =	vld.idx.msk [tilespmem:v1+s28+$0x0], $0xffff;
	_ =	sdelay $0x4  }
0x387: {  	vm1 =	vgt.f32 v2, v3;
	_ =	sdelay $0x4  }
0x388: {  	v3 =	vmax.f32 v3, v2  }
0x389: {  	[tilespmem:v1+s28+$0x0] =	vst.idx.msk vm1, v3  }
0x38a: {  	v3 =	vld.idx.msk [tilespmem:v1+s28+$0x0], $0xffff;
	_ =	sdelay $0x4  }
0x38b: {  	vm1 =	vgt.f32 v2, v3;
	_ =	sdelay $0x4  }
0x38c: {  	v3 =	vmax.f32 v3, v2  }
0x38d: {  	[tilespmem:v1+s28+$0x0] =	vst.idx.msk vm1, v3  }
0x38e: {  	v3 =	vld.idx.msk [tilespmem:v1+s28+$0x0], $0xffff;
	_ =	sdelay $0x4  }
0x38f: {  	vm1 =	vgt.f32 v2, v3;
	_ =	sdelay $0x4  }
0x390: {  	v3 =	vmax.f32 v3, v2  }
0x391: {  	[tilespmem:v1+s28+$0x0] =	vst.idx.msk vm1, v3  }
0x392: {  	v3 =	vld.idx.msk [tilespmem:v1+s28+$0x0], $0xffff;
	_ =	sdelay $0x4  }
0x393: {  	vm1 =	vgt.f32 v2, v3;
	_ =	sdelay $0x4  }
0x394: {  	v3 =	vmax.f32 v3, v2  }
0x395: {  	[tilespmem:v1+s28+$0x0] =	vst.idx.msk vm1, v3  }
0x396: {  	v3 =	vld.idx.msk [tilespmem:v1+s28+$0x0], $0xffff;
	_ =	sdelay $0x4  }
0x397: {  	vm1 =	vgt.f32 v2, v3;
	_ =	sdelay $0x4  }
0x398: {  	v3 =	vmax.f32 v3, v2  }
0x399: {  	[tilespmem:v1+s28+$0x0] =	vst.idx.msk vm1, v3  }
0x39a: {  	v3 =	vld.idx.msk [tilespmem:v1+s28+$0x0], $0xffff;
	_ =	sdelay $0x4  }
0x39b: {  	vm1 =	vgt.f32 v2, v3;
	_ =	sdelay $0x4  }
0x39c: {  	v3 =	vmax.f32 v3, v2  }
0x39d: {  	[tilespmem:v1+s28+$0x0] =	vst.idx.msk vm1, v3  }
0x39e: {  	v3 =	vld.idx.msk [tilespmem:v1+s28+$0x0], $0xffff;
	_ =	sdelay $0x4  }
0x39f: {  	vm1 =	vgt.f32 v2, v3;
	_ =	sdelay $0x4  }
0x3a0: {  	v3 =	vmax.f32 v3, v2  }
0x3a1: {  	[tilespmem:v1+s28+$0x0] =	vst.idx.msk vm1, v3  }
0x3a2: {  	v3 =	vld.idx.msk [tilespmem:v1+s28+$0x0], $0xffff;
	_ =	sdelay $0x4  }
0x3a3: {  	vm1 =	vgt.f32 v2, v3;
	_ =	sdelay $0x4  }
0x3a4: {  	v3 =	vmax.f32 v3, v2  }
0x3a5: {  	[tilespmem:v1+s28+$0x0] =	vst.idx.msk vm1, v3  }
0x3a6: {  	v3 =	vld.idx.msk [tilespmem:v1+s28+$0x0], $0xffff;
	_ =	sdelay $0x4  }
0x3a7: {  	vm1 =	vgt.f32 v2, v3;
	_ =	sdelay $0x4  }
0x3a8: {  	v3 =	vmax.f32 v3, v2  }
0x3a9: {  	[tilespmem:v1+s28+$0x0] =	vst.idx.msk vm1, v3  }
0x3aa: {  	v3 =	vld.idx.msk [tilespmem:v1+s28+$0x0], $0xffff;
	_ =	sdelay $0x4  }
0x3ab: {  	vm1 =	vgt.f32 v2, v3;
	_ =	sdelay $0x4  }
0x3ac: {  	v2 =	vmax.f32 v3, v2  }
0x3ad: {  	[tilespmem:v1+s28+$0x0] =	vst.idx.msk vm1, v2  }
.LBB2_12:
0x3ae: {  	s8 =	sshll.u32 s19, $0x1  }
0x3af: {  	s8 =	smin.u32 s8, $0x1D  }
0x3b0: {  	s8 =	sshll.u32 s8, $0xC  }
0x3b1: {  	s8 =	sadd.s32 s8, s10  }
0x3b2: {  	s8 =	sshrl.u32 s8, $0x3  }
0x3b3: {  	s12 =	simm.s32 $0x0;
	s9 =	sadd.s32 s4, s8  }
0x3b4: {  	[tilespmem:s20], [sflag:$0x1] =	stream.linear.gather [hbm4b:s9+s12], $0x1000, $0x38;
	[tilespmem:$0x1C000] =	vst v63  }
0x3b5: {  	s8 =	sadd.s32 s3, s8  }
0x3b6: {  	[tilespmem:s21], [sflag:$0x2] =	stream.linear.gather [hbm4b:s8+s12], $0x1000, $0x38;
	[tilespmem:$0x1C000] =	vst v63  }
0x3b7: {  	_ =	swait.ge [sflag:s29], $0x1000  }
.Ltmp11:
0x3b8: {  	[sflag:s29] =	ssyncset.done $0x0;
	(pc) =	sbr.rel .LBB2_13-.Ltmp11, $4  }
0x3b9: {  	[sflag:s29] =	ssyncadd.s32 $0xFFFFF000  }
0x3ba: {  	v1 =	vimm.s32 $0x0;
	v2 =	vimm.f32 $0.0e+00;
	v4 =	vmov s11;
	_ =	swait.ge [sflag:s30], $0x1000  }
0x3bb: {  	v5 =	vmov s6;
	v3 =	vimm.f32 $0.0e+00;
	vm1 =	vmmov vm0;
	[sflag:s30] =	ssyncset.done $0x0  }
0x3bc: {  	s13 =	simm.s32 $0x0;
	v8 =	vimm.f32 $0.0e+00;
	v12 =	vimm.f32 $0.0e+00;
	v6 =	vimm.s32 $0x0;
	[sflag:s30] =	ssyncadd.s32 $0xFFFFF000  }
.LBB2_17:
0x3bd: {  	_ =	sdelay $0x3  }
0x3be: {  	v7 =	vld.idx.msk [tilespmem:v6+s1+$0x0], $0xffff  }
0x3bf: {  	v9 =	vld.idx.msk [tilespmem:v1+s1+$0x0], $0xffff  }
0x3c0: {  	v10 =	vld.idx.msk [tilespmem:v6+s28+$0x0], $0xffff  }
0x3c1: {  	v11 =	vld.idx.msk [tilespmem:v1+s28+$0x0], $0xffff;
	s13 =	sadd.s32 $0x100, s13  }
0x3c2: {  	p1 =	sne.s32 s13, $0x4000  }
.Ltmp12:
0x3c3: {  	_ = 	snop;
	(pc) =	sbr.rel @!p1 .LBB2_18-.Ltmp12, $4  }
0x3c4: {  	vm1 =	vgt.f32 v15, v7;
	vm2 =	vgt.f32 v17, v9  }
0x3c5: {  	vm1 =	vmor vm1, vm2;
	vm2 =	vgt.f32 v18, v10  }
0x3c6: {  	vm1 =	vmor vm1, vm2;
	vm2 =	vgt.f32 v16, v11  }
0x3c7: {  	s12 =	sadd.s32 $0x40, s12;
	vm1 =	vmor vm1, vm2  }
.LBB2_13:
0x3c8: {  	v7 =	vsel vm1, $0x3F800000, v0  }
0x3c9: {  	(xrf0) =	vmax.scan.msk.f32 $0xffff, v7;
	_ =	sdelay $0x4  }
0x3ca: {  	s14 =	sshra.s32 s13, $0x2  }
0x3cb: {  	v11 =	vld [tilespmem:s14+$0x1A000];
	v10, _, _ =	vpop (xrf0)  }
0x3cc: {  	v7 =	vld [tilespmem:s14+$0x1A010];
	(v2sf) =	vpush v10, $0xF  }
0x3cd: {  	v9 =	vld [tilespmem:s14+$0x1B000]  }
0x3ce: {  	v15 =	vld [tilespmem:s14+$0x1B010]  }
0x3cf: {  	v13 =	vld.idx.msk [tilespmem:v5+s14+$0x0 ss:$0x1], $0xffff  }
0x3d0: {  	v16 =	vld.idx.msk [tilespmem:v4+s14+$0x10 ss:$0x1], $0xffff  }
0x3d1: {  	v10 =	vld.idx.msk [tilespmem:v4+s14+$0x0 ss:$0x1], $0xffff  }
0x3d2: {  	v17 =	vld.idx.msk [tilespmem:v5+s14+$0x10 ss:$0x1], $0xffff  }
0x3d3: {  	v18 =	vld.idx.msk [tilespmem:v11+s1+$0x0], $0xffff  }
0x3d4: {  	v19 =	vld.idx.msk [tilespmem:v7+s1+$0x0], $0xffff  }
0x3d5: {  	v20 =	vld.idx.msk [tilespmem:v11+s28+$0x0], $0xffff  }
0x3d6: {  	v21 =	vld.idx.msk [tilespmem:v7+s28+$0x0], $0xffff;
	v14 =	vmul.f32 v10, v9  }
0x3d7: {  	v10 =	vmul.f32 v16, v15  }
0x3d8: {  	v13 =	vmul.f32 v13, v9;
	vm1 =	vgt.f32 v14, v18  }
0x3d9: {  	v9 =	vmul.f32 v17, v15;
	vm2 =	vgt.f32 v10, v19  }
0x3da: {  	vm3 =	vgt.f32 v13, v20  }
0x3db: {  	vm4 =	vgt.f32 v9, v21;
	s8 =	spop (v2sf)  }
0x3dc: {  	p1 =	sgt.f32 s8, $0.0e+00  }
.Ltmp13:
0x3dd: {  	v15 =	vmax.f32 v18, v14;
	(pc) =	sbr.rel @!p1 .LBB2_15-.Ltmp13, $4  }
0x3de: {  	v16 =	vmax.f32 v19, v10;
	[tilespmem:v11+s1+$0x0] =	vst.idx.msk vm1, v15  }
0x3df: {  	v17 =	vmax.f32 v20, v13;
	[tilespmem:v7+s1+$0x0] =	vst.idx.msk vm2, v16  }
0x3e0: {  	v18 =	vmax.f32 v21, v9;
	[tilespmem:v11+s28+$0x0] =	vst.idx.msk vm3, v17  }
0x3e1: {  	s9 =	sadd.s32 s14, s11;
	s8 =	sadd.s32 s14, s6;
	[tilespmem:v7+s28+$0x0] =	vst.idx.msk vm4, v18  }
0x3e2: {  	_ =	sdelay $0x3  }
0x3e3: {  	v19 =	vld.idx.msk [tilespmem:v6+s1+$0x0], $0xffff;
	_ =	sdelay $0x4  }
0x3e4: {  	vm1 =	vgt.f32 v12, v19;
	_ =	sdelay $0x4  }
0x3e5: {  	v19 =	vmax.f32 v19, v12  }
0x3e6: {  	[tilespmem:v6+s1+$0x0] =	vst.idx.msk vm1, v19  }
0x3e7: {  	v19 =	vld.idx.msk [tilespmem:v6+s1+$0x0], $0xffff;
	_ =	sdelay $0x4  }
0x3e8: {  	vm1 =	vgt.f32 v12, v19;
	_ =	sdelay $0x4  }
0x3e9: {  	v19 =	vmax.f32 v19, v12  }
0x3ea: {  	[tilespmem:v6+s1+$0x0] =	vst.idx.msk vm1, v19  }
0x3eb: {  	v19 =	vld.idx.msk [tilespmem:v6+s1+$0x0], $0xffff;
	_ =	sdelay $0x4  }
0x3ec: {  	vm1 =	vgt.f32 v12, v19;
	_ =	sdelay $0x4  }
0x3ed: {  	v19 =	vmax.f32 v19, v12  }
0x3ee: {  	[tilespmem:v6+s1+$0x0] =	vst.idx.msk vm1, v19  }
0x3ef: {  	v19 =	vld.idx.msk [tilespmem:v6+s1+$0x0], $0xffff;
	_ =	sdelay $0x4  }
0x3f0: {  	vm1 =	vgt.f32 v12, v19;
	_ =	sdelay $0x4  }
0x3f1: {  	v19 =	vmax.f32 v19, v12  }
0x3f2: {  	[tilespmem:v6+s1+$0x0] =	vst.idx.msk vm1, v19  }
0x3f3: {  	v19 =	vld.idx.msk [tilespmem:v6+s1+$0x0], $0xffff;
	_ =	sdelay $0x4  }
0x3f4: {  	vm1 =	vgt.f32 v12, v19;
	_ =	sdelay $0x4  }
0x3f5: {  	v19 =	vmax.f32 v19, v12  }
0x3f6: {  	[tilespmem:v6+s1+$0x0] =	vst.idx.msk vm1, v19  }
0x3f7: {  	v19 =	vld.idx.msk [tilespmem:v6+s1+$0x0], $0xffff;
	_ =	sdelay $0x4  }
0x3f8: {  	vm1 =	vgt.f32 v12, v19;
	_ =	sdelay $0x4  }
0x3f9: {  	v19 =	vmax.f32 v19, v12  }
0x3fa: {  	[tilespmem:v6+s1+$0x0] =	vst.idx.msk vm1, v19  }
0x3fb: {  	v19 =	vld.idx.msk [tilespmem:v6+s1+$0x0], $0xffff;
	_ =	sdelay $0x4  }
0x3fc: {  	vm1 =	vgt.f32 v12, v19;
	_ =	sdelay $0x4  }
0x3fd: {  	v19 =	vmax.f32 v19, v12  }
0x3fe: {  	[tilespmem:v6+s1+$0x0] =	vst.idx.msk vm1, v19  }
0x3ff: {  	v19 =	vld.idx.msk [tilespmem:v6+s1+$0x0], $0xffff;
	_ =	sdelay $0x4  }
0x400: {  	vm1 =	vgt.f32 v12, v19;
	_ =	sdelay $0x4  }
0x401: {  	v19 =	vmax.f32 v19, v12  }
0x402: {  	[tilespmem:v6+s1+$0x0] =	vst.idx.msk vm1, v19  }
0x403: {  	v19 =	vld.idx.msk [tilespmem:v6+s1+$0x0], $0xffff;
	_ =	sdelay $0x4  }
0x404: {  	vm1 =	vgt.f32 v12, v19;
	_ =	sdelay $0x4  }
0x405: {  	v19 =	vmax.f32 v19, v12  }
0x406: {  	[tilespmem:v6+s1+$0x0] =	vst.idx.msk vm1, v19  }
0x407: {  	v19 =	vld.idx.msk [tilespmem:v6+s1+$0x0], $0xffff;
	_ =	sdelay $0x4  }
0x408: {  	vm1 =	vgt.f32 v12, v19;
	_ =	sdelay $0x4  }
0x409: {  	v19 =	vmax.f32 v19, v12  }
0x40a: {  	[tilespmem:v6+s1+$0x0] =	vst.idx.msk vm1, v19  }
0x40b: {  	v19 =	vld.idx.msk [tilespmem:v6+s1+$0x0], $0xffff;
	_ =	sdelay $0x4  }
0x40c: {  	vm1 =	vgt.f32 v12, v19;
	_ =	sdelay $0x4  }
0x40d: {  	v19 =	vmax.f32 v19, v12  }
0x40e: {  	[tilespmem:v6+s1+$0x0] =	vst.idx.msk vm1, v19  }
0x40f: {  	v19 =	vld.idx.msk [tilespmem:v6+s1+$0x0], $0xffff;
	_ =	sdelay $0x4  }
0x410: {  	vm1 =	vgt.f32 v12, v19;
	_ =	sdelay $0x4  }
0x411: {  	v19 =	vmax.f32 v19, v12  }
0x412: {  	[tilespmem:v6+s1+$0x0] =	vst.idx.msk vm1, v19  }
0x413: {  	v19 =	vld.idx.msk [tilespmem:v6+s1+$0x0], $0xffff;
	_ =	sdelay $0x4  }
0x414: {  	vm1 =	vgt.f32 v12, v19;
	_ =	sdelay $0x4  }
0x415: {  	v19 =	vmax.f32 v19, v12  }
0x416: {  	[tilespmem:v6+s1+$0x0] =	vst.idx.msk vm1, v19  }
0x417: {  	v19 =	vld.idx.msk [tilespmem:v6+s1+$0x0], $0xffff;
	_ =	sdelay $0x4  }
0x418: {  	vm1 =	vgt.f32 v12, v19;
	_ =	sdelay $0x4  }
0x419: {  	v19 =	vmax.f32 v19, v12  }
0x41a: {  	[tilespmem:v6+s1+$0x0] =	vst.idx.msk vm1, v19  }
0x41b: {  	v19 =	vld.idx.msk [tilespmem:v6+s1+$0x0], $0xffff;
	_ =	sdelay $0x4  }
0x41c: {  	vm1 =	vgt.f32 v12, v19;
	_ =	sdelay $0x4  }
0x41d: {  	v19 =	vmax.f32 v19, v12  }
0x41e: {  	[tilespmem:v6+s1+$0x0] =	vst.idx.msk vm1, v19  }
0x41f: {  	v19 =	vld.idx.msk [tilespmem:v6+s1+$0x0], $0xffff;
	_ =	sdelay $0x4  }
0x420: {  	vm1 =	vgt.f32 v12, v19;
	_ =	sdelay $0x4  }
0x421: {  	v12 =	vmax.f32 v19, v12  }
0x422: {  	[tilespmem:v6+s1+$0x0] =	vst.idx.msk vm1, v12  }
0x423: {  	v12 =	vld.idx.msk [tilespmem:v6+s28+$0x0], $0xffff;
	_ =	sdelay $0x4  }
0x424: {  	vm1 =	vgt.f32 v8, v12;
	_ =	sdelay $0x4  }
0x425: {  	v12 =	vmax.f32 v12, v8  }
0x426: {  	[tilespmem:v6+s28+$0x0] =	vst.idx.msk vm1, v12  }
0x427: {  	v12 =	vld.idx.msk [tilespmem:v6+s28+$0x0], $0xffff;
	_ =	sdelay $0x4  }
0x428: {  	vm1 =	vgt.f32 v8, v12;
	_ =	sdelay $0x4  }
0x429: {  	v12 =	vmax.f32 v12, v8  }
0x42a: {  	[tilespmem:v6+s28+$0x0] =	vst.idx.msk vm1, v12  }
0x42b: {  	v12 =	vld.idx.msk [tilespmem:v6+s28+$0x0], $0xffff;
	_ =	sdelay $0x4  }
0x42c: {  	vm1 =	vgt.f32 v8, v12;
	_ =	sdelay $0x4  }
0x42d: {  	v12 =	vmax.f32 v12, v8  }
0x42e: {  	[tilespmem:v6+s28+$0x0] =	vst.idx.msk vm1, v12  }
0x42f: {  	v12 =	vld.idx.msk [tilespmem:v6+s28+$0x0], $0xffff;
	_ =	sdelay $0x4  }
0x430: {  	vm1 =	vgt.f32 v8, v12;
	_ =	sdelay $0x4  }
0x431: {  	v12 =	vmax.f32 v12, v8  }
0x432: {  	[tilespmem:v6+s28+$0x0] =	vst.idx.msk vm1, v12  }
0x433: {  	v12 =	vld.idx.msk [tilespmem:v6+s28+$0x0], $0xffff;
	_ =	sdelay $0x4  }
0x434: {  	vm1 =	vgt.f32 v8, v12;
	_ =	sdelay $0x4  }
0x435: {  	v12 =	vmax.f32 v12, v8  }
0x436: {  	[tilespmem:v6+s28+$0x0] =	vst.idx.msk vm1, v12  }
0x437: {  	v12 =	vld.idx.msk [tilespmem:v6+s28+$0x0], $0xffff;
	_ =	sdelay $0x4  }
0x438: {  	vm1 =	vgt.f32 v8, v12;
	_ =	sdelay $0x4  }
0x439: {  	v12 =	vmax.f32 v12, v8  }
0x43a: {  	[tilespmem:v6+s28+$0x0] =	vst.idx.msk vm1, v12  }
0x43b: {  	v12 =	vld.idx.msk [tilespmem:v6+s28+$0x0], $0xffff;
	_ =	sdelay $0x4  }
0x43c: {  	vm1 =	vgt.f32 v8, v12;
	_ =	sdelay $0x4  }
0x43d: {  	v12 =	vmax.f32 v12, v8  }
0x43e: {  	[tilespmem:v6+s28+$0x0] =	vst.idx.msk vm1, v12  }
0x43f: {  	v12 =	vld.idx.msk [tilespmem:v6+s28+$0x0], $0xffff;
	_ =	sdelay $0x4  }
0x440: {  	vm1 =	vgt.f32 v8, v12;
	_ =	sdelay $0x4  }
0x441: {  	v12 =	vmax.f32 v12, v8  }
0x442: {  	[tilespmem:v6+s28+$0x0] =	vst.idx.msk vm1, v12  }
0x443: {  	v12 =	vld.idx.msk [tilespmem:v6+s28+$0x0], $0xffff;
	_ =	sdelay $0x4  }
0x444: {  	vm1 =	vgt.f32 v8, v12;
	_ =	sdelay $0x4  }
0x445: {  	v12 =	vmax.f32 v12, v8  }
0x446: {  	[tilespmem:v6+s28+$0x0] =	vst.idx.msk vm1, v12  }
0x447: {  	v12 =	vld.idx.msk [tilespmem:v6+s28+$0x0], $0xffff;
	_ =	sdelay $0x4  }
0x448: {  	vm1 =	vgt.f32 v8, v12;
	_ =	sdelay $0x4  }
0x449: {  	v12 =	vmax.f32 v12, v8  }
0x44a: {  	[tilespmem:v6+s28+$0x0] =	vst.idx.msk vm1, v12  }
0x44b: {  	v12 =	vld.idx.msk [tilespmem:v6+s28+$0x0], $0xffff;
	_ =	sdelay $0x4  }
0x44c: {  	vm1 =	vgt.f32 v8, v12;
	_ =	sdelay $0x4  }
0x44d: {  	v12 =	vmax.f32 v12, v8  }
0x44e: {  	[tilespmem:v6+s28+$0x0] =	vst.idx.msk vm1, v12  }
0x44f: {  	v12 =	vld.idx.msk [tilespmem:v6+s28+$0x0], $0xffff;
	_ =	sdelay $0x4  }
0x450: {  	vm1 =	vgt.f32 v8, v12;
	_ =	sdelay $0x4  }
0x451: {  	v12 =	vmax.f32 v12, v8  }
0x452: {  	[tilespmem:v6+s28+$0x0] =	vst.idx.msk vm1, v12  }
0x453: {  	v12 =	vld.idx.msk [tilespmem:v6+s28+$0x0], $0xffff;
	_ =	sdelay $0x4  }
0x454: {  	vm1 =	vgt.f32 v8, v12;
	_ =	sdelay $0x4  }
0x455: {  	v12 =	vmax.f32 v12, v8  }
0x456: {  	[tilespmem:v6+s28+$0x0] =	vst.idx.msk vm1, v12  }
0x457: {  	v12 =	vld.idx.msk [tilespmem:v6+s28+$0x0], $0xffff;
	_ =	sdelay $0x4  }
0x458: {  	vm1 =	vgt.f32 v8, v12;
	_ =	sdelay $0x4  }
0x459: {  	v12 =	vmax.f32 v12, v8  }
0x45a: {  	[tilespmem:v6+s28+$0x0] =	vst.idx.msk vm1, v12  }
0x45b: {  	v12 =	vld.idx.msk [tilespmem:v6+s28+$0x0], $0xffff;
	_ =	sdelay $0x4  }
0x45c: {  	vm1 =	vgt.f32 v8, v12;
	_ =	sdelay $0x4  }
0x45d: {  	v12 =	vmax.f32 v12, v8  }
0x45e: {  	[tilespmem:v6+s28+$0x0] =	vst.idx.msk vm1, v12  }
0x45f: {  	v12 =	vld.idx.msk [tilespmem:v6+s28+$0x0], $0xffff;
	_ =	sdelay $0x4  }
0x460: {  	vm1 =	vgt.f32 v8, v12;
	_ =	sdelay $0x4  }
0x461: {  	v8 =	vmax.f32 v12, v8  }
0x462: {  	[tilespmem:v6+s28+$0x0] =	vst.idx.msk vm1, v8  }
0x463: {  	v6 =	vld.idx.msk [tilespmem:v1+s1+$0x0], $0xffff;
	_ =	sdelay $0x4  }
0x464: {  	vm1 =	vgt.f32 v3, v6;
	_ =	sdelay $0x4  }
0x465: {  	v6 =	vmax.f32 v6, v3  }
0x466: {  	[tilespmem:v1+s1+$0x0] =	vst.idx.msk vm1, v6  }
0x467: {  	v6 =	vld.idx.msk [tilespmem:v1+s1+$0x0], $0xffff;
	_ =	sdelay $0x4  }
0x468: {  	vm1 =	vgt.f32 v3, v6;
	_ =	sdelay $0x4  }
0x469: {  	v6 =	vmax.f32 v6, v3  }
0x46a: {  	[tilespmem:v1+s1+$0x0] =	vst.idx.msk vm1, v6  }
0x46b: {  	v6 =	vld.idx.msk [tilespmem:v1+s1+$0x0], $0xffff;
	_ =	sdelay $0x4  }
0x46c: {  	vm1 =	vgt.f32 v3, v6;
	_ =	sdelay $0x4  }
0x46d: {  	v6 =	vmax.f32 v6, v3  }
0x46e: {  	[tilespmem:v1+s1+$0x0] =	vst.idx.msk vm1, v6  }
0x46f: {  	v6 =	vld.idx.msk [tilespmem:v1+s1+$0x0], $0xffff;
	_ =	sdelay $0x4  }
0x470: {  	vm1 =	vgt.f32 v3, v6;
	_ =	sdelay $0x4  }
0x471: {  	v6 =	vmax.f32 v6, v3  }
0x472: {  	[tilespmem:v1+s1+$0x0] =	vst.idx.msk vm1, v6  }
0x473: {  	v6 =	vld.idx.msk [tilespmem:v1+s1+$0x0], $0xffff;
	_ =	sdelay $0x4  }
0x474: {  	vm1 =	vgt.f32 v3, v6;
	_ =	sdelay $0x4  }
0x475: {  	v6 =	vmax.f32 v6, v3  }
0x476: {  	[tilespmem:v1+s1+$0x0] =	vst.idx.msk vm1, v6  }
0x477: {  	v6 =	vld.idx.msk [tilespmem:v1+s1+$0x0], $0xffff;
	_ =	sdelay $0x4  }
0x478: {  	vm1 =	vgt.f32 v3, v6;
	_ =	sdelay $0x4  }
0x479: {  	v6 =	vmax.f32 v6, v3  }
0x47a: {  	[tilespmem:v1+s1+$0x0] =	vst.idx.msk vm1, v6  }
0x47b: {  	v6 =	vld.idx.msk [tilespmem:v1+s1+$0x0], $0xffff;
	_ =	sdelay $0x4  }
0x47c: {  	vm1 =	vgt.f32 v3, v6;
	_ =	sdelay $0x4  }
0x47d: {  	v6 =	vmax.f32 v6, v3  }
0x47e: {  	[tilespmem:v1+s1+$0x0] =	vst.idx.msk vm1, v6  }
0x47f: {  	v6 =	vld.idx.msk [tilespmem:v1+s1+$0x0], $0xffff;
	_ =	sdelay $0x4  }
0x480: {  	vm1 =	vgt.f32 v3, v6;
	_ =	sdelay $0x4  }
0x481: {  	v6 =	vmax.f32 v6, v3  }
0x482: {  	[tilespmem:v1+s1+$0x0] =	vst.idx.msk vm1, v6  }
0x483: {  	v6 =	vld.idx.msk [tilespmem:v1+s1+$0x0], $0xffff;
	_ =	sdelay $0x4  }
0x484: {  	vm1 =	vgt.f32 v3, v6;
	_ =	sdelay $0x4  }
0x485: {  	v6 =	vmax.f32 v6, v3  }
0x486: {  	[tilespmem:v1+s1+$0x0] =	vst.idx.msk vm1, v6  }
0x487: {  	v6 =	vld.idx.msk [tilespmem:v1+s1+$0x0], $0xffff;
	_ =	sdelay $0x4  }
0x488: {  	vm1 =	vgt.f32 v3, v6;
	_ =	sdelay $0x4  }
0x489: {  	v6 =	vmax.f32 v6, v3  }
0x48a: {  	[tilespmem:v1+s1+$0x0] =	vst.idx.msk vm1, v6  }
0x48b: {  	v6 =	vld.idx.msk [tilespmem:v1+s1+$0x0], $0xffff;
	_ =	sdelay $0x4  }
0x48c: {  	vm1 =	vgt.f32 v3, v6;
	_ =	sdelay $0x4  }
0x48d: {  	v6 =	vmax.f32 v6, v3  }
0x48e: {  	[tilespmem:v1+s1+$0x0] =	vst.idx.msk vm1, v6  }
0x48f: {  	v6 =	vld.idx.msk [tilespmem:v1+s1+$0x0], $0xffff;
	_ =	sdelay $0x4  }
0x490: {  	vm1 =	vgt.f32 v3, v6;
	_ =	sdelay $0x4  }
0x491: {  	v6 =	vmax.f32 v6, v3  }
0x492: {  	[tilespmem:v1+s1+$0x0] =	vst.idx.msk vm1, v6  }
0x493: {  	v6 =	vld.idx.msk [tilespmem:v1+s1+$0x0], $0xffff;
	_ =	sdelay $0x4  }
0x494: {  	vm1 =	vgt.f32 v3, v6;
	_ =	sdelay $0x4  }
0x495: {  	v6 =	vmax.f32 v6, v3  }
0x496: {  	[tilespmem:v1+s1+$0x0] =	vst.idx.msk vm1, v6  }
0x497: {  	v6 =	vld.idx.msk [tilespmem:v1+s1+$0x0], $0xffff;
	_ =	sdelay $0x4  }
0x498: {  	vm1 =	vgt.f32 v3, v6;
	_ =	sdelay $0x4  }
0x499: {  	v6 =	vmax.f32 v6, v3  }
0x49a: {  	[tilespmem:v1+s1+$0x0] =	vst.idx.msk vm1, v6  }
0x49b: {  	v6 =	vld.idx.msk [tilespmem:v1+s1+$0x0], $0xffff;
	_ =	sdelay $0x4  }
0x49c: {  	vm1 =	vgt.f32 v3, v6;
	_ =	sdelay $0x4  }
0x49d: {  	v6 =	vmax.f32 v6, v3  }
0x49e: {  	[tilespmem:v1+s1+$0x0] =	vst.idx.msk vm1, v6  }
0x49f: {  	v6 =	vld.idx.msk [tilespmem:v1+s1+$0x0], $0xffff;
	_ =	sdelay $0x4  }
0x4a0: {  	vm1 =	vgt.f32 v3, v6;
	_ =	sdelay $0x4  }
0x4a1: {  	v3 =	vmax.f32 v6, v3  }
0x4a2: {  	[tilespmem:v1+s1+$0x0] =	vst.idx.msk vm1, v3  }
0x4a3: {  	v3 =	vld.idx.msk [tilespmem:v1+s28+$0x0], $0xffff;
	_ =	sdelay $0x4  }
0x4a4: {  	vm1 =	vgt.f32 v2, v3;
	_ =	sdelay $0x4  }
0x4a5: {  	v3 =	vmax.f32 v3, v2  }
0x4a6: {  	[tilespmem:v1+s28+$0x0] =	vst.idx.msk vm1, v3  }
0x4a7: {  	v3 =	vld.idx.msk [tilespmem:v1+s28+$0x0], $0xffff;
	_ =	sdelay $0x4  }
0x4a8: {  	vm1 =	vgt.f32 v2, v3;
	_ =	sdelay $0x4  }
0x4a9: {  	v3 =	vmax.f32 v3, v2  }
0x4aa: {  	[tilespmem:v1+s28+$0x0] =	vst.idx.msk vm1, v3  }
0x4ab: {  	v3 =	vld.idx.msk [tilespmem:v1+s28+$0x0], $0xffff;
	_ =	sdelay $0x4  }
0x4ac: {  	vm1 =	vgt.f32 v2, v3;
	_ =	sdelay $0x4  }
0x4ad: {  	v3 =	vmax.f32 v3, v2  }
0x4ae: {  	[tilespmem:v1+s28+$0x0] =	vst.idx.msk vm1, v3  }
0x4af: {  	v3 =	vld.idx.msk [tilespmem:v1+s28+$0x0], $0xffff;
	_ =	sdelay $0x4  }
0x4b0: {  	vm1 =	vgt.f32 v2, v3;
	_ =	sdelay $0x4  }
0x4b1: {  	v3 =	vmax.f32 v3, v2  }
0x4b2: {  	[tilespmem:v1+s28+$0x0] =	vst.idx.msk vm1, v3  }
0x4b3: {  	v3 =	vld.idx.msk [tilespmem:v1+s28+$0x0], $0xffff;
	_ =	sdelay $0x4  }
0x4b4: {  	vm1 =	vgt.f32 v2, v3;
	_ =	sdelay $0x4  }
0x4b5: {  	v3 =	vmax.f32 v3, v2  }
0x4b6: {  	[tilespmem:v1+s28+$0x0] =	vst.idx.msk vm1, v3  }
0x4b7: {  	v3 =	vld.idx.msk [tilespmem:v1+s28+$0x0], $0xffff;
	_ =	sdelay $0x4  }
0x4b8: {  	vm1 =	vgt.f32 v2, v3;
	_ =	sdelay $0x4  }
0x4b9: {  	v3 =	vmax.f32 v3, v2  }
0x4ba: {  	[tilespmem:v1+s28+$0x0] =	vst.idx.msk vm1, v3  }
0x4bb: {  	v3 =	vld.idx.msk [tilespmem:v1+s28+$0x0], $0xffff;
	_ =	sdelay $0x4  }
0x4bc: {  	vm1 =	vgt.f32 v2, v3;
	_ =	sdelay $0x4  }
0x4bd: {  	v3 =	vmax.f32 v3, v2  }
0x4be: {  	[tilespmem:v1+s28+$0x0] =	vst.idx.msk vm1, v3  }
0x4bf: {  	v3 =	vld.idx.msk [tilespmem:v1+s28+$0x0], $0xffff;
	_ =	sdelay $0x4  }
0x4c0: {  	vm1 =	vgt.f32 v2, v3;
	_ =	sdelay $0x4  }
0x4c1: {  	v3 =	vmax.f32 v3, v2  }
0x4c2: {  	[tilespmem:v1+s28+$0x0] =	vst.idx.msk vm1, v3  }
0x4c3: {  	v3 =	vld.idx.msk [tilespmem:v1+s28+$0x0], $0xffff;
	_ =	sdelay $0x4  }
0x4c4: {  	vm1 =	vgt.f32 v2, v3;
	_ =	sdelay $0x4  }
0x4c5: {  	v3 =	vmax.f32 v3, v2  }
0x4c6: {  	[tilespmem:v1+s28+$0x0] =	vst.idx.msk vm1, v3  }
0x4c7: {  	v3 =	vld.idx.msk [tilespmem:v1+s28+$0x0], $0xffff;
	_ =	sdelay $0x4  }
0x4c8: {  	vm1 =	vgt.f32 v2, v3;
	_ =	sdelay $0x4  }
0x4c9: {  	v3 =	vmax.f32 v3, v2  }
0x4ca: {  	[tilespmem:v1+s28+$0x0] =	vst.idx.msk vm1, v3  }
0x4cb: {  	v3 =	vld.idx.msk [tilespmem:v1+s28+$0x0], $0xffff;
	_ =	sdelay $0x4  }
0x4cc: {  	vm1 =	vgt.f32 v2, v3;
	_ =	sdelay $0x4  }
0x4cd: {  	v3 =	vmax.f32 v3, v2  }
0x4ce: {  	[tilespmem:v1+s28+$0x0] =	vst.idx.msk vm1, v3  }
0x4cf: {  	v3 =	vld.idx.msk [tilespmem:v1+s28+$0x0], $0xffff;
	_ =	sdelay $0x4  }
0x4d0: {  	vm1 =	vgt.f32 v2, v3;
	_ =	sdelay $0x4  }
0x4d1: {  	v3 =	vmax.f32 v3, v2  }
0x4d2: {  	[tilespmem:v1+s28+$0x0] =	vst.idx.msk vm1, v3  }
0x4d3: {  	v3 =	vld.idx.msk [tilespmem:v1+s28+$0x0], $0xffff;
	_ =	sdelay $0x4  }
0x4d4: {  	vm1 =	vgt.f32 v2, v3;
	_ =	sdelay $0x4  }
0x4d5: {  	v3 =	vmax.f32 v3, v2  }
0x4d6: {  	[tilespmem:v1+s28+$0x0] =	vst.idx.msk vm1, v3  }
0x4d7: {  	v3 =	vld.idx.msk [tilespmem:v1+s28+$0x0], $0xffff;
	_ =	sdelay $0x4  }
0x4d8: {  	vm1 =	vgt.f32 v2, v3;
	_ =	sdelay $0x4  }
0x4d9: {  	v3 =	vmax.f32 v3, v2  }
0x4da: {  	[tilespmem:v1+s28+$0x0] =	vst.idx.msk vm1, v3  }
0x4db: {  	v3 =	vld.idx.msk [tilespmem:v1+s28+$0x0], $0xffff;
	_ =	sdelay $0x4  }
0x4dc: {  	vm1 =	vgt.f32 v2, v3;
	_ =	sdelay $0x4  }
0x4dd: {  	v3 =	vmax.f32 v3, v2  }
0x4de: {  	[tilespmem:v1+s28+$0x0] =	vst.idx.msk vm1, v3  }
0x4df: {  	v3 =	vld.idx.msk [tilespmem:v1+s28+$0x0], $0xffff;
	_ =	sdelay $0x4  }
0x4e0: {  	vm1 =	vgt.f32 v2, v3;
	_ =	sdelay $0x4  }
0x4e1: {  	v2 =	vmax.f32 v3, v2  }
0x4e2: {  	[tilespmem:v1+s28+$0x0] =	vst.idx.msk vm1, v2  }
.LBB2_15:
0x4e3: {  	_ =	sdelay $0x3  }
0x4e4: {  	v1 =	vld.idx.msk [tilespmem:v11+s1+$0x0], $0xffff  }
0x4e5: {  	v2 =	vld.idx.msk [tilespmem:v7+s1+$0x0], $0xffff  }
0x4e6: {  	v3 =	vld.idx.msk [tilespmem:v11+s28+$0x0], $0xffff  }
0x4e7: {  	v6 =	vld.idx.msk [tilespmem:v7+s28+$0x0], $0xffff;
	_ =	sdelay $0x2  }
0x4e8: {  	vm1 =	vgt.f32 v15, v1;
	vm2 =	vgt.f32 v16, v2  }
0x4e9: {  	vm1 =	vmor vm1, vm2;
	vm2 =	vgt.f32 v17, v3  }
0x4ea: {  	vm1 =	vmor vm1, vm2;
	vm2 =	vgt.f32 v18, v6  }
0x4eb: {  	vm1 =	vmor vm1, vm2  }
0x4ec: {  	v1 =	vsel vm1, $0x3F800000, v0  }
0x4ed: {  	(xrf0) =	vmax.scan.msk.f32 $0xffff, v1;
	_ =	sdelay $0x5  }
0x4ee: {  	v6 =	vld [tilespmem:s14+$0x1A020];
	v3, _, _ =	vpop (xrf0)  }
0x4ef: {  	s15 =	sadd.s32 s12, s7;
	v1 =	vld [tilespmem:s14+$0x1A030];
	(v2sf) =	vpush v3, $0xF  }
0x4f0: {  	s16 =	sand.u32 $0x40, s12;
	v8 =	vld [tilespmem:s8+$0x20];
	s15 =	sand.u32 $0x3F80, s15  }
0x4f1: {  	s16 =	sor.u32 s15, s16;
	v2 =	vld [tilespmem:s14+$0x1B020]  }
0x4f2: {  	s17 =	sor.u32 $0x10030, s16;
	v15 =	vld [tilespmem:s14+$0x1B030]  }
0x4f3: {  	v16 =	vld [tilespmem:s17+$0x0]  }
0x4f4: {  	s22 =	sor.u32 $0x14030, s16;
	v3 =	vld [tilespmem:s9+$0x20]  }
0x4f5: {  	v17 =	vld [tilespmem:s22+$0x0]  }
0x4f6: {  	v18 =	vld.idx.msk [tilespmem:v6+s1+$0x0], $0xffff  }
0x4f7: {  	v19 =	vld.idx.msk [tilespmem:v1+s1+$0x0], $0xffff  }
0x4f8: {  	v20 =	vld.idx.msk [tilespmem:v6+s28+$0x0], $0xffff  }
0x4f9: {  	v21 =	vld.idx.msk [tilespmem:v1+s28+$0x0], $0xffff;
	v12 =	vmul.f32 v3, v2  }
0x4fa: {  	v3 =	vmul.f32 v16, v15  }
0x4fb: {  	v8 =	vmul.f32 v8, v2;
	vm1 =	vgt.f32 v12, v18  }
0x4fc: {  	v2 =	vmul.f32 v17, v15;
	vm2 =	vgt.f32 v3, v19  }
0x4fd: {  	vm3 =	vgt.f32 v8, v20  }
0x4fe: {  	vm4 =	vgt.f32 v2, v21;
	s31 =	spop (v2sf)  }
0x4ff: {  	p1 =	sgt.f32 s31, $0.0e+00  }
.Ltmp14:
0x500: {  	v15 =	vmax.f32 v18, v12;
	(pc) =	sbr.rel @!p1 .LBB2_17-.Ltmp14, $4  }
0x501: {  	v17 =	vmax.f32 v19, v3;
	[tilespmem:v6+s1+$0x0] =	vst.idx.msk vm1, v15  }
0x502: {  	v18 =	vmax.f32 v20, v8;
	[tilespmem:v1+s1+$0x0] =	vst.idx.msk vm2, v17  }
0x503: {  	v16 =	vmax.f32 v21, v2;
	[tilespmem:v6+s28+$0x0] =	vst.idx.msk vm3, v18  }
0x504: {  	[tilespmem:v1+s28+$0x0] =	vst.idx.msk vm4, v16  }
0x505: {  	_ =	sdelay $0x3  }
0x506: {  	v19 =	vld.idx.msk [tilespmem:v11+s1+$0x0], $0xffff;
	_ =	sdelay $0x4  }
0x507: {  	vm1 =	vgt.f32 v14, v19;
	_ =	sdelay $0x4  }
0x508: {  	v19 =	vmax.f32 v19, v14  }
0x509: {  	[tilespmem:v11+s1+$0x0] =	vst.idx.msk vm1, v19  }
0x50a: {  	v19 =	vld.idx.msk [tilespmem:v11+s1+$0x0], $0xffff;
	_ =	sdelay $0x4  }
0x50b: {  	vm1 =	vgt.f32 v14, v19;
	_ =	sdelay $0x4  }
0x50c: {  	v19 =	vmax.f32 v19, v14  }
0x50d: {  	[tilespmem:v11+s1+$0x0] =	vst.idx.msk vm1, v19  }
0x50e: {  	v19 =	vld.idx.msk [tilespmem:v11+s1+$0x0], $0xffff;
	_ =	sdelay $0x4  }
0x50f: {  	vm1 =	vgt.f32 v14, v19;
	_ =	sdelay $0x4  }
0x510: {  	v19 =	vmax.f32 v19, v14  }
0x511: {  	[tilespmem:v11+s1+$0x0] =	vst.idx.msk vm1, v19  }
0x512: {  	v19 =	vld.idx.msk [tilespmem:v11+s1+$0x0], $0xffff;
	_ =	sdelay $0x4  }
0x513: {  	vm1 =	vgt.f32 v14, v19;
	_ =	sdelay $0x4  }
0x514: {  	v19 =	vmax.f32 v19, v14  }
0x515: {  	[tilespmem:v11+s1+$0x0] =	vst.idx.msk vm1, v19  }
0x516: {  	v19 =	vld.idx.msk [tilespmem:v11+s1+$0x0], $0xffff;
	_ =	sdelay $0x4  }
0x517: {  	vm1 =	vgt.f32 v14, v19;
	_ =	sdelay $0x4  }
0x518: {  	v19 =	vmax.f32 v19, v14  }
0x519: {  	[tilespmem:v11+s1+$0x0] =	vst.idx.msk vm1, v19  }
0x51a: {  	v19 =	vld.idx.msk [tilespmem:v11+s1+$0x0], $0xffff;
	_ =	sdelay $0x4  }
0x51b: {  	vm1 =	vgt.f32 v14, v19;
	_ =	sdelay $0x4  }
0x51c: {  	v19 =	vmax.f32 v19, v14  }
0x51d: {  	[tilespmem:v11+s1+$0x0] =	vst.idx.msk vm1, v19  }
0x51e: {  	v19 =	vld.idx.msk [tilespmem:v11+s1+$0x0], $0xffff;
	_ =	sdelay $0x4  }
0x51f: {  	vm1 =	vgt.f32 v14, v19;
	_ =	sdelay $0x4  }
0x520: {  	v19 =	vmax.f32 v19, v14  }
0x521: {  	[tilespmem:v11+s1+$0x0] =	vst.idx.msk vm1, v19  }
0x522: {  	v19 =	vld.idx.msk [tilespmem:v11+s1+$0x0], $0xffff;
	_ =	sdelay $0x4  }
0x523: {  	vm1 =	vgt.f32 v14, v19;
	_ =	sdelay $0x4  }
0x524: {  	v19 =	vmax.f32 v19, v14  }
0x525: {  	[tilespmem:v11+s1+$0x0] =	vst.idx.msk vm1, v19  }
0x526: {  	v19 =	vld.idx.msk [tilespmem:v11+s1+$0x0], $0xffff;
	_ =	sdelay $0x4  }
0x527: {  	vm1 =	vgt.f32 v14, v19;
	_ =	sdelay $0x4  }
0x528: {  	v19 =	vmax.f32 v19, v14  }
0x529: {  	[tilespmem:v11+s1+$0x0] =	vst.idx.msk vm1, v19  }
0x52a: {  	v19 =	vld.idx.msk [tilespmem:v11+s1+$0x0], $0xffff;
	_ =	sdelay $0x4  }
0x52b: {  	vm1 =	vgt.f32 v14, v19;
	_ =	sdelay $0x4  }
0x52c: {  	v19 =	vmax.f32 v19, v14  }
0x52d: {  	[tilespmem:v11+s1+$0x0] =	vst.idx.msk vm1, v19  }
0x52e: {  	v19 =	vld.idx.msk [tilespmem:v11+s1+$0x0], $0xffff;
	_ =	sdelay $0x4  }
0x52f: {  	vm1 =	vgt.f32 v14, v19;
	_ =	sdelay $0x4  }
0x530: {  	v19 =	vmax.f32 v19, v14  }
0x531: {  	[tilespmem:v11+s1+$0x0] =	vst.idx.msk vm1, v19  }
0x532: {  	v19 =	vld.idx.msk [tilespmem:v11+s1+$0x0], $0xffff;
	_ =	sdelay $0x4  }
0x533: {  	vm1 =	vgt.f32 v14, v19;
	_ =	sdelay $0x4  }
0x534: {  	v19 =	vmax.f32 v19, v14  }
0x535: {  	[tilespmem:v11+s1+$0x0] =	vst.idx.msk vm1, v19  }
0x536: {  	v19 =	vld.idx.msk [tilespmem:v11+s1+$0x0], $0xffff;
	_ =	sdelay $0x4  }
0x537: {  	vm1 =	vgt.f32 v14, v19;
	_ =	sdelay $0x4  }
0x538: {  	v19 =	vmax.f32 v19, v14  }
0x539: {  	[tilespmem:v11+s1+$0x0] =	vst.idx.msk vm1, v19  }
0x53a: {  	v19 =	vld.idx.msk [tilespmem:v11+s1+$0x0], $0xffff;
	_ =	sdelay $0x4  }
0x53b: {  	vm1 =	vgt.f32 v14, v19;
	_ =	sdelay $0x4  }
0x53c: {  	v19 =	vmax.f32 v19, v14  }
0x53d: {  	[tilespmem:v11+s1+$0x0] =	vst.idx.msk vm1, v19  }
0x53e: {  	v19 =	vld.idx.msk [tilespmem:v11+s1+$0x0], $0xffff;
	_ =	sdelay $0x4  }
0x53f: {  	vm1 =	vgt.f32 v14, v19;
	_ =	sdelay $0x4  }
0x540: {  	v19 =	vmax.f32 v19, v14  }
0x541: {  	[tilespmem:v11+s1+$0x0] =	vst.idx.msk vm1, v19  }
0x542: {  	v19 =	vld.idx.msk [tilespmem:v11+s1+$0x0], $0xffff;
	_ =	sdelay $0x4  }
0x543: {  	vm1 =	vgt.f32 v14, v19;
	_ =	sdelay $0x4  }
0x544: {  	v14 =	vmax.f32 v19, v14  }
0x545: {  	[tilespmem:v11+s1+$0x0] =	vst.idx.msk vm1, v14  }
0x546: {  	v14 =	vld.idx.msk [tilespmem:v11+s28+$0x0], $0xffff;
	_ =	sdelay $0x4  }
0x547: {  	vm1 =	vgt.f32 v13, v14;
	_ =	sdelay $0x4  }
0x548: {  	v14 =	vmax.f32 v14, v13  }
0x549: {  	[tilespmem:v11+s28+$0x0] =	vst.idx.msk vm1, v14  }
0x54a: {  	v14 =	vld.idx.msk [tilespmem:v11+s28+$0x0], $0xffff;
	_ =	sdelay $0x4  }
0x54b: {  	vm1 =	vgt.f32 v13, v14;
	_ =	sdelay $0x4  }
0x54c: {  	v14 =	vmax.f32 v14, v13  }
0x54d: {  	[tilespmem:v11+s28+$0x0] =	vst.idx.msk vm1, v14  }
0x54e: {  	v14 =	vld.idx.msk [tilespmem:v11+s28+$0x0], $0xffff;
	_ =	sdelay $0x4  }
0x54f: {  	vm1 =	vgt.f32 v13, v14;
	_ =	sdelay $0x4  }
0x550: {  	v14 =	vmax.f32 v14, v13  }
0x551: {  	[tilespmem:v11+s28+$0x0] =	vst.idx.msk vm1, v14  }
0x552: {  	v14 =	vld.idx.msk [tilespmem:v11+s28+$0x0], $0xffff;
	_ =	sdelay $0x4  }
0x553: {  	vm1 =	vgt.f32 v13, v14;
	_ =	sdelay $0x4  }
0x554: {  	v14 =	vmax.f32 v14, v13  }
0x555: {  	[tilespmem:v11+s28+$0x0] =	vst.idx.msk vm1, v14  }
0x556: {  	v14 =	vld.idx.msk [tilespmem:v11+s28+$0x0], $0xffff;
	_ =	sdelay $0x4  }
0x557: {  	vm1 =	vgt.f32 v13, v14;
	_ =	sdelay $0x4  }
0x558: {  	v14 =	vmax.f32 v14, v13  }
0x559: {  	[tilespmem:v11+s28+$0x0] =	vst.idx.msk vm1, v14  }
0x55a: {  	v14 =	vld.idx.msk [tilespmem:v11+s28+$0x0], $0xffff;
	_ =	sdelay $0x4  }
0x55b: {  	vm1 =	vgt.f32 v13, v14;
	_ =	sdelay $0x4  }
0x55c: {  	v14 =	vmax.f32 v14, v13  }
0x55d: {  	[tilespmem:v11+s28+$0x0] =	vst.idx.msk vm1, v14  }
0x55e: {  	v14 =	vld.idx.msk [tilespmem:v11+s28+$0x0], $0xffff;
	_ =	sdelay $0x4  }
0x55f: {  	vm1 =	vgt.f32 v13, v14;
	_ =	sdelay $0x4  }
0x560: {  	v14 =	vmax.f32 v14, v13  }
0x561: {  	[tilespmem:v11+s28+$0x0] =	vst.idx.msk vm1, v14  }
0x562: {  	v14 =	vld.idx.msk [tilespmem:v11+s28+$0x0], $0xffff;
	_ =	sdelay $0x4  }
0x563: {  	vm1 =	vgt.f32 v13, v14;
	_ =	sdelay $0x4  }
0x564: {  	v14 =	vmax.f32 v14, v13  }
0x565: {  	[tilespmem:v11+s28+$0x0] =	vst.idx.msk vm1, v14  }
0x566: {  	v14 =	vld.idx.msk [tilespmem:v11+s28+$0x0], $0xffff;
	_ =	sdelay $0x4  }
0x567: {  	vm1 =	vgt.f32 v13, v14;
	_ =	sdelay $0x4  }
0x568: {  	v14 =	vmax.f32 v14, v13  }
0x569: {  	[tilespmem:v11+s28+$0x0] =	vst.idx.msk vm1, v14  }
0x56a: {  	v14 =	vld.idx.msk [tilespmem:v11+s28+$0x0], $0xffff;
	_ =	sdelay $0x4  }
0x56b: {  	vm1 =	vgt.f32 v13, v14;
	_ =	sdelay $0x4  }
0x56c: {  	v14 =	vmax.f32 v14, v13  }
0x56d: {  	[tilespmem:v11+s28+$0x0] =	vst.idx.msk vm1, v14  }
0x56e: {  	v14 =	vld.idx.msk [tilespmem:v11+s28+$0x0], $0xffff;
	_ =	sdelay $0x4  }
0x56f: {  	vm1 =	vgt.f32 v13, v14;
	_ =	sdelay $0x4  }
0x570: {  	v14 =	vmax.f32 v14, v13  }
0x571: {  	[tilespmem:v11+s28+$0x0] =	vst.idx.msk vm1, v14  }
0x572: {  	v14 =	vld.idx.msk [tilespmem:v11+s28+$0x0], $0xffff;
	_ =	sdelay $0x4  }
0x573: {  	vm1 =	vgt.f32 v13, v14;
	_ =	sdelay $0x4  }
0x574: {  	v14 =	vmax.f32 v14, v13  }
0x575: {  	[tilespmem:v11+s28+$0x0] =	vst.idx.msk vm1, v14  }
0x576: {  	v14 =	vld.idx.msk [tilespmem:v11+s28+$0x0], $0xffff;
	_ =	sdelay $0x4  }
0x577: {  	vm1 =	vgt.f32 v13, v14;
	_ =	sdelay $0x4  }
0x578: {  	v14 =	vmax.f32 v14, v13  }
0x579: {  	[tilespmem:v11+s28+$0x0] =	vst.idx.msk vm1, v14  }
0x57a: {  	v14 =	vld.idx.msk [tilespmem:v11+s28+$0x0], $0xffff;
	_ =	sdelay $0x4  }
0x57b: {  	vm1 =	vgt.f32 v13, v14;
	_ =	sdelay $0x4  }
0x57c: {  	v14 =	vmax.f32 v14, v13  }
0x57d: {  	[tilespmem:v11+s28+$0x0] =	vst.idx.msk vm1, v14  }
0x57e: {  	v14 =	vld.idx.msk [tilespmem:v11+s28+$0x0], $0xffff;
	_ =	sdelay $0x4  }
0x57f: {  	vm1 =	vgt.f32 v13, v14;
	_ =	sdelay $0x4  }
0x580: {  	v14 =	vmax.f32 v14, v13  }
0x581: {  	[tilespmem:v11+s28+$0x0] =	vst.idx.msk vm1, v14  }
0x582: {  	v14 =	vld.idx.msk [tilespmem:v11+s28+$0x0], $0xffff;
	_ =	sdelay $0x4  }
0x583: {  	vm1 =	vgt.f32 v13, v14;
	_ =	sdelay $0x4  }
0x584: {  	v13 =	vmax.f32 v14, v13  }
0x585: {  	[tilespmem:v11+s28+$0x0] =	vst.idx.msk vm1, v13  }
0x586: {  	v11 =	vld.idx.msk [tilespmem:v7+s1+$0x0], $0xffff;
	_ =	sdelay $0x4  }
0x587: {  	vm1 =	vgt.f32 v10, v11;
	_ =	sdelay $0x4  }
0x588: {  	v11 =	vmax.f32 v11, v10  }
0x589: {  	[tilespmem:v7+s1+$0x0] =	vst.idx.msk vm1, v11  }
0x58a: {  	v11 =	vld.idx.msk [tilespmem:v7+s1+$0x0], $0xffff;
	_ =	sdelay $0x4  }
0x58b: {  	vm1 =	vgt.f32 v10, v11;
	_ =	sdelay $0x4  }
0x58c: {  	v11 =	vmax.f32 v11, v10  }
0x58d: {  	[tilespmem:v7+s1+$0x0] =	vst.idx.msk vm1, v11  }
0x58e: {  	v11 =	vld.idx.msk [tilespmem:v7+s1+$0x0], $0xffff;
	_ =	sdelay $0x4  }
0x58f: {  	vm1 =	vgt.f32 v10, v11;
	_ =	sdelay $0x4  }
0x590: {  	v11 =	vmax.f32 v11, v10  }
0x591: {  	[tilespmem:v7+s1+$0x0] =	vst.idx.msk vm1, v11  }
0x592: {  	v11 =	vld.idx.msk [tilespmem:v7+s1+$0x0], $0xffff;
	_ =	sdelay $0x4  }
0x593: {  	vm1 =	vgt.f32 v10, v11;
	_ =	sdelay $0x4  }
0x594: {  	v11 =	vmax.f32 v11, v10  }
0x595: {  	[tilespmem:v7+s1+$0x0] =	vst.idx.msk vm1, v11  }
0x596: {  	v11 =	vld.idx.msk [tilespmem:v7+s1+$0x0], $0xffff;
	_ =	sdelay $0x4  }
0x597: {  	vm1 =	vgt.f32 v10, v11;
	_ =	sdelay $0x4  }
0x598: {  	v11 =	vmax.f32 v11, v10  }
0x599: {  	[tilespmem:v7+s1+$0x0] =	vst.idx.msk vm1, v11  }
0x59a: {  	v11 =	vld.idx.msk [tilespmem:v7+s1+$0x0], $0xffff;
	_ =	sdelay $0x4  }
0x59b: {  	vm1 =	vgt.f32 v10, v11;
	_ =	sdelay $0x4  }
0x59c: {  	v11 =	vmax.f32 v11, v10  }
0x59d: {  	[tilespmem:v7+s1+$0x0] =	vst.idx.msk vm1, v11  }
0x59e: {  	v11 =	vld.idx.msk [tilespmem:v7+s1+$0x0], $0xffff;
	_ =	sdelay $0x4  }
0x59f: {  	vm1 =	vgt.f32 v10, v11;
	_ =	sdelay $0x4  }
0x5a0: {  	v11 =	vmax.f32 v11, v10  }
0x5a1: {  	[tilespmem:v7+s1+$0x0] =	vst.idx.msk vm1, v11  }
0x5a2: {  	v11 =	vld.idx.msk [tilespmem:v7+s1+$0x0], $0xffff;
	_ =	sdelay $0x4  }
0x5a3: {  	vm1 =	vgt.f32 v10, v11;
	_ =	sdelay $0x4  }
0x5a4: {  	v11 =	vmax.f32 v11, v10  }
0x5a5: {  	[tilespmem:v7+s1+$0x0] =	vst.idx.msk vm1, v11  }
0x5a6: {  	v11 =	vld.idx.msk [tilespmem:v7+s1+$0x0], $0xffff;
	_ =	sdelay $0x4  }
0x5a7: {  	vm1 =	vgt.f32 v10, v11;
	_ =	sdelay $0x4  }
0x5a8: {  	v11 =	vmax.f32 v11, v10  }
0x5a9: {  	[tilespmem:v7+s1+$0x0] =	vst.idx.msk vm1, v11  }
0x5aa: {  	v11 =	vld.idx.msk [tilespmem:v7+s1+$0x0], $0xffff;
	_ =	sdelay $0x4  }
0x5ab: {  	vm1 =	vgt.f32 v10, v11;
	_ =	sdelay $0x4  }
0x5ac: {  	v11 =	vmax.f32 v11, v10  }
0x5ad: {  	[tilespmem:v7+s1+$0x0] =	vst.idx.msk vm1, v11  }
0x5ae: {  	v11 =	vld.idx.msk [tilespmem:v7+s1+$0x0], $0xffff;
	_ =	sdelay $0x4  }
0x5af: {  	vm1 =	vgt.f32 v10, v11;
	_ =	sdelay $0x4  }
0x5b0: {  	v11 =	vmax.f32 v11, v10  }
0x5b1: {  	[tilespmem:v7+s1+$0x0] =	vst.idx.msk vm1, v11  }
0x5b2: {  	v11 =	vld.idx.msk [tilespmem:v7+s1+$0x0], $0xffff;
	_ =	sdelay $0x4  }
0x5b3: {  	vm1 =	vgt.f32 v10, v11;
	_ =	sdelay $0x4  }
0x5b4: {  	v11 =	vmax.f32 v11, v10  }
0x5b5: {  	[tilespmem:v7+s1+$0x0] =	vst.idx.msk vm1, v11  }
0x5b6: {  	v11 =	vld.idx.msk [tilespmem:v7+s1+$0x0], $0xffff;
	_ =	sdelay $0x4  }
0x5b7: {  	vm1 =	vgt.f32 v10, v11;
	_ =	sdelay $0x4  }
0x5b8: {  	v11 =	vmax.f32 v11, v10  }
0x5b9: {  	[tilespmem:v7+s1+$0x0] =	vst.idx.msk vm1, v11  }
0x5ba: {  	v11 =	vld.idx.msk [tilespmem:v7+s1+$0x0], $0xffff;
	_ =	sdelay $0x4  }
0x5bb: {  	vm1 =	vgt.f32 v10, v11;
	_ =	sdelay $0x4  }
0x5bc: {  	v11 =	vmax.f32 v11, v10  }
0x5bd: {  	[tilespmem:v7+s1+$0x0] =	vst.idx.msk vm1, v11  }
0x5be: {  	v11 =	vld.idx.msk [tilespmem:v7+s1+$0x0], $0xffff;
	_ =	sdelay $0x4  }
0x5bf: {  	vm1 =	vgt.f32 v10, v11;
	_ =	sdelay $0x4  }
0x5c0: {  	v11 =	vmax.f32 v11, v10  }
0x5c1: {  	[tilespmem:v7+s1+$0x0] =	vst.idx.msk vm1, v11  }
0x5c2: {  	v11 =	vld.idx.msk [tilespmem:v7+s1+$0x0], $0xffff;
	_ =	sdelay $0x4  }
0x5c3: {  	vm1 =	vgt.f32 v10, v11;
	_ =	sdelay $0x4  }
0x5c4: {  	v10 =	vmax.f32 v11, v10  }
0x5c5: {  	[tilespmem:v7+s1+$0x0] =	vst.idx.msk vm1, v10  }
0x5c6: {  	v10 =	vld.idx.msk [tilespmem:v7+s28+$0x0], $0xffff;
	_ =	sdelay $0x4  }
0x5c7: {  	vm1 =	vgt.f32 v9, v10;
	_ =	sdelay $0x4  }
0x5c8: {  	v10 =	vmax.f32 v10, v9  }
0x5c9: {  	[tilespmem:v7+s28+$0x0] =	vst.idx.msk vm1, v10  }
0x5ca: {  	v10 =	vld.idx.msk [tilespmem:v7+s28+$0x0], $0xffff;
	_ =	sdelay $0x4  }
0x5cb: {  	vm1 =	vgt.f32 v9, v10;
	_ =	sdelay $0x4  }
0x5cc: {  	v10 =	vmax.f32 v10, v9  }
0x5cd: {  	[tilespmem:v7+s28+$0x0] =	vst.idx.msk vm1, v10  }
0x5ce: {  	v10 =	vld.idx.msk [tilespmem:v7+s28+$0x0], $0xffff;
	_ =	sdelay $0x4  }
0x5cf: {  	vm1 =	vgt.f32 v9, v10;
	_ =	sdelay $0x4  }
0x5d0: {  	v10 =	vmax.f32 v10, v9  }
0x5d1: {  	[tilespmem:v7+s28+$0x0] =	vst.idx.msk vm1, v10  }
0x5d2: {  	v10 =	vld.idx.msk [tilespmem:v7+s28+$0x0], $0xffff;
	_ =	sdelay $0x4  }
0x5d3: {  	vm1 =	vgt.f32 v9, v10;
	_ =	sdelay $0x4  }
0x5d4: {  	v10 =	vmax.f32 v10, v9  }
0x5d5: {  	[tilespmem:v7+s28+$0x0] =	vst.idx.msk vm1, v10  }
0x5d6: {  	v10 =	vld.idx.msk [tilespmem:v7+s28+$0x0], $0xffff;
	_ =	sdelay $0x4  }
0x5d7: {  	vm1 =	vgt.f32 v9, v10;
	_ =	sdelay $0x4  }
0x5d8: {  	v10 =	vmax.f32 v10, v9  }
0x5d9: {  	[tilespmem:v7+s28+$0x0] =	vst.idx.msk vm1, v10  }
0x5da: {  	v10 =	vld.idx.msk [tilespmem:v7+s28+$0x0], $0xffff;
	_ =	sdelay $0x4  }
0x5db: {  	vm1 =	vgt.f32 v9, v10;
	_ =	sdelay $0x4  }
0x5dc: {  	v10 =	vmax.f32 v10, v9  }
0x5dd: {  	[tilespmem:v7+s28+$0x0] =	vst.idx.msk vm1, v10  }
0x5de: {  	v10 =	vld.idx.msk [tilespmem:v7+s28+$0x0], $0xffff;
	_ =	sdelay $0x4  }
0x5df: {  	vm1 =	vgt.f32 v9, v10;
	_ =	sdelay $0x4  }
0x5e0: {  	v10 =	vmax.f32 v10, v9  }
0x5e1: {  	[tilespmem:v7+s28+$0x0] =	vst.idx.msk vm1, v10  }
0x5e2: {  	v10 =	vld.idx.msk [tilespmem:v7+s28+$0x0], $0xffff;
	_ =	sdelay $0x4  }
0x5e3: {  	vm1 =	vgt.f32 v9, v10;
	_ =	sdelay $0x4  }
0x5e4: {  	v10 =	vmax.f32 v10, v9  }
0x5e5: {  	[tilespmem:v7+s28+$0x0] =	vst.idx.msk vm1, v10  }
0x5e6: {  	v10 =	vld.idx.msk [tilespmem:v7+s28+$0x0], $0xffff;
	_ =	sdelay $0x4  }
0x5e7: {  	vm1 =	vgt.f32 v9, v10;
	_ =	sdelay $0x4  }
0x5e8: {  	v10 =	vmax.f32 v10, v9  }
0x5e9: {  	[tilespmem:v7+s28+$0x0] =	vst.idx.msk vm1, v10  }
0x5ea: {  	v10 =	vld.idx.msk [tilespmem:v7+s28+$0x0], $0xffff;
	_ =	sdelay $0x4  }
0x5eb: {  	vm1 =	vgt.f32 v9, v10;
	_ =	sdelay $0x4  }
0x5ec: {  	v10 =	vmax.f32 v10, v9  }
0x5ed: {  	[tilespmem:v7+s28+$0x0] =	vst.idx.msk vm1, v10  }
0x5ee: {  	v10 =	vld.idx.msk [tilespmem:v7+s28+$0x0], $0xffff;
	_ =	sdelay $0x4  }
0x5ef: {  	vm1 =	vgt.f32 v9, v10;
	_ =	sdelay $0x4  }
0x5f0: {  	v10 =	vmax.f32 v10, v9  }
0x5f1: {  	[tilespmem:v7+s28+$0x0] =	vst.idx.msk vm1, v10  }
0x5f2: {  	v10 =	vld.idx.msk [tilespmem:v7+s28+$0x0], $0xffff;
	_ =	sdelay $0x4  }
0x5f3: {  	vm1 =	vgt.f32 v9, v10;
	_ =	sdelay $0x4  }
0x5f4: {  	v10 =	vmax.f32 v10, v9  }
0x5f5: {  	[tilespmem:v7+s28+$0x0] =	vst.idx.msk vm1, v10  }
0x5f6: {  	v10 =	vld.idx.msk [tilespmem:v7+s28+$0x0], $0xffff;
	_ =	sdelay $0x4  }
0x5f7: {  	vm1 =	vgt.f32 v9, v10;
	_ =	sdelay $0x4  }
0x5f8: {  	v10 =	vmax.f32 v10, v9  }
0x5f9: {  	[tilespmem:v7+s28+$0x0] =	vst.idx.msk vm1, v10  }
0x5fa: {  	v10 =	vld.idx.msk [tilespmem:v7+s28+$0x0], $0xffff;
	_ =	sdelay $0x4  }
0x5fb: {  	vm1 =	vgt.f32 v9, v10;
	_ =	sdelay $0x4  }
0x5fc: {  	v10 =	vmax.f32 v10, v9  }
0x5fd: {  	[tilespmem:v7+s28+$0x0] =	vst.idx.msk vm1, v10  }
0x5fe: {  	v10 =	vld.idx.msk [tilespmem:v7+s28+$0x0], $0xffff;
	_ =	sdelay $0x4  }
0x5ff: {  	vm1 =	vgt.f32 v9, v10;
	_ =	sdelay $0x4  }
0x600: {  	v10 =	vmax.f32 v10, v9  }
0x601: {  	[tilespmem:v7+s28+$0x0] =	vst.idx.msk vm1, v10  }
0x602: {  	v10 =	vld.idx.msk [tilespmem:v7+s28+$0x0], $0xffff;
	_ =	sdelay $0x4  }
0x603: {  	vm1 =	vgt.f32 v9, v10;
	_ =	sdelay $0x1  }
.Ltmp15:
0x604: {  	_ = 	snop;
	(pc) =	sbr.rel .LBB2_17-.Ltmp15, $3  }
0x605: {  	_ =	sdelay $0x1  }
0x606: {  	v9 =	vmax.f32 v10, v9  }
0x607: {  	[tilespmem:v7+s28+$0x0] =	vst.idx.msk vm1, v9  }
.LBB2_18:
0x608: {  	v4 =	vsel vm1, $0x3F800000, v0  }
0x609: {  	(xrf0) =	vmax.scan.msk.f32 $0xffff, v4;
	_ =	sdelay $0x5  }
0x60a: {  	v4, _, _ =	vpop (xrf0)  }
0x60b: {  	(v2sf) =	vpush v4, $0xF;
	_ =	sdelay $0xe  }
0x60c: {  	s6 =	spop (v2sf)  }
0x60d: {  	p1 =	sgt.f32 s6, $0.0e+00  }
.Ltmp16:
0x60e: {  	_ = 	snop;
	(pc) =	sbr.rel @!p1 .LBB2_20-.Ltmp16, $1  }
0x60f: {  	_ =	sdelay $0x3  }
0x610: {  	vm1 =	vgt.f32 v12, v7;
	_ =	sdelay $0x4  }
0x611: {  	v4 =	vmax.f32 v7, v12  }
0x612: {  	[tilespmem:v6+s1+$0x0] =	vst.idx.msk vm1, v4  }
0x613: {  	v4 =	vld.idx.msk [tilespmem:v6+s1+$0x0], $0xffff;
	_ =	sdelay $0x4  }
0x614: {  	vm1 =	vgt.f32 v12, v4;
	_ =	sdelay $0x4  }
0x615: {  	v4 =	vmax.f32 v4, v12  }
0x616: {  	[tilespmem:v6+s1+$0x0] =	vst.idx.msk vm1, v4  }
0x617: {  	v4 =	vld.idx.msk [tilespmem:v6+s1+$0x0], $0xffff;
	_ =	sdelay $0x4  }
0x618: {  	vm1 =	vgt.f32 v12, v4;
	_ =	sdelay $0x4  }
0x619: {  	v4 =	vmax.f32 v4, v12  }
0x61a: {  	[tilespmem:v6+s1+$0x0] =	vst.idx.msk vm1, v4  }
0x61b: {  	v4 =	vld.idx.msk [tilespmem:v6+s1+$0x0], $0xffff;
	_ =	sdelay $0x4  }
0x61c: {  	vm1 =	vgt.f32 v12, v4;
	_ =	sdelay $0x4  }
0x61d: {  	v4 =	vmax.f32 v4, v12  }
0x61e: {  	[tilespmem:v6+s1+$0x0] =	vst.idx.msk vm1, v4  }
0x61f: {  	v4 =	vld.idx.msk [tilespmem:v6+s1+$0x0], $0xffff;
	_ =	sdelay $0x4  }
0x620: {  	vm1 =	vgt.f32 v12, v4;
	_ =	sdelay $0x4  }
0x621: {  	v4 =	vmax.f32 v4, v12  }
0x622: {  	[tilespmem:v6+s1+$0x0] =	vst.idx.msk vm1, v4  }
0x623: {  	v4 =	vld.idx.msk [tilespmem:v6+s1+$0x0], $0xffff;
	_ =	sdelay $0x4  }
0x624: {  	vm1 =	vgt.f32 v12, v4;
	_ =	sdelay $0x4  }
0x625: {  	v4 =	vmax.f32 v4, v12  }
0x626: {  	[tilespmem:v6+s1+$0x0] =	vst.idx.msk vm1, v4  }
0x627: {  	v4 =	vld.idx.msk [tilespmem:v6+s1+$0x0], $0xffff;
	_ =	sdelay $0x4  }
0x628: {  	vm1 =	vgt.f32 v12, v4;
	_ =	sdelay $0x4  }
0x629: {  	v4 =	vmax.f32 v4, v12  }
0x62a: {  	[tilespmem:v6+s1+$0x0] =	vst.idx.msk vm1, v4  }
0x62b: {  	v4 =	vld.idx.msk [tilespmem:v6+s1+$0x0], $0xffff;
	_ =	sdelay $0x4  }
0x62c: {  	vm1 =	vgt.f32 v12, v4;
	_ =	sdelay $0x4  }
0x62d: {  	v4 =	vmax.f32 v4, v12  }
0x62e: {  	[tilespmem:v6+s1+$0x0] =	vst.idx.msk vm1, v4  }
0x62f: {  	v4 =	vld.idx.msk [tilespmem:v6+s1+$0x0], $0xffff;
	_ =	sdelay $0x4  }
0x630: {  	vm1 =	vgt.f32 v12, v4;
	_ =	sdelay $0x4  }
0x631: {  	v4 =	vmax.f32 v4, v12  }
0x632: {  	[tilespmem:v6+s1+$0x0] =	vst.idx.msk vm1, v4  }
0x633: {  	v4 =	vld.idx.msk [tilespmem:v6+s1+$0x0], $0xffff;
	_ =	sdelay $0x4  }
0x634: {  	vm1 =	vgt.f32 v12, v4;
	_ =	sdelay $0x4  }
0x635: {  	v4 =	vmax.f32 v4, v12  }
0x636: {  	[tilespmem:v6+s1+$0x0] =	vst.idx.msk vm1, v4  }
0x637: {  	v4 =	vld.idx.msk [tilespmem:v6+s1+$0x0], $0xffff;
	_ =	sdelay $0x4  }
0x638: {  	vm1 =	vgt.f32 v12, v4;
	_ =	sdelay $0x4  }
0x639: {  	v4 =	vmax.f32 v4, v12  }
0x63a: {  	[tilespmem:v6+s1+$0x0] =	vst.idx.msk vm1, v4  }
0x63b: {  	v4 =	vld.idx.msk [tilespmem:v6+s1+$0x0], $0xffff;
	_ =	sdelay $0x4  }
0x63c: {  	vm1 =	vgt.f32 v12, v4;
	_ =	sdelay $0x4  }
0x63d: {  	v4 =	vmax.f32 v4, v12  }
0x63e: {  	[tilespmem:v6+s1+$0x0] =	vst.idx.msk vm1, v4  }
0x63f: {  	v4 =	vld.idx.msk [tilespmem:v6+s1+$0x0], $0xffff;
	_ =	sdelay $0x4  }
0x640: {  	vm1 =	vgt.f32 v12, v4;
	_ =	sdelay $0x4  }
0x641: {  	v4 =	vmax.f32 v4, v12  }
0x642: {  	[tilespmem:v6+s1+$0x0] =	vst.idx.msk vm1, v4  }
0x643: {  	v4 =	vld.idx.msk [tilespmem:v6+s1+$0x0], $0xffff;
	_ =	sdelay $0x4  }
0x644: {  	vm1 =	vgt.f32 v12, v4;
	_ =	sdelay $0x4  }
0x645: {  	v4 =	vmax.f32 v4, v12  }
0x646: {  	[tilespmem:v6+s1+$0x0] =	vst.idx.msk vm1, v4  }
0x647: {  	v4 =	vld.idx.msk [tilespmem:v6+s1+$0x0], $0xffff;
	_ =	sdelay $0x4  }
0x648: {  	vm1 =	vgt.f32 v12, v4;
	_ =	sdelay $0x4  }
0x649: {  	v4 =	vmax.f32 v4, v12  }
0x64a: {  	[tilespmem:v6+s1+$0x0] =	vst.idx.msk vm1, v4  }
0x64b: {  	v4 =	vld.idx.msk [tilespmem:v6+s1+$0x0], $0xffff;
	_ =	sdelay $0x4  }
0x64c: {  	vm1 =	vgt.f32 v12, v4;
	_ =	sdelay $0x4  }
0x64d: {  	v4 =	vmax.f32 v4, v12  }
0x64e: {  	[tilespmem:v6+s1+$0x0] =	vst.idx.msk vm1, v4  }
0x64f: {  	v4 =	vld.idx.msk [tilespmem:v6+s28+$0x0], $0xffff;
	_ =	sdelay $0x4  }
0x650: {  	vm1 =	vgt.f32 v8, v4;
	_ =	sdelay $0x4  }
0x651: {  	v4 =	vmax.f32 v4, v8  }
0x652: {  	[tilespmem:v6+s28+$0x0] =	vst.idx.msk vm1, v4  }
0x653: {  	v4 =	vld.idx.msk [tilespmem:v6+s28+$0x0], $0xffff;
	_ =	sdelay $0x4  }
0x654: {  	vm1 =	vgt.f32 v8, v4;
	_ =	sdelay $0x4  }
0x655: {  	v4 =	vmax.f32 v4, v8  }
0x656: {  	[tilespmem:v6+s28+$0x0] =	vst.idx.msk vm1, v4  }
0x657: {  	v4 =	vld.idx.msk [tilespmem:v6+s28+$0x0], $0xffff;
	_ =	sdelay $0x4  }
0x658: {  	vm1 =	vgt.f32 v8, v4;
	_ =	sdelay $0x4  }
0x659: {  	v4 =	vmax.f32 v4, v8  }
0x65a: {  	[tilespmem:v6+s28+$0x0] =	vst.idx.msk vm1, v4  }
0x65b: {  	v4 =	vld.idx.msk [tilespmem:v6+s28+$0x0], $0xffff;
	_ =	sdelay $0x4  }
0x65c: {  	vm1 =	vgt.f32 v8, v4;
	_ =	sdelay $0x4  }
0x65d: {  	v4 =	vmax.f32 v4, v8  }
0x65e: {  	[tilespmem:v6+s28+$0x0] =	vst.idx.msk vm1, v4  }
0x65f: {  	v4 =	vld.idx.msk [tilespmem:v6+s28+$0x0], $0xffff;
	_ =	sdelay $0x4  }
0x660: {  	vm1 =	vgt.f32 v8, v4;
	_ =	sdelay $0x4  }
0x661: {  	v4 =	vmax.f32 v4, v8  }
0x662: {  	[tilespmem:v6+s28+$0x0] =	vst.idx.msk vm1, v4  }
0x663: {  	v4 =	vld.idx.msk [tilespmem:v6+s28+$0x0], $0xffff;
	_ =	sdelay $0x4  }
0x664: {  	vm1 =	vgt.f32 v8, v4;
	_ =	sdelay $0x4  }
0x665: {  	v4 =	vmax.f32 v4, v8  }
0x666: {  	[tilespmem:v6+s28+$0x0] =	vst.idx.msk vm1, v4  }
0x667: {  	v4 =	vld.idx.msk [tilespmem:v6+s28+$0x0], $0xffff;
	_ =	sdelay $0x4  }
0x668: {  	vm1 =	vgt.f32 v8, v4;
	_ =	sdelay $0x4  }
0x669: {  	v4 =	vmax.f32 v4, v8  }
0x66a: {  	[tilespmem:v6+s28+$0x0] =	vst.idx.msk vm1, v4  }
0x66b: {  	v4 =	vld.idx.msk [tilespmem:v6+s28+$0x0], $0xffff;
	_ =	sdelay $0x4  }
0x66c: {  	vm1 =	vgt.f32 v8, v4;
	_ =	sdelay $0x4  }
0x66d: {  	v4 =	vmax.f32 v4, v8  }
0x66e: {  	[tilespmem:v6+s28+$0x0] =	vst.idx.msk vm1, v4  }
0x66f: {  	v4 =	vld.idx.msk [tilespmem:v6+s28+$0x0], $0xffff;
	_ =	sdelay $0x4  }
0x670: {  	vm1 =	vgt.f32 v8, v4;
	_ =	sdelay $0x4  }
0x671: {  	v4 =	vmax.f32 v4, v8  }
0x672: {  	[tilespmem:v6+s28+$0x0] =	vst.idx.msk vm1, v4  }
0x673: {  	v4 =	vld.idx.msk [tilespmem:v6+s28+$0x0], $0xffff;
	_ =	sdelay $0x4  }
0x674: {  	vm1 =	vgt.f32 v8, v4;
	_ =	sdelay $0x4  }
0x675: {  	v4 =	vmax.f32 v4, v8  }
0x676: {  	[tilespmem:v6+s28+$0x0] =	vst.idx.msk vm1, v4  }
0x677: {  	v4 =	vld.idx.msk [tilespmem:v6+s28+$0x0], $0xffff;
	_ =	sdelay $0x4  }
0x678: {  	vm1 =	vgt.f32 v8, v4;
	_ =	sdelay $0x4  }
0x679: {  	v4 =	vmax.f32 v4, v8  }
0x67a: {  	[tilespmem:v6+s28+$0x0] =	vst.idx.msk vm1, v4  }
0x67b: {  	v4 =	vld.idx.msk [tilespmem:v6+s28+$0x0], $0xffff;
	_ =	sdelay $0x4  }
0x67c: {  	vm1 =	vgt.f32 v8, v4;
	_ =	sdelay $0x4  }
0x67d: {  	v4 =	vmax.f32 v4, v8  }
0x67e: {  	[tilespmem:v6+s28+$0x0] =	vst.idx.msk vm1, v4  }
0x67f: {  	v4 =	vld.idx.msk [tilespmem:v6+s28+$0x0], $0xffff;
	_ =	sdelay $0x4  }
0x680: {  	vm1 =	vgt.f32 v8, v4;
	_ =	sdelay $0x4  }
0x681: {  	v4 =	vmax.f32 v4, v8  }
0x682: {  	[tilespmem:v6+s28+$0x0] =	vst.idx.msk vm1, v4  }
0x683: {  	v4 =	vld.idx.msk [tilespmem:v6+s28+$0x0], $0xffff;
	_ =	sdelay $0x4  }
0x684: {  	vm1 =	vgt.f32 v8, v4;
	_ =	sdelay $0x4  }
0x685: {  	v4 =	vmax.f32 v4, v8  }
0x686: {  	[tilespmem:v6+s28+$0x0] =	vst.idx.msk vm1, v4  }
0x687: {  	v4 =	vld.idx.msk [tilespmem:v6+s28+$0x0], $0xffff;
	_ =	sdelay $0x4  }
0x688: {  	vm1 =	vgt.f32 v8, v4;
	_ =	sdelay $0x4  }
0x689: {  	v4 =	vmax.f32 v4, v8  }
0x68a: {  	[tilespmem:v6+s28+$0x0] =	vst.idx.msk vm1, v4  }
0x68b: {  	v4 =	vld.idx.msk [tilespmem:v6+s28+$0x0], $0xffff;
	_ =	sdelay $0x4  }
0x68c: {  	vm1 =	vgt.f32 v8, v4;
	_ =	sdelay $0x4  }
0x68d: {  	v4 =	vmax.f32 v4, v8  }
0x68e: {  	[tilespmem:v6+s28+$0x0] =	vst.idx.msk vm1, v4  }
0x68f: {  	v4 =	vld.idx.msk [tilespmem:v1+s1+$0x0], $0xffff;
	_ =	sdelay $0x4  }
0x690: {  	vm1 =	vgt.f32 v3, v4;
	_ =	sdelay $0x4  }
0x691: {  	v4 =	vmax.f32 v4, v3  }
0x692: {  	[tilespmem:v1+s1+$0x0] =	vst.idx.msk vm1, v4  }
0x693: {  	v4 =	vld.idx.msk [tilespmem:v1+s1+$0x0], $0xffff;
	_ =	sdelay $0x4  }
0x694: {  	vm1 =	vgt.f32 v3, v4;
	_ =	sdelay $0x4  }
0x695: {  	v4 =	vmax.f32 v4, v3  }
0x696: {  	[tilespmem:v1+s1+$0x0] =	vst.idx.msk vm1, v4  }
0x697: {  	v4 =	vld.idx.msk [tilespmem:v1+s1+$0x0], $0xffff;
	_ =	sdelay $0x4  }
0x698: {  	vm1 =	vgt.f32 v3, v4;
	_ =	sdelay $0x4  }
0x699: {  	v4 =	vmax.f32 v4, v3  }
0x69a: {  	[tilespmem:v1+s1+$0x0] =	vst.idx.msk vm1, v4  }
0x69b: {  	v4 =	vld.idx.msk [tilespmem:v1+s1+$0x0], $0xffff;
	_ =	sdelay $0x4  }
0x69c: {  	vm1 =	vgt.f32 v3, v4;
	_ =	sdelay $0x4  }
0x69d: {  	v4 =	vmax.f32 v4, v3  }
0x69e: {  	[tilespmem:v1+s1+$0x0] =	vst.idx.msk vm1, v4  }
0x69f: {  	v4 =	vld.idx.msk [tilespmem:v1+s1+$0x0], $0xffff;
	_ =	sdelay $0x4  }
0x6a0: {  	vm1 =	vgt.f32 v3, v4;
	_ =	sdelay $0x4  }
0x6a1: {  	v4 =	vmax.f32 v4, v3  }
0x6a2: {  	[tilespmem:v1+s1+$0x0] =	vst.idx.msk vm1, v4  }
0x6a3: {  	v4 =	vld.idx.msk [tilespmem:v1+s1+$0x0], $0xffff;
	_ =	sdelay $0x4  }
0x6a4: {  	vm1 =	vgt.f32 v3, v4;
	_ =	sdelay $0x4  }
0x6a5: {  	v4 =	vmax.f32 v4, v3  }
0x6a6: {  	[tilespmem:v1+s1+$0x0] =	vst.idx.msk vm1, v4  }
0x6a7: {  	v4 =	vld.idx.msk [tilespmem:v1+s1+$0x0], $0xffff;
	_ =	sdelay $0x4  }
0x6a8: {  	vm1 =	vgt.f32 v3, v4;
	_ =	sdelay $0x4  }
0x6a9: {  	v4 =	vmax.f32 v4, v3  }
0x6aa: {  	[tilespmem:v1+s1+$0x0] =	vst.idx.msk vm1, v4  }
0x6ab: {  	v4 =	vld.idx.msk [tilespmem:v1+s1+$0x0], $0xffff;
	_ =	sdelay $0x4  }
0x6ac: {  	vm1 =	vgt.f32 v3, v4;
	_ =	sdelay $0x4  }
0x6ad: {  	v4 =	vmax.f32 v4, v3  }
0x6ae: {  	[tilespmem:v1+s1+$0x0] =	vst.idx.msk vm1, v4  }
0x6af: {  	v4 =	vld.idx.msk [tilespmem:v1+s1+$0x0], $0xffff;
	_ =	sdelay $0x4  }
0x6b0: {  	vm1 =	vgt.f32 v3, v4;
	_ =	sdelay $0x4  }
0x6b1: {  	v4 =	vmax.f32 v4, v3  }
0x6b2: {  	[tilespmem:v1+s1+$0x0] =	vst.idx.msk vm1, v4  }
0x6b3: {  	v4 =	vld.idx.msk [tilespmem:v1+s1+$0x0], $0xffff;
	_ =	sdelay $0x4  }
0x6b4: {  	vm1 =	vgt.f32 v3, v4;
	_ =	sdelay $0x4  }
0x6b5: {  	v4 =	vmax.f32 v4, v3  }
0x6b6: {  	[tilespmem:v1+s1+$0x0] =	vst.idx.msk vm1, v4  }
0x6b7: {  	v4 =	vld.idx.msk [tilespmem:v1+s1+$0x0], $0xffff;
	_ =	sdelay $0x4  }
0x6b8: {  	vm1 =	vgt.f32 v3, v4;
	_ =	sdelay $0x4  }
0x6b9: {  	v4 =	vmax.f32 v4, v3  }
0x6ba: {  	[tilespmem:v1+s1+$0x0] =	vst.idx.msk vm1, v4  }
0x6bb: {  	v4 =	vld.idx.msk [tilespmem:v1+s1+$0x0], $0xffff;
	_ =	sdelay $0x4  }
0x6bc: {  	vm1 =	vgt.f32 v3, v4;
	_ =	sdelay $0x4  }
0x6bd: {  	v4 =	vmax.f32 v4, v3  }
0x6be: {  	[tilespmem:v1+s1+$0x0] =	vst.idx.msk vm1, v4  }
0x6bf: {  	v4 =	vld.idx.msk [tilespmem:v1+s1+$0x0], $0xffff;
	_ =	sdelay $0x4  }
0x6c0: {  	vm1 =	vgt.f32 v3, v4;
	_ =	sdelay $0x4  }
0x6c1: {  	v4 =	vmax.f32 v4, v3  }
0x6c2: {  	[tilespmem:v1+s1+$0x0] =	vst.idx.msk vm1, v4  }
0x6c3: {  	v4 =	vld.idx.msk [tilespmem:v1+s1+$0x0], $0xffff;
	_ =	sdelay $0x4  }
0x6c4: {  	vm1 =	vgt.f32 v3, v4;
	_ =	sdelay $0x4  }
0x6c5: {  	v4 =	vmax.f32 v4, v3  }
0x6c6: {  	[tilespmem:v1+s1+$0x0] =	vst.idx.msk vm1, v4  }
0x6c7: {  	v4 =	vld.idx.msk [tilespmem:v1+s1+$0x0], $0xffff;
	_ =	sdelay $0x4  }
0x6c8: {  	vm1 =	vgt.f32 v3, v4;
	_ =	sdelay $0x4  }
0x6c9: {  	v4 =	vmax.f32 v4, v3  }
0x6ca: {  	[tilespmem:v1+s1+$0x0] =	vst.idx.msk vm1, v4  }
0x6cb: {  	v4 =	vld.idx.msk [tilespmem:v1+s1+$0x0], $0xffff;
	_ =	sdelay $0x4  }
0x6cc: {  	vm1 =	vgt.f32 v3, v4;
	_ =	sdelay $0x4  }
0x6cd: {  	v3 =	vmax.f32 v4, v3  }
0x6ce: {  	[tilespmem:v1+s1+$0x0] =	vst.idx.msk vm1, v3  }
0x6cf: {  	v3 =	vld.idx.msk [tilespmem:v1+s28+$0x0], $0xffff;
	_ =	sdelay $0x4  }
0x6d0: {  	vm1 =	vgt.f32 v2, v3;
	_ =	sdelay $0x4  }
0x6d1: {  	v3 =	vmax.f32 v3, v2  }
0x6d2: {  	[tilespmem:v1+s28+$0x0] =	vst.idx.msk vm1, v3  }
0x6d3: {  	v3 =	vld.idx.msk [tilespmem:v1+s28+$0x0], $0xffff;
	_ =	sdelay $0x4  }
0x6d4: {  	vm1 =	vgt.f32 v2, v3;
	_ =	sdelay $0x4  }
0x6d5: {  	v3 =	vmax.f32 v3, v2  }
0x6d6: {  	[tilespmem:v1+s28+$0x0] =	vst.idx.msk vm1, v3  }
0x6d7: {  	v3 =	vld.idx.msk [tilespmem:v1+s28+$0x0], $0xffff;
	_ =	sdelay $0x4  }
0x6d8: {  	vm1 =	vgt.f32 v2, v3;
	_ =	sdelay $0x4  }
0x6d9: {  	v3 =	vmax.f32 v3, v2  }
0x6da: {  	[tilespmem:v1+s28+$0x0] =	vst.idx.msk vm1, v3  }
0x6db: {  	v3 =	vld.idx.msk [tilespmem:v1+s28+$0x0], $0xffff;
	_ =	sdelay $0x4  }
0x6dc: {  	vm1 =	vgt.f32 v2, v3;
	_ =	sdelay $0x4  }
0x6dd: {  	v3 =	vmax.f32 v3, v2  }
0x6de: {  	[tilespmem:v1+s28+$0x0] =	vst.idx.msk vm1, v3  }
0x6df: {  	v3 =	vld.idx.msk [tilespmem:v1+s28+$0x0], $0xffff;
	_ =	sdelay $0x4  }
0x6e0: {  	vm1 =	vgt.f32 v2, v3;
	_ =	sdelay $0x4  }
0x6e1: {  	v3 =	vmax.f32 v3, v2  }
0x6e2: {  	[tilespmem:v1+s28+$0x0] =	vst.idx.msk vm1, v3  }
0x6e3: {  	v3 =	vld.idx.msk [tilespmem:v1+s28+$0x0], $0xffff;
	_ =	sdelay $0x4  }
0x6e4: {  	vm1 =	vgt.f32 v2, v3;
	_ =	sdelay $0x4  }
0x6e5: {  	v3 =	vmax.f32 v3, v2  }
0x6e6: {  	[tilespmem:v1+s28+$0x0] =	vst.idx.msk vm1, v3  }
0x6e7: {  	v3 =	vld.idx.msk [tilespmem:v1+s28+$0x0], $0xffff;
	_ =	sdelay $0x4  }
0x6e8: {  	vm1 =	vgt.f32 v2, v3;
	_ =	sdelay $0x4  }
0x6e9: {  	v3 =	vmax.f32 v3, v2  }
0x6ea: {  	[tilespmem:v1+s28+$0x0] =	vst.idx.msk vm1, v3  }
0x6eb: {  	v3 =	vld.idx.msk [tilespmem:v1+s28+$0x0], $0xffff;
	_ =	sdelay $0x4  }
0x6ec: {  	vm1 =	vgt.f32 v2, v3;
	_ =	sdelay $0x4  }
0x6ed: {  	v3 =	vmax.f32 v3, v2  }
0x6ee: {  	[tilespmem:v1+s28+$0x0] =	vst.idx.msk vm1, v3  }
0x6ef: {  	v3 =	vld.idx.msk [tilespmem:v1+s28+$0x0], $0xffff;
	_ =	sdelay $0x4  }
0x6f0: {  	vm1 =	vgt.f32 v2, v3;
	_ =	sdelay $0x4  }
0x6f1: {  	v3 =	vmax.f32 v3, v2  }
0x6f2: {  	[tilespmem:v1+s28+$0x0] =	vst.idx.msk vm1, v3  }
0x6f3: {  	v3 =	vld.idx.msk [tilespmem:v1+s28+$0x0], $0xffff;
	_ =	sdelay $0x4  }
0x6f4: {  	vm1 =	vgt.f32 v2, v3;
	_ =	sdelay $0x4  }
0x6f5: {  	v3 =	vmax.f32 v3, v2  }
0x6f6: {  	[tilespmem:v1+s28+$0x0] =	vst.idx.msk vm1, v3  }
0x6f7: {  	v3 =	vld.idx.msk [tilespmem:v1+s28+$0x0], $0xffff;
	_ =	sdelay $0x4  }
0x6f8: {  	vm1 =	vgt.f32 v2, v3;
	_ =	sdelay $0x4  }
0x6f9: {  	v3 =	vmax.f32 v3, v2  }
0x6fa: {  	[tilespmem:v1+s28+$0x0] =	vst.idx.msk vm1, v3  }
0x6fb: {  	v3 =	vld.idx.msk [tilespmem:v1+s28+$0x0], $0xffff;
	_ =	sdelay $0x4  }
0x6fc: {  	vm1 =	vgt.f32 v2, v3;
	_ =	sdelay $0x4  }
0x6fd: {  	v3 =	vmax.f32 v3, v2  }
0x6fe: {  	[tilespmem:v1+s28+$0x0] =	vst.idx.msk vm1, v3  }
0x6ff: {  	v3 =	vld.idx.msk [tilespmem:v1+s28+$0x0], $0xffff;
	_ =	sdelay $0x4  }
0x700: {  	vm1 =	vgt.f32 v2, v3;
	_ =	sdelay $0x4  }
0x701: {  	v3 =	vmax.f32 v3, v2  }
0x702: {  	[tilespmem:v1+s28+$0x0] =	vst.idx.msk vm1, v3  }
0x703: {  	v3 =	vld.idx.msk [tilespmem:v1+s28+$0x0], $0xffff;
	_ =	sdelay $0x4  }
0x704: {  	vm1 =	vgt.f32 v2, v3;
	_ =	sdelay $0x4  }
0x705: {  	v3 =	vmax.f32 v3, v2  }
0x706: {  	[tilespmem:v1+s28+$0x0] =	vst.idx.msk vm1, v3  }
0x707: {  	v3 =	vld.idx.msk [tilespmem:v1+s28+$0x0], $0xffff;
	_ =	sdelay $0x4  }
0x708: {  	vm1 =	vgt.f32 v2, v3;
	_ =	sdelay $0x4  }
0x709: {  	v3 =	vmax.f32 v3, v2  }
0x70a: {  	[tilespmem:v1+s28+$0x0] =	vst.idx.msk vm1, v3  }
0x70b: {  	v3 =	vld.idx.msk [tilespmem:v1+s28+$0x0], $0xffff;
	_ =	sdelay $0x4  }
0x70c: {  	vm1 =	vgt.f32 v2, v3;
	_ =	sdelay $0x1  }
.Ltmp17:
0x70d: {  	_ = 	snop;
	(pc) =	sbr.rel .LBB2_20-.Ltmp17, $3  }
0x70e: {  	_ =	sdelay $0x1  }
0x70f: {  	v2 =	vmax.f32 v3, v2  }
0x710: {  	[tilespmem:v1+s28+$0x0] =	vst.idx.msk vm1, v2  }
.LBB2_21:
0x711: {  	_ =	swait.ge [sflag:s23], $0x1000  }
0x712: {  	[sflag:s23] =	ssyncset.done $0x0  }
0x713: {  	[sflag:s23] =	ssyncadd.s32 $0xFFFFF000  }
0x714: {  	_ =	swait.ge [sflag:s26], $0x1000  }
0x715: {  	s2 =	simm.s32 $0x0;
	[sflag:s26] =	ssyncset.done $0x0  }
0x716: {  	s7 =	simm.s32 $0x6;
	s6 =	rddreg [dreg:$0x7];
	[sflag:s26] =	ssyncadd.s32 $0xFFFFF000  }
0x717: {  	[hbm4b:s6+s2] =	stream.linear.scatter [tilespmem:s2], [sflag:$0x6], $0x8000, $0x38;
	[tilespmem:$0x1C000] =	vst v63  }
0x718: {  	_ =	swait.ge [sflag:s7], $0x8000  }
0x719: {  	[sflag:s7] =	ssyncset.done $0x0  }
0x71a: {  	s15 =	rddreg [dreg:$0x8];
	[sflag:s7] =	ssyncadd.s32 $0xFFFF8000  }
0x71b: {  	[hbm4b:s15+s2] =	stream.linear.scatter [tilespmem:s28], [sflag:$0x6], $0x8000, $0x38;
	[tilespmem:$0x1C000] =	vst v63  }
0x71c: {  	_ =	swait.ge [sflag:s7], $0x8000  }
0x71d: {  	[sflag:s7] =	ssyncset.done $0x0  }
0x71e: {  	s17 =	simm.s32 $0x10000;
	s16 =	rddreg [dreg:$0x9];
	[sflag:s7] =	ssyncadd.s32 $0xFFFF8000  }
0x71f: {  	[tilespmem:s17], [sflag:$0x5] =	stream.linear.gather [hbm4b:s16+s2], $0x4000, $0x38;
	[tilespmem:$0x1C000] =	vst v63  }
0x720: {  	s19 =	simm.s32 $0x14000;
	s18 =	rddreg [dreg:$0xa]  }
0x721: {  	[tilespmem:s19], [sflag:$0x5] =	stream.linear.gather [hbm4b:s18+s2], $0x4000, $0x38;
	[tilespmem:$0x1C000] =	vst v63  }
0x722: {  	s22 =	rddreg [dreg:$0x5]  }
0x723: {  	[tilespmem:s20], [sflag:$0x1] =	stream.linear.gather [hbm4b:s22+s2], $0x1000, $0x38;
	[tilespmem:$0x1C000] =	vst v63  }
0x724: {  	s31 =	rddreg [dreg:$0x6]  }
0x725: {  	[tilespmem:s21], [sflag:$0x2] =	stream.linear.gather [hbm4b:s31+s2], $0x1000, $0x38;
	[tilespmem:$0x1C000] =	vst v63  }
0x726: {  	s6 =	simm.s32 $0x100;
	s2 =	simm.s32 $0x0  }
.LBB2_22:
0x727: {  	p0 =	sne.s32 s6, $0x1FF00;
	[tilespmem:s2+$0x8030] =	vst v0  }
0x728: {  	[tilespmem:s2+$0x0] =	vst v0  }
0x729: {  	[tilespmem:s2+$0x8000] =	vst v0  }
.Ltmp18:
0x72a: {  	[tilespmem:s2+$0x10] =	vst v0;
	(pc) =	sbr.rel @p0 .LBB2_22-.Ltmp18, $4  }
0x72b: {  	[tilespmem:s2+$0x8010] =	vst v0  }
0x72c: {  	[tilespmem:s2+$0x20] =	vst v0  }
0x72d: {  	[tilespmem:s2+$0x8020] =	vst v0  }
0x72e: {  	[tilespmem:s2+$0x30] =	vst v0;
	s2 =	sshra.s32 s6, $0x2;
	s6 =	sadd.s32 $0x100, s6  }
0x72f: {  	[tilespmem:s2+$0x8030] =	vst v0  }
0x730: {  	[tilespmem:s2+$0x0] =	vst v0  }
0x731: {  	[tilespmem:s2+$0x8000] =	vst v0  }
0x732: {  	[tilespmem:s2+$0x10] =	vst v0  }
0x733: {  	[tilespmem:s2+$0x8010] =	vst v0  }
0x734: {  	[tilespmem:s2+$0x20] =	vst v0  }
0x735: {  	[tilespmem:s2+$0x8020] =	vst v0  }
0x736: {  	[tilespmem:s2+$0x30] =	vst v0;
	s31 =	simm.s32 $0x5  }
0x737: {  	_ =	swait.ge [sflag:s31], $0x4000  }
.Ltmp19:
0x738: {  	[sflag:s31] =	ssyncset.done $0x0;
	(pc) =	sbr.rel .LBB2_24-.Ltmp19, $4  }
0x739: {  	[sflag:s31] =	ssyncadd.s32 $0xFFFFC000  }
0x73a: {  	_ =	swait.ge [sflag:s31], $0x4000  }
0x73b: {  	s2 =	simm.s32 $0x0;
	p0 =	por $0x0, $0x0;
	[sflag:s31] =	ssyncset.done $0x0  }
0x73c: {  	s18 =	simm.s32 $0x0;
	s19 =	simm.s32 $0x0;
	[sflag:s31] =	ssyncadd.s32 $0xFFFFC000  }
.LBB2_40:
0x73d: {  	s19 =	sadd.s32 $0x1, s19  }
0x73e: {  	p1 =	sne.s32 s19, $0x10  }
.Ltmp20:
0x73f: {  	_ = 	snop;
	(pc) =	sbr.rel @!p1 .LBB2_41-.Ltmp20, $2  }
0x740: {  	_ =	sdelay $0x2  }
0x741: {  	p0 =	por !p0, !p0;
	s18 =	sadd.s32 $0x2, s18  }
.LBB2_24:
0x742: {  	s6 =	sshll.u32 s19, $0xD  }
0x743: {  	s6 =	sor.u32 s5, s6  }
0x744: {  	s6 =	sor.u32 $0x1000, s6  }
0x745: {  	s6 =	sshrl.u32 s6, $0x3  }
0x746: {  	s7 =	sadd.s32 s4, s6  }
0x747: {  	[tilespmem:s24], [sflag:$0x3] =	stream.linear.gather [hbm4b:s7+s2], $0x1000, $0x38;
	[tilespmem:$0x1C000] =	vst v63  }
0x748: {  	s31 =	sshll.u32 s18, $0xC;
	s6 =	sadd.s32 s3, s6  }
0x749: {  	[tilespmem:s25], [sflag:$0x4] =	stream.linear.gather [hbm4b:s6+s2], $0x1000, $0x38;
	[tilespmem:$0x1C000] =	vst v63  }
0x74a: {  	s15 =	simm.s32 $0x0;
	s16 =	simm.s32 $0x0;
	_ =	swait.ge [sflag:s23], $0x1000  }
.Ltmp21:
0x74b: {  	s7 =	simm.s32 $0x1;
	[sflag:s23] =	ssyncset.done $0x0;
	(pc) =	sbr.rel .LBB2_25-.Ltmp21, $4  }
0x74c: {  	s8 =	sand.u32 $0x3000, s31;
	s7 =	simm.s32 @!p0 $0x0;
	[sflag:s23] =	ssyncadd.s32 $0xFFFFF000  }
0x74d: {  	v1 =	vimm.s32 $0x0;
	v2 =	vimm.f32 $0.0e+00;
	v3 =	vimm.f32 $0.0e+00;
	s11 =	sadd.s32 $0x11000, s8;
	s12 =	sshll.u32 s7, $0xD;
	_ =	swait.ge [sflag:s26], $0x1000  }
0x74e: {  	vm1 =	vmmov vm0;
	v8 =	vimm.f32 $0.0e+00;
	v12 =	vimm.f32 $0.0e+00;
	s13 =	sor.u32 $0x14000, s12;
	s14 =	sor.u32 $0x10000, s12;
	[sflag:s26] =	ssyncset.done $0x0  }
0x74f: {  	v6 =	vimm.s32 $0x0;
	s6 =	sadd.s32 $0x15000, s8;
	s7 =	sadd.s32 $0x1020, s8;
	v4 =	vmov s14;
	v5 =	vmov s13;
	[sflag:s26] =	ssyncadd.s32 $0xFFFFF000  }
.LBB2_29:
0x750: {  	_ =	sdelay $0x3  }
0x751: {  	v7 =	vld.idx.msk [tilespmem:v6+s1+$0x0], $0xffff  }
0x752: {  	v9 =	vld.idx.msk [tilespmem:v1+s1+$0x0], $0xffff  }
0x753: {  	v10 =	vld.idx.msk [tilespmem:v6+s28+$0x0], $0xffff  }
0x754: {  	v11 =	vld.idx.msk [tilespmem:v1+s28+$0x0], $0xffff;
	s16 =	sadd.s32 $0x100, s16  }
0x755: {  	p1 =	sne.s32 s16, $0x4000  }
.Ltmp22:
0x756: {  	_ = 	snop;
	(pc) =	sbr.rel @!p1 .LBB2_30-.Ltmp22, $4  }
0x757: {  	vm1 =	vgt.f32 v15, v7;
	vm2 =	vgt.f32 v17, v9  }
0x758: {  	vm1 =	vmor vm1, vm2;
	vm2 =	vgt.f32 v18, v10  }
0x759: {  	vm1 =	vmor vm1, vm2;
	vm2 =	vgt.f32 v16, v11  }
0x75a: {  	s15 =	sadd.s32 $0x40, s15;
	vm1 =	vmor vm1, vm2  }
.LBB2_25:
0x75b: {  	v7 =	vsel vm1, $0x3F800000, v0  }
0x75c: {  	(xrf0) =	vmax.scan.msk.f32 $0xffff, v7;
	_ =	sdelay $0x4  }
0x75d: {  	s17 =	sshra.s32 s16, $0x2  }
0x75e: {  	v11 =	vld [tilespmem:s17+$0x18000];
	v10, _, _ =	vpop (xrf0)  }
0x75f: {  	v7 =	vld [tilespmem:s17+$0x18010];
	(v2sf) =	vpush v10, $0xF  }
0x760: {  	v9 =	vld [tilespmem:s17+$0x19000]  }
0x761: {  	s8 =	sadd.s32 s15, s12;
	v15 =	vld [tilespmem:s17+$0x19010]  }
0x762: {  	v13 =	vld.idx.msk [tilespmem:v5+s17+$0x0 ss:$0x1], $0xffff;
	s9 =	sand.u32 $0x2FC0, s8  }
0x763: {  	v16 =	vld [tilespmem:s9+$0x10010]  }
0x764: {  	v10 =	vld.idx.msk [tilespmem:v4+s17+$0x0 ss:$0x1], $0xffff  }
0x765: {  	v17 =	vld [tilespmem:s9+$0x14010]  }
0x766: {  	v18 =	vld.idx.msk [tilespmem:v11+s1+$0x0], $0xffff  }
0x767: {  	v19 =	vld.idx.msk [tilespmem:v7+s1+$0x0], $0xffff  }
0x768: {  	v20 =	vld.idx.msk [tilespmem:v11+s28+$0x0], $0xffff  }
0x769: {  	v21 =	vld.idx.msk [tilespmem:v7+s28+$0x0], $0xffff;
	v14 =	vmul.f32 v10, v9  }
0x76a: {  	v10 =	vmul.f32 v16, v15  }
0x76b: {  	v13 =	vmul.f32 v13, v9;
	vm1 =	vgt.f32 v14, v18  }
0x76c: {  	v9 =	vmul.f32 v17, v15;
	vm2 =	vgt.f32 v10, v19  }
0x76d: {  	vm3 =	vgt.f32 v13, v20  }
0x76e: {  	vm4 =	vgt.f32 v9, v21;
	s31 =	spop (v2sf)  }
0x76f: {  	p1 =	sgt.f32 s31, $0.0e+00  }
.Ltmp23:
0x770: {  	v15 =	vmax.f32 v18, v14;
	(pc) =	sbr.rel @!p1 .LBB2_27-.Ltmp23, $4  }
0x771: {  	v16 =	vmax.f32 v19, v10;
	[tilespmem:v11+s1+$0x0] =	vst.idx.msk vm1, v15  }
0x772: {  	v17 =	vmax.f32 v20, v13;
	[tilespmem:v7+s1+$0x0] =	vst.idx.msk vm2, v16  }
0x773: {  	v18 =	vmax.f32 v21, v9;
	[tilespmem:v11+s28+$0x0] =	vst.idx.msk vm3, v17  }
0x774: {  	s22 =	sadd.s32 s17, s14;
	s9 =	sadd.s32 s17, s13;
	[tilespmem:v7+s28+$0x0] =	vst.idx.msk vm4, v18  }
0x775: {  	_ =	sdelay $0x3  }
0x776: {  	v19 =	vld.idx.msk [tilespmem:v6+s1+$0x0], $0xffff;
	_ =	sdelay $0x4  }
0x777: {  	vm1 =	vgt.f32 v12, v19;
	_ =	sdelay $0x4  }
0x778: {  	v19 =	vmax.f32 v19, v12  }
0x779: {  	[tilespmem:v6+s1+$0x0] =	vst.idx.msk vm1, v19  }
0x77a: {  	v19 =	vld.idx.msk [tilespmem:v6+s1+$0x0], $0xffff;
	_ =	sdelay $0x4  }
0x77b: {  	vm1 =	vgt.f32 v12, v19;
	_ =	sdelay $0x4  }
0x77c: {  	v19 =	vmax.f32 v19, v12  }
0x77d: {  	[tilespmem:v6+s1+$0x0] =	vst.idx.msk vm1, v19  }
0x77e: {  	v19 =	vld.idx.msk [tilespmem:v6+s1+$0x0], $0xffff;
	_ =	sdelay $0x4  }
0x77f: {  	vm1 =	vgt.f32 v12, v19;
	_ =	sdelay $0x4  }
0x780: {  	v19 =	vmax.f32 v19, v12  }
0x781: {  	[tilespmem:v6+s1+$0x0] =	vst.idx.msk vm1, v19  }
0x782: {  	v19 =	vld.idx.msk [tilespmem:v6+s1+$0x0], $0xffff;
	_ =	sdelay $0x4  }
0x783: {  	vm1 =	vgt.f32 v12, v19;
	_ =	sdelay $0x4  }
0x784: {  	v19 =	vmax.f32 v19, v12  }
0x785: {  	[tilespmem:v6+s1+$0x0] =	vst.idx.msk vm1, v19  }
0x786: {  	v19 =	vld.idx.msk [tilespmem:v6+s1+$0x0], $0xffff;
	_ =	sdelay $0x4  }
0x787: {  	vm1 =	vgt.f32 v12, v19;
	_ =	sdelay $0x4  }
0x788: {  	v19 =	vmax.f32 v19, v12  }
0x789: {  	[tilespmem:v6+s1+$0x0] =	vst.idx.msk vm1, v19  }
0x78a: {  	v19 =	vld.idx.msk [tilespmem:v6+s1+$0x0], $0xffff;
	_ =	sdelay $0x4  }
0x78b: {  	vm1 =	vgt.f32 v12, v19;
	_ =	sdelay $0x4  }
0x78c: {  	v19 =	vmax.f32 v19, v12  }
0x78d: {  	[tilespmem:v6+s1+$0x0] =	vst.idx.msk vm1, v19  }
0x78e: {  	v19 =	vld.idx.msk [tilespmem:v6+s1+$0x0], $0xffff;
	_ =	sdelay $0x4  }
0x78f: {  	vm1 =	vgt.f32 v12, v19;
	_ =	sdelay $0x4  }
0x790: {  	v19 =	vmax.f32 v19, v12  }
0x791: {  	[tilespmem:v6+s1+$0x0] =	vst.idx.msk vm1, v19  }
0x792: {  	v19 =	vld.idx.msk [tilespmem:v6+s1+$0x0], $0xffff;
	_ =	sdelay $0x4  }
0x793: {  	vm1 =	vgt.f32 v12, v19;
	_ =	sdelay $0x4  }
0x794: {  	v19 =	vmax.f32 v19, v12  }
0x795: {  	[tilespmem:v6+s1+$0x0] =	vst.idx.msk vm1, v19  }
0x796: {  	v19 =	vld.idx.msk [tilespmem:v6+s1+$0x0], $0xffff;
	_ =	sdelay $0x4  }
0x797: {  	vm1 =	vgt.f32 v12, v19;
	_ =	sdelay $0x4  }
0x798: {  	v19 =	vmax.f32 v19, v12  }
0x799: {  	[tilespmem:v6+s1+$0x0] =	vst.idx.msk vm1, v19  }
0x79a: {  	v19 =	vld.idx.msk [tilespmem:v6+s1+$0x0], $0xffff;
	_ =	sdelay $0x4  }
0x79b: {  	vm1 =	vgt.f32 v12, v19;
	_ =	sdelay $0x4  }
0x79c: {  	v19 =	vmax.f32 v19, v12  }
0x79d: {  	[tilespmem:v6+s1+$0x0] =	vst.idx.msk vm1, v19  }
0x79e: {  	v19 =	vld.idx.msk [tilespmem:v6+s1+$0x0], $0xffff;
	_ =	sdelay $0x4  }
0x79f: {  	vm1 =	vgt.f32 v12, v19;
	_ =	sdelay $0x4  }
0x7a0: {  	v19 =	vmax.f32 v19, v12  }
0x7a1: {  	[tilespmem:v6+s1+$0x0] =	vst.idx.msk vm1, v19  }
0x7a2: {  	v19 =	vld.idx.msk [tilespmem:v6+s1+$0x0], $0xffff;
	_ =	sdelay $0x4  }
0x7a3: {  	vm1 =	vgt.f32 v12, v19;
	_ =	sdelay $0x4  }
0x7a4: {  	v19 =	vmax.f32 v19, v12  }
0x7a5: {  	[tilespmem:v6+s1+$0x0] =	vst.idx.msk vm1, v19  }
0x7a6: {  	v19 =	vld.idx.msk [tilespmem:v6+s1+$0x0], $0xffff;
	_ =	sdelay $0x4  }
0x7a7: {  	vm1 =	vgt.f32 v12, v19;
	_ =	sdelay $0x4  }
0x7a8: {  	v19 =	vmax.f32 v19, v12  }
0x7a9: {  	[tilespmem:v6+s1+$0x0] =	vst.idx.msk vm1, v19  }
0x7aa: {  	v19 =	vld.idx.msk [tilespmem:v6+s1+$0x0], $0xffff;
	_ =	sdelay $0x4  }
0x7ab: {  	vm1 =	vgt.f32 v12, v19;
	_ =	sdelay $0x4  }
0x7ac: {  	v19 =	vmax.f32 v19, v12  }
0x7ad: {  	[tilespmem:v6+s1+$0x0] =	vst.idx.msk vm1, v19  }
0x7ae: {  	v19 =	vld.idx.msk [tilespmem:v6+s1+$0x0], $0xffff;
	_ =	sdelay $0x4  }
0x7af: {  	vm1 =	vgt.f32 v12, v19;
	_ =	sdelay $0x4  }
0x7b0: {  	v19 =	vmax.f32 v19, v12  }
0x7b1: {  	[tilespmem:v6+s1+$0x0] =	vst.idx.msk vm1, v19  }
0x7b2: {  	v19 =	vld.idx.msk [tilespmem:v6+s1+$0x0], $0xffff;
	_ =	sdelay $0x4  }
0x7b3: {  	vm1 =	vgt.f32 v12, v19;
	_ =	sdelay $0x4  }
0x7b4: {  	v12 =	vmax.f32 v19, v12  }
0x7b5: {  	[tilespmem:v6+s1+$0x0] =	vst.idx.msk vm1, v12  }
0x7b6: {  	v12 =	vld.idx.msk [tilespmem:v6+s28+$0x0], $0xffff;
	_ =	sdelay $0x4  }
0x7b7: {  	vm1 =	vgt.f32 v8, v12;
	_ =	sdelay $0x4  }
0x7b8: {  	v12 =	vmax.f32 v12, v8  }
0x7b9: {  	[tilespmem:v6+s28+$0x0] =	vst.idx.msk vm1, v12  }
0x7ba: {  	v12 =	vld.idx.msk [tilespmem:v6+s28+$0x0], $0xffff;
	_ =	sdelay $0x4  }
0x7bb: {  	vm1 =	vgt.f32 v8, v12;
	_ =	sdelay $0x4  }
0x7bc: {  	v12 =	vmax.f32 v12, v8  }
0x7bd: {  	[tilespmem:v6+s28+$0x0] =	vst.idx.msk vm1, v12  }
0x7be: {  	v12 =	vld.idx.msk [tilespmem:v6+s28+$0x0], $0xffff;
	_ =	sdelay $0x4  }
0x7bf: {  	vm1 =	vgt.f32 v8, v12;
	_ =	sdelay $0x4  }
0x7c0: {  	v12 =	vmax.f32 v12, v8  }
0x7c1: {  	[tilespmem:v6+s28+$0x0] =	vst.idx.msk vm1, v12  }
0x7c2: {  	v12 =	vld.idx.msk [tilespmem:v6+s28+$0x0], $0xffff;
	_ =	sdelay $0x4  }
0x7c3: {  	vm1 =	vgt.f32 v8, v12;
	_ =	sdelay $0x4  }
0x7c4: {  	v12 =	vmax.f32 v12, v8  }
0x7c5: {  	[tilespmem:v6+s28+$0x0] =	vst.idx.msk vm1, v12  }
0x7c6: {  	v12 =	vld.idx.msk [tilespmem:v6+s28+$0x0], $0xffff;
	_ =	sdelay $0x4  }
0x7c7: {  	vm1 =	vgt.f32 v8, v12;
	_ =	sdelay $0x4  }
0x7c8: {  	v12 =	vmax.f32 v12, v8  }
0x7c9: {  	[tilespmem:v6+s28+$0x0] =	vst.idx.msk vm1, v12  }
0x7ca: {  	v12 =	vld.idx.msk [tilespmem:v6+s28+$0x0], $0xffff;
	_ =	sdelay $0x4  }
0x7cb: {  	vm1 =	vgt.f32 v8, v12;
	_ =	sdelay $0x4  }
0x7cc: {  	v12 =	vmax.f32 v12, v8  }
0x7cd: {  	[tilespmem:v6+s28+$0x0] =	vst.idx.msk vm1, v12  }
0x7ce: {  	v12 =	vld.idx.msk [tilespmem:v6+s28+$0x0], $0xffff;
	_ =	sdelay $0x4  }
0x7cf: {  	vm1 =	vgt.f32 v8, v12;
	_ =	sdelay $0x4  }
0x7d0: {  	v12 =	vmax.f32 v12, v8  }
0x7d1: {  	[tilespmem:v6+s28+$0x0] =	vst.idx.msk vm1, v12  }
0x7d2: {  	v12 =	vld.idx.msk [tilespmem:v6+s28+$0x0], $0xffff;
	_ =	sdelay $0x4  }
0x7d3: {  	vm1 =	vgt.f32 v8, v12;
	_ =	sdelay $0x4  }
0x7d4: {  	v12 =	vmax.f32 v12, v8  }
0x7d5: {  	[tilespmem:v6+s28+$0x0] =	vst.idx.msk vm1, v12  }
0x7d6: {  	v12 =	vld.idx.msk [tilespmem:v6+s28+$0x0], $0xffff;
	_ =	sdelay $0x4  }
0x7d7: {  	vm1 =	vgt.f32 v8, v12;
	_ =	sdelay $0x4  }
0x7d8: {  	v12 =	vmax.f32 v12, v8  }
0x7d9: {  	[tilespmem:v6+s28+$0x0] =	vst.idx.msk vm1, v12  }
0x7da: {  	v12 =	vld.idx.msk [tilespmem:v6+s28+$0x0], $0xffff;
	_ =	sdelay $0x4  }
0x7db: {  	vm1 =	vgt.f32 v8, v12;
	_ =	sdelay $0x4  }
0x7dc: {  	v12 =	vmax.f32 v12, v8  }
0x7dd: {  	[tilespmem:v6+s28+$0x0] =	vst.idx.msk vm1, v12  }
0x7de: {  	v12 =	vld.idx.msk [tilespmem:v6+s28+$0x0], $0xffff;
	_ =	sdelay $0x4  }
0x7df: {  	vm1 =	vgt.f32 v8, v12;
	_ =	sdelay $0x4  }
0x7e0: {  	v12 =	vmax.f32 v12, v8  }
0x7e1: {  	[tilespmem:v6+s28+$0x0] =	vst.idx.msk vm1, v12  }
0x7e2: {  	v12 =	vld.idx.msk [tilespmem:v6+s28+$0x0], $0xffff;
	_ =	sdelay $0x4  }
0x7e3: {  	vm1 =	vgt.f32 v8, v12;
	_ =	sdelay $0x4  }
0x7e4: {  	v12 =	vmax.f32 v12, v8  }
0x7e5: {  	[tilespmem:v6+s28+$0x0] =	vst.idx.msk vm1, v12  }
0x7e6: {  	v12 =	vld.idx.msk [tilespmem:v6+s28+$0x0], $0xffff;
	_ =	sdelay $0x4  }
0x7e7: {  	vm1 =	vgt.f32 v8, v12;
	_ =	sdelay $0x4  }
0x7e8: {  	v12 =	vmax.f32 v12, v8  }
0x7e9: {  	[tilespmem:v6+s28+$0x0] =	vst.idx.msk vm1, v12  }
0x7ea: {  	v12 =	vld.idx.msk [tilespmem:v6+s28+$0x0], $0xffff;
	_ =	sdelay $0x4  }
0x7eb: {  	vm1 =	vgt.f32 v8, v12;
	_ =	sdelay $0x4  }
0x7ec: {  	v12 =	vmax.f32 v12, v8  }
0x7ed: {  	[tilespmem:v6+s28+$0x0] =	vst.idx.msk vm1, v12  }
0x7ee: {  	v12 =	vld.idx.msk [tilespmem:v6+s28+$0x0], $0xffff;
	_ =	sdelay $0x4  }
0x7ef: {  	vm1 =	vgt.f32 v8, v12;
	_ =	sdelay $0x4  }
0x7f0: {  	v12 =	vmax.f32 v12, v8  }
0x7f1: {  	[tilespmem:v6+s28+$0x0] =	vst.idx.msk vm1, v12  }
0x7f2: {  	v12 =	vld.idx.msk [tilespmem:v6+s28+$0x0], $0xffff;
	_ =	sdelay $0x4  }
0x7f3: {  	vm1 =	vgt.f32 v8, v12;
	_ =	sdelay $0x4  }
0x7f4: {  	v8 =	vmax.f32 v12, v8  }
0x7f5: {  	[tilespmem:v6+s28+$0x0] =	vst.idx.msk vm1, v8  }
0x7f6: {  	v6 =	vld.idx.msk [tilespmem:v1+s1+$0x0], $0xffff;
	_ =	sdelay $0x4  }
0x7f7: {  	vm1 =	vgt.f32 v3, v6;
	_ =	sdelay $0x4  }
0x7f8: {  	v6 =	vmax.f32 v6, v3  }
0x7f9: {  	[tilespmem:v1+s1+$0x0] =	vst.idx.msk vm1, v6  }
0x7fa: {  	v6 =	vld.idx.msk [tilespmem:v1+s1+$0x0], $0xffff;
	_ =	sdelay $0x4  }
0x7fb: {  	vm1 =	vgt.f32 v3, v6;
	_ =	sdelay $0x4  }
0x7fc: {  	v6 =	vmax.f32 v6, v3  }
0x7fd: {  	[tilespmem:v1+s1+$0x0] =	vst.idx.msk vm1, v6  }
0x7fe: {  	v6 =	vld.idx.msk [tilespmem:v1+s1+$0x0], $0xffff;
	_ =	sdelay $0x4  }
0x7ff: {  	vm1 =	vgt.f32 v3, v6;
	_ =	sdelay $0x4  }
0x800: {  	v6 =	vmax.f32 v6, v3  }
0x801: {  	[tilespmem:v1+s1+$0x0] =	vst.idx.msk vm1, v6  }
0x802: {  	v6 =	vld.idx.msk [tilespmem:v1+s1+$0x0], $0xffff;
	_ =	sdelay $0x4  }
0x803: {  	vm1 =	vgt.f32 v3, v6;
	_ =	sdelay $0x4  }
0x804: {  	v6 =	vmax.f32 v6, v3  }
0x805: {  	[tilespmem:v1+s1+$0x0] =	vst.idx.msk vm1, v6  }
0x806: {  	v6 =	vld.idx.msk [tilespmem:v1+s1+$0x0], $0xffff;
	_ =	sdelay $0x4  }
0x807: {  	vm1 =	vgt.f32 v3, v6;
	_ =	sdelay $0x4  }
0x808: {  	v6 =	vmax.f32 v6, v3  }
0x809: {  	[tilespmem:v1+s1+$0x0] =	vst.idx.msk vm1, v6  }
0x80a: {  	v6 =	vld.idx.msk [tilespmem:v1+s1+$0x0], $0xffff;
	_ =	sdelay $0x4  }
0x80b: {  	vm1 =	vgt.f32 v3, v6;
	_ =	sdelay $0x4  }
0x80c: {  	v6 =	vmax.f32 v6, v3  }
0x80d: {  	[tilespmem:v1+s1+$0x0] =	vst.idx.msk vm1, v6  }
0x80e: {  	v6 =	vld.idx.msk [tilespmem:v1+s1+$0x0], $0xffff;
	_ =	sdelay $0x4  }
0x80f: {  	vm1 =	vgt.f32 v3, v6;
	_ =	sdelay $0x4  }
0x810: {  	v6 =	vmax.f32 v6, v3  }
0x811: {  	[tilespmem:v1+s1+$0x0] =	vst.idx.msk vm1, v6  }
0x812: {  	v6 =	vld.idx.msk [tilespmem:v1+s1+$0x0], $0xffff;
	_ =	sdelay $0x4  }
0x813: {  	vm1 =	vgt.f32 v3, v6;
	_ =	sdelay $0x4  }
0x814: {  	v6 =	vmax.f32 v6, v3  }
0x815: {  	[tilespmem:v1+s1+$0x0] =	vst.idx.msk vm1, v6  }
0x816: {  	v6 =	vld.idx.msk [tilespmem:v1+s1+$0x0], $0xffff;
	_ =	sdelay $0x4  }
0x817: {  	vm1 =	vgt.f32 v3, v6;
	_ =	sdelay $0x4  }
0x818: {  	v6 =	vmax.f32 v6, v3  }
0x819: {  	[tilespmem:v1+s1+$0x0] =	vst.idx.msk vm1, v6  }
0x81a: {  	v6 =	vld.idx.msk [tilespmem:v1+s1+$0x0], $0xffff;
	_ =	sdelay $0x4  }
0x81b: {  	vm1 =	vgt.f32 v3, v6;
	_ =	sdelay $0x4  }
0x81c: {  	v6 =	vmax.f32 v6, v3  }
0x81d: {  	[tilespmem:v1+s1+$0x0] =	vst.idx.msk vm1, v6  }
0x81e: {  	v6 =	vld.idx.msk [tilespmem:v1+s1+$0x0], $0xffff;
	_ =	sdelay $0x4  }
0x81f: {  	vm1 =	vgt.f32 v3, v6;
	_ =	sdelay $0x4  }
0x820: {  	v6 =	vmax.f32 v6, v3  }
0x821: {  	[tilespmem:v1+s1+$0x0] =	vst.idx.msk vm1, v6  }
0x822: {  	v6 =	vld.idx.msk [tilespmem:v1+s1+$0x0], $0xffff;
	_ =	sdelay $0x4  }
0x823: {  	vm1 =	vgt.f32 v3, v6;
	_ =	sdelay $0x4  }
0x824: {  	v6 =	vmax.f32 v6, v3  }
0x825: {  	[tilespmem:v1+s1+$0x0] =	vst.idx.msk vm1, v6  }
0x826: {  	v6 =	vld.idx.msk [tilespmem:v1+s1+$0x0], $0xffff;
	_ =	sdelay $0x4  }
0x827: {  	vm1 =	vgt.f32 v3, v6;
	_ =	sdelay $0x4  }
0x828: {  	v6 =	vmax.f32 v6, v3  }
0x829: {  	[tilespmem:v1+s1+$0x0] =	vst.idx.msk vm1, v6  }
0x82a: {  	v6 =	vld.idx.msk [tilespmem:v1+s1+$0x0], $0xffff;
	_ =	sdelay $0x4  }
0x82b: {  	vm1 =	vgt.f32 v3, v6;
	_ =	sdelay $0x4  }
0x82c: {  	v6 =	vmax.f32 v6, v3  }
0x82d: {  	[tilespmem:v1+s1+$0x0] =	vst.idx.msk vm1, v6  }
0x82e: {  	v6 =	vld.idx.msk [tilespmem:v1+s1+$0x0], $0xffff;
	_ =	sdelay $0x4  }
0x82f: {  	vm1 =	vgt.f32 v3, v6;
	_ =	sdelay $0x4  }
0x830: {  	v6 =	vmax.f32 v6, v3  }
0x831: {  	[tilespmem:v1+s1+$0x0] =	vst.idx.msk vm1, v6  }
0x832: {  	v6 =	vld.idx.msk [tilespmem:v1+s1+$0x0], $0xffff;
	_ =	sdelay $0x4  }
0x833: {  	vm1 =	vgt.f32 v3, v6;
	_ =	sdelay $0x4  }
0x834: {  	v3 =	vmax.f32 v6, v3  }
0x835: {  	[tilespmem:v1+s1+$0x0] =	vst.idx.msk vm1, v3  }
0x836: {  	v3 =	vld.idx.msk [tilespmem:v1+s28+$0x0], $0xffff;
	_ =	sdelay $0x4  }
0x837: {  	vm1 =	vgt.f32 v2, v3;
	_ =	sdelay $0x4  }
0x838: {  	v3 =	vmax.f32 v3, v2  }
0x839: {  	[tilespmem:v1+s28+$0x0] =	vst.idx.msk vm1, v3  }
0x83a: {  	v3 =	vld.idx.msk [tilespmem:v1+s28+$0x0], $0xffff;
	_ =	sdelay $0x4  }
0x83b: {  	vm1 =	vgt.f32 v2, v3;
	_ =	sdelay $0x4  }
0x83c: {  	v3 =	vmax.f32 v3, v2  }
0x83d: {  	[tilespmem:v1+s28+$0x0] =	vst.idx.msk vm1, v3  }
0x83e: {  	v3 =	vld.idx.msk [tilespmem:v1+s28+$0x0], $0xffff;
	_ =	sdelay $0x4  }
0x83f: {  	vm1 =	vgt.f32 v2, v3;
	_ =	sdelay $0x4  }
0x840: {  	v3 =	vmax.f32 v3, v2  }
0x841: {  	[tilespmem:v1+s28+$0x0] =	vst.idx.msk vm1, v3  }
0x842: {  	v3 =	vld.idx.msk [tilespmem:v1+s28+$0x0], $0xffff;
	_ =	sdelay $0x4  }
0x843: {  	vm1 =	vgt.f32 v2, v3;
	_ =	sdelay $0x4  }
0x844: {  	v3 =	vmax.f32 v3, v2  }
0x845: {  	[tilespmem:v1+s28+$0x0] =	vst.idx.msk vm1, v3  }
0x846: {  	v3 =	vld.idx.msk [tilespmem:v1+s28+$0x0], $0xffff;
	_ =	sdelay $0x4  }
0x847: {  	vm1 =	vgt.f32 v2, v3;
	_ =	sdelay $0x4  }
0x848: {  	v3 =	vmax.f32 v3, v2  }
0x849: {  	[tilespmem:v1+s28+$0x0] =	vst.idx.msk vm1, v3  }
0x84a: {  	v3 =	vld.idx.msk [tilespmem:v1+s28+$0x0], $0xffff;
	_ =	sdelay $0x4  }
0x84b: {  	vm1 =	vgt.f32 v2, v3;
	_ =	sdelay $0x4  }
0x84c: {  	v3 =	vmax.f32 v3, v2  }
0x84d: {  	[tilespmem:v1+s28+$0x0] =	vst.idx.msk vm1, v3  }
0x84e: {  	v3 =	vld.idx.msk [tilespmem:v1+s28+$0x0], $0xffff;
	_ =	sdelay $0x4  }
0x84f: {  	vm1 =	vgt.f32 v2, v3;
	_ =	sdelay $0x4  }
0x850: {  	v3 =	vmax.f32 v3, v2  }
0x851: {  	[tilespmem:v1+s28+$0x0] =	vst.idx.msk vm1, v3  }
0x852: {  	v3 =	vld.idx.msk [tilespmem:v1+s28+$0x0], $0xffff;
	_ =	sdelay $0x4  }
0x853: {  	vm1 =	vgt.f32 v2, v3;
	_ =	sdelay $0x4  }
0x854: {  	v3 =	vmax.f32 v3, v2  }
0x855: {  	[tilespmem:v1+s28+$0x0] =	vst.idx.msk vm1, v3  }
0x856: {  	v3 =	vld.idx.msk [tilespmem:v1+s28+$0x0], $0xffff;
	_ =	sdelay $0x4  }
0x857: {  	vm1 =	vgt.f32 v2, v3;
	_ =	sdelay $0x4  }
0x858: {  	v3 =	vmax.f32 v3, v2  }
0x859: {  	[tilespmem:v1+s28+$0x0] =	vst.idx.msk vm1, v3  }
0x85a: {  	v3 =	vld.idx.msk [tilespmem:v1+s28+$0x0], $0xffff;
	_ =	sdelay $0x4  }
0x85b: {  	vm1 =	vgt.f32 v2, v3;
	_ =	sdelay $0x4  }
0x85c: {  	v3 =	vmax.f32 v3, v2  }
0x85d: {  	[tilespmem:v1+s28+$0x0] =	vst.idx.msk vm1, v3  }
0x85e: {  	v3 =	vld.idx.msk [tilespmem:v1+s28+$0x0], $0xffff;
	_ =	sdelay $0x4  }
0x85f: {  	vm1 =	vgt.f32 v2, v3;
	_ =	sdelay $0x4  }
0x860: {  	v3 =	vmax.f32 v3, v2  }
0x861: {  	[tilespmem:v1+s28+$0x0] =	vst.idx.msk vm1, v3  }
0x862: {  	v3 =	vld.idx.msk [tilespmem:v1+s28+$0x0], $0xffff;
	_ =	sdelay $0x4  }
0x863: {  	vm1 =	vgt.f32 v2, v3;
	_ =	sdelay $0x4  }
0x864: {  	v3 =	vmax.f32 v3, v2  }
0x865: {  	[tilespmem:v1+s28+$0x0] =	vst.idx.msk vm1, v3  }
0x866: {  	v3 =	vld.idx.msk [tilespmem:v1+s28+$0x0], $0xffff;
	_ =	sdelay $0x4  }
0x867: {  	vm1 =	vgt.f32 v2, v3;
	_ =	sdelay $0x4  }
0x868: {  	v3 =	vmax.f32 v3, v2  }
0x869: {  	[tilespmem:v1+s28+$0x0] =	vst.idx.msk vm1, v3  }
0x86a: {  	v3 =	vld.idx.msk [tilespmem:v1+s28+$0x0], $0xffff;
	_ =	sdelay $0x4  }
0x86b: {  	vm1 =	vgt.f32 v2, v3;
	_ =	sdelay $0x4  }
0x86c: {  	v3 =	vmax.f32 v3, v2  }
0x86d: {  	[tilespmem:v1+s28+$0x0] =	vst.idx.msk vm1, v3  }
0x86e: {  	v3 =	vld.idx.msk [tilespmem:v1+s28+$0x0], $0xffff;
	_ =	sdelay $0x4  }
0x86f: {  	vm1 =	vgt.f32 v2, v3;
	_ =	sdelay $0x4  }
0x870: {  	v3 =	vmax.f32 v3, v2  }
0x871: {  	[tilespmem:v1+s28+$0x0] =	vst.idx.msk vm1, v3  }
0x872: {  	v3 =	vld.idx.msk [tilespmem:v1+s28+$0x0], $0xffff;
	_ =	sdelay $0x4  }
0x873: {  	vm1 =	vgt.f32 v2, v3;
	_ =	sdelay $0x4  }
0x874: {  	v2 =	vmax.f32 v3, v2  }
0x875: {  	[tilespmem:v1+s28+$0x0] =	vst.idx.msk vm1, v2  }
.LBB2_27:
0x876: {  	_ =	sdelay $0x3  }
0x877: {  	v1 =	vld.idx.msk [tilespmem:v11+s1+$0x0], $0xffff  }
0x878: {  	v2 =	vld.idx.msk [tilespmem:v7+s1+$0x0], $0xffff  }
0x879: {  	v3 =	vld.idx.msk [tilespmem:v11+s28+$0x0], $0xffff  }
0x87a: {  	v6 =	vld.idx.msk [tilespmem:v7+s28+$0x0], $0xffff;
	_ =	sdelay $0x2  }
0x87b: {  	vm1 =	vgt.f32 v15, v1;
	vm2 =	vgt.f32 v16, v2  }
0x87c: {  	vm1 =	vmor vm1, vm2;
	vm2 =	vgt.f32 v17, v3  }
0x87d: {  	vm1 =	vmor vm1, vm2;
	vm2 =	vgt.f32 v18, v6  }
0x87e: {  	vm1 =	vmor vm1, vm2  }
0x87f: {  	v1 =	vsel vm1, $0x3F800000, v0  }
0x880: {  	(xrf0) =	vmax.scan.msk.f32 $0xffff, v1;
	_ =	sdelay $0x2  }
0x881: {  	v6 =	vld [tilespmem:s17+$0x18020];
	_ =	sdelay $0x2  }
0x882: {  	v3, _, _ =	vpop (xrf0)  }
0x883: {  	v1 =	vld [tilespmem:s17+$0x18030];
	(v2sf) =	vpush v3, $0xF  }
0x884: {  	v8 =	vld [tilespmem:s9+$0x20]  }
0x885: {  	s8 =	sadd.s32 $0x20, s8;
	v2 =	vld [tilespmem:s17+$0x19020]  }
0x886: {  	s31 =	sand.u32 $0x40, s15;
	s8 =	sand.u32 $0x2F80, s8;
	v15 =	vld [tilespmem:s17+$0x19030]  }
0x887: {  	s8 =	sor.u32 s8, s31;
	v18 =	vld.idx.msk [tilespmem:v6+s1+$0x0], $0xffff  }
0x888: {  	v3 =	vld [tilespmem:s22+$0x20];
	s22 =	sor.u32 $0x10030, s8  }
0x889: {  	s8 =	sor.u32 $0x14030, s8;
	v16 =	vld [tilespmem:s22+$0x0]  }
0x88a: {  	v17 =	vld [tilespmem:s8+$0x0]  }
0x88b: {  	v19 =	vld.idx.msk [tilespmem:v1+s1+$0x0], $0xffff  }
0x88c: {  	v20 =	vld.idx.msk [tilespmem:v6+s28+$0x0], $0xffff  }
0x88d: {  	v21 =	vld.idx.msk [tilespmem:v1+s28+$0x0], $0xffff;
	v12 =	vmul.f32 v3, v2  }
0x88e: {  	v3 =	vmul.f32 v16, v15  }
0x88f: {  	v8 =	vmul.f32 v8, v2;
	vm1 =	vgt.f32 v12, v18  }
0x890: {  	v2 =	vmul.f32 v17, v15;
	vm2 =	vgt.f32 v3, v19  }
0x891: {  	vm3 =	vgt.f32 v8, v20  }
0x892: {  	vm4 =	vgt.f32 v2, v21;
	s31 =	spop (v2sf)  }
0x893: {  	p1 =	sgt.f32 s31, $0.0e+00  }
.Ltmp24:
0x894: {  	v15 =	vmax.f32 v18, v12;
	(pc) =	sbr.rel @!p1 .LBB2_29-.Ltmp24, $4  }
0x895: {  	v17 =	vmax.f32 v19, v3;
	[tilespmem:v6+s1+$0x0] =	vst.idx.msk vm1, v15  }
0x896: {  	v18 =	vmax.f32 v20, v8;
	[tilespmem:v1+s1+$0x0] =	vst.idx.msk vm2, v17  }
0x897: {  	v16 =	vmax.f32 v21, v2;
	[tilespmem:v6+s28+$0x0] =	vst.idx.msk vm3, v18  }
0x898: {  	[tilespmem:v1+s28+$0x0] =	vst.idx.msk vm4, v16  }
0x899: {  	_ =	sdelay $0x3  }
0x89a: {  	v19 =	vld.idx.msk [tilespmem:v11+s1+$0x0], $0xffff;
	_ =	sdelay $0x4  }
0x89b: {  	vm1 =	vgt.f32 v14, v19;
	_ =	sdelay $0x4  }
0x89c: {  	v19 =	vmax.f32 v19, v14  }
0x89d: {  	[tilespmem:v11+s1+$0x0] =	vst.idx.msk vm1, v19  }
0x89e: {  	v19 =	vld.idx.msk [tilespmem:v11+s1+$0x0], $0xffff;
	_ =	sdelay $0x4  }
0x89f: {  	vm1 =	vgt.f32 v14, v19;
	_ =	sdelay $0x4  }
0x8a0: {  	v19 =	vmax.f32 v19, v14  }
0x8a1: {  	[tilespmem:v11+s1+$0x0] =	vst.idx.msk vm1, v19  }
0x8a2: {  	v19 =	vld.idx.msk [tilespmem:v11+s1+$0x0], $0xffff;
	_ =	sdelay $0x4  }
0x8a3: {  	vm1 =	vgt.f32 v14, v19;
	_ =	sdelay $0x4  }
0x8a4: {  	v19 =	vmax.f32 v19, v14  }
0x8a5: {  	[tilespmem:v11+s1+$0x0] =	vst.idx.msk vm1, v19  }
0x8a6: {  	v19 =	vld.idx.msk [tilespmem:v11+s1+$0x0], $0xffff;
	_ =	sdelay $0x4  }
0x8a7: {  	vm1 =	vgt.f32 v14, v19;
	_ =	sdelay $0x4  }
0x8a8: {  	v19 =	vmax.f32 v19, v14  }
0x8a9: {  	[tilespmem:v11+s1+$0x0] =	vst.idx.msk vm1, v19  }
0x8aa: {  	v19 =	vld.idx.msk [tilespmem:v11+s1+$0x0], $0xffff;
	_ =	sdelay $0x4  }
0x8ab: {  	vm1 =	vgt.f32 v14, v19;
	_ =	sdelay $0x4  }
0x8ac: {  	v19 =	vmax.f32 v19, v14  }
0x8ad: {  	[tilespmem:v11+s1+$0x0] =	vst.idx.msk vm1, v19  }
0x8ae: {  	v19 =	vld.idx.msk [tilespmem:v11+s1+$0x0], $0xffff;
	_ =	sdelay $0x4  }
0x8af: {  	vm1 =	vgt.f32 v14, v19;
	_ =	sdelay $0x4  }
0x8b0: {  	v19 =	vmax.f32 v19, v14  }
0x8b1: {  	[tilespmem:v11+s1+$0x0] =	vst.idx.msk vm1, v19  }
0x8b2: {  	v19 =	vld.idx.msk [tilespmem:v11+s1+$0x0], $0xffff;
	_ =	sdelay $0x4  }
0x8b3: {  	vm1 =	vgt.f32 v14, v19;
	_ =	sdelay $0x4  }
0x8b4: {  	v19 =	vmax.f32 v19, v14  }
0x8b5: {  	[tilespmem:v11+s1+$0x0] =	vst.idx.msk vm1, v19  }
0x8b6: {  	v19 =	vld.idx.msk [tilespmem:v11+s1+$0x0], $0xffff;
	_ =	sdelay $0x4  }
0x8b7: {  	vm1 =	vgt.f32 v14, v19;
	_ =	sdelay $0x4  }
0x8b8: {  	v19 =	vmax.f32 v19, v14  }
0x8b9: {  	[tilespmem:v11+s1+$0x0] =	vst.idx.msk vm1, v19  }
0x8ba: {  	v19 =	vld.idx.msk [tilespmem:v11+s1+$0x0], $0xffff;
	_ =	sdelay $0x4  }
0x8bb: {  	vm1 =	vgt.f32 v14, v19;
	_ =	sdelay $0x4  }
0x8bc: {  	v19 =	vmax.f32 v19, v14  }
0x8bd: {  	[tilespmem:v11+s1+$0x0] =	vst.idx.msk vm1, v19  }
0x8be: {  	v19 =	vld.idx.msk [tilespmem:v11+s1+$0x0], $0xffff;
	_ =	sdelay $0x4  }
0x8bf: {  	vm1 =	vgt.f32 v14, v19;
	_ =	sdelay $0x4  }
0x8c0: {  	v19 =	vmax.f32 v19, v14  }
0x8c1: {  	[tilespmem:v11+s1+$0x0] =	vst.idx.msk vm1, v19  }
0x8c2: {  	v19 =	vld.idx.msk [tilespmem:v11+s1+$0x0], $0xffff;
	_ =	sdelay $0x4  }
0x8c3: {  	vm1 =	vgt.f32 v14, v19;
	_ =	sdelay $0x4  }
0x8c4: {  	v19 =	vmax.f32 v19, v14  }
0x8c5: {  	[tilespmem:v11+s1+$0x0] =	vst.idx.msk vm1, v19  }
0x8c6: {  	v19 =	vld.idx.msk [tilespmem:v11+s1+$0x0], $0xffff;
	_ =	sdelay $0x4  }
0x8c7: {  	vm1 =	vgt.f32 v14, v19;
	_ =	sdelay $0x4  }
0x8c8: {  	v19 =	vmax.f32 v19, v14  }
0x8c9: {  	[tilespmem:v11+s1+$0x0] =	vst.idx.msk vm1, v19  }
0x8ca: {  	v19 =	vld.idx.msk [tilespmem:v11+s1+$0x0], $0xffff;
	_ =	sdelay $0x4  }
0x8cb: {  	vm1 =	vgt.f32 v14, v19;
	_ =	sdelay $0x4  }
0x8cc: {  	v19 =	vmax.f32 v19, v14  }
0x8cd: {  	[tilespmem:v11+s1+$0x0] =	vst.idx.msk vm1, v19  }
0x8ce: {  	v19 =	vld.idx.msk [tilespmem:v11+s1+$0x0], $0xffff;
	_ =	sdelay $0x4  }
0x8cf: {  	vm1 =	vgt.f32 v14, v19;
	_ =	sdelay $0x4  }
0x8d0: {  	v19 =	vmax.f32 v19, v14  }
0x8d1: {  	[tilespmem:v11+s1+$0x0] =	vst.idx.msk vm1, v19  }
0x8d2: {  	v19 =	vld.idx.msk [tilespmem:v11+s1+$0x0], $0xffff;
	_ =	sdelay $0x4  }
0x8d3: {  	vm1 =	vgt.f32 v14, v19;
	_ =	sdelay $0x4  }
0x8d4: {  	v19 =	vmax.f32 v19, v14  }
0x8d5: {  	[tilespmem:v11+s1+$0x0] =	vst.idx.msk vm1, v19  }
0x8d6: {  	v19 =	vld.idx.msk [tilespmem:v11+s1+$0x0], $0xffff;
	_ =	sdelay $0x4  }
0x8d7: {  	vm1 =	vgt.f32 v14, v19;
	_ =	sdelay $0x4  }
0x8d8: {  	v14 =	vmax.f32 v19, v14  }
0x8d9: {  	[tilespmem:v11+s1+$0x0] =	vst.idx.msk vm1, v14  }
0x8da: {  	v14 =	vld.idx.msk [tilespmem:v11+s28+$0x0], $0xffff;
	_ =	sdelay $0x4  }
0x8db: {  	vm1 =	vgt.f32 v13, v14;
	_ =	sdelay $0x4  }
0x8dc: {  	v14 =	vmax.f32 v14, v13  }
0x8dd: {  	[tilespmem:v11+s28+$0x0] =	vst.idx.msk vm1, v14  }
0x8de: {  	v14 =	vld.idx.msk [tilespmem:v11+s28+$0x0], $0xffff;
	_ =	sdelay $0x4  }
0x8df: {  	vm1 =	vgt.f32 v13, v14;
	_ =	sdelay $0x4  }
0x8e0: {  	v14 =	vmax.f32 v14, v13  }
0x8e1: {  	[tilespmem:v11+s28+$0x0] =	vst.idx.msk vm1, v14  }
0x8e2: {  	v14 =	vld.idx.msk [tilespmem:v11+s28+$0x0], $0xffff;
	_ =	sdelay $0x4  }
0x8e3: {  	vm1 =	vgt.f32 v13, v14;
	_ =	sdelay $0x4  }
0x8e4: {  	v14 =	vmax.f32 v14, v13  }
0x8e5: {  	[tilespmem:v11+s28+$0x0] =	vst.idx.msk vm1, v14  }
0x8e6: {  	v14 =	vld.idx.msk [tilespmem:v11+s28+$0x0], $0xffff;
	_ =	sdelay $0x4  }
0x8e7: {  	vm1 =	vgt.f32 v13, v14;
	_ =	sdelay $0x4  }
0x8e8: {  	v14 =	vmax.f32 v14, v13  }
0x8e9: {  	[tilespmem:v11+s28+$0x0] =	vst.idx.msk vm1, v14  }
0x8ea: {  	v14 =	vld.idx.msk [tilespmem:v11+s28+$0x0], $0xffff;
	_ =	sdelay $0x4  }
0x8eb: {  	vm1 =	vgt.f32 v13, v14;
	_ =	sdelay $0x4  }
0x8ec: {  	v14 =	vmax.f32 v14, v13  }
0x8ed: {  	[tilespmem:v11+s28+$0x0] =	vst.idx.msk vm1, v14  }
0x8ee: {  	v14 =	vld.idx.msk [tilespmem:v11+s28+$0x0], $0xffff;
	_ =	sdelay $0x4  }
0x8ef: {  	vm1 =	vgt.f32 v13, v14;
	_ =	sdelay $0x4  }
0x8f0: {  	v14 =	vmax.f32 v14, v13  }
0x8f1: {  	[tilespmem:v11+s28+$0x0] =	vst.idx.msk vm1, v14  }
0x8f2: {  	v14 =	vld.idx.msk [tilespmem:v11+s28+$0x0], $0xffff;
	_ =	sdelay $0x4  }
0x8f3: {  	vm1 =	vgt.f32 v13, v14;
	_ =	sdelay $0x4  }
0x8f4: {  	v14 =	vmax.f32 v14, v13  }
0x8f5: {  	[tilespmem:v11+s28+$0x0] =	vst.idx.msk vm1, v14  }
0x8f6: {  	v14 =	vld.idx.msk [tilespmem:v11+s28+$0x0], $0xffff;
	_ =	sdelay $0x4  }
0x8f7: {  	vm1 =	vgt.f32 v13, v14;
	_ =	sdelay $0x4  }
0x8f8: {  	v14 =	vmax.f32 v14, v13  }
0x8f9: {  	[tilespmem:v11+s28+$0x0] =	vst.idx.msk vm1, v14  }
0x8fa: {  	v14 =	vld.idx.msk [tilespmem:v11+s28+$0x0], $0xffff;
	_ =	sdelay $0x4  }
0x8fb: {  	vm1 =	vgt.f32 v13, v14;
	_ =	sdelay $0x4  }
0x8fc: {  	v14 =	vmax.f32 v14, v13  }
0x8fd: {  	[tilespmem:v11+s28+$0x0] =	vst.idx.msk vm1, v14  }
0x8fe: {  	v14 =	vld.idx.msk [tilespmem:v11+s28+$0x0], $0xffff;
	_ =	sdelay $0x4  }
0x8ff: {  	vm1 =	vgt.f32 v13, v14;
	_ =	sdelay $0x4  }
0x900: {  	v14 =	vmax.f32 v14, v13  }
0x901: {  	[tilespmem:v11+s28+$0x0] =	vst.idx.msk vm1, v14  }
0x902: {  	v14 =	vld.idx.msk [tilespmem:v11+s28+$0x0], $0xffff;
	_ =	sdelay $0x4  }
0x903: {  	vm1 =	vgt.f32 v13, v14;
	_ =	sdelay $0x4  }
0x904: {  	v14 =	vmax.f32 v14, v13  }
0x905: {  	[tilespmem:v11+s28+$0x0] =	vst.idx.msk vm1, v14  }
0x906: {  	v14 =	vld.idx.msk [tilespmem:v11+s28+$0x0], $0xffff;
	_ =	sdelay $0x4  }
0x907: {  	vm1 =	vgt.f32 v13, v14;
	_ =	sdelay $0x4  }
0x908: {  	v14 =	vmax.f32 v14, v13  }
0x909: {  	[tilespmem:v11+s28+$0x0] =	vst.idx.msk vm1, v14  }
0x90a: {  	v14 =	vld.idx.msk [tilespmem:v11+s28+$0x0], $0xffff;
	_ =	sdelay $0x4  }
0x90b: {  	vm1 =	vgt.f32 v13, v14;
	_ =	sdelay $0x4  }
0x90c: {  	v14 =	vmax.f32 v14, v13  }
0x90d: {  	[tilespmem:v11+s28+$0x0] =	vst.idx.msk vm1, v14  }
0x90e: {  	v14 =	vld.idx.msk [tilespmem:v11+s28+$0x0], $0xffff;
	_ =	sdelay $0x4  }
0x90f: {  	vm1 =	vgt.f32 v13, v14;
	_ =	sdelay $0x4  }
0x910: {  	v14 =	vmax.f32 v14, v13  }
0x911: {  	[tilespmem:v11+s28+$0x0] =	vst.idx.msk vm1, v14  }
0x912: {  	v14 =	vld.idx.msk [tilespmem:v11+s28+$0x0], $0xffff;
	_ =	sdelay $0x4  }
0x913: {  	vm1 =	vgt.f32 v13, v14;
	_ =	sdelay $0x4  }
0x914: {  	v14 =	vmax.f32 v14, v13  }
0x915: {  	[tilespmem:v11+s28+$0x0] =	vst.idx.msk vm1, v14  }
0x916: {  	v14 =	vld.idx.msk [tilespmem:v11+s28+$0x0], $0xffff;
	_ =	sdelay $0x4  }
0x917: {  	vm1 =	vgt.f32 v13, v14;
	_ =	sdelay $0x4  }
0x918: {  	v13 =	vmax.f32 v14, v13  }
0x919: {  	[tilespmem:v11+s28+$0x0] =	vst.idx.msk vm1, v13  }
0x91a: {  	v11 =	vld.idx.msk [tilespmem:v7+s1+$0x0], $0xffff;
	_ =	sdelay $0x4  }
0x91b: {  	vm1 =	vgt.f32 v10, v11;
	_ =	sdelay $0x4  }
0x91c: {  	v11 =	vmax.f32 v11, v10  }
0x91d: {  	[tilespmem:v7+s1+$0x0] =	vst.idx.msk vm1, v11  }
0x91e: {  	v11 =	vld.idx.msk [tilespmem:v7+s1+$0x0], $0xffff;
	_ =	sdelay $0x4  }
0x91f: {  	vm1 =	vgt.f32 v10, v11;
	_ =	sdelay $0x4  }
0x920: {  	v11 =	vmax.f32 v11, v10  }
0x921: {  	[tilespmem:v7+s1+$0x0] =	vst.idx.msk vm1, v11  }
0x922: {  	v11 =	vld.idx.msk [tilespmem:v7+s1+$0x0], $0xffff;
	_ =	sdelay $0x4  }
0x923: {  	vm1 =	vgt.f32 v10, v11;
	_ =	sdelay $0x4  }
0x924: {  	v11 =	vmax.f32 v11, v10  }
0x925: {  	[tilespmem:v7+s1+$0x0] =	vst.idx.msk vm1, v11  }
0x926: {  	v11 =	vld.idx.msk [tilespmem:v7+s1+$0x0], $0xffff;
	_ =	sdelay $0x4  }
0x927: {  	vm1 =	vgt.f32 v10, v11;
	_ =	sdelay $0x4  }
0x928: {  	v11 =	vmax.f32 v11, v10  }
0x929: {  	[tilespmem:v7+s1+$0x0] =	vst.idx.msk vm1, v11  }
0x92a: {  	v11 =	vld.idx.msk [tilespmem:v7+s1+$0x0], $0xffff;
	_ =	sdelay $0x4  }
0x92b: {  	vm1 =	vgt.f32 v10, v11;
	_ =	sdelay $0x4  }
0x92c: {  	v11 =	vmax.f32 v11, v10  }
0x92d: {  	[tilespmem:v7+s1+$0x0] =	vst.idx.msk vm1, v11  }
0x92e: {  	v11 =	vld.idx.msk [tilespmem:v7+s1+$0x0], $0xffff;
	_ =	sdelay $0x4  }
0x92f: {  	vm1 =	vgt.f32 v10, v11;
	_ =	sdelay $0x4  }
0x930: {  	v11 =	vmax.f32 v11, v10  }
0x931: {  	[tilespmem:v7+s1+$0x0] =	vst.idx.msk vm1, v11  }
0x932: {  	v11 =	vld.idx.msk [tilespmem:v7+s1+$0x0], $0xffff;
	_ =	sdelay $0x4  }
0x933: {  	vm1 =	vgt.f32 v10, v11;
	_ =	sdelay $0x4  }
0x934: {  	v11 =	vmax.f32 v11, v10  }
0x935: {  	[tilespmem:v7+s1+$0x0] =	vst.idx.msk vm1, v11  }
0x936: {  	v11 =	vld.idx.msk [tilespmem:v7+s1+$0x0], $0xffff;
	_ =	sdelay $0x4  }
0x937: {  	vm1 =	vgt.f32 v10, v11;
	_ =	sdelay $0x4  }
0x938: {  	v11 =	vmax.f32 v11, v10  }
0x939: {  	[tilespmem:v7+s1+$0x0] =	vst.idx.msk vm1, v11  }
0x93a: {  	v11 =	vld.idx.msk [tilespmem:v7+s1+$0x0], $0xffff;
	_ =	sdelay $0x4  }
0x93b: {  	vm1 =	vgt.f32 v10, v11;
	_ =	sdelay $0x4  }
0x93c: {  	v11 =	vmax.f32 v11, v10  }
0x93d: {  	[tilespmem:v7+s1+$0x0] =	vst.idx.msk vm1, v11  }
0x93e: {  	v11 =	vld.idx.msk [tilespmem:v7+s1+$0x0], $0xffff;
	_ =	sdelay $0x4  }
0x93f: {  	vm1 =	vgt.f32 v10, v11;
	_ =	sdelay $0x4  }
0x940: {  	v11 =	vmax.f32 v11, v10  }
0x941: {  	[tilespmem:v7+s1+$0x0] =	vst.idx.msk vm1, v11  }
0x942: {  	v11 =	vld.idx.msk [tilespmem:v7+s1+$0x0], $0xffff;
	_ =	sdelay $0x4  }
0x943: {  	vm1 =	vgt.f32 v10, v11;
	_ =	sdelay $0x4  }
0x944: {  	v11 =	vmax.f32 v11, v10  }
0x945: {  	[tilespmem:v7+s1+$0x0] =	vst.idx.msk vm1, v11  }
0x946: {  	v11 =	vld.idx.msk [tilespmem:v7+s1+$0x0], $0xffff;
	_ =	sdelay $0x4  }
0x947: {  	vm1 =	vgt.f32 v10, v11;
	_ =	sdelay $0x4  }
0x948: {  	v11 =	vmax.f32 v11, v10  }
0x949: {  	[tilespmem:v7+s1+$0x0] =	vst.idx.msk vm1, v11  }
0x94a: {  	v11 =	vld.idx.msk [tilespmem:v7+s1+$0x0], $0xffff;
	_ =	sdelay $0x4  }
0x94b: {  	vm1 =	vgt.f32 v10, v11;
	_ =	sdelay $0x4  }
0x94c: {  	v11 =	vmax.f32 v11, v10  }
0x94d: {  	[tilespmem:v7+s1+$0x0] =	vst.idx.msk vm1, v11  }
0x94e: {  	v11 =	vld.idx.msk [tilespmem:v7+s1+$0x0], $0xffff;
	_ =	sdelay $0x4  }
0x94f: {  	vm1 =	vgt.f32 v10, v11;
	_ =	sdelay $0x4  }
0x950: {  	v11 =	vmax.f32 v11, v10  }
0x951: {  	[tilespmem:v7+s1+$0x0] =	vst.idx.msk vm1, v11  }
0x952: {  	v11 =	vld.idx.msk [tilespmem:v7+s1+$0x0], $0xffff;
	_ =	sdelay $0x4  }
0x953: {  	vm1 =	vgt.f32 v10, v11;
	_ =	sdelay $0x4  }
0x954: {  	v11 =	vmax.f32 v11, v10  }
0x955: {  	[tilespmem:v7+s1+$0x0] =	vst.idx.msk vm1, v11  }
0x956: {  	v11 =	vld.idx.msk [tilespmem:v7+s1+$0x0], $0xffff;
	_ =	sdelay $0x4  }
0x957: {  	vm1 =	vgt.f32 v10, v11;
	_ =	sdelay $0x4  }
0x958: {  	v10 =	vmax.f32 v11, v10  }
0x959: {  	[tilespmem:v7+s1+$0x0] =	vst.idx.msk vm1, v10  }
0x95a: {  	v10 =	vld.idx.msk [tilespmem:v7+s28+$0x0], $0xffff;
	_ =	sdelay $0x4  }
0x95b: {  	vm1 =	vgt.f32 v9, v10;
	_ =	sdelay $0x4  }
0x95c: {  	v10 =	vmax.f32 v10, v9  }
0x95d: {  	[tilespmem:v7+s28+$0x0] =	vst.idx.msk vm1, v10  }
0x95e: {  	v10 =	vld.idx.msk [tilespmem:v7+s28+$0x0], $0xffff;
	_ =	sdelay $0x4  }
0x95f: {  	vm1 =	vgt.f32 v9, v10;
	_ =	sdelay $0x4  }
0x960: {  	v10 =	vmax.f32 v10, v9  }
0x961: {  	[tilespmem:v7+s28+$0x0] =	vst.idx.msk vm1, v10  }
0x962: {  	v10 =	vld.idx.msk [tilespmem:v7+s28+$0x0], $0xffff;
	_ =	sdelay $0x4  }
0x963: {  	vm1 =	vgt.f32 v9, v10;
	_ =	sdelay $0x4  }
0x964: {  	v10 =	vmax.f32 v10, v9  }
0x965: {  	[tilespmem:v7+s28+$0x0] =	vst.idx.msk vm1, v10  }
0x966: {  	v10 =	vld.idx.msk [tilespmem:v7+s28+$0x0], $0xffff;
	_ =	sdelay $0x4  }
0x967: {  	vm1 =	vgt.f32 v9, v10;
	_ =	sdelay $0x4  }
0x968: {  	v10 =	vmax.f32 v10, v9  }
0x969: {  	[tilespmem:v7+s28+$0x0] =	vst.idx.msk vm1, v10  }
0x96a: {  	v10 =	vld.idx.msk [tilespmem:v7+s28+$0x0], $0xffff;
	_ =	sdelay $0x4  }
0x96b: {  	vm1 =	vgt.f32 v9, v10;
	_ =	sdelay $0x4  }
0x96c: {  	v10 =	vmax.f32 v10, v9  }
0x96d: {  	[tilespmem:v7+s28+$0x0] =	vst.idx.msk vm1, v10  }
0x96e: {  	v10 =	vld.idx.msk [tilespmem:v7+s28+$0x0], $0xffff;
	_ =	sdelay $0x4  }
0x96f: {  	vm1 =	vgt.f32 v9, v10;
	_ =	sdelay $0x4  }
0x970: {  	v10 =	vmax.f32 v10, v9  }
0x971: {  	[tilespmem:v7+s28+$0x0] =	vst.idx.msk vm1, v10  }
0x972: {  	v10 =	vld.idx.msk [tilespmem:v7+s28+$0x0], $0xffff;
	_ =	sdelay $0x4  }
0x973: {  	vm1 =	vgt.f32 v9, v10;
	_ =	sdelay $0x4  }
0x974: {  	v10 =	vmax.f32 v10, v9  }
0x975: {  	[tilespmem:v7+s28+$0x0] =	vst.idx.msk vm1, v10  }
0x976: {  	v10 =	vld.idx.msk [tilespmem:v7+s28+$0x0], $0xffff;
	_ =	sdelay $0x4  }
0x977: {  	vm1 =	vgt.f32 v9, v10;
	_ =	sdelay $0x4  }
0x978: {  	v10 =	vmax.f32 v10, v9  }
0x979: {  	[tilespmem:v7+s28+$0x0] =	vst.idx.msk vm1, v10  }
0x97a: {  	v10 =	vld.idx.msk [tilespmem:v7+s28+$0x0], $0xffff;
	_ =	sdelay $0x4  }
0x97b: {  	vm1 =	vgt.f32 v9, v10;
	_ =	sdelay $0x4  }
0x97c: {  	v10 =	vmax.f32 v10, v9  }
0x97d: {  	[tilespmem:v7+s28+$0x0] =	vst.idx.msk vm1, v10  }
0x97e: {  	v10 =	vld.idx.msk [tilespmem:v7+s28+$0x0], $0xffff;
	_ =	sdelay $0x4  }
0x97f: {  	vm1 =	vgt.f32 v9, v10;
	_ =	sdelay $0x4  }
0x980: {  	v10 =	vmax.f32 v10, v9  }
0x981: {  	[tilespmem:v7+s28+$0x0] =	vst.idx.msk vm1, v10  }
0x982: {  	v10 =	vld.idx.msk [tilespmem:v7+s28+$0x0], $0xffff;
	_ =	sdelay $0x4  }
0x983: {  	vm1 =	vgt.f32 v9, v10;
	_ =	sdelay $0x4  }
0x984: {  	v10 =	vmax.f32 v10, v9  }
0x985: {  	[tilespmem:v7+s28+$0x0] =	vst.idx.msk vm1, v10  }
0x986: {  	v10 =	vld.idx.msk [tilespmem:v7+s28+$0x0], $0xffff;
	_ =	sdelay $0x4  }
0x987: {  	vm1 =	vgt.f32 v9, v10;
	_ =	sdelay $0x4  }
0x988: {  	v10 =	vmax.f32 v10, v9  }
0x989: {  	[tilespmem:v7+s28+$0x0] =	vst.idx.msk vm1, v10  }
0x98a: {  	v10 =	vld.idx.msk [tilespmem:v7+s28+$0x0], $0xffff;
	_ =	sdelay $0x4  }
0x98b: {  	vm1 =	vgt.f32 v9, v10;
	_ =	sdelay $0x4  }
0x98c: {  	v10 =	vmax.f32 v10, v9  }
0x98d: {  	[tilespmem:v7+s28+$0x0] =	vst.idx.msk vm1, v10  }
0x98e: {  	v10 =	vld.idx.msk [tilespmem:v7+s28+$0x0], $0xffff;
	_ =	sdelay $0x4  }
0x98f: {  	vm1 =	vgt.f32 v9, v10;
	_ =	sdelay $0x4  }
0x990: {  	v10 =	vmax.f32 v10, v9  }
0x991: {  	[tilespmem:v7+s28+$0x0] =	vst.idx.msk vm1, v10  }
0x992: {  	v10 =	vld.idx.msk [tilespmem:v7+s28+$0x0], $0xffff;
	_ =	sdelay $0x4  }
0x993: {  	vm1 =	vgt.f32 v9, v10;
	_ =	sdelay $0x4  }
0x994: {  	v10 =	vmax.f32 v10, v9  }
0x995: {  	[tilespmem:v7+s28+$0x0] =	vst.idx.msk vm1, v10  }
0x996: {  	v10 =	vld.idx.msk [tilespmem:v7+s28+$0x0], $0xffff;
	_ =	sdelay $0x4  }
0x997: {  	vm1 =	vgt.f32 v9, v10;
	_ =	sdelay $0x1  }
.Ltmp25:
0x998: {  	_ = 	snop;
	(pc) =	sbr.rel .LBB2_29-.Ltmp25, $3  }
0x999: {  	_ =	sdelay $0x1  }
0x99a: {  	v9 =	vmax.f32 v10, v9  }
0x99b: {  	[tilespmem:v7+s28+$0x0] =	vst.idx.msk vm1, v9  }
.LBB2_30:
0x99c: {  	v4 =	vsel vm1, $0x3F800000, v0  }
0x99d: {  	(xrf0) =	vmax.scan.msk.f32 $0xffff, v4;
	_ =	sdelay $0x5  }
0x99e: {  	v4, _, _ =	vpop (xrf0)  }
0x99f: {  	(v2sf) =	vpush v4, $0xF;
	_ =	sdelay $0xe  }
0x9a0: {  	s8 =	spop (v2sf)  }
0x9a1: {  	p1 =	sgt.f32 s8, $0.0e+00  }
.Ltmp26:
0x9a2: {  	_ = 	snop;
	(pc) =	sbr.rel @!p1 .LBB2_32-.Ltmp26, $1  }
0x9a3: {  	_ =	sdelay $0x3  }
0x9a4: {  	vm1 =	vgt.f32 v12, v7;
	_ =	sdelay $0x4  }
0x9a5: {  	v4 =	vmax.f32 v7, v12  }
0x9a6: {  	[tilespmem:v6+s1+$0x0] =	vst.idx.msk vm1, v4  }
0x9a7: {  	v4 =	vld.idx.msk [tilespmem:v6+s1+$0x0], $0xffff;
	_ =	sdelay $0x4  }
0x9a8: {  	vm1 =	vgt.f32 v12, v4;
	_ =	sdelay $0x4  }
0x9a9: {  	v4 =	vmax.f32 v4, v12  }
0x9aa: {  	[tilespmem:v6+s1+$0x0] =	vst.idx.msk vm1, v4  }
0x9ab: {  	v4 =	vld.idx.msk [tilespmem:v6+s1+$0x0], $0xffff;
	_ =	sdelay $0x4  }
0x9ac: {  	vm1 =	vgt.f32 v12, v4;
	_ =	sdelay $0x4  }
0x9ad: {  	v4 =	vmax.f32 v4, v12  }
0x9ae: {  	[tilespmem:v6+s1+$0x0] =	vst.idx.msk vm1, v4  }
0x9af: {  	v4 =	vld.idx.msk [tilespmem:v6+s1+$0x0], $0xffff;
	_ =	sdelay $0x4  }
0x9b0: {  	vm1 =	vgt.f32 v12, v4;
	_ =	sdelay $0x4  }
0x9b1: {  	v4 =	vmax.f32 v4, v12  }
0x9b2: {  	[tilespmem:v6+s1+$0x0] =	vst.idx.msk vm1, v4  }
0x9b3: {  	v4 =	vld.idx.msk [tilespmem:v6+s1+$0x0], $0xffff;
	_ =	sdelay $0x4  }
0x9b4: {  	vm1 =	vgt.f32 v12, v4;
	_ =	sdelay $0x4  }
0x9b5: {  	v4 =	vmax.f32 v4, v12  }
0x9b6: {  	[tilespmem:v6+s1+$0x0] =	vst.idx.msk vm1, v4  }
0x9b7: {  	v4 =	vld.idx.msk [tilespmem:v6+s1+$0x0], $0xffff;
	_ =	sdelay $0x4  }
0x9b8: {  	vm1 =	vgt.f32 v12, v4;
	_ =	sdelay $0x4  }
0x9b9: {  	v4 =	vmax.f32 v4, v12  }
0x9ba: {  	[tilespmem:v6+s1+$0x0] =	vst.idx.msk vm1, v4  }
0x9bb: {  	v4 =	vld.idx.msk [tilespmem:v6+s1+$0x0], $0xffff;
	_ =	sdelay $0x4  }
0x9bc: {  	vm1 =	vgt.f32 v12, v4;
	_ =	sdelay $0x4  }
0x9bd: {  	v4 =	vmax.f32 v4, v12  }
0x9be: {  	[tilespmem:v6+s1+$0x0] =	vst.idx.msk vm1, v4  }
0x9bf: {  	v4 =	vld.idx.msk [tilespmem:v6+s1+$0x0], $0xffff;
	_ =	sdelay $0x4  }
0x9c0: {  	vm1 =	vgt.f32 v12, v4;
	_ =	sdelay $0x4  }
0x9c1: {  	v4 =	vmax.f32 v4, v12  }
0x9c2: {  	[tilespmem:v6+s1+$0x0] =	vst.idx.msk vm1, v4  }
0x9c3: {  	v4 =	vld.idx.msk [tilespmem:v6+s1+$0x0], $0xffff;
	_ =	sdelay $0x4  }
0x9c4: {  	vm1 =	vgt.f32 v12, v4;
	_ =	sdelay $0x4  }
0x9c5: {  	v4 =	vmax.f32 v4, v12  }
0x9c6: {  	[tilespmem:v6+s1+$0x0] =	vst.idx.msk vm1, v4  }
0x9c7: {  	v4 =	vld.idx.msk [tilespmem:v6+s1+$0x0], $0xffff;
	_ =	sdelay $0x4  }
0x9c8: {  	vm1 =	vgt.f32 v12, v4;
	_ =	sdelay $0x4  }
0x9c9: {  	v4 =	vmax.f32 v4, v12  }
0x9ca: {  	[tilespmem:v6+s1+$0x0] =	vst.idx.msk vm1, v4  }
0x9cb: {  	v4 =	vld.idx.msk [tilespmem:v6+s1+$0x0], $0xffff;
	_ =	sdelay $0x4  }
0x9cc: {  	vm1 =	vgt.f32 v12, v4;
	_ =	sdelay $0x4  }
0x9cd: {  	v4 =	vmax.f32 v4, v12  }
0x9ce: {  	[tilespmem:v6+s1+$0x0] =	vst.idx.msk vm1, v4  }
0x9cf: {  	v4 =	vld.idx.msk [tilespmem:v6+s1+$0x0], $0xffff;
	_ =	sdelay $0x4  }
0x9d0: {  	vm1 =	vgt.f32 v12, v4;
	_ =	sdelay $0x4  }
0x9d1: {  	v4 =	vmax.f32 v4, v12  }
0x9d2: {  	[tilespmem:v6+s1+$0x0] =	vst.idx.msk vm1, v4  }
0x9d3: {  	v4 =	vld.idx.msk [tilespmem:v6+s1+$0x0], $0xffff;
	_ =	sdelay $0x4  }
0x9d4: {  	vm1 =	vgt.f32 v12, v4;
	_ =	sdelay $0x4  }
0x9d5: {  	v4 =	vmax.f32 v4, v12  }
0x9d6: {  	[tilespmem:v6+s1+$0x0] =	vst.idx.msk vm1, v4  }
0x9d7: {  	v4 =	vld.idx.msk [tilespmem:v6+s1+$0x0], $0xffff;
	_ =	sdelay $0x4  }
0x9d8: {  	vm1 =	vgt.f32 v12, v4;
	_ =	sdelay $0x4  }
0x9d9: {  	v4 =	vmax.f32 v4, v12  }
0x9da: {  	[tilespmem:v6+s1+$0x0] =	vst.idx.msk vm1, v4  }
0x9db: {  	v4 =	vld.idx.msk [tilespmem:v6+s1+$0x0], $0xffff;
	_ =	sdelay $0x4  }
0x9dc: {  	vm1 =	vgt.f32 v12, v4;
	_ =	sdelay $0x4  }
0x9dd: {  	v4 =	vmax.f32 v4, v12  }
0x9de: {  	[tilespmem:v6+s1+$0x0] =	vst.idx.msk vm1, v4  }
0x9df: {  	v4 =	vld.idx.msk [tilespmem:v6+s1+$0x0], $0xffff;
	_ =	sdelay $0x4  }
0x9e0: {  	vm1 =	vgt.f32 v12, v4;
	_ =	sdelay $0x4  }
0x9e1: {  	v4 =	vmax.f32 v4, v12  }
0x9e2: {  	[tilespmem:v6+s1+$0x0] =	vst.idx.msk vm1, v4  }
0x9e3: {  	v4 =	vld.idx.msk [tilespmem:v6+s28+$0x0], $0xffff;
	_ =	sdelay $0x4  }
0x9e4: {  	vm1 =	vgt.f32 v8, v4;
	_ =	sdelay $0x4  }
0x9e5: {  	v4 =	vmax.f32 v4, v8  }
0x9e6: {  	[tilespmem:v6+s28+$0x0] =	vst.idx.msk vm1, v4  }
0x9e7: {  	v4 =	vld.idx.msk [tilespmem:v6+s28+$0x0], $0xffff;
	_ =	sdelay $0x4  }
0x9e8: {  	vm1 =	vgt.f32 v8, v4;
	_ =	sdelay $0x4  }
0x9e9: {  	v4 =	vmax.f32 v4, v8  }
0x9ea: {  	[tilespmem:v6+s28+$0x0] =	vst.idx.msk vm1, v4  }
0x9eb: {  	v4 =	vld.idx.msk [tilespmem:v6+s28+$0x0], $0xffff;
	_ =	sdelay $0x4  }
0x9ec: {  	vm1 =	vgt.f32 v8, v4;
	_ =	sdelay $0x4  }
0x9ed: {  	v4 =	vmax.f32 v4, v8  }
0x9ee: {  	[tilespmem:v6+s28+$0x0] =	vst.idx.msk vm1, v4  }
0x9ef: {  	v4 =	vld.idx.msk [tilespmem:v6+s28+$0x0], $0xffff;
	_ =	sdelay $0x4  }
0x9f0: {  	vm1 =	vgt.f32 v8, v4;
	_ =	sdelay $0x4  }
0x9f1: {  	v4 =	vmax.f32 v4, v8  }
0x9f2: {  	[tilespmem:v6+s28+$0x0] =	vst.idx.msk vm1, v4  }
0x9f3: {  	v4 =	vld.idx.msk [tilespmem:v6+s28+$0x0], $0xffff;
	_ =	sdelay $0x4  }
0x9f4: {  	vm1 =	vgt.f32 v8, v4;
	_ =	sdelay $0x4  }
0x9f5: {  	v4 =	vmax.f32 v4, v8  }
0x9f6: {  	[tilespmem:v6+s28+$0x0] =	vst.idx.msk vm1, v4  }
0x9f7: {  	v4 =	vld.idx.msk [tilespmem:v6+s28+$0x0], $0xffff;
	_ =	sdelay $0x4  }
0x9f8: {  	vm1 =	vgt.f32 v8, v4;
	_ =	sdelay $0x4  }
0x9f9: {  	v4 =	vmax.f32 v4, v8  }
0x9fa: {  	[tilespmem:v6+s28+$0x0] =	vst.idx.msk vm1, v4  }
0x9fb: {  	v4 =	vld.idx.msk [tilespmem:v6+s28+$0x0], $0xffff;
	_ =	sdelay $0x4  }
0x9fc: {  	vm1 =	vgt.f32 v8, v4;
	_ =	sdelay $0x4  }
0x9fd: {  	v4 =	vmax.f32 v4, v8  }
0x9fe: {  	[tilespmem:v6+s28+$0x0] =	vst.idx.msk vm1, v4  }
0x9ff: {  	v4 =	vld.idx.msk [tilespmem:v6+s28+$0x0], $0xffff;
	_ =	sdelay $0x4  }
0xa00: {  	vm1 =	vgt.f32 v8, v4;
	_ =	sdelay $0x4  }
0xa01: {  	v4 =	vmax.f32 v4, v8  }
0xa02: {  	[tilespmem:v6+s28+$0x0] =	vst.idx.msk vm1, v4  }
0xa03: {  	v4 =	vld.idx.msk [tilespmem:v6+s28+$0x0], $0xffff;
	_ =	sdelay $0x4  }
0xa04: {  	vm1 =	vgt.f32 v8, v4;
	_ =	sdelay $0x4  }
0xa05: {  	v4 =	vmax.f32 v4, v8  }
0xa06: {  	[tilespmem:v6+s28+$0x0] =	vst.idx.msk vm1, v4  }
0xa07: {  	v4 =	vld.idx.msk [tilespmem:v6+s28+$0x0], $0xffff;
	_ =	sdelay $0x4  }
0xa08: {  	vm1 =	vgt.f32 v8, v4;
	_ =	sdelay $0x4  }
0xa09: {  	v4 =	vmax.f32 v4, v8  }
0xa0a: {  	[tilespmem:v6+s28+$0x0] =	vst.idx.msk vm1, v4  }
0xa0b: {  	v4 =	vld.idx.msk [tilespmem:v6+s28+$0x0], $0xffff;
	_ =	sdelay $0x4  }
0xa0c: {  	vm1 =	vgt.f32 v8, v4;
	_ =	sdelay $0x4  }
0xa0d: {  	v4 =	vmax.f32 v4, v8  }
0xa0e: {  	[tilespmem:v6+s28+$0x0] =	vst.idx.msk vm1, v4  }
0xa0f: {  	v4 =	vld.idx.msk [tilespmem:v6+s28+$0x0], $0xffff;
	_ =	sdelay $0x4  }
0xa10: {  	vm1 =	vgt.f32 v8, v4;
	_ =	sdelay $0x4  }
0xa11: {  	v4 =	vmax.f32 v4, v8  }
0xa12: {  	[tilespmem:v6+s28+$0x0] =	vst.idx.msk vm1, v4  }
0xa13: {  	v4 =	vld.idx.msk [tilespmem:v6+s28+$0x0], $0xffff;
	_ =	sdelay $0x4  }
0xa14: {  	vm1 =	vgt.f32 v8, v4;
	_ =	sdelay $0x4  }
0xa15: {  	v4 =	vmax.f32 v4, v8  }
0xa16: {  	[tilespmem:v6+s28+$0x0] =	vst.idx.msk vm1, v4  }
0xa17: {  	v4 =	vld.idx.msk [tilespmem:v6+s28+$0x0], $0xffff;
	_ =	sdelay $0x4  }
0xa18: {  	vm1 =	vgt.f32 v8, v4;
	_ =	sdelay $0x4  }
0xa19: {  	v4 =	vmax.f32 v4, v8  }
0xa1a: {  	[tilespmem:v6+s28+$0x0] =	vst.idx.msk vm1, v4  }
0xa1b: {  	v4 =	vld.idx.msk [tilespmem:v6+s28+$0x0], $0xffff;
	_ =	sdelay $0x4  }
0xa1c: {  	vm1 =	vgt.f32 v8, v4;
	_ =	sdelay $0x4  }
0xa1d: {  	v4 =	vmax.f32 v4, v8  }
0xa1e: {  	[tilespmem:v6+s28+$0x0] =	vst.idx.msk vm1, v4  }
0xa1f: {  	v4 =	vld.idx.msk [tilespmem:v6+s28+$0x0], $0xffff;
	_ =	sdelay $0x4  }
0xa20: {  	vm1 =	vgt.f32 v8, v4;
	_ =	sdelay $0x4  }
0xa21: {  	v4 =	vmax.f32 v4, v8  }
0xa22: {  	[tilespmem:v6+s28+$0x0] =	vst.idx.msk vm1, v4  }
0xa23: {  	v4 =	vld.idx.msk [tilespmem:v1+s1+$0x0], $0xffff;
	_ =	sdelay $0x4  }
0xa24: {  	vm1 =	vgt.f32 v3, v4;
	_ =	sdelay $0x4  }
0xa25: {  	v4 =	vmax.f32 v4, v3  }
0xa26: {  	[tilespmem:v1+s1+$0x0] =	vst.idx.msk vm1, v4  }
0xa27: {  	v4 =	vld.idx.msk [tilespmem:v1+s1+$0x0], $0xffff;
	_ =	sdelay $0x4  }
0xa28: {  	vm1 =	vgt.f32 v3, v4;
	_ =	sdelay $0x4  }
0xa29: {  	v4 =	vmax.f32 v4, v3  }
0xa2a: {  	[tilespmem:v1+s1+$0x0] =	vst.idx.msk vm1, v4  }
0xa2b: {  	v4 =	vld.idx.msk [tilespmem:v1+s1+$0x0], $0xffff;
	_ =	sdelay $0x4  }
0xa2c: {  	vm1 =	vgt.f32 v3, v4;
	_ =	sdelay $0x4  }
0xa2d: {  	v4 =	vmax.f32 v4, v3  }
0xa2e: {  	[tilespmem:v1+s1+$0x0] =	vst.idx.msk vm1, v4  }
0xa2f: {  	v4 =	vld.idx.msk [tilespmem:v1+s1+$0x0], $0xffff;
	_ =	sdelay $0x4  }
0xa30: {  	vm1 =	vgt.f32 v3, v4;
	_ =	sdelay $0x4  }
0xa31: {  	v4 =	vmax.f32 v4, v3  }
0xa32: {  	[tilespmem:v1+s1+$0x0] =	vst.idx.msk vm1, v4  }
0xa33: {  	v4 =	vld.idx.msk [tilespmem:v1+s1+$0x0], $0xffff;
	_ =	sdelay $0x4  }
0xa34: {  	vm1 =	vgt.f32 v3, v4;
	_ =	sdelay $0x4  }
0xa35: {  	v4 =	vmax.f32 v4, v3  }
0xa36: {  	[tilespmem:v1+s1+$0x0] =	vst.idx.msk vm1, v4  }
0xa37: {  	v4 =	vld.idx.msk [tilespmem:v1+s1+$0x0], $0xffff;
	_ =	sdelay $0x4  }
0xa38: {  	vm1 =	vgt.f32 v3, v4;
	_ =	sdelay $0x4  }
0xa39: {  	v4 =	vmax.f32 v4, v3  }
0xa3a: {  	[tilespmem:v1+s1+$0x0] =	vst.idx.msk vm1, v4  }
0xa3b: {  	v4 =	vld.idx.msk [tilespmem:v1+s1+$0x0], $0xffff;
	_ =	sdelay $0x4  }
0xa3c: {  	vm1 =	vgt.f32 v3, v4;
	_ =	sdelay $0x4  }
0xa3d: {  	v4 =	vmax.f32 v4, v3  }
0xa3e: {  	[tilespmem:v1+s1+$0x0] =	vst.idx.msk vm1, v4  }
0xa3f: {  	v4 =	vld.idx.msk [tilespmem:v1+s1+$0x0], $0xffff;
	_ =	sdelay $0x4  }
0xa40: {  	vm1 =	vgt.f32 v3, v4;
	_ =	sdelay $0x4  }
0xa41: {  	v4 =	vmax.f32 v4, v3  }
0xa42: {  	[tilespmem:v1+s1+$0x0] =	vst.idx.msk vm1, v4  }
0xa43: {  	v4 =	vld.idx.msk [tilespmem:v1+s1+$0x0], $0xffff;
	_ =	sdelay $0x4  }
0xa44: {  	vm1 =	vgt.f32 v3, v4;
	_ =	sdelay $0x4  }
0xa45: {  	v4 =	vmax.f32 v4, v3  }
0xa46: {  	[tilespmem:v1+s1+$0x0] =	vst.idx.msk vm1, v4  }
0xa47: {  	v4 =	vld.idx.msk [tilespmem:v1+s1+$0x0], $0xffff;
	_ =	sdelay $0x4  }
0xa48: {  	vm1 =	vgt.f32 v3, v4;
	_ =	sdelay $0x4  }
0xa49: {  	v4 =	vmax.f32 v4, v3  }
0xa4a: {  	[tilespmem:v1+s1+$0x0] =	vst.idx.msk vm1, v4  }
0xa4b: {  	v4 =	vld.idx.msk [tilespmem:v1+s1+$0x0], $0xffff;
	_ =	sdelay $0x4  }
0xa4c: {  	vm1 =	vgt.f32 v3, v4;
	_ =	sdelay $0x4  }
0xa4d: {  	v4 =	vmax.f32 v4, v3  }
0xa4e: {  	[tilespmem:v1+s1+$0x0] =	vst.idx.msk vm1, v4  }
0xa4f: {  	v4 =	vld.idx.msk [tilespmem:v1+s1+$0x0], $0xffff;
	_ =	sdelay $0x4  }
0xa50: {  	vm1 =	vgt.f32 v3, v4;
	_ =	sdelay $0x4  }
0xa51: {  	v4 =	vmax.f32 v4, v3  }
0xa52: {  	[tilespmem:v1+s1+$0x0] =	vst.idx.msk vm1, v4  }
0xa53: {  	v4 =	vld.idx.msk [tilespmem:v1+s1+$0x0], $0xffff;
	_ =	sdelay $0x4  }
0xa54: {  	vm1 =	vgt.f32 v3, v4;
	_ =	sdelay $0x4  }
0xa55: {  	v4 =	vmax.f32 v4, v3  }
0xa56: {  	[tilespmem:v1+s1+$0x0] =	vst.idx.msk vm1, v4  }
0xa57: {  	v4 =	vld.idx.msk [tilespmem:v1+s1+$0x0], $0xffff;
	_ =	sdelay $0x4  }
0xa58: {  	vm1 =	vgt.f32 v3, v4;
	_ =	sdelay $0x4  }
0xa59: {  	v4 =	vmax.f32 v4, v3  }
0xa5a: {  	[tilespmem:v1+s1+$0x0] =	vst.idx.msk vm1, v4  }
0xa5b: {  	v4 =	vld.idx.msk [tilespmem:v1+s1+$0x0], $0xffff;
	_ =	sdelay $0x4  }
0xa5c: {  	vm1 =	vgt.f32 v3, v4;
	_ =	sdelay $0x4  }
0xa5d: {  	v4 =	vmax.f32 v4, v3  }
0xa5e: {  	[tilespmem:v1+s1+$0x0] =	vst.idx.msk vm1, v4  }
0xa5f: {  	v4 =	vld.idx.msk [tilespmem:v1+s1+$0x0], $0xffff;
	_ =	sdelay $0x4  }
0xa60: {  	vm1 =	vgt.f32 v3, v4;
	_ =	sdelay $0x4  }
0xa61: {  	v3 =	vmax.f32 v4, v3  }
0xa62: {  	[tilespmem:v1+s1+$0x0] =	vst.idx.msk vm1, v3  }
0xa63: {  	v3 =	vld.idx.msk [tilespmem:v1+s28+$0x0], $0xffff;
	_ =	sdelay $0x4  }
0xa64: {  	vm1 =	vgt.f32 v2, v3;
	_ =	sdelay $0x4  }
0xa65: {  	v3 =	vmax.f32 v3, v2  }
0xa66: {  	[tilespmem:v1+s28+$0x0] =	vst.idx.msk vm1, v3  }
0xa67: {  	v3 =	vld.idx.msk [tilespmem:v1+s28+$0x0], $0xffff;
	_ =	sdelay $0x4  }
0xa68: {  	vm1 =	vgt.f32 v2, v3;
	_ =	sdelay $0x4  }
0xa69: {  	v3 =	vmax.f32 v3, v2  }
0xa6a: {  	[tilespmem:v1+s28+$0x0] =	vst.idx.msk vm1, v3  }
0xa6b: {  	v3 =	vld.idx.msk [tilespmem:v1+s28+$0x0], $0xffff;
	_ =	sdelay $0x4  }
0xa6c: {  	vm1 =	vgt.f32 v2, v3;
	_ =	sdelay $0x4  }
0xa6d: {  	v3 =	vmax.f32 v3, v2  }
0xa6e: {  	[tilespmem:v1+s28+$0x0] =	vst.idx.msk vm1, v3  }
0xa6f: {  	v3 =	vld.idx.msk [tilespmem:v1+s28+$0x0], $0xffff;
	_ =	sdelay $0x4  }
0xa70: {  	vm1 =	vgt.f32 v2, v3;
	_ =	sdelay $0x4  }
0xa71: {  	v3 =	vmax.f32 v3, v2  }
0xa72: {  	[tilespmem:v1+s28+$0x0] =	vst.idx.msk vm1, v3  }
0xa73: {  	v3 =	vld.idx.msk [tilespmem:v1+s28+$0x0], $0xffff;
	_ =	sdelay $0x4  }
0xa74: {  	vm1 =	vgt.f32 v2, v3;
	_ =	sdelay $0x4  }
0xa75: {  	v3 =	vmax.f32 v3, v2  }
0xa76: {  	[tilespmem:v1+s28+$0x0] =	vst.idx.msk vm1, v3  }
0xa77: {  	v3 =	vld.idx.msk [tilespmem:v1+s28+$0x0], $0xffff;
	_ =	sdelay $0x4  }
0xa78: {  	vm1 =	vgt.f32 v2, v3;
	_ =	sdelay $0x4  }
0xa79: {  	v3 =	vmax.f32 v3, v2  }
0xa7a: {  	[tilespmem:v1+s28+$0x0] =	vst.idx.msk vm1, v3  }
0xa7b: {  	v3 =	vld.idx.msk [tilespmem:v1+s28+$0x0], $0xffff;
	_ =	sdelay $0x4  }
0xa7c: {  	vm1 =	vgt.f32 v2, v3;
	_ =	sdelay $0x4  }
0xa7d: {  	v3 =	vmax.f32 v3, v2  }
0xa7e: {  	[tilespmem:v1+s28+$0x0] =	vst.idx.msk vm1, v3  }
0xa7f: {  	v3 =	vld.idx.msk [tilespmem:v1+s28+$0x0], $0xffff;
	_ =	sdelay $0x4  }
0xa80: {  	vm1 =	vgt.f32 v2, v3;
	_ =	sdelay $0x4  }
0xa81: {  	v3 =	vmax.f32 v3, v2  }
0xa82: {  	[tilespmem:v1+s28+$0x0] =	vst.idx.msk vm1, v3  }
0xa83: {  	v3 =	vld.idx.msk [tilespmem:v1+s28+$0x0], $0xffff;
	_ =	sdelay $0x4  }
0xa84: {  	vm1 =	vgt.f32 v2, v3;
	_ =	sdelay $0x4  }
0xa85: {  	v3 =	vmax.f32 v3, v2  }
0xa86: {  	[tilespmem:v1+s28+$0x0] =	vst.idx.msk vm1, v3  }
0xa87: {  	v3 =	vld.idx.msk [tilespmem:v1+s28+$0x0], $0xffff;
	_ =	sdelay $0x4  }
0xa88: {  	vm1 =	vgt.f32 v2, v3;
	_ =	sdelay $0x4  }
0xa89: {  	v3 =	vmax.f32 v3, v2  }
0xa8a: {  	[tilespmem:v1+s28+$0x0] =	vst.idx.msk vm1, v3  }
0xa8b: {  	v3 =	vld.idx.msk [tilespmem:v1+s28+$0x0], $0xffff;
	_ =	sdelay $0x4  }
0xa8c: {  	vm1 =	vgt.f32 v2, v3;
	_ =	sdelay $0x4  }
0xa8d: {  	v3 =	vmax.f32 v3, v2  }
0xa8e: {  	[tilespmem:v1+s28+$0x0] =	vst.idx.msk vm1, v3  }
0xa8f: {  	v3 =	vld.idx.msk [tilespmem:v1+s28+$0x0], $0xffff;
	_ =	sdelay $0x4  }
0xa90: {  	vm1 =	vgt.f32 v2, v3;
	_ =	sdelay $0x4  }
0xa91: {  	v3 =	vmax.f32 v3, v2  }
0xa92: {  	[tilespmem:v1+s28+$0x0] =	vst.idx.msk vm1, v3  }
0xa93: {  	v3 =	vld.idx.msk [tilespmem:v1+s28+$0x0], $0xffff;
	_ =	sdelay $0x4  }
0xa94: {  	vm1 =	vgt.f32 v2, v3;
	_ =	sdelay $0x4  }
0xa95: {  	v3 =	vmax.f32 v3, v2  }
0xa96: {  	[tilespmem:v1+s28+$0x0] =	vst.idx.msk vm1, v3  }
0xa97: {  	v3 =	vld.idx.msk [tilespmem:v1+s28+$0x0], $0xffff;
	_ =	sdelay $0x4  }
0xa98: {  	vm1 =	vgt.f32 v2, v3;
	_ =	sdelay $0x4  }
0xa99: {  	v3 =	vmax.f32 v3, v2  }
0xa9a: {  	[tilespmem:v1+s28+$0x0] =	vst.idx.msk vm1, v3  }
0xa9b: {  	v3 =	vld.idx.msk [tilespmem:v1+s28+$0x0], $0xffff;
	_ =	sdelay $0x4  }
0xa9c: {  	vm1 =	vgt.f32 v2, v3;
	_ =	sdelay $0x4  }
0xa9d: {  	v3 =	vmax.f32 v3, v2  }
0xa9e: {  	[tilespmem:v1+s28+$0x0] =	vst.idx.msk vm1, v3  }
0xa9f: {  	v3 =	vld.idx.msk [tilespmem:v1+s28+$0x0], $0xffff;
	_ =	sdelay $0x4  }
0xaa0: {  	vm1 =	vgt.f32 v2, v3;
	_ =	sdelay $0x4  }
0xaa1: {  	v2 =	vmax.f32 v3, v2  }
0xaa2: {  	[tilespmem:v1+s28+$0x0] =	vst.idx.msk vm1, v2  }
.LBB2_32:
0xaa3: {  	s8 =	sshll.u32 s19, $0x1  }
0xaa4: {  	s8 =	smin.u32 s8, $0x1D  }
0xaa5: {  	s8 =	sshll.u32 s8, $0xC  }
0xaa6: {  	s8 =	sadd.s32 s8, s10  }
0xaa7: {  	s8 =	sshrl.u32 s8, $0x3  }
0xaa8: {  	s12 =	simm.s32 $0x0;
	s9 =	sadd.s32 s4, s8  }
0xaa9: {  	[tilespmem:s20], [sflag:$0x1] =	stream.linear.gather [hbm4b:s9+s12], $0x1000, $0x38;
	[tilespmem:$0x1C000] =	vst v63  }
0xaaa: {  	s8 =	sadd.s32 s3, s8  }
0xaab: {  	[tilespmem:s21], [sflag:$0x2] =	stream.linear.gather [hbm4b:s8+s12], $0x1000, $0x38;
	[tilespmem:$0x1C000] =	vst v63  }
0xaac: {  	_ =	swait.ge [sflag:s29], $0x1000  }
.Ltmp27:
0xaad: {  	[sflag:s29] =	ssyncset.done $0x0;
	(pc) =	sbr.rel .LBB2_33-.Ltmp27, $4  }
0xaae: {  	[sflag:s29] =	ssyncadd.s32 $0xFFFFF000  }
0xaaf: {  	v1 =	vimm.s32 $0x0;
	v2 =	vimm.f32 $0.0e+00;
	v4 =	vmov s11;
	_ =	swait.ge [sflag:s30], $0x1000  }
0xab0: {  	v5 =	vmov s6;
	v3 =	vimm.f32 $0.0e+00;
	vm1 =	vmmov vm0;
	[sflag:s30] =	ssyncset.done $0x0  }
0xab1: {  	s13 =	simm.s32 $0x0;
	v8 =	vimm.f32 $0.0e+00;
	v12 =	vimm.f32 $0.0e+00;
	v6 =	vimm.s32 $0x0;
	[sflag:s30] =	ssyncadd.s32 $0xFFFFF000  }
.LBB2_37:
0xab2: {  	_ =	sdelay $0x3  }
0xab3: {  	v7 =	vld.idx.msk [tilespmem:v6+s1+$0x0], $0xffff  }
0xab4: {  	v9 =	vld.idx.msk [tilespmem:v1+s1+$0x0], $0xffff  }
0xab5: {  	v10 =	vld.idx.msk [tilespmem:v6+s28+$0x0], $0xffff  }
0xab6: {  	v11 =	vld.idx.msk [tilespmem:v1+s28+$0x0], $0xffff;
	s13 =	sadd.s32 $0x100, s13  }
0xab7: {  	p1 =	sne.s32 s13, $0x4000  }
.Ltmp28:
0xab8: {  	_ = 	snop;
	(pc) =	sbr.rel @!p1 .LBB2_38-.Ltmp28, $4  }
0xab9: {  	vm1 =	vgt.f32 v15, v7;
	vm2 =	vgt.f32 v17, v9  }
0xaba: {  	vm1 =	vmor vm1, vm2;
	vm2 =	vgt.f32 v18, v10  }
0xabb: {  	vm1 =	vmor vm1, vm2;
	vm2 =	vgt.f32 v16, v11  }
0xabc: {  	s12 =	sadd.s32 $0x40, s12;
	vm1 =	vmor vm1, vm2  }
.LBB2_33:
0xabd: {  	v7 =	vsel vm1, $0x3F800000, v0  }
0xabe: {  	(xrf0) =	vmax.scan.msk.f32 $0xffff, v7;
	_ =	sdelay $0x4  }
0xabf: {  	s14 =	sshra.s32 s13, $0x2  }
0xac0: {  	v11 =	vld [tilespmem:s14+$0x1A000];
	v10, _, _ =	vpop (xrf0)  }
0xac1: {  	v7 =	vld [tilespmem:s14+$0x1A010];
	(v2sf) =	vpush v10, $0xF  }
0xac2: {  	v9 =	vld [tilespmem:s14+$0x1B000]  }
0xac3: {  	v15 =	vld [tilespmem:s14+$0x1B010]  }
0xac4: {  	v13 =	vld.idx.msk [tilespmem:v5+s14+$0x0 ss:$0x1], $0xffff  }
0xac5: {  	v16 =	vld.idx.msk [tilespmem:v4+s14+$0x10 ss:$0x1], $0xffff  }
0xac6: {  	v10 =	vld.idx.msk [tilespmem:v4+s14+$0x0 ss:$0x1], $0xffff  }
0xac7: {  	v17 =	vld.idx.msk [tilespmem:v5+s14+$0x10 ss:$0x1], $0xffff  }
0xac8: {  	v18 =	vld.idx.msk [tilespmem:v11+s1+$0x0], $0xffff  }
0xac9: {  	v19 =	vld.idx.msk [tilespmem:v7+s1+$0x0], $0xffff  }
0xaca: {  	v20 =	vld.idx.msk [tilespmem:v11+s28+$0x0], $0xffff  }
0xacb: {  	v21 =	vld.idx.msk [tilespmem:v7+s28+$0x0], $0xffff;
	v14 =	vmul.f32 v10, v9  }
0xacc: {  	v10 =	vmul.f32 v16, v15  }
0xacd: {  	v13 =	vmul.f32 v13, v9;
	vm1 =	vgt.f32 v14, v18  }
0xace: {  	v9 =	vmul.f32 v17, v15;
	vm2 =	vgt.f32 v10, v19  }
0xacf: {  	vm3 =	vgt.f32 v13, v20  }
0xad0: {  	vm4 =	vgt.f32 v9, v21;
	s8 =	spop (v2sf)  }
0xad1: {  	p1 =	sgt.f32 s8, $0.0e+00  }
.Ltmp29:
0xad2: {  	v15 =	vmax.f32 v18, v14;
	(pc) =	sbr.rel @!p1 .LBB2_35-.Ltmp29, $4  }
0xad3: {  	v16 =	vmax.f32 v19, v10;
	[tilespmem:v11+s1+$0x0] =	vst.idx.msk vm1, v15  }
0xad4: {  	v17 =	vmax.f32 v20, v13;
	[tilespmem:v7+s1+$0x0] =	vst.idx.msk vm2, v16  }
0xad5: {  	v18 =	vmax.f32 v21, v9;
	[tilespmem:v11+s28+$0x0] =	vst.idx.msk vm3, v17  }
0xad6: {  	s9 =	sadd.s32 s14, s11;
	s8 =	sadd.s32 s14, s6;
	[tilespmem:v7+s28+$0x0] =	vst.idx.msk vm4, v18  }
0xad7: {  	_ =	sdelay $0x3  }
0xad8: {  	v19 =	vld.idx.msk [tilespmem:v6+s1+$0x0], $0xffff;
	_ =	sdelay $0x4  }
0xad9: {  	vm1 =	vgt.f32 v12, v19;
	_ =	sdelay $0x4  }
0xada: {  	v19 =	vmax.f32 v19, v12  }
0xadb: {  	[tilespmem:v6+s1+$0x0] =	vst.idx.msk vm1, v19  }
0xadc: {  	v19 =	vld.idx.msk [tilespmem:v6+s1+$0x0], $0xffff;
	_ =	sdelay $0x4  }
0xadd: {  	vm1 =	vgt.f32 v12, v19;
	_ =	sdelay $0x4  }
0xade: {  	v19 =	vmax.f32 v19, v12  }
0xadf: {  	[tilespmem:v6+s1+$0x0] =	vst.idx.msk vm1, v19  }
0xae0: {  	v19 =	vld.idx.msk [tilespmem:v6+s1+$0x0], $0xffff;
	_ =	sdelay $0x4  }
0xae1: {  	vm1 =	vgt.f32 v12, v19;
	_ =	sdelay $0x4  }
0xae2: {  	v19 =	vmax.f32 v19, v12  }
0xae3: {  	[tilespmem:v6+s1+$0x0] =	vst.idx.msk vm1, v19  }
0xae4: {  	v19 =	vld.idx.msk [tilespmem:v6+s1+$0x0], $0xffff;
	_ =	sdelay $0x4  }
0xae5: {  	vm1 =	vgt.f32 v12, v19;
	_ =	sdelay $0x4  }
0xae6: {  	v19 =	vmax.f32 v19, v12  }
0xae7: {  	[tilespmem:v6+s1+$0x0] =	vst.idx.msk vm1, v19  }
0xae8: {  	v19 =	vld.idx.msk [tilespmem:v6+s1+$0x0], $0xffff;
	_ =	sdelay $0x4  }
0xae9: {  	vm1 =	vgt.f32 v12, v19;
	_ =	sdelay $0x4  }
0xaea: {  	v19 =	vmax.f32 v19, v12  }
0xaeb: {  	[tilespmem:v6+s1+$0x0] =	vst.idx.msk vm1, v19  }
0xaec: {  	v19 =	vld.idx.msk [tilespmem:v6+s1+$0x0], $0xffff;
	_ =	sdelay $0x4  }
0xaed: {  	vm1 =	vgt.f32 v12, v19;
	_ =	sdelay $0x4  }
0xaee: {  	v19 =	vmax.f32 v19, v12  }
0xaef: {  	[tilespmem:v6+s1+$0x0] =	vst.idx.msk vm1, v19  }
0xaf0: {  	v19 =	vld.idx.msk [tilespmem:v6+s1+$0x0], $0xffff;
	_ =	sdelay $0x4  }
0xaf1: {  	vm1 =	vgt.f32 v12, v19;
	_ =	sdelay $0x4  }
0xaf2: {  	v19 =	vmax.f32 v19, v12  }
0xaf3: {  	[tilespmem:v6+s1+$0x0] =	vst.idx.msk vm1, v19  }
0xaf4: {  	v19 =	vld.idx.msk [tilespmem:v6+s1+$0x0], $0xffff;
	_ =	sdelay $0x4  }
0xaf5: {  	vm1 =	vgt.f32 v12, v19;
	_ =	sdelay $0x4  }
0xaf6: {  	v19 =	vmax.f32 v19, v12  }
0xaf7: {  	[tilespmem:v6+s1+$0x0] =	vst.idx.msk vm1, v19  }
0xaf8: {  	v19 =	vld.idx.msk [tilespmem:v6+s1+$0x0], $0xffff;
	_ =	sdelay $0x4  }
0xaf9: {  	vm1 =	vgt.f32 v12, v19;
	_ =	sdelay $0x4  }
0xafa: {  	v19 =	vmax.f32 v19, v12  }
0xafb: {  	[tilespmem:v6+s1+$0x0] =	vst.idx.msk vm1, v19  }
0xafc: {  	v19 =	vld.idx.msk [tilespmem:v6+s1+$0x0], $0xffff;
	_ =	sdelay $0x4  }
0xafd: {  	vm1 =	vgt.f32 v12, v19;
	_ =	sdelay $0x4  }
0xafe: {  	v19 =	vmax.f32 v19, v12  }
0xaff: {  	[tilespmem:v6+s1+$0x0] =	vst.idx.msk vm1, v19  }
0xb00: {  	v19 =	vld.idx.msk [tilespmem:v6+s1+$0x0], $0xffff;
	_ =	sdelay $0x4  }
0xb01: {  	vm1 =	vgt.f32 v12, v19;
	_ =	sdelay $0x4  }
0xb02: {  	v19 =	vmax.f32 v19, v12  }
0xb03: {  	[tilespmem:v6+s1+$0x0] =	vst.idx.msk vm1, v19  }
0xb04: {  	v19 =	vld.idx.msk [tilespmem:v6+s1+$0x0], $0xffff;
	_ =	sdelay $0x4  }
0xb05: {  	vm1 =	vgt.f32 v12, v19;
	_ =	sdelay $0x4  }
0xb06: {  	v19 =	vmax.f32 v19, v12  }
0xb07: {  	[tilespmem:v6+s1+$0x0] =	vst.idx.msk vm1, v19  }
0xb08: {  	v19 =	vld.idx.msk [tilespmem:v6+s1+$0x0], $0xffff;
	_ =	sdelay $0x4  }
0xb09: {  	vm1 =	vgt.f32 v12, v19;
	_ =	sdelay $0x4  }
0xb0a: {  	v19 =	vmax.f32 v19, v12  }
0xb0b: {  	[tilespmem:v6+s1+$0x0] =	vst.idx.msk vm1, v19  }
0xb0c: {  	v19 =	vld.idx.msk [tilespmem:v6+s1+$0x0], $0xffff;
	_ =	sdelay $0x4  }
0xb0d: {  	vm1 =	vgt.f32 v12, v19;
	_ =	sdelay $0x4  }
0xb0e: {  	v19 =	vmax.f32 v19, v12  }
0xb0f: {  	[tilespmem:v6+s1+$0x0] =	vst.idx.msk vm1, v19  }
0xb10: {  	v19 =	vld.idx.msk [tilespmem:v6+s1+$0x0], $0xffff;
	_ =	sdelay $0x4  }
0xb11: {  	vm1 =	vgt.f32 v12, v19;
	_ =	sdelay $0x4  }
0xb12: {  	v19 =	vmax.f32 v19, v12  }
0xb13: {  	[tilespmem:v6+s1+$0x0] =	vst.idx.msk vm1, v19  }
0xb14: {  	v19 =	vld.idx.msk [tilespmem:v6+s1+$0x0], $0xffff;
	_ =	sdelay $0x4  }
0xb15: {  	vm1 =	vgt.f32 v12, v19;
	_ =	sdelay $0x4  }
0xb16: {  	v12 =	vmax.f32 v19, v12  }
0xb17: {  	[tilespmem:v6+s1+$0x0] =	vst.idx.msk vm1, v12  }
0xb18: {  	v12 =	vld.idx.msk [tilespmem:v6+s28+$0x0], $0xffff;
	_ =	sdelay $0x4  }
0xb19: {  	vm1 =	vgt.f32 v8, v12;
	_ =	sdelay $0x4  }
0xb1a: {  	v12 =	vmax.f32 v12, v8  }
0xb1b: {  	[tilespmem:v6+s28+$0x0] =	vst.idx.msk vm1, v12  }
0xb1c: {  	v12 =	vld.idx.msk [tilespmem:v6+s28+$0x0], $0xffff;
	_ =	sdelay $0x4  }
0xb1d: {  	vm1 =	vgt.f32 v8, v12;
	_ =	sdelay $0x4  }
0xb1e: {  	v12 =	vmax.f32 v12, v8  }
0xb1f: {  	[tilespmem:v6+s28+$0x0] =	vst.idx.msk vm1, v12  }
0xb20: {  	v12 =	vld.idx.msk [tilespmem:v6+s28+$0x0], $0xffff;
	_ =	sdelay $0x4  }
0xb21: {  	vm1 =	vgt.f32 v8, v12;
	_ =	sdelay $0x4  }
0xb22: {  	v12 =	vmax.f32 v12, v8  }
0xb23: {  	[tilespmem:v6+s28+$0x0] =	vst.idx.msk vm1, v12  }
0xb24: {  	v12 =	vld.idx.msk [tilespmem:v6+s28+$0x0], $0xffff;
	_ =	sdelay $0x4  }
0xb25: {  	vm1 =	vgt.f32 v8, v12;
	_ =	sdelay $0x4  }
0xb26: {  	v12 =	vmax.f32 v12, v8  }
0xb27: {  	[tilespmem:v6+s28+$0x0] =	vst.idx.msk vm1, v12  }
0xb28: {  	v12 =	vld.idx.msk [tilespmem:v6+s28+$0x0], $0xffff;
	_ =	sdelay $0x4  }
0xb29: {  	vm1 =	vgt.f32 v8, v12;
	_ =	sdelay $0x4  }
0xb2a: {  	v12 =	vmax.f32 v12, v8  }
0xb2b: {  	[tilespmem:v6+s28+$0x0] =	vst.idx.msk vm1, v12  }
0xb2c: {  	v12 =	vld.idx.msk [tilespmem:v6+s28+$0x0], $0xffff;
	_ =	sdelay $0x4  }
0xb2d: {  	vm1 =	vgt.f32 v8, v12;
	_ =	sdelay $0x4  }
0xb2e: {  	v12 =	vmax.f32 v12, v8  }
0xb2f: {  	[tilespmem:v6+s28+$0x0] =	vst.idx.msk vm1, v12  }
0xb30: {  	v12 =	vld.idx.msk [tilespmem:v6+s28+$0x0], $0xffff;
	_ =	sdelay $0x4  }
0xb31: {  	vm1 =	vgt.f32 v8, v12;
	_ =	sdelay $0x4  }
0xb32: {  	v12 =	vmax.f32 v12, v8  }
0xb33: {  	[tilespmem:v6+s28+$0x0] =	vst.idx.msk vm1, v12  }
0xb34: {  	v12 =	vld.idx.msk [tilespmem:v6+s28+$0x0], $0xffff;
	_ =	sdelay $0x4  }
0xb35: {  	vm1 =	vgt.f32 v8, v12;
	_ =	sdelay $0x4  }
0xb36: {  	v12 =	vmax.f32 v12, v8  }
0xb37: {  	[tilespmem:v6+s28+$0x0] =	vst.idx.msk vm1, v12  }
0xb38: {  	v12 =	vld.idx.msk [tilespmem:v6+s28+$0x0], $0xffff;
	_ =	sdelay $0x4  }
0xb39: {  	vm1 =	vgt.f32 v8, v12;
	_ =	sdelay $0x4  }
0xb3a: {  	v12 =	vmax.f32 v12, v8  }
0xb3b: {  	[tilespmem:v6+s28+$0x0] =	vst.idx.msk vm1, v12  }
0xb3c: {  	v12 =	vld.idx.msk [tilespmem:v6+s28+$0x0], $0xffff;
	_ =	sdelay $0x4  }
0xb3d: {  	vm1 =	vgt.f32 v8, v12;
	_ =	sdelay $0x4  }
0xb3e: {  	v12 =	vmax.f32 v12, v8  }
0xb3f: {  	[tilespmem:v6+s28+$0x0] =	vst.idx.msk vm1, v12  }
0xb40: {  	v12 =	vld.idx.msk [tilespmem:v6+s28+$0x0], $0xffff;
	_ =	sdelay $0x4  }
0xb41: {  	vm1 =	vgt.f32 v8, v12;
	_ =	sdelay $0x4  }
0xb42: {  	v12 =	vmax.f32 v12, v8  }
0xb43: {  	[tilespmem:v6+s28+$0x0] =	vst.idx.msk vm1, v12  }
0xb44: {  	v12 =	vld.idx.msk [tilespmem:v6+s28+$0x0], $0xffff;
	_ =	sdelay $0x4  }
0xb45: {  	vm1 =	vgt.f32 v8, v12;
	_ =	sdelay $0x4  }
0xb46: {  	v12 =	vmax.f32 v12, v8  }
0xb47: {  	[tilespmem:v6+s28+$0x0] =	vst.idx.msk vm1, v12  }
0xb48: {  	v12 =	vld.idx.msk [tilespmem:v6+s28+$0x0], $0xffff;
	_ =	sdelay $0x4  }
0xb49: {  	vm1 =	vgt.f32 v8, v12;
	_ =	sdelay $0x4  }
0xb4a: {  	v12 =	vmax.f32 v12, v8  }
0xb4b: {  	[tilespmem:v6+s28+$0x0] =	vst.idx.msk vm1, v12  }
0xb4c: {  	v12 =	vld.idx.msk [tilespmem:v6+s28+$0x0], $0xffff;
	_ =	sdelay $0x4  }
0xb4d: {  	vm1 =	vgt.f32 v8, v12;
	_ =	sdelay $0x4  }
0xb4e: {  	v12 =	vmax.f32 v12, v8  }
0xb4f: {  	[tilespmem:v6+s28+$0x0] =	vst.idx.msk vm1, v12  }
0xb50: {  	v12 =	vld.idx.msk [tilespmem:v6+s28+$0x0], $0xffff;
	_ =	sdelay $0x4  }
0xb51: {  	vm1 =	vgt.f32 v8, v12;
	_ =	sdelay $0x4  }
0xb52: {  	v12 =	vmax.f32 v12, v8  }
0xb53: {  	[tilespmem:v6+s28+$0x0] =	vst.idx.msk vm1, v12  }
0xb54: {  	v12 =	vld.idx.msk [tilespmem:v6+s28+$0x0], $0xffff;
	_ =	sdelay $0x4  }
0xb55: {  	vm1 =	vgt.f32 v8, v12;
	_ =	sdelay $0x4  }
0xb56: {  	v8 =	vmax.f32 v12, v8  }
0xb57: {  	[tilespmem:v6+s28+$0x0] =	vst.idx.msk vm1, v8  }
0xb58: {  	v6 =	vld.idx.msk [tilespmem:v1+s1+$0x0], $0xffff;
	_ =	sdelay $0x4  }
0xb59: {  	vm1 =	vgt.f32 v3, v6;
	_ =	sdelay $0x4  }
0xb5a: {  	v6 =	vmax.f32 v6, v3  }
0xb5b: {  	[tilespmem:v1+s1+$0x0] =	vst.idx.msk vm1, v6  }
0xb5c: {  	v6 =	vld.idx.msk [tilespmem:v1+s1+$0x0], $0xffff;
	_ =	sdelay $0x4  }
0xb5d: {  	vm1 =	vgt.f32 v3, v6;
	_ =	sdelay $0x4  }
0xb5e: {  	v6 =	vmax.f32 v6, v3  }
0xb5f: {  	[tilespmem:v1+s1+$0x0] =	vst.idx.msk vm1, v6  }
0xb60: {  	v6 =	vld.idx.msk [tilespmem:v1+s1+$0x0], $0xffff;
	_ =	sdelay $0x4  }
0xb61: {  	vm1 =	vgt.f32 v3, v6;
	_ =	sdelay $0x4  }
0xb62: {  	v6 =	vmax.f32 v6, v3  }
0xb63: {  	[tilespmem:v1+s1+$0x0] =	vst.idx.msk vm1, v6  }
0xb64: {  	v6 =	vld.idx.msk [tilespmem:v1+s1+$0x0], $0xffff;
	_ =	sdelay $0x4  }
0xb65: {  	vm1 =	vgt.f32 v3, v6;
	_ =	sdelay $0x4  }
0xb66: {  	v6 =	vmax.f32 v6, v3  }
0xb67: {  	[tilespmem:v1+s1+$0x0] =	vst.idx.msk vm1, v6  }
0xb68: {  	v6 =	vld.idx.msk [tilespmem:v1+s1+$0x0], $0xffff;
	_ =	sdelay $0x4  }
0xb69: {  	vm1 =	vgt.f32 v3, v6;
	_ =	sdelay $0x4  }
0xb6a: {  	v6 =	vmax.f32 v6, v3  }
0xb6b: {  	[tilespmem:v1+s1+$0x0] =	vst.idx.msk vm1, v6  }
0xb6c: {  	v6 =	vld.idx.msk [tilespmem:v1+s1+$0x0], $0xffff;
	_ =	sdelay $0x4  }
0xb6d: {  	vm1 =	vgt.f32 v3, v6;
	_ =	sdelay $0x4  }
0xb6e: {  	v6 =	vmax.f32 v6, v3  }
0xb6f: {  	[tilespmem:v1+s1+$0x0] =	vst.idx.msk vm1, v6  }
0xb70: {  	v6 =	vld.idx.msk [tilespmem:v1+s1+$0x0], $0xffff;
	_ =	sdelay $0x4  }
0xb71: {  	vm1 =	vgt.f32 v3, v6;
	_ =	sdelay $0x4  }
0xb72: {  	v6 =	vmax.f32 v6, v3  }
0xb73: {  	[tilespmem:v1+s1+$0x0] =	vst.idx.msk vm1, v6  }
0xb74: {  	v6 =	vld.idx.msk [tilespmem:v1+s1+$0x0], $0xffff;
	_ =	sdelay $0x4  }
0xb75: {  	vm1 =	vgt.f32 v3, v6;
	_ =	sdelay $0x4  }
0xb76: {  	v6 =	vmax.f32 v6, v3  }
0xb77: {  	[tilespmem:v1+s1+$0x0] =	vst.idx.msk vm1, v6  }
0xb78: {  	v6 =	vld.idx.msk [tilespmem:v1+s1+$0x0], $0xffff;
	_ =	sdelay $0x4  }
0xb79: {  	vm1 =	vgt.f32 v3, v6;
	_ =	sdelay $0x4  }
0xb7a: {  	v6 =	vmax.f32 v6, v3  }
0xb7b: {  	[tilespmem:v1+s1+$0x0] =	vst.idx.msk vm1, v6  }
0xb7c: {  	v6 =	vld.idx.msk [tilespmem:v1+s1+$0x0], $0xffff;
	_ =	sdelay $0x4  }
0xb7d: {  	vm1 =	vgt.f32 v3, v6;
	_ =	sdelay $0x4  }
0xb7e: {  	v6 =	vmax.f32 v6, v3  }
0xb7f: {  	[tilespmem:v1+s1+$0x0] =	vst.idx.msk vm1, v6  }
0xb80: {  	v6 =	vld.idx.msk [tilespmem:v1+s1+$0x0], $0xffff;
	_ =	sdelay $0x4  }
0xb81: {  	vm1 =	vgt.f32 v3, v6;
	_ =	sdelay $0x4  }
0xb82: {  	v6 =	vmax.f32 v6, v3  }
0xb83: {  	[tilespmem:v1+s1+$0x0] =	vst.idx.msk vm1, v6  }
0xb84: {  	v6 =	vld.idx.msk [tilespmem:v1+s1+$0x0], $0xffff;
	_ =	sdelay $0x4  }
0xb85: {  	vm1 =	vgt.f32 v3, v6;
	_ =	sdelay $0x4  }
0xb86: {  	v6 =	vmax.f32 v6, v3  }
0xb87: {  	[tilespmem:v1+s1+$0x0] =	vst.idx.msk vm1, v6  }
0xb88: {  	v6 =	vld.idx.msk [tilespmem:v1+s1+$0x0], $0xffff;
	_ =	sdelay $0x4  }
0xb89: {  	vm1 =	vgt.f32 v3, v6;
	_ =	sdelay $0x4  }
0xb8a: {  	v6 =	vmax.f32 v6, v3  }
0xb8b: {  	[tilespmem:v1+s1+$0x0] =	vst.idx.msk vm1, v6  }
0xb8c: {  	v6 =	vld.idx.msk [tilespmem:v1+s1+$0x0], $0xffff;
	_ =	sdelay $0x4  }
0xb8d: {  	vm1 =	vgt.f32 v3, v6;
	_ =	sdelay $0x4  }
0xb8e: {  	v6 =	vmax.f32 v6, v3  }
0xb8f: {  	[tilespmem:v1+s1+$0x0] =	vst.idx.msk vm1, v6  }
0xb90: {  	v6 =	vld.idx.msk [tilespmem:v1+s1+$0x0], $0xffff;
	_ =	sdelay $0x4  }
0xb91: {  	vm1 =	vgt.f32 v3, v6;
	_ =	sdelay $0x4  }
0xb92: {  	v6 =	vmax.f32 v6, v3  }
0xb93: {  	[tilespmem:v1+s1+$0x0] =	vst.idx.msk vm1, v6  }
0xb94: {  	v6 =	vld.idx.msk [tilespmem:v1+s1+$0x0], $0xffff;
	_ =	sdelay $0x4  }
0xb95: {  	vm1 =	vgt.f32 v3, v6;
	_ =	sdelay $0x4  }
0xb96: {  	v3 =	vmax.f32 v6, v3  }
0xb97: {  	[tilespmem:v1+s1+$0x0] =	vst.idx.msk vm1, v3  }
0xb98: {  	v3 =	vld.idx.msk [tilespmem:v1+s28+$0x0], $0xffff;
	_ =	sdelay $0x4  }
0xb99: {  	vm1 =	vgt.f32 v2, v3;
	_ =	sdelay $0x4  }
0xb9a: {  	v3 =	vmax.f32 v3, v2  }
0xb9b: {  	[tilespmem:v1+s28+$0x0] =	vst.idx.msk vm1, v3  }
0xb9c: {  	v3 =	vld.idx.msk [tilespmem:v1+s28+$0x0], $0xffff;
	_ =	sdelay $0x4  }
0xb9d: {  	vm1 =	vgt.f32 v2, v3;
	_ =	sdelay $0x4  }
0xb9e: {  	v3 =	vmax.f32 v3, v2  }
0xb9f: {  	[tilespmem:v1+s28+$0x0] =	vst.idx.msk vm1, v3  }
0xba0: {  	v3 =	vld.idx.msk [tilespmem:v1+s28+$0x0], $0xffff;
	_ =	sdelay $0x4  }
0xba1: {  	vm1 =	vgt.f32 v2, v3;
	_ =	sdelay $0x4  }
0xba2: {  	v3 =	vmax.f32 v3, v2  }
0xba3: {  	[tilespmem:v1+s28+$0x0] =	vst.idx.msk vm1, v3  }
0xba4: {  	v3 =	vld.idx.msk [tilespmem:v1+s28+$0x0], $0xffff;
	_ =	sdelay $0x4  }
0xba5: {  	vm1 =	vgt.f32 v2, v3;
	_ =	sdelay $0x4  }
0xba6: {  	v3 =	vmax.f32 v3, v2  }
0xba7: {  	[tilespmem:v1+s28+$0x0] =	vst.idx.msk vm1, v3  }
0xba8: {  	v3 =	vld.idx.msk [tilespmem:v1+s28+$0x0], $0xffff;
	_ =	sdelay $0x4  }
0xba9: {  	vm1 =	vgt.f32 v2, v3;
	_ =	sdelay $0x4  }
0xbaa: {  	v3 =	vmax.f32 v3, v2  }
0xbab: {  	[tilespmem:v1+s28+$0x0] =	vst.idx.msk vm1, v3  }
0xbac: {  	v3 =	vld.idx.msk [tilespmem:v1+s28+$0x0], $0xffff;
	_ =	sdelay $0x4  }
0xbad: {  	vm1 =	vgt.f32 v2, v3;
	_ =	sdelay $0x4  }
0xbae: {  	v3 =	vmax.f32 v3, v2  }
0xbaf: {  	[tilespmem:v1+s28+$0x0] =	vst.idx.msk vm1, v3  }
0xbb0: {  	v3 =	vld.idx.msk [tilespmem:v1+s28+$0x0], $0xffff;
	_ =	sdelay $0x4  }
0xbb1: {  	vm1 =	vgt.f32 v2, v3;
	_ =	sdelay $0x4  }
0xbb2: {  	v3 =	vmax.f32 v3, v2  }
0xbb3: {  	[tilespmem:v1+s28+$0x0] =	vst.idx.msk vm1, v3  }
0xbb4: {  	v3 =	vld.idx.msk [tilespmem:v1+s28+$0x0], $0xffff;
	_ =	sdelay $0x4  }
0xbb5: {  	vm1 =	vgt.f32 v2, v3;
	_ =	sdelay $0x4  }
0xbb6: {  	v3 =	vmax.f32 v3, v2  }
0xbb7: {  	[tilespmem:v1+s28+$0x0] =	vst.idx.msk vm1, v3  }
0xbb8: {  	v3 =	vld.idx.msk [tilespmem:v1+s28+$0x0], $0xffff;
	_ =	sdelay $0x4  }
0xbb9: {  	vm1 =	vgt.f32 v2, v3;
	_ =	sdelay $0x4  }
0xbba: {  	v3 =	vmax.f32 v3, v2  }
0xbbb: {  	[tilespmem:v1+s28+$0x0] =	vst.idx.msk vm1, v3  }
0xbbc: {  	v3 =	vld.idx.msk [tilespmem:v1+s28+$0x0], $0xffff;
	_ =	sdelay $0x4  }
0xbbd: {  	vm1 =	vgt.f32 v2, v3;
	_ =	sdelay $0x4  }
0xbbe: {  	v3 =	vmax.f32 v3, v2  }
0xbbf: {  	[tilespmem:v1+s28+$0x0] =	vst.idx.msk vm1, v3  }
0xbc0: {  	v3 =	vld.idx.msk [tilespmem:v1+s28+$0x0], $0xffff;
	_ =	sdelay $0x4  }
0xbc1: {  	vm1 =	vgt.f32 v2, v3;
	_ =	sdelay $0x4  }
0xbc2: {  	v3 =	vmax.f32 v3, v2  }
0xbc3: {  	[tilespmem:v1+s28+$0x0] =	vst.idx.msk vm1, v3  }
0xbc4: {  	v3 =	vld.idx.msk [tilespmem:v1+s28+$0x0], $0xffff;
	_ =	sdelay $0x4  }
0xbc5: {  	vm1 =	vgt.f32 v2, v3;
	_ =	sdelay $0x4  }
0xbc6: {  	v3 =	vmax.f32 v3, v2  }
0xbc7: {  	[tilespmem:v1+s28+$0x0] =	vst.idx.msk vm1, v3  }
0xbc8: {  	v3 =	vld.idx.msk [tilespmem:v1+s28+$0x0], $0xffff;
	_ =	sdelay $0x4  }
0xbc9: {  	vm1 =	vgt.f32 v2, v3;
	_ =	sdelay $0x4  }
0xbca: {  	v3 =	vmax.f32 v3, v2  }
0xbcb: {  	[tilespmem:v1+s28+$0x0] =	vst.idx.msk vm1, v3  }
0xbcc: {  	v3 =	vld.idx.msk [tilespmem:v1+s28+$0x0], $0xffff;
	_ =	sdelay $0x4  }
0xbcd: {  	vm1 =	vgt.f32 v2, v3;
	_ =	sdelay $0x4  }
0xbce: {  	v3 =	vmax.f32 v3, v2  }
0xbcf: {  	[tilespmem:v1+s28+$0x0] =	vst.idx.msk vm1, v3  }
0xbd0: {  	v3 =	vld.idx.msk [tilespmem:v1+s28+$0x0], $0xffff;
	_ =	sdelay $0x4  }
0xbd1: {  	vm1 =	vgt.f32 v2, v3;
	_ =	sdelay $0x4  }
0xbd2: {  	v3 =	vmax.f32 v3, v2  }
0xbd3: {  	[tilespmem:v1+s28+$0x0] =	vst.idx.msk vm1, v3  }
0xbd4: {  	v3 =	vld.idx.msk [tilespmem:v1+s28+$0x0], $0xffff;
	_ =	sdelay $0x4  }
0xbd5: {  	vm1 =	vgt.f32 v2, v3;
	_ =	sdelay $0x4  }
0xbd6: {  	v2 =	vmax.f32 v3, v2  }
0xbd7: {  	[tilespmem:v1+s28+$0x0] =	vst.idx.msk vm1, v2  }
.LBB2_35:
0xbd8: {  	_ =	sdelay $0x3  }
0xbd9: {  	v1 =	vld.idx.msk [tilespmem:v11+s1+$0x0], $0xffff  }
0xbda: {  	v2 =	vld.idx.msk [tilespmem:v7+s1+$0x0], $0xffff  }
0xbdb: {  	v3 =	vld.idx.msk [tilespmem:v11+s28+$0x0], $0xffff  }
0xbdc: {  	v6 =	vld.idx.msk [tilespmem:v7+s28+$0x0], $0xffff;
	_ =	sdelay $0x2  }
0xbdd: {  	vm1 =	vgt.f32 v15, v1;
	vm2 =	vgt.f32 v16, v2  }
0xbde: {  	vm1 =	vmor vm1, vm2;
	vm2 =	vgt.f32 v17, v3  }
0xbdf: {  	vm1 =	vmor vm1, vm2;
	vm2 =	vgt.f32 v18, v6  }
0xbe0: {  	vm1 =	vmor vm1, vm2  }
0xbe1: {  	v1 =	vsel vm1, $0x3F800000, v0  }
0xbe2: {  	(xrf0) =	vmax.scan.msk.f32 $0xffff, v1;
	_ =	sdelay $0x5  }
0xbe3: {  	v6 =	vld [tilespmem:s14+$0x1A020];
	v3, _, _ =	vpop (xrf0)  }
0xbe4: {  	s15 =	sadd.s32 s12, s7;
	v1 =	vld [tilespmem:s14+$0x1A030];
	(v2sf) =	vpush v3, $0xF  }
0xbe5: {  	s16 =	sand.u32 $0x40, s12;
	v8 =	vld [tilespmem:s8+$0x20];
	s15 =	sand.u32 $0x3F80, s15  }
0xbe6: {  	s16 =	sor.u32 s15, s16;
	v2 =	vld [tilespmem:s14+$0x1B020]  }
0xbe7: {  	s17 =	sor.u32 $0x10030, s16;
	v15 =	vld [tilespmem:s14+$0x1B030]  }
0xbe8: {  	v16 =	vld [tilespmem:s17+$0x0]  }
0xbe9: {  	s22 =	sor.u32 $0x14030, s16;
	v3 =	vld [tilespmem:s9+$0x20]  }
0xbea: {  	v17 =	vld [tilespmem:s22+$0x0]  }
0xbeb: {  	v18 =	vld.idx.msk [tilespmem:v6+s1+$0x0], $0xffff  }
0xbec: {  	v19 =	vld.idx.msk [tilespmem:v1+s1+$0x0], $0xffff  }
0xbed: {  	v20 =	vld.idx.msk [tilespmem:v6+s28+$0x0], $0xffff  }
0xbee: {  	v21 =	vld.idx.msk [tilespmem:v1+s28+$0x0], $0xffff;
	v12 =	vmul.f32 v3, v2  }
0xbef: {  	v3 =	vmul.f32 v16, v15  }
0xbf0: {  	v8 =	vmul.f32 v8, v2;
	vm1 =	vgt.f32 v12, v18  }
0xbf1: {  	v2 =	vmul.f32 v17, v15;
	vm2 =	vgt.f32 v3, v19  }
0xbf2: {  	vm3 =	vgt.f32 v8, v20  }
0xbf3: {  	vm4 =	vgt.f32 v2, v21;
	s31 =	spop (v2sf)  }
0xbf4: {  	p1 =	sgt.f32 s31, $0.0e+00  }
.Ltmp30:
0xbf5: {  	v15 =	vmax.f32 v18, v12;
	(pc) =	sbr.rel @!p1 .LBB2_37-.Ltmp30, $4  }
0xbf6: {  	v17 =	vmax.f32 v19, v3;
	[tilespmem:v6+s1+$0x0] =	vst.idx.msk vm1, v15  }
0xbf7: {  	v18 =	vmax.f32 v20, v8;
	[tilespmem:v1+s1+$0x0] =	vst.idx.msk vm2, v17  }
0xbf8: {  	v16 =	vmax.f32 v21, v2;
	[tilespmem:v6+s28+$0x0] =	vst.idx.msk vm3, v18  }
0xbf9: {  	[tilespmem:v1+s28+$0x0] =	vst.idx.msk vm4, v16  }
0xbfa: {  	_ =	sdelay $0x3  }
0xbfb: {  	v19 =	vld.idx.msk [tilespmem:v11+s1+$0x0], $0xffff;
	_ =	sdelay $0x4  }
0xbfc: {  	vm1 =	vgt.f32 v14, v19;
	_ =	sdelay $0x4  }
0xbfd: {  	v19 =	vmax.f32 v19, v14  }
0xbfe: {  	[tilespmem:v11+s1+$0x0] =	vst.idx.msk vm1, v19  }
0xbff: {  	v19 =	vld.idx.msk [tilespmem:v11+s1+$0x0], $0xffff;
	_ =	sdelay $0x4  }
0xc00: {  	vm1 =	vgt.f32 v14, v19;
	_ =	sdelay $0x4  }
0xc01: {  	v19 =	vmax.f32 v19, v14  }
0xc02: {  	[tilespmem:v11+s1+$0x0] =	vst.idx.msk vm1, v19  }
0xc03: {  	v19 =	vld.idx.msk [tilespmem:v11+s1+$0x0], $0xffff;
	_ =	sdelay $0x4  }
0xc04: {  	vm1 =	vgt.f32 v14, v19;
	_ =	sdelay $0x4  }
0xc05: {  	v19 =	vmax.f32 v19, v14  }
0xc06: {  	[tilespmem:v11+s1+$0x0] =	vst.idx.msk vm1, v19  }
0xc07: {  	v19 =	vld.idx.msk [tilespmem:v11+s1+$0x0], $0xffff;
	_ =	sdelay $0x4  }
0xc08: {  	vm1 =	vgt.f32 v14, v19;
	_ =	sdelay $0x4  }
0xc09: {  	v19 =	vmax.f32 v19, v14  }
0xc0a: {  	[tilespmem:v11+s1+$0x0] =	vst.idx.msk vm1, v19  }
0xc0b: {  	v19 =	vld.idx.msk [tilespmem:v11+s1+$0x0], $0xffff;
	_ =	sdelay $0x4  }
0xc0c: {  	vm1 =	vgt.f32 v14, v19;
	_ =	sdelay $0x4  }
0xc0d: {  	v19 =	vmax.f32 v19, v14  }
0xc0e: {  	[tilespmem:v11+s1+$0x0] =	vst.idx.msk vm1, v19  }
0xc0f: {  	v19 =	vld.idx.msk [tilespmem:v11+s1+$0x0], $0xffff;
	_ =	sdelay $0x4  }
0xc10: {  	vm1 =	vgt.f32 v14, v19;
	_ =	sdelay $0x4  }
0xc11: {  	v19 =	vmax.f32 v19, v14  }
0xc12: {  	[tilespmem:v11+s1+$0x0] =	vst.idx.msk vm1, v19  }
0xc13: {  	v19 =	vld.idx.msk [tilespmem:v11+s1+$0x0], $0xffff;
	_ =	sdelay $0x4  }
0xc14: {  	vm1 =	vgt.f32 v14, v19;
	_ =	sdelay $0x4  }
0xc15: {  	v19 =	vmax.f32 v19, v14  }
0xc16: {  	[tilespmem:v11+s1+$0x0] =	vst.idx.msk vm1, v19  }
0xc17: {  	v19 =	vld.idx.msk [tilespmem:v11+s1+$0x0], $0xffff;
	_ =	sdelay $0x4  }
0xc18: {  	vm1 =	vgt.f32 v14, v19;
	_ =	sdelay $0x4  }
0xc19: {  	v19 =	vmax.f32 v19, v14  }
0xc1a: {  	[tilespmem:v11+s1+$0x0] =	vst.idx.msk vm1, v19  }
0xc1b: {  	v19 =	vld.idx.msk [tilespmem:v11+s1+$0x0], $0xffff;
	_ =	sdelay $0x4  }
0xc1c: {  	vm1 =	vgt.f32 v14, v19;
	_ =	sdelay $0x4  }
0xc1d: {  	v19 =	vmax.f32 v19, v14  }
0xc1e: {  	[tilespmem:v11+s1+$0x0] =	vst.idx.msk vm1, v19  }
0xc1f: {  	v19 =	vld.idx.msk [tilespmem:v11+s1+$0x0], $0xffff;
	_ =	sdelay $0x4  }
0xc20: {  	vm1 =	vgt.f32 v14, v19;
	_ =	sdelay $0x4  }
0xc21: {  	v19 =	vmax.f32 v19, v14  }
0xc22: {  	[tilespmem:v11+s1+$0x0] =	vst.idx.msk vm1, v19  }
0xc23: {  	v19 =	vld.idx.msk [tilespmem:v11+s1+$0x0], $0xffff;
	_ =	sdelay $0x4  }
0xc24: {  	vm1 =	vgt.f32 v14, v19;
	_ =	sdelay $0x4  }
0xc25: {  	v19 =	vmax.f32 v19, v14  }
0xc26: {  	[tilespmem:v11+s1+$0x0] =	vst.idx.msk vm1, v19  }
0xc27: {  	v19 =	vld.idx.msk [tilespmem:v11+s1+$0x0], $0xffff;
	_ =	sdelay $0x4  }
0xc28: {  	vm1 =	vgt.f32 v14, v19;
	_ =	sdelay $0x4  }
0xc29: {  	v19 =	vmax.f32 v19, v14  }
0xc2a: {  	[tilespmem:v11+s1+$0x0] =	vst.idx.msk vm1, v19  }
0xc2b: {  	v19 =	vld.idx.msk [tilespmem:v11+s1+$0x0], $0xffff;
	_ =	sdelay $0x4  }
0xc2c: {  	vm1 =	vgt.f32 v14, v19;
	_ =	sdelay $0x4  }
0xc2d: {  	v19 =	vmax.f32 v19, v14  }
0xc2e: {  	[tilespmem:v11+s1+$0x0] =	vst.idx.msk vm1, v19  }
0xc2f: {  	v19 =	vld.idx.msk [tilespmem:v11+s1+$0x0], $0xffff;
	_ =	sdelay $0x4  }
0xc30: {  	vm1 =	vgt.f32 v14, v19;
	_ =	sdelay $0x4  }
0xc31: {  	v19 =	vmax.f32 v19, v14  }
0xc32: {  	[tilespmem:v11+s1+$0x0] =	vst.idx.msk vm1, v19  }
0xc33: {  	v19 =	vld.idx.msk [tilespmem:v11+s1+$0x0], $0xffff;
	_ =	sdelay $0x4  }
0xc34: {  	vm1 =	vgt.f32 v14, v19;
	_ =	sdelay $0x4  }
0xc35: {  	v19 =	vmax.f32 v19, v14  }
0xc36: {  	[tilespmem:v11+s1+$0x0] =	vst.idx.msk vm1, v19  }
0xc37: {  	v19 =	vld.idx.msk [tilespmem:v11+s1+$0x0], $0xffff;
	_ =	sdelay $0x4  }
0xc38: {  	vm1 =	vgt.f32 v14, v19;
	_ =	sdelay $0x4  }
0xc39: {  	v14 =	vmax.f32 v19, v14  }
0xc3a: {  	[tilespmem:v11+s1+$0x0] =	vst.idx.msk vm1, v14  }
0xc3b: {  	v14 =	vld.idx.msk [tilespmem:v11+s28+$0x0], $0xffff;
	_ =	sdelay $0x4  }
0xc3c: {  	vm1 =	vgt.f32 v13, v14;
	_ =	sdelay $0x4  }
0xc3d: {  	v14 =	vmax.f32 v14, v13  }
0xc3e: {  	[tilespmem:v11+s28+$0x0] =	vst.idx.msk vm1, v14  }
0xc3f: {  	v14 =	vld.idx.msk [tilespmem:v11+s28+$0x0], $0xffff;
	_ =	sdelay $0x4  }
0xc40: {  	vm1 =	vgt.f32 v13, v14;
	_ =	sdelay $0x4  }
0xc41: {  	v14 =	vmax.f32 v14, v13  }
0xc42: {  	[tilespmem:v11+s28+$0x0] =	vst.idx.msk vm1, v14  }
0xc43: {  	v14 =	vld.idx.msk [tilespmem:v11+s28+$0x0], $0xffff;
	_ =	sdelay $0x4  }
0xc44: {  	vm1 =	vgt.f32 v13, v14;
	_ =	sdelay $0x4  }
0xc45: {  	v14 =	vmax.f32 v14, v13  }
0xc46: {  	[tilespmem:v11+s28+$0x0] =	vst.idx.msk vm1, v14  }
0xc47: {  	v14 =	vld.idx.msk [tilespmem:v11+s28+$0x0], $0xffff;
	_ =	sdelay $0x4  }
0xc48: {  	vm1 =	vgt.f32 v13, v14;
	_ =	sdelay $0x4  }
0xc49: {  	v14 =	vmax.f32 v14, v13  }
0xc4a: {  	[tilespmem:v11+s28+$0x0] =	vst.idx.msk vm1, v14  }
0xc4b: {  	v14 =	vld.idx.msk [tilespmem:v11+s28+$0x0], $0xffff;
	_ =	sdelay $0x4  }
0xc4c: {  	vm1 =	vgt.f32 v13, v14;
	_ =	sdelay $0x4  }
0xc4d: {  	v14 =	vmax.f32 v14, v13  }
0xc4e: {  	[tilespmem:v11+s28+$0x0] =	vst.idx.msk vm1, v14  }
0xc4f: {  	v14 =	vld.idx.msk [tilespmem:v11+s28+$0x0], $0xffff;
	_ =	sdelay $0x4  }
0xc50: {  	vm1 =	vgt.f32 v13, v14;
	_ =	sdelay $0x4  }
0xc51: {  	v14 =	vmax.f32 v14, v13  }
0xc52: {  	[tilespmem:v11+s28+$0x0] =	vst.idx.msk vm1, v14  }
0xc53: {  	v14 =	vld.idx.msk [tilespmem:v11+s28+$0x0], $0xffff;
	_ =	sdelay $0x4  }
0xc54: {  	vm1 =	vgt.f32 v13, v14;
	_ =	sdelay $0x4  }
0xc55: {  	v14 =	vmax.f32 v14, v13  }
0xc56: {  	[tilespmem:v11+s28+$0x0] =	vst.idx.msk vm1, v14  }
0xc57: {  	v14 =	vld.idx.msk [tilespmem:v11+s28+$0x0], $0xffff;
	_ =	sdelay $0x4  }
0xc58: {  	vm1 =	vgt.f32 v13, v14;
	_ =	sdelay $0x4  }
0xc59: {  	v14 =	vmax.f32 v14, v13  }
0xc5a: {  	[tilespmem:v11+s28+$0x0] =	vst.idx.msk vm1, v14  }
0xc5b: {  	v14 =	vld.idx.msk [tilespmem:v11+s28+$0x0], $0xffff;
	_ =	sdelay $0x4  }
0xc5c: {  	vm1 =	vgt.f32 v13, v14;
	_ =	sdelay $0x4  }
0xc5d: {  	v14 =	vmax.f32 v14, v13  }
0xc5e: {  	[tilespmem:v11+s28+$0x0] =	vst.idx.msk vm1, v14  }
0xc5f: {  	v14 =	vld.idx.msk [tilespmem:v11+s28+$0x0], $0xffff;
	_ =	sdelay $0x4  }
0xc60: {  	vm1 =	vgt.f32 v13, v14;
	_ =	sdelay $0x4  }
0xc61: {  	v14 =	vmax.f32 v14, v13  }
0xc62: {  	[tilespmem:v11+s28+$0x0] =	vst.idx.msk vm1, v14  }
0xc63: {  	v14 =	vld.idx.msk [tilespmem:v11+s28+$0x0], $0xffff;
	_ =	sdelay $0x4  }
0xc64: {  	vm1 =	vgt.f32 v13, v14;
	_ =	sdelay $0x4  }
0xc65: {  	v14 =	vmax.f32 v14, v13  }
0xc66: {  	[tilespmem:v11+s28+$0x0] =	vst.idx.msk vm1, v14  }
0xc67: {  	v14 =	vld.idx.msk [tilespmem:v11+s28+$0x0], $0xffff;
	_ =	sdelay $0x4  }
0xc68: {  	vm1 =	vgt.f32 v13, v14;
	_ =	sdelay $0x4  }
0xc69: {  	v14 =	vmax.f32 v14, v13  }
0xc6a: {  	[tilespmem:v11+s28+$0x0] =	vst.idx.msk vm1, v14  }
0xc6b: {  	v14 =	vld.idx.msk [tilespmem:v11+s28+$0x0], $0xffff;
	_ =	sdelay $0x4  }
0xc6c: {  	vm1 =	vgt.f32 v13, v14;
	_ =	sdelay $0x4  }
0xc6d: {  	v14 =	vmax.f32 v14, v13  }
0xc6e: {  	[tilespmem:v11+s28+$0x0] =	vst.idx.msk vm1, v14  }
0xc6f: {  	v14 =	vld.idx.msk [tilespmem:v11+s28+$0x0], $0xffff;
	_ =	sdelay $0x4  }
0xc70: {  	vm1 =	vgt.f32 v13, v14;
	_ =	sdelay $0x4  }
0xc71: {  	v14 =	vmax.f32 v14, v13  }
0xc72: {  	[tilespmem:v11+s28+$0x0] =	vst.idx.msk vm1, v14  }
0xc73: {  	v14 =	vld.idx.msk [tilespmem:v11+s28+$0x0], $0xffff;
	_ =	sdelay $0x4  }
0xc74: {  	vm1 =	vgt.f32 v13, v14;
	_ =	sdelay $0x4  }
0xc75: {  	v14 =	vmax.f32 v14, v13  }
0xc76: {  	[tilespmem:v11+s28+$0x0] =	vst.idx.msk vm1, v14  }
0xc77: {  	v14 =	vld.idx.msk [tilespmem:v11+s28+$0x0], $0xffff;
	_ =	sdelay $0x4  }
0xc78: {  	vm1 =	vgt.f32 v13, v14;
	_ =	sdelay $0x4  }
0xc79: {  	v13 =	vmax.f32 v14, v13  }
0xc7a: {  	[tilespmem:v11+s28+$0x0] =	vst.idx.msk vm1, v13  }
0xc7b: {  	v11 =	vld.idx.msk [tilespmem:v7+s1+$0x0], $0xffff;
	_ =	sdelay $0x4  }
0xc7c: {  	vm1 =	vgt.f32 v10, v11;
	_ =	sdelay $0x4  }
0xc7d: {  	v11 =	vmax.f32 v11, v10  }
0xc7e: {  	[tilespmem:v7+s1+$0x0] =	vst.idx.msk vm1, v11  }
0xc7f: {  	v11 =	vld.idx.msk [tilespmem:v7+s1+$0x0], $0xffff;
	_ =	sdelay $0x4  }
0xc80: {  	vm1 =	vgt.f32 v10, v11;
	_ =	sdelay $0x4  }
0xc81: {  	v11 =	vmax.f32 v11, v10  }
0xc82: {  	[tilespmem:v7+s1+$0x0] =	vst.idx.msk vm1, v11  }
0xc83: {  	v11 =	vld.idx.msk [tilespmem:v7+s1+$0x0], $0xffff;
	_ =	sdelay $0x4  }
0xc84: {  	vm1 =	vgt.f32 v10, v11;
	_ =	sdelay $0x4  }
0xc85: {  	v11 =	vmax.f32 v11, v10  }
0xc86: {  	[tilespmem:v7+s1+$0x0] =	vst.idx.msk vm1, v11  }
0xc87: {  	v11 =	vld.idx.msk [tilespmem:v7+s1+$0x0], $0xffff;
	_ =	sdelay $0x4  }
0xc88: {  	vm1 =	vgt.f32 v10, v11;
	_ =	sdelay $0x4  }
0xc89: {  	v11 =	vmax.f32 v11, v10  }
0xc8a: {  	[tilespmem:v7+s1+$0x0] =	vst.idx.msk vm1, v11  }
0xc8b: {  	v11 =	vld.idx.msk [tilespmem:v7+s1+$0x0], $0xffff;
	_ =	sdelay $0x4  }
0xc8c: {  	vm1 =	vgt.f32 v10, v11;
	_ =	sdelay $0x4  }
0xc8d: {  	v11 =	vmax.f32 v11, v10  }
0xc8e: {  	[tilespmem:v7+s1+$0x0] =	vst.idx.msk vm1, v11  }
0xc8f: {  	v11 =	vld.idx.msk [tilespmem:v7+s1+$0x0], $0xffff;
	_ =	sdelay $0x4  }
0xc90: {  	vm1 =	vgt.f32 v10, v11;
	_ =	sdelay $0x4  }
0xc91: {  	v11 =	vmax.f32 v11, v10  }
0xc92: {  	[tilespmem:v7+s1+$0x0] =	vst.idx.msk vm1, v11  }
0xc93: {  	v11 =	vld.idx.msk [tilespmem:v7+s1+$0x0], $0xffff;
	_ =	sdelay $0x4  }
0xc94: {  	vm1 =	vgt.f32 v10, v11;
	_ =	sdelay $0x4  }
0xc95: {  	v11 =	vmax.f32 v11, v10  }
0xc96: {  	[tilespmem:v7+s1+$0x0] =	vst.idx.msk vm1, v11  }
0xc97: {  	v11 =	vld.idx.msk [tilespmem:v7+s1+$0x0], $0xffff;
	_ =	sdelay $0x4  }
0xc98: {  	vm1 =	vgt.f32 v10, v11;
	_ =	sdelay $0x4  }
0xc99: {  	v11 =	vmax.f32 v11, v10  }
0xc9a: {  	[tilespmem:v7+s1+$0x0] =	vst.idx.msk vm1, v11  }
0xc9b: {  	v11 =	vld.idx.msk [tilespmem:v7+s1+$0x0], $0xffff;
	_ =	sdelay $0x4  }
0xc9c: {  	vm1 =	vgt.f32 v10, v11;
	_ =	sdelay $0x4  }
0xc9d: {  	v11 =	vmax.f32 v11, v10  }
0xc9e: {  	[tilespmem:v7+s1+$0x0] =	vst.idx.msk vm1, v11  }
0xc9f: {  	v11 =	vld.idx.msk [tilespmem:v7+s1+$0x0], $0xffff;
	_ =	sdelay $0x4  }
0xca0: {  	vm1 =	vgt.f32 v10, v11;
	_ =	sdelay $0x4  }
0xca1: {  	v11 =	vmax.f32 v11, v10  }
0xca2: {  	[tilespmem:v7+s1+$0x0] =	vst.idx.msk vm1, v11  }
0xca3: {  	v11 =	vld.idx.msk [tilespmem:v7+s1+$0x0], $0xffff;
	_ =	sdelay $0x4  }
0xca4: {  	vm1 =	vgt.f32 v10, v11;
	_ =	sdelay $0x4  }
0xca5: {  	v11 =	vmax.f32 v11, v10  }
0xca6: {  	[tilespmem:v7+s1+$0x0] =	vst.idx.msk vm1, v11  }
0xca7: {  	v11 =	vld.idx.msk [tilespmem:v7+s1+$0x0], $0xffff;
	_ =	sdelay $0x4  }
0xca8: {  	vm1 =	vgt.f32 v10, v11;
	_ =	sdelay $0x4  }
0xca9: {  	v11 =	vmax.f32 v11, v10  }
0xcaa: {  	[tilespmem:v7+s1+$0x0] =	vst.idx.msk vm1, v11  }
0xcab: {  	v11 =	vld.idx.msk [tilespmem:v7+s1+$0x0], $0xffff;
	_ =	sdelay $0x4  }
0xcac: {  	vm1 =	vgt.f32 v10, v11;
	_ =	sdelay $0x4  }
0xcad: {  	v11 =	vmax.f32 v11, v10  }
0xcae: {  	[tilespmem:v7+s1+$0x0] =	vst.idx.msk vm1, v11  }
0xcaf: {  	v11 =	vld.idx.msk [tilespmem:v7+s1+$0x0], $0xffff;
	_ =	sdelay $0x4  }
0xcb0: {  	vm1 =	vgt.f32 v10, v11;
	_ =	sdelay $0x4  }
0xcb1: {  	v11 =	vmax.f32 v11, v10  }
0xcb2: {  	[tilespmem:v7+s1+$0x0] =	vst.idx.msk vm1, v11  }
0xcb3: {  	v11 =	vld.idx.msk [tilespmem:v7+s1+$0x0], $0xffff;
	_ =	sdelay $0x4  }
0xcb4: {  	vm1 =	vgt.f32 v10, v11;
	_ =	sdelay $0x4  }
0xcb5: {  	v11 =	vmax.f32 v11, v10  }
0xcb6: {  	[tilespmem:v7+s1+$0x0] =	vst.idx.msk vm1, v11  }
0xcb7: {  	v11 =	vld.idx.msk [tilespmem:v7+s1+$0x0], $0xffff;
	_ =	sdelay $0x4  }
0xcb8: {  	vm1 =	vgt.f32 v10, v11;
	_ =	sdelay $0x4  }
0xcb9: {  	v10 =	vmax.f32 v11, v10  }
0xcba: {  	[tilespmem:v7+s1+$0x0] =	vst.idx.msk vm1, v10  }
0xcbb: {  	v10 =	vld.idx.msk [tilespmem:v7+s28+$0x0], $0xffff;
	_ =	sdelay $0x4  }
0xcbc: {  	vm1 =	vgt.f32 v9, v10;
	_ =	sdelay $0x4  }
0xcbd: {  	v10 =	vmax.f32 v10, v9  }
0xcbe: {  	[tilespmem:v7+s28+$0x0] =	vst.idx.msk vm1, v10  }
0xcbf: {  	v10 =	vld.idx.msk [tilespmem:v7+s28+$0x0], $0xffff;
	_ =	sdelay $0x4  }
0xcc0: {  	vm1 =	vgt.f32 v9, v10;
	_ =	sdelay $0x4  }
0xcc1: {  	v10 =	vmax.f32 v10, v9  }
0xcc2: {  	[tilespmem:v7+s28+$0x0] =	vst.idx.msk vm1, v10  }
0xcc3: {  	v10 =	vld.idx.msk [tilespmem:v7+s28+$0x0], $0xffff;
	_ =	sdelay $0x4  }
0xcc4: {  	vm1 =	vgt.f32 v9, v10;
	_ =	sdelay $0x4  }
0xcc5: {  	v10 =	vmax.f32 v10, v9  }
0xcc6: {  	[tilespmem:v7+s28+$0x0] =	vst.idx.msk vm1, v10  }
0xcc7: {  	v10 =	vld.idx.msk [tilespmem:v7+s28+$0x0], $0xffff;
	_ =	sdelay $0x4  }
0xcc8: {  	vm1 =	vgt.f32 v9, v10;
	_ =	sdelay $0x4  }
0xcc9: {  	v10 =	vmax.f32 v10, v9  }
0xcca: {  	[tilespmem:v7+s28+$0x0] =	vst.idx.msk vm1, v10  }
0xccb: {  	v10 =	vld.idx.msk [tilespmem:v7+s28+$0x0], $0xffff;
	_ =	sdelay $0x4  }
0xccc: {  	vm1 =	vgt.f32 v9, v10;
	_ =	sdelay $0x4  }
0xccd: {  	v10 =	vmax.f32 v10, v9  }
0xcce: {  	[tilespmem:v7+s28+$0x0] =	vst.idx.msk vm1, v10  }
0xccf: {  	v10 =	vld.idx.msk [tilespmem:v7+s28+$0x0], $0xffff;
	_ =	sdelay $0x4  }
0xcd0: {  	vm1 =	vgt.f32 v9, v10;
	_ =	sdelay $0x4  }
0xcd1: {  	v10 =	vmax.f32 v10, v9  }
0xcd2: {  	[tilespmem:v7+s28+$0x0] =	vst.idx.msk vm1, v10  }
0xcd3: {  	v10 =	vld.idx.msk [tilespmem:v7+s28+$0x0], $0xffff;
	_ =	sdelay $0x4  }
0xcd4: {  	vm1 =	vgt.f32 v9, v10;
	_ =	sdelay $0x4  }
0xcd5: {  	v10 =	vmax.f32 v10, v9  }
0xcd6: {  	[tilespmem:v7+s28+$0x0] =	vst.idx.msk vm1, v10  }
0xcd7: {  	v10 =	vld.idx.msk [tilespmem:v7+s28+$0x0], $0xffff;
	_ =	sdelay $0x4  }
0xcd8: {  	vm1 =	vgt.f32 v9, v10;
	_ =	sdelay $0x4  }
0xcd9: {  	v10 =	vmax.f32 v10, v9  }
0xcda: {  	[tilespmem:v7+s28+$0x0] =	vst.idx.msk vm1, v10  }
0xcdb: {  	v10 =	vld.idx.msk [tilespmem:v7+s28+$0x0], $0xffff;
	_ =	sdelay $0x4  }
0xcdc: {  	vm1 =	vgt.f32 v9, v10;
	_ =	sdelay $0x4  }
0xcdd: {  	v10 =	vmax.f32 v10, v9  }
0xcde: {  	[tilespmem:v7+s28+$0x0] =	vst.idx.msk vm1, v10  }
0xcdf: {  	v10 =	vld.idx.msk [tilespmem:v7+s28+$0x0], $0xffff;
	_ =	sdelay $0x4  }
0xce0: {  	vm1 =	vgt.f32 v9, v10;
	_ =	sdelay $0x4  }
0xce1: {  	v10 =	vmax.f32 v10, v9  }
0xce2: {  	[tilespmem:v7+s28+$0x0] =	vst.idx.msk vm1, v10  }
0xce3: {  	v10 =	vld.idx.msk [tilespmem:v7+s28+$0x0], $0xffff;
	_ =	sdelay $0x4  }
0xce4: {  	vm1 =	vgt.f32 v9, v10;
	_ =	sdelay $0x4  }
0xce5: {  	v10 =	vmax.f32 v10, v9  }
0xce6: {  	[tilespmem:v7+s28+$0x0] =	vst.idx.msk vm1, v10  }
0xce7: {  	v10 =	vld.idx.msk [tilespmem:v7+s28+$0x0], $0xffff;
	_ =	sdelay $0x4  }
0xce8: {  	vm1 =	vgt.f32 v9, v10;
	_ =	sdelay $0x4  }
0xce9: {  	v10 =	vmax.f32 v10, v9  }
0xcea: {  	[tilespmem:v7+s28+$0x0] =	vst.idx.msk vm1, v10  }
0xceb: {  	v10 =	vld.idx.msk [tilespmem:v7+s28+$0x0], $0xffff;
	_ =	sdelay $0x4  }
0xcec: {  	vm1 =	vgt.f32 v9, v10;
	_ =	sdelay $0x4  }
0xced: {  	v10 =	vmax.f32 v10, v9  }
0xcee: {  	[tilespmem:v7+s28+$0x0] =	vst.idx.msk vm1, v10  }
0xcef: {  	v10 =	vld.idx.msk [tilespmem:v7+s28+$0x0], $0xffff;
	_ =	sdelay $0x4  }
0xcf0: {  	vm1 =	vgt.f32 v9, v10;
	_ =	sdelay $0x4  }
0xcf1: {  	v10 =	vmax.f32 v10, v9  }
0xcf2: {  	[tilespmem:v7+s28+$0x0] =	vst.idx.msk vm1, v10  }
0xcf3: {  	v10 =	vld.idx.msk [tilespmem:v7+s28+$0x0], $0xffff;
	_ =	sdelay $0x4  }
0xcf4: {  	vm1 =	vgt.f32 v9, v10;
	_ =	sdelay $0x4  }
0xcf5: {  	v10 =	vmax.f32 v10, v9  }
0xcf6: {  	[tilespmem:v7+s28+$0x0] =	vst.idx.msk vm1, v10  }
0xcf7: {  	v10 =	vld.idx.msk [tilespmem:v7+s28+$0x0], $0xffff;
	_ =	sdelay $0x4  }
0xcf8: {  	vm1 =	vgt.f32 v9, v10;
	_ =	sdelay $0x1  }
.Ltmp31:
0xcf9: {  	_ = 	snop;
	(pc) =	sbr.rel .LBB2_37-.Ltmp31, $3  }
0xcfa: {  	_ =	sdelay $0x1  }
0xcfb: {  	v9 =	vmax.f32 v10, v9  }
0xcfc: {  	[tilespmem:v7+s28+$0x0] =	vst.idx.msk vm1, v9  }
.LBB2_38:
0xcfd: {  	v4 =	vsel vm1, $0x3F800000, v0  }
0xcfe: {  	(xrf0) =	vmax.scan.msk.f32 $0xffff, v4;
	_ =	sdelay $0x5  }
0xcff: {  	v4, _, _ =	vpop (xrf0)  }
0xd00: {  	(v2sf) =	vpush v4, $0xF;
	_ =	sdelay $0xe  }
0xd01: {  	s6 =	spop (v2sf)  }
0xd02: {  	p1 =	sgt.f32 s6, $0.0e+00  }
.Ltmp32:
0xd03: {  	_ = 	snop;
	(pc) =	sbr.rel @!p1 .LBB2_40-.Ltmp32, $1  }
0xd04: {  	_ =	sdelay $0x3  }
0xd05: {  	vm1 =	vgt.f32 v12, v7;
	_ =	sdelay $0x4  }
0xd06: {  	v4 =	vmax.f32 v7, v12  }
0xd07: {  	[tilespmem:v6+s1+$0x0] =	vst.idx.msk vm1, v4  }
0xd08: {  	v4 =	vld.idx.msk [tilespmem:v6+s1+$0x0], $0xffff;
	_ =	sdelay $0x4  }
0xd09: {  	vm1 =	vgt.f32 v12, v4;
	_ =	sdelay $0x4  }
0xd0a: {  	v4 =	vmax.f32 v4, v12  }
0xd0b: {  	[tilespmem:v6+s1+$0x0] =	vst.idx.msk vm1, v4  }
0xd0c: {  	v4 =	vld.idx.msk [tilespmem:v6+s1+$0x0], $0xffff;
	_ =	sdelay $0x4  }
0xd0d: {  	vm1 =	vgt.f32 v12, v4;
	_ =	sdelay $0x4  }
0xd0e: {  	v4 =	vmax.f32 v4, v12  }
0xd0f: {  	[tilespmem:v6+s1+$0x0] =	vst.idx.msk vm1, v4  }
0xd10: {  	v4 =	vld.idx.msk [tilespmem:v6+s1+$0x0], $0xffff;
	_ =	sdelay $0x4  }
0xd11: {  	vm1 =	vgt.f32 v12, v4;
	_ =	sdelay $0x4  }
0xd12: {  	v4 =	vmax.f32 v4, v12  }
0xd13: {  	[tilespmem:v6+s1+$0x0] =	vst.idx.msk vm1, v4  }
0xd14: {  	v4 =	vld.idx.msk [tilespmem:v6+s1+$0x0], $0xffff;
	_ =	sdelay $0x4  }
0xd15: {  	vm1 =	vgt.f32 v12, v4;
	_ =	sdelay $0x4  }
0xd16: {  	v4 =	vmax.f32 v4, v12  }
0xd17: {  	[tilespmem:v6+s1+$0x0] =	vst.idx.msk vm1, v4  }
0xd18: {  	v4 =	vld.idx.msk [tilespmem:v6+s1+$0x0], $0xffff;
	_ =	sdelay $0x4  }
0xd19: {  	vm1 =	vgt.f32 v12, v4;
	_ =	sdelay $0x4  }
0xd1a: {  	v4 =	vmax.f32 v4, v12  }
0xd1b: {  	[tilespmem:v6+s1+$0x0] =	vst.idx.msk vm1, v4  }
0xd1c: {  	v4 =	vld.idx.msk [tilespmem:v6+s1+$0x0], $0xffff;
	_ =	sdelay $0x4  }
0xd1d: {  	vm1 =	vgt.f32 v12, v4;
	_ =	sdelay $0x4  }
0xd1e: {  	v4 =	vmax.f32 v4, v12  }
0xd1f: {  	[tilespmem:v6+s1+$0x0] =	vst.idx.msk vm1, v4  }
0xd20: {  	v4 =	vld.idx.msk [tilespmem:v6+s1+$0x0], $0xffff;
	_ =	sdelay $0x4  }
0xd21: {  	vm1 =	vgt.f32 v12, v4;
	_ =	sdelay $0x4  }
0xd22: {  	v4 =	vmax.f32 v4, v12  }
0xd23: {  	[tilespmem:v6+s1+$0x0] =	vst.idx.msk vm1, v4  }
0xd24: {  	v4 =	vld.idx.msk [tilespmem:v6+s1+$0x0], $0xffff;
	_ =	sdelay $0x4  }
0xd25: {  	vm1 =	vgt.f32 v12, v4;
	_ =	sdelay $0x4  }
0xd26: {  	v4 =	vmax.f32 v4, v12  }
0xd27: {  	[tilespmem:v6+s1+$0x0] =	vst.idx.msk vm1, v4  }
0xd28: {  	v4 =	vld.idx.msk [tilespmem:v6+s1+$0x0], $0xffff;
	_ =	sdelay $0x4  }
0xd29: {  	vm1 =	vgt.f32 v12, v4;
	_ =	sdelay $0x4  }
0xd2a: {  	v4 =	vmax.f32 v4, v12  }
0xd2b: {  	[tilespmem:v6+s1+$0x0] =	vst.idx.msk vm1, v4  }
0xd2c: {  	v4 =	vld.idx.msk [tilespmem:v6+s1+$0x0], $0xffff;
	_ =	sdelay $0x4  }
0xd2d: {  	vm1 =	vgt.f32 v12, v4;
	_ =	sdelay $0x4  }
0xd2e: {  	v4 =	vmax.f32 v4, v12  }
0xd2f: {  	[tilespmem:v6+s1+$0x0] =	vst.idx.msk vm1, v4  }
0xd30: {  	v4 =	vld.idx.msk [tilespmem:v6+s1+$0x0], $0xffff;
	_ =	sdelay $0x4  }
0xd31: {  	vm1 =	vgt.f32 v12, v4;
	_ =	sdelay $0x4  }
0xd32: {  	v4 =	vmax.f32 v4, v12  }
0xd33: {  	[tilespmem:v6+s1+$0x0] =	vst.idx.msk vm1, v4  }
0xd34: {  	v4 =	vld.idx.msk [tilespmem:v6+s1+$0x0], $0xffff;
	_ =	sdelay $0x4  }
0xd35: {  	vm1 =	vgt.f32 v12, v4;
	_ =	sdelay $0x4  }
0xd36: {  	v4 =	vmax.f32 v4, v12  }
0xd37: {  	[tilespmem:v6+s1+$0x0] =	vst.idx.msk vm1, v4  }
0xd38: {  	v4 =	vld.idx.msk [tilespmem:v6+s1+$0x0], $0xffff;
	_ =	sdelay $0x4  }
0xd39: {  	vm1 =	vgt.f32 v12, v4;
	_ =	sdelay $0x4  }
0xd3a: {  	v4 =	vmax.f32 v4, v12  }
0xd3b: {  	[tilespmem:v6+s1+$0x0] =	vst.idx.msk vm1, v4  }
0xd3c: {  	v4 =	vld.idx.msk [tilespmem:v6+s1+$0x0], $0xffff;
	_ =	sdelay $0x4  }
0xd3d: {  	vm1 =	vgt.f32 v12, v4;
	_ =	sdelay $0x4  }
0xd3e: {  	v4 =	vmax.f32 v4, v12  }
0xd3f: {  	[tilespmem:v6+s1+$0x0] =	vst.idx.msk vm1, v4  }
0xd40: {  	v4 =	vld.idx.msk [tilespmem:v6+s1+$0x0], $0xffff;
	_ =	sdelay $0x4  }
0xd41: {  	vm1 =	vgt.f32 v12, v4;
	_ =	sdelay $0x4  }
0xd42: {  	v4 =	vmax.f32 v4, v12  }
0xd43: {  	[tilespmem:v6+s1+$0x0] =	vst.idx.msk vm1, v4  }
0xd44: {  	v4 =	vld.idx.msk [tilespmem:v6+s28+$0x0], $0xffff;
	_ =	sdelay $0x4  }
0xd45: {  	vm1 =	vgt.f32 v8, v4;
	_ =	sdelay $0x4  }
0xd46: {  	v4 =	vmax.f32 v4, v8  }
0xd47: {  	[tilespmem:v6+s28+$0x0] =	vst.idx.msk vm1, v4  }
0xd48: {  	v4 =	vld.idx.msk [tilespmem:v6+s28+$0x0], $0xffff;
	_ =	sdelay $0x4  }
0xd49: {  	vm1 =	vgt.f32 v8, v4;
	_ =	sdelay $0x4  }
0xd4a: {  	v4 =	vmax.f32 v4, v8  }
0xd4b: {  	[tilespmem:v6+s28+$0x0] =	vst.idx.msk vm1, v4  }
0xd4c: {  	v4 =	vld.idx.msk [tilespmem:v6+s28+$0x0], $0xffff;
	_ =	sdelay $0x4  }
0xd4d: {  	vm1 =	vgt.f32 v8, v4;
	_ =	sdelay $0x4  }
0xd4e: {  	v4 =	vmax.f32 v4, v8  }
0xd4f: {  	[tilespmem:v6+s28+$0x0] =	vst.idx.msk vm1, v4  }
0xd50: {  	v4 =	vld.idx.msk [tilespmem:v6+s28+$0x0], $0xffff;
	_ =	sdelay $0x4  }
0xd51: {  	vm1 =	vgt.f32 v8, v4;
	_ =	sdelay $0x4  }
0xd52: {  	v4 =	vmax.f32 v4, v8  }
0xd53: {  	[tilespmem:v6+s28+$0x0] =	vst.idx.msk vm1, v4  }
0xd54: {  	v4 =	vld.idx.msk [tilespmem:v6+s28+$0x0], $0xffff;
	_ =	sdelay $0x4  }
0xd55: {  	vm1 =	vgt.f32 v8, v4;
	_ =	sdelay $0x4  }
0xd56: {  	v4 =	vmax.f32 v4, v8  }
0xd57: {  	[tilespmem:v6+s28+$0x0] =	vst.idx.msk vm1, v4  }
0xd58: {  	v4 =	vld.idx.msk [tilespmem:v6+s28+$0x0], $0xffff;
	_ =	sdelay $0x4  }
0xd59: {  	vm1 =	vgt.f32 v8, v4;
	_ =	sdelay $0x4  }
0xd5a: {  	v4 =	vmax.f32 v4, v8  }
0xd5b: {  	[tilespmem:v6+s28+$0x0] =	vst.idx.msk vm1, v4  }
0xd5c: {  	v4 =	vld.idx.msk [tilespmem:v6+s28+$0x0], $0xffff;
	_ =	sdelay $0x4  }
0xd5d: {  	vm1 =	vgt.f32 v8, v4;
	_ =	sdelay $0x4  }
0xd5e: {  	v4 =	vmax.f32 v4, v8  }
0xd5f: {  	[tilespmem:v6+s28+$0x0] =	vst.idx.msk vm1, v4  }
0xd60: {  	v4 =	vld.idx.msk [tilespmem:v6+s28+$0x0], $0xffff;
	_ =	sdelay $0x4  }
0xd61: {  	vm1 =	vgt.f32 v8, v4;
	_ =	sdelay $0x4  }
0xd62: {  	v4 =	vmax.f32 v4, v8  }
0xd63: {  	[tilespmem:v6+s28+$0x0] =	vst.idx.msk vm1, v4  }
0xd64: {  	v4 =	vld.idx.msk [tilespmem:v6+s28+$0x0], $0xffff;
	_ =	sdelay $0x4  }
0xd65: {  	vm1 =	vgt.f32 v8, v4;
	_ =	sdelay $0x4  }
0xd66: {  	v4 =	vmax.f32 v4, v8  }
0xd67: {  	[tilespmem:v6+s28+$0x0] =	vst.idx.msk vm1, v4  }
0xd68: {  	v4 =	vld.idx.msk [tilespmem:v6+s28+$0x0], $0xffff;
	_ =	sdelay $0x4  }
0xd69: {  	vm1 =	vgt.f32 v8, v4;
	_ =	sdelay $0x4  }
0xd6a: {  	v4 =	vmax.f32 v4, v8  }
0xd6b: {  	[tilespmem:v6+s28+$0x0] =	vst.idx.msk vm1, v4  }
0xd6c: {  	v4 =	vld.idx.msk [tilespmem:v6+s28+$0x0], $0xffff;
	_ =	sdelay $0x4  }
0xd6d: {  	vm1 =	vgt.f32 v8, v4;
	_ =	sdelay $0x4  }
0xd6e: {  	v4 =	vmax.f32 v4, v8  }
0xd6f: {  	[tilespmem:v6+s28+$0x0] =	vst.idx.msk vm1, v4  }
0xd70: {  	v4 =	vld.idx.msk [tilespmem:v6+s28+$0x0], $0xffff;
	_ =	sdelay $0x4  }
0xd71: {  	vm1 =	vgt.f32 v8, v4;
	_ =	sdelay $0x4  }
0xd72: {  	v4 =	vmax.f32 v4, v8  }
0xd73: {  	[tilespmem:v6+s28+$0x0] =	vst.idx.msk vm1, v4  }
0xd74: {  	v4 =	vld.idx.msk [tilespmem:v6+s28+$0x0], $0xffff;
	_ =	sdelay $0x4  }
0xd75: {  	vm1 =	vgt.f32 v8, v4;
	_ =	sdelay $0x4  }
0xd76: {  	v4 =	vmax.f32 v4, v8  }
0xd77: {  	[tilespmem:v6+s28+$0x0] =	vst.idx.msk vm1, v4  }
0xd78: {  	v4 =	vld.idx.msk [tilespmem:v6+s28+$0x0], $0xffff;
	_ =	sdelay $0x4  }
0xd79: {  	vm1 =	vgt.f32 v8, v4;
	_ =	sdelay $0x4  }
0xd7a: {  	v4 =	vmax.f32 v4, v8  }
0xd7b: {  	[tilespmem:v6+s28+$0x0] =	vst.idx.msk vm1, v4  }
0xd7c: {  	v4 =	vld.idx.msk [tilespmem:v6+s28+$0x0], $0xffff;
	_ =	sdelay $0x4  }
0xd7d: {  	vm1 =	vgt.f32 v8, v4;
	_ =	sdelay $0x4  }
0xd7e: {  	v4 =	vmax.f32 v4, v8  }
0xd7f: {  	[tilespmem:v6+s28+$0x0] =	vst.idx.msk vm1, v4  }
0xd80: {  	v4 =	vld.idx.msk [tilespmem:v6+s28+$0x0], $0xffff;
	_ =	sdelay $0x4  }
0xd81: {  	vm1 =	vgt.f32 v8, v4;
	_ =	sdelay $0x4  }
0xd82: {  	v4 =	vmax.f32 v4, v8  }
0xd83: {  	[tilespmem:v6+s28+$0x0] =	vst.idx.msk vm1, v4  }
0xd84: {  	v4 =	vld.idx.msk [tilespmem:v1+s1+$0x0], $0xffff;
	_ =	sdelay $0x4  }
0xd85: {  	vm1 =	vgt.f32 v3, v4;
	_ =	sdelay $0x4  }
0xd86: {  	v4 =	vmax.f32 v4, v3  }
0xd87: {  	[tilespmem:v1+s1+$0x0] =	vst.idx.msk vm1, v4  }
0xd88: {  	v4 =	vld.idx.msk [tilespmem:v1+s1+$0x0], $0xffff;
	_ =	sdelay $0x4  }
0xd89: {  	vm1 =	vgt.f32 v3, v4;
	_ =	sdelay $0x4  }
0xd8a: {  	v4 =	vmax.f32 v4, v3  }
0xd8b: {  	[tilespmem:v1+s1+$0x0] =	vst.idx.msk vm1, v4  }
0xd8c: {  	v4 =	vld.idx.msk [tilespmem:v1+s1+$0x0], $0xffff;
	_ =	sdelay $0x4  }
0xd8d: {  	vm1 =	vgt.f32 v3, v4;
	_ =	sdelay $0x4  }
0xd8e: {  	v4 =	vmax.f32 v4, v3  }
0xd8f: {  	[tilespmem:v1+s1+$0x0] =	vst.idx.msk vm1, v4  }
0xd90: {  	v4 =	vld.idx.msk [tilespmem:v1+s1+$0x0], $0xffff;
	_ =	sdelay $0x4  }
0xd91: {  	vm1 =	vgt.f32 v3, v4;
	_ =	sdelay $0x4  }
0xd92: {  	v4 =	vmax.f32 v4, v3  }
0xd93: {  	[tilespmem:v1+s1+$0x0] =	vst.idx.msk vm1, v4  }
0xd94: {  	v4 =	vld.idx.msk [tilespmem:v1+s1+$0x0], $0xffff;
	_ =	sdelay $0x4  }
0xd95: {  	vm1 =	vgt.f32 v3, v4;
	_ =	sdelay $0x4  }
0xd96: {  	v4 =	vmax.f32 v4, v3  }
0xd97: {  	[tilespmem:v1+s1+$0x0] =	vst.idx.msk vm1, v4  }
0xd98: {  	v4 =	vld.idx.msk [tilespmem:v1+s1+$0x0], $0xffff;
	_ =	sdelay $0x4  }
0xd99: {  	vm1 =	vgt.f32 v3, v4;
	_ =	sdelay $0x4  }
0xd9a: {  	v4 =	vmax.f32 v4, v3  }
0xd9b: {  	[tilespmem:v1+s1+$0x0] =	vst.idx.msk vm1, v4  }
0xd9c: {  	v4 =	vld.idx.msk [tilespmem:v1+s1+$0x0], $0xffff;
	_ =	sdelay $0x4  }
0xd9d: {  	vm1 =	vgt.f32 v3, v4;
	_ =	sdelay $0x4  }
0xd9e: {  	v4 =	vmax.f32 v4, v3  }
0xd9f: {  	[tilespmem:v1+s1+$0x0] =	vst.idx.msk vm1, v4  }
0xda0: {  	v4 =	vld.idx.msk [tilespmem:v1+s1+$0x0], $0xffff;
	_ =	sdelay $0x4  }
0xda1: {  	vm1 =	vgt.f32 v3, v4;
	_ =	sdelay $0x4  }
0xda2: {  	v4 =	vmax.f32 v4, v3  }
0xda3: {  	[tilespmem:v1+s1+$0x0] =	vst.idx.msk vm1, v4  }
0xda4: {  	v4 =	vld.idx.msk [tilespmem:v1+s1+$0x0], $0xffff;
	_ =	sdelay $0x4  }
0xda5: {  	vm1 =	vgt.f32 v3, v4;
	_ =	sdelay $0x4  }
0xda6: {  	v4 =	vmax.f32 v4, v3  }
0xda7: {  	[tilespmem:v1+s1+$0x0] =	vst.idx.msk vm1, v4  }
0xda8: {  	v4 =	vld.idx.msk [tilespmem:v1+s1+$0x0], $0xffff;
	_ =	sdelay $0x4  }
0xda9: {  	vm1 =	vgt.f32 v3, v4;
	_ =	sdelay $0x4  }
0xdaa: {  	v4 =	vmax.f32 v4, v3  }
0xdab: {  	[tilespmem:v1+s1+$0x0] =	vst.idx.msk vm1, v4  }
0xdac: {  	v4 =	vld.idx.msk [tilespmem:v1+s1+$0x0], $0xffff;
	_ =	sdelay $0x4  }
0xdad: {  	vm1 =	vgt.f32 v3, v4;
	_ =	sdelay $0x4  }
0xdae: {  	v4 =	vmax.f32 v4, v3  }
0xdaf: {  	[tilespmem:v1+s1+$0x0] =	vst.idx.msk vm1, v4  }
0xdb0: {  	v4 =	vld.idx.msk [tilespmem:v1+s1+$0x0], $0xffff;
	_ =	sdelay $0x4  }
0xdb1: {  	vm1 =	vgt.f32 v3, v4;
	_ =	sdelay $0x4  }
0xdb2: {  	v4 =	vmax.f32 v4, v3  }
0xdb3: {  	[tilespmem:v1+s1+$0x0] =	vst.idx.msk vm1, v4  }
0xdb4: {  	v4 =	vld.idx.msk [tilespmem:v1+s1+$0x0], $0xffff;
	_ =	sdelay $0x4  }
0xdb5: {  	vm1 =	vgt.f32 v3, v4;
	_ =	sdelay $0x4  }
0xdb6: {  	v4 =	vmax.f32 v4, v3  }
0xdb7: {  	[tilespmem:v1+s1+$0x0] =	vst.idx.msk vm1, v4  }
0xdb8: {  	v4 =	vld.idx.msk [tilespmem:v1+s1+$0x0], $0xffff;
	_ =	sdelay $0x4  }
0xdb9: {  	vm1 =	vgt.f32 v3, v4;
	_ =	sdelay $0x4  }
0xdba: {  	v4 =	vmax.f32 v4, v3  }
0xdbb: {  	[tilespmem:v1+s1+$0x0] =	vst.idx.msk vm1, v4  }
0xdbc: {  	v4 =	vld.idx.msk [tilespmem:v1+s1+$0x0], $0xffff;
	_ =	sdelay $0x4  }
0xdbd: {  	vm1 =	vgt.f32 v3, v4;
	_ =	sdelay $0x4  }
0xdbe: {  	v4 =	vmax.f32 v4, v3  }
0xdbf: {  	[tilespmem:v1+s1+$0x0] =	vst.idx.msk vm1, v4  }
0xdc0: {  	v4 =	vld.idx.msk [tilespmem:v1+s1+$0x0], $0xffff;
	_ =	sdelay $0x4  }
0xdc1: {  	vm1 =	vgt.f32 v3, v4;
	_ =	sdelay $0x4  }
0xdc2: {  	v3 =	vmax.f32 v4, v3  }
0xdc3: {  	[tilespmem:v1+s1+$0x0] =	vst.idx.msk vm1, v3  }
0xdc4: {  	v3 =	vld.idx.msk [tilespmem:v1+s28+$0x0], $0xffff;
	_ =	sdelay $0x4  }
0xdc5: {  	vm1 =	vgt.f32 v2, v3;
	_ =	sdelay $0x4  }
0xdc6: {  	v3 =	vmax.f32 v3, v2  }
0xdc7: {  	[tilespmem:v1+s28+$0x0] =	vst.idx.msk vm1, v3  }
0xdc8: {  	v3 =	vld.idx.msk [tilespmem:v1+s28+$0x0], $0xffff;
	_ =	sdelay $0x4  }
0xdc9: {  	vm1 =	vgt.f32 v2, v3;
	_ =	sdelay $0x4  }
0xdca: {  	v3 =	vmax.f32 v3, v2  }
0xdcb: {  	[tilespmem:v1+s28+$0x0] =	vst.idx.msk vm1, v3  }
0xdcc: {  	v3 =	vld.idx.msk [tilespmem:v1+s28+$0x0], $0xffff;
	_ =	sdelay $0x4  }
0xdcd: {  	vm1 =	vgt.f32 v2, v3;
	_ =	sdelay $0x4  }
0xdce: {  	v3 =	vmax.f32 v3, v2  }
0xdcf: {  	[tilespmem:v1+s28+$0x0] =	vst.idx.msk vm1, v3  }
0xdd0: {  	v3 =	vld.idx.msk [tilespmem:v1+s28+$0x0], $0xffff;
	_ =	sdelay $0x4  }
0xdd1: {  	vm1 =	vgt.f32 v2, v3;
	_ =	sdelay $0x4  }
0xdd2: {  	v3 =	vmax.f32 v3, v2  }
0xdd3: {  	[tilespmem:v1+s28+$0x0] =	vst.idx.msk vm1, v3  }
0xdd4: {  	v3 =	vld.idx.msk [tilespmem:v1+s28+$0x0], $0xffff;
	_ =	sdelay $0x4  }
0xdd5: {  	vm1 =	vgt.f32 v2, v3;
	_ =	sdelay $0x4  }
0xdd6: {  	v3 =	vmax.f32 v3, v2  }
0xdd7: {  	[tilespmem:v1+s28+$0x0] =	vst.idx.msk vm1, v3  }
0xdd8: {  	v3 =	vld.idx.msk [tilespmem:v1+s28+$0x0], $0xffff;
	_ =	sdelay $0x4  }
0xdd9: {  	vm1 =	vgt.f32 v2, v3;
	_ =	sdelay $0x4  }
0xdda: {  	v3 =	vmax.f32 v3, v2  }
0xddb: {  	[tilespmem:v1+s28+$0x0] =	vst.idx.msk vm1, v3  }
0xddc: {  	v3 =	vld.idx.msk [tilespmem:v1+s28+$0x0], $0xffff;
	_ =	sdelay $0x4  }
0xddd: {  	vm1 =	vgt.f32 v2, v3;
	_ =	sdelay $0x4  }
0xdde: {  	v3 =	vmax.f32 v3, v2  }
0xddf: {  	[tilespmem:v1+s28+$0x0] =	vst.idx.msk vm1, v3  }
0xde0: {  	v3 =	vld.idx.msk [tilespmem:v1+s28+$0x0], $0xffff;
	_ =	sdelay $0x4  }
0xde1: {  	vm1 =	vgt.f32 v2, v3;
	_ =	sdelay $0x4  }
0xde2: {  	v3 =	vmax.f32 v3, v2  }
0xde3: {  	[tilespmem:v1+s28+$0x0] =	vst.idx.msk vm1, v3  }
0xde4: {  	v3 =	vld.idx.msk [tilespmem:v1+s28+$0x0], $0xffff;
	_ =	sdelay $0x4  }
0xde5: {  	vm1 =	vgt.f32 v2, v3;
	_ =	sdelay $0x4  }
0xde6: {  	v3 =	vmax.f32 v3, v2  }
0xde7: {  	[tilespmem:v1+s28+$0x0] =	vst.idx.msk vm1, v3  }
0xde8: {  	v3 =	vld.idx.msk [tilespmem:v1+s28+$0x0], $0xffff;
	_ =	sdelay $0x4  }
0xde9: {  	vm1 =	vgt.f32 v2, v3;
	_ =	sdelay $0x4  }
0xdea: {  	v3 =	vmax.f32 v3, v2  }
0xdeb: {  	[tilespmem:v1+s28+$0x0] =	vst.idx.msk vm1, v3  }
0xdec: {  	v3 =	vld.idx.msk [tilespmem:v1+s28+$0x0], $0xffff;
	_ =	sdelay $0x4  }
0xded: {  	vm1 =	vgt.f32 v2, v3;
	_ =	sdelay $0x4  }
0xdee: {  	v3 =	vmax.f32 v3, v2  }
0xdef: {  	[tilespmem:v1+s28+$0x0] =	vst.idx.msk vm1, v3  }
0xdf0: {  	v3 =	vld.idx.msk [tilespmem:v1+s28+$0x0], $0xffff;
	_ =	sdelay $0x4  }
0xdf1: {  	vm1 =	vgt.f32 v2, v3;
	_ =	sdelay $0x4  }
0xdf2: {  	v3 =	vmax.f32 v3, v2  }
0xdf3: {  	[tilespmem:v1+s28+$0x0] =	vst.idx.msk vm1, v3  }
0xdf4: {  	v3 =	vld.idx.msk [tilespmem:v1+s28+$0x0], $0xffff;
	_ =	sdelay $0x4  }
0xdf5: {  	vm1 =	vgt.f32 v2, v3;
	_ =	sdelay $0x4  }
0xdf6: {  	v3 =	vmax.f32 v3, v2  }
0xdf7: {  	[tilespmem:v1+s28+$0x0] =	vst.idx.msk vm1, v3  }
0xdf8: {  	v3 =	vld.idx.msk [tilespmem:v1+s28+$0x0], $0xffff;
	_ =	sdelay $0x4  }
0xdf9: {  	vm1 =	vgt.f32 v2, v3;
	_ =	sdelay $0x4  }
0xdfa: {  	v3 =	vmax.f32 v3, v2  }
0xdfb: {  	[tilespmem:v1+s28+$0x0] =	vst.idx.msk vm1, v3  }
0xdfc: {  	v3 =	vld.idx.msk [tilespmem:v1+s28+$0x0], $0xffff;
	_ =	sdelay $0x4  }
0xdfd: {  	vm1 =	vgt.f32 v2, v3;
	_ =	sdelay $0x4  }
0xdfe: {  	v3 =	vmax.f32 v3, v2  }
0xdff: {  	[tilespmem:v1+s28+$0x0] =	vst.idx.msk vm1, v3  }
0xe00: {  	v3 =	vld.idx.msk [tilespmem:v1+s28+$0x0], $0xffff;
	_ =	sdelay $0x4  }
0xe01: {  	vm1 =	vgt.f32 v2, v3;
	_ =	sdelay $0x1  }
.Ltmp33:
0xe02: {  	_ = 	snop;
	(pc) =	sbr.rel .LBB2_40-.Ltmp33, $3  }
0xe03: {  	_ =	sdelay $0x1  }
0xe04: {  	v2 =	vmax.f32 v3, v2  }
0xe05: {  	[tilespmem:v1+s28+$0x0] =	vst.idx.msk vm1, v2  }
.LBB2_42:
0xe06: {  	_ =	sfence.sel $0x180000  }
0xe07: {  	[bflag:$0x0] =	sbarrier.arrive $0xFFFF  }
0xe08: {  	_ =	strace $0x90000047  }
0xe09: {  	s0 =	stileid.u32;
	[bflag:$0x2] =	sbarrier.arrive $0xFFFF  }
0xe0a: {  	p0 =	sne.s32 s0, $0x0;
	s0 =	rddreg [dreg:$0x2]  }
0xe0b: {  	s0 =	sadd.s32 @!p0 $0x100000, s0  }
0xe0c: {  	[sflag:s0] =	ssyncadd.tile.s32 @!p0 $0x1;
	_ =	shalt  }
.Lfunc_end2:
_tile_overlayer_lowered:
.L_overlay_start_2:
0xe0d: {  	(tag) =	ssettag $0x2  }
0xe0e: {  	s0 =	rddreg [dreg:$0x0];
	s2 =	stileid.u32  }
0xe0f: {  	s1 =	rddreg [dreg:$0x1];
	p0 =	sne.s32 s2, $0x0  }
0xe10: {  	s3 =	rddreg [dreg:$0x2];
	[bflag:$0x3] =	sbarrier.arrive $0xFFFF;
	s2 =	simm.s32 @!p0 $0x1C06  }
0xe11: {  	[timem:s3], [sflag:s2] =	dma.local @!p0 [hbm:s0], s1  }
0xe12: {  	s0 =	simm.s32 @!p0 $0x6  }
0xe13: {  	_ =	swait.ge @!p0 [sflag:s0], s1  }
0xe14: {  	s1 =	ssub.s32 @!p0 $0x0, s1;
	[sflag:s0] =	ssyncset.done @!p0 $0x0  }
0xe15: {  	[sflag:s0] =	ssyncadd.s32 @!p0 s1  }
0xe16: {  	[bflag:$0x3] =	sbarrier.arrive $0xFFFF  }
0xe17: {  	_ =	shalt  }

</sc_bundles>
